<compile_context>
chip_gen: v7x
topology: tpu7x:2x2x1
jax: 0.10.2.dev20260603
libtpu: 0.0.44.dev20260713+nightly
codegen_flags: <defaults>
</compile_context>

<pallas_src>
import functools

import jax
import jax.numpy as jnp
from jax import lax
from jax.experimental import pallas as pl
from jax.experimental.pallas import tpu as pltpu
from jax.experimental.pallas import tpu_sc as plsc

N_NODES = 10000
NPAD = 10240
E_EDGES = 320000
EPAD = 323584
G_GRAPHS = 64
BLK = 1024
GRID = NPAD // BLK
KCH = 128
EPT = EPAD // 16
NCH = EPT // KCH
RPT = NPAD // 16



@functools.cache
def _make_agg(dh, split0):
    mesh = plsc.VectorSubcoreMesh(core_axis_name="c", subcore_axis_name="s")
    ncht = (EPAD // 2 if split0 else EPAD) // KCH // 16

    @functools.partial(
        pl.kernel,
        out_type=jax.ShapeDtypeStruct((2 * NPAD, dh), jnp.float32),
        mesh=mesh,
        scratch_types=[
            pltpu.VMEM((KCH,), jnp.int32),
            pltpu.VMEM((KCH,), jnp.int32),
            pltpu.VMEM((KCH,), jnp.int32),
            pltpu.VMEM((KCH,), jnp.int32),
            pltpu.VMEM((KCH, dh), jnp.float32),
            pltpu.VMEM((KCH, dh), jnp.float32),
            pltpu.VMEM_SHARED((NPAD, dh), jnp.float32),
            pltpu.SemaphoreType.DMA,
            pltpu.SemaphoreType.DMA,
        ],
    )
    def agg(h_hbm, src_hbm, dst_hbm, out_hbm, idxsa, idxda, idxsb, idxdb,
            rowsa, rowsb, accum, sema, semb):
        c = lax.axis_index("c")
        s = lax.axis_index("s")

        def _zrow(i, _):
            for g in range(dh // 16):
                rowsa[i, pl.ds(g * 16, 16)] = jnp.zeros((16,), jnp.float32)
            return 0

        lax.fori_loop(0, KCH, _zrow, 0)

        def _zacc(k, _):
            pltpu.sync_copy(rowsa, accum.at[pl.ds(s * RPT + k * KCH, KCH)])
            return 0

        lax.fori_loop(0, RPT // KCH, _zacc, 0)
        plsc.subcore_barrier()

        ebase = c * (EPAD // 2) if split0 else 0
        sbase = ebase if split0 else c * EPAD

        def _pair(i, _):
            ka = ebase + ((2 * i) * 16 + s) * KCH
            kb = ebase + ((2 * i + 1) * 16 + s) * KCH
            pltpu.sync_copy(src_hbm.at[pl.ds(sbase - ebase + ka, KCH)], idxsa)
            pltpu.sync_copy(dst_hbm.at[pl.ds(ka, KCH)], idxda)
            da = pltpu.async_copy(h_hbm.at[idxsa], rowsa, sema)
            pltpu.sync_copy(src_hbm.at[pl.ds(sbase - ebase + kb, KCH)], idxsb)
            pltpu.sync_copy(dst_hbm.at[pl.ds(kb, KCH)], idxdb)
            db = pltpu.async_copy(h_hbm.at[idxsb], rowsb, semb)
            da.wait()
            pltpu.sync_copy(rowsa, accum.at[idxda], add=True)
            db.wait()
            pltpu.sync_copy(rowsb, accum.at[idxdb], add=True)
            return 0

        def _step(i, _):
            ka = ebase + (i * 16 + s) * KCH
            pltpu.sync_copy(src_hbm.at[pl.ds(sbase - ebase + ka, KCH)], idxsa)
            pltpu.sync_copy(dst_hbm.at[pl.ds(ka, KCH)], idxda)
            pltpu.async_copy(h_hbm.at[idxsa], rowsa, sema).wait()
            pltpu.sync_copy(rowsa, accum.at[idxda], add=True)
            return 0

        if ncht % 2 == 0:
            lax.fori_loop(0, ncht // 2, _pair, 0)
        else:
            lax.fori_loop(0, ncht, _step, 0)
        plsc.subcore_barrier()

        pltpu.sync_copy(accum.at[pl.ds(s * RPT, RPT)],
                        out_hbm.at[pl.ds(c * NPAD + s * RPT, RPT)])

    return agg



def _rowmask(j):
    r = lax.broadcasted_iota(jnp.int32, (BLK, 1), 0) + j * BLK
    return r < N_NODES


def _dot(a, b, contract=(1, 0)):
    return lax.dot_general(a, b, (((contract[0],), (contract[1],)), ((), ())),
                           preferred_element_type=jnp.float32,
                           precision=lax.Precision.HIGHEST)


def _k2_body(dh, eps_ref, h0, h1, a0, a1, w1, u_ref, st_ref):
    j = pl.program_id(0)
    e = 1.0 + eps_ref[0, 0]
    x0 = e * h0[...] + a0[...]
    x1 = e * h1[...] + a1[...]
    dn = (((1,), (0,)), ((), ()))
    u = _dot(x0, w1[:dh, :]) + _dot(x1, w1[dh:, :])
    u_ref[...] = u
    um = jnp.where(_rowmask(j), u, 0.0)
    s0 = jnp.sum(um, axis=0, keepdims=True)
    s1 = jnp.sum(um * um, axis=0, keepdims=True)
    upd = jnp.concatenate(
        [s0, s1, jnp.zeros((6, s0.shape[1]), jnp.float32)], axis=0)

    @pl.when(j == 0)
    def _():
        st_ref[...] = upd

    @pl.when(j > 0)
    def _():
        st_ref[...] = st_ref[...] + upd


@functools.cache
def _make_k2(dh):
    fullspec = lambda shp: pl.BlockSpec(shp, lambda j: (0, 0))
    half = lambda off: pl.BlockSpec((BLK, dh), lambda j, o=off: (o + j, 0))
    return pl.pallas_call(
        functools.partial(_k2_body, dh),
        grid=(GRID,),
        in_specs=[
            pl.BlockSpec(memory_space=pltpu.SMEM),
            half(0), half(GRID),
            half(0), half(GRID),
            fullspec((2 * dh, 128)),
        ],
        out_specs=[
            pl.BlockSpec((BLK, 128), lambda j: (j, 0)),
            fullspec((8, 128)),
        ],
        out_shape=[
            jax.ShapeDtypeStruct((NPAD, 128), jnp.float32),
            jax.ShapeDtypeStruct((8, 128), jnp.float32),
        ],
    )


def _bn_coeffs(st_ref, g_ref, b_ref):
    mu = st_ref[0:1, :] / N_NODES
    var = st_ref[1:2, :] / N_NODES - mu * mu
    sc = g_ref[...] / jnp.sqrt(var + 1e-5)
    sh = b_ref[...] - mu * sc
    return sc, sh


def _k3_body(u, st, g1, b1, w2, v_ref, vst_ref):
    j = pl.program_id(0)
    sc, sh = _bn_coeffs(st, g1, b1)
    h2 = jnp.maximum(u[...] * sc + sh, 0.0)
    v = _dot(h2, w2[...])
    v_ref[...] = v
    vm = jnp.where(_rowmask(j), v, 0.0)
    s0 = jnp.sum(vm, axis=0, keepdims=True)
    s1 = jnp.sum(vm * vm, axis=0, keepdims=True)
    upd = jnp.concatenate(
        [s0, s1, jnp.zeros((6, s0.shape[1]), jnp.float32)], axis=0)

    @pl.when(j == 0)
    def _():
        vst_ref[...] = upd

    @pl.when(j > 0)
    def _():
        vst_ref[...] = vst_ref[...] + upd


_K3 = None


def _make_k3():
    global _K3
    if _K3 is None:
        fullspec = lambda shp: pl.BlockSpec(shp, lambda j: (0, 0))
        _K3 = pl.pallas_call(
            _k3_body,
            grid=(GRID,),
            in_specs=[
                pl.BlockSpec((BLK, 128), lambda j: (j, 0)),
                fullspec((8, 128)),
                fullspec((1, 128)), fullspec((1, 128)),
                fullspec((128, 256)),
            ],
            out_specs=[
                pl.BlockSpec((BLK, 256), lambda j: (j, 0)),
                fullspec((8, 256)),
            ],
            out_shape=[
                jax.ShapeDtypeStruct((NPAD, 256), jnp.float32),
                jax.ShapeDtypeStruct((8, 256), jnp.float32),
            ],
        )
    return _K3


def _k3f_body(u, st, g1, b1, w2, v_ref):
    sc, sh = _bn_coeffs(st, g1, b1)
    h2 = jnp.maximum(u[...] * sc + sh, 0.0)
    v = _dot(h2, w2[...])
    v_ref[...] = jnp.maximum(v, 0.0)


_K3F = None


def _make_k3f():
    global _K3F
    if _K3F is None:
        fullspec = lambda shp: pl.BlockSpec(shp, lambda j: (0, 0))
        _K3F = pl.pallas_call(
            _k3f_body,
            grid=(GRID,),
            in_specs=[
                pl.BlockSpec((BLK, 128), lambda j: (j, 0)),
                fullspec((8, 128)),
                fullspec((1, 128)), fullspec((1, 128)),
                fullspec((128, 128)),
            ],
            out_specs=pl.BlockSpec((BLK, 128), lambda j: (j, 0)),
            out_shape=jax.ShapeDtypeStruct((NPAD, 128), jnp.float32),
        )
    return _K3F


def _k1_body(v, vst, g2, b2, h_ref):
    sc, sh = _bn_coeffs(vst, g2, b2)
    h_ref[...] = jnp.maximum(v[...] * sc + sh, 0.0)


_K1 = None


def _make_k1():
    global _K1
    if _K1 is None:
        _K1 = pl.pallas_call(
            _k1_body,
            grid=(2, GRID),
            in_specs=[
                pl.BlockSpec((BLK, 128), lambda c, j: (j, c)),
                pl.BlockSpec((8, 128), lambda c, j: (0, c)),
                pl.BlockSpec((1, 128), lambda c, j: (0, c)),
                pl.BlockSpec((1, 128), lambda c, j: (0, c)),
            ],
            out_specs=pl.BlockSpec((BLK, 128), lambda c, j: (c * GRID + j, 0)),
            out_shape=jax.ShapeDtypeStruct((2 * NPAD, 128), jnp.float32),
        )
    return _K1


def _pool_body(bcol, h, out_ref, acc, cnt):
    j = pl.program_id(0)
    gids = lax.broadcasted_iota(jnp.int32, (BLK, G_GRAPHS), 1)
    oh = (bcol[...] == gids).astype(jnp.float32)
    dn = (((0,), (0,)), ((), ()))

    @pl.when(j == 0)
    def _():
        acc[...] = jnp.zeros((G_GRAPHS, 128), jnp.float32)
        cnt[...] = jnp.zeros((G_GRAPHS, 128), jnp.float32)

    acc[...] = acc[...] + _dot(oh, h[...], contract=(0, 0))
    cnt[...] = cnt[...] + _dot(oh, jnp.ones((BLK, 128), jnp.float32),
                               contract=(0, 0))
    out_ref[...] = acc[...] / jnp.maximum(cnt[...], 1.0)


_POOL = None


def _make_pool():
    global _POOL
    if _POOL is None:
        _POOL = pl.pallas_call(
            _pool_body,
            grid=(GRID,),
            in_specs=[
                pl.BlockSpec((BLK, 1), lambda j: (j, 0)),
                pl.BlockSpec((BLK, 128), lambda j: (j, 0)),
            ],
            out_specs=pl.BlockSpec((G_GRAPHS, 128), lambda j: (0, 0)),
            out_shape=jax.ShapeDtypeStruct((G_GRAPHS, 128), jnp.float32),
            scratch_shapes=[
                pltpu.VMEM((G_GRAPHS, 128), jnp.float32),
                pltpu.VMEM((G_GRAPHS, 128), jnp.float32),
            ],
        )
    return _POOL



def kernel(x, edge_index, edge_attribute, batch, params):
    src = edge_index[0]
    dst = edge_index[1]
    npad = EPAD - E_EDGES
    srcp = jnp.concatenate([src, jnp.zeros((npad,), jnp.int32)])
    dstp = jnp.concatenate([dst, jnp.full((npad,), N_NODES, jnp.int32)])
    src2 = jnp.concatenate([srcp, srcp + NPAD])

    xp = jnp.pad(x, ((0, NPAD - N_NODES), (0, 0)))
    hcat = jnp.concatenate([xp, jnp.zeros((NPAD, 128), jnp.float32)], axis=0)

    h7 = None
    for i, p in enumerate(params):
        if i == 0:
            agg = _make_agg(128, True)(hcat, srcp, dstp)
            w1 = jnp.concatenate([p['W1'], p['W1']], axis=0)
        else:
            agg = _make_agg(128, False)(hcat, src2, dstp)
            w1 = p['W1']
        eps2 = (p['eps'].astype(jnp.float32)).reshape(1, 1)
        u, ust = _make_k2(128)(eps2, hcat, hcat, agg, agg, w1)
        g1 = p['g1'].reshape(1, 128)
        b1 = p['b1'].reshape(1, 128)
        if i < 6:
            v, vst = _make_k3()(u, ust, g1, b1, p['W2'])
            hcat = _make_k1()(v, vst, p['g2'].reshape(1, 256),
                              p['b2'].reshape(1, 256))
        else:
            w2p = jnp.pad(p['W2'], ((0, 0), (0, 126)))
            h7 = _make_k3f()(u, ust, g1, b1, w2p)

    bcol = jnp.pad(batch, (0, NPAD - N_NODES),
                   constant_values=G_GRAPHS).reshape(NPAD, 1)
    pooled = _make_pool()(bcol, h7)
    return pooled[:, :2]

# --- scband reference (transcript-rebuilt; emitter-appended) ---
"""Pipeline reference for scband-classifier-8959301779747 (READ-ONLY COPY).

The authoritative reference and input builder live on the scoring server;
editing this copy changes nothing except your own understanding.
"""

import jax, jax.numpy as jnp
import numpy as np

N = 10000
E = 320000
D = 128
HID = 128
G = 64


def setup_inputs(seed: int = 0) -> dict:
    key = jax.random.key(seed)
    ks = jax.random.split(key, 40)
    x = jax.random.normal(ks[0], (N, D), dtype=jnp.float32)
    edge_index = jax.random.randint(ks[1], (2, E), 0, N, dtype=jnp.int32)
    edge_attribute = jax.random.normal(ks[2], (E, 16), dtype=jnp.float32)
    batch = jnp.sort(jax.random.randint(ks[3], (N,), 0, G, dtype=jnp.int32))
    in_dims = [D] + [2 * HID] * 6
    out_dims = [2 * HID] * 6 + [2]
    params = []
    idx = 4
    for i in range(7):
        W1 = jax.random.normal(ks[idx], (in_dims[i], HID), dtype=jnp.float32) / jnp.sqrt(in_dims[i]); idx += 1
        W2 = jax.random.normal(ks[idx], (HID, out_dims[i]), dtype=jnp.float32) / jnp.sqrt(HID); idx += 1
        layer = {
            'W1': W1,
            'W2': W2,
            'g1': jnp.ones((HID,), dtype=jnp.float32),
            'b1': jnp.zeros((HID,), dtype=jnp.float32),
            'eps': jnp.zeros((), dtype=jnp.float32),
        }
        if i < 6:
            layer['g2'] = jnp.ones((out_dims[i],), dtype=jnp.float32)
            layer['b2'] = jnp.zeros((out_dims[i],), dtype=jnp.float32)
        params.append(layer)
    return {'x': x, 'edge_index': edge_index, 'edge_attribute': edge_attribute, 'batch': batch, 'params': params}


def _bn(h, g, b):
    mu = jnp.mean(h, axis=0)
    var = jnp.var(h, axis=0)
    return g * (h - mu) / jnp.sqrt(var + 1e-5) + b


def reference(x, edge_index, edge_attribute, batch, params):
    src = edge_index[0]
    dst = edge_index[1]
    h = x
    for p in params:
        # GINConv: (1 + eps) * x + sum_{j in N(i)} x_j  (edge_attribute unused by GINConv)
        agg = jax.ops.segment_sum(h[src], dst, num_segments=N)
        h = (1.0 + p['eps']) * h + agg
        h = h @ p['W1']
        h = _bn(h, p['g1'], p['b1'])
        h = jax.nn.relu(h)
        h = h @ p['W2']
        if 'g2' in p:
            h = _bn(h, p['g2'], p['b2'])
        # F.dropout treated as identity (eval); then ReLU
        h = jax.nn.relu(h)
    # global_mean_pool over batch assignment
    sums = jax.ops.segment_sum(h, batch, num_segments=G)
    counts = jax.ops.segment_sum(jnp.ones((N,), dtype=jnp.float32), batch, num_segments=G)
    out = sums / jnp.clip(counts, 1.0)[:, None]
    return out

if __name__ == "__main__":
    import jax
    _d = setup_inputs()
    print(jax.jit(kernel)(*tuple(_d.values())))

</pallas_src>

<mosaic_0001>
#map = affine_map<(d0, d1) -> (0, 0)>
#map1 = affine_map<(d0, d1) -> (0)>
module attributes {stable_mosaic.version = 14 : i64} {
  func.func @agg(%arg0: i32, %arg1: i32, %arg2: memref<20480x128xf32, #tpu.memory_space<hbm>>, %arg3: memref<647168xi32, #tpu.memory_space<hbm>>, %arg4: memref<323584xi32, #tpu.memory_space<hbm>>, %arg5: memref<20480x128xf32, #tpu.memory_space<hbm>>, %arg6: memref<128xi32, #tpu.memory_space<vmem>>, %arg7: memref<128xi32, #tpu.memory_space<vmem>>, %arg8: memref<128xi32, #tpu.memory_space<vmem>>, %arg9: memref<128xi32, #tpu.memory_space<vmem>>, %arg10: memref<128x128xf32, #tpu.memory_space<vmem>>, %arg11: memref<128x128xf32, #tpu.memory_space<vmem>>, %arg12: memref<10240x128xf32, #tpu.memory_space<vmem_shared>>, %arg13: memref<!tpu.dma_semaphore, #tpu.memory_space<semaphore_mem>>, %arg14: memref<!tpu.dma_semaphore, #tpu.memory_space<semaphore_mem>>) attributes {dimension_semantics = [#tpu.dimension_semantics<core_parallel>, #tpu.dimension_semantics<subcore_parallel>], iteration_bounds = array<i64: 2, 16>, scalar_prefetch = 0 : i64, scratch_operands = 9 : i64, tpu.core_type = #tpu.core_type<sc_vector_subcore>, window_params = [{transform_indices = #map}, {transform_indices = #map1}, {transform_indices = #map1}, {transform_indices = #map}]} {
    %scan3A = arith.constant 0 : i32
    %scan3A_0 = arith.constant 0 : i32
    %scan3A_1 = arith.constant 128 : i32
    %scan3A_2 = arith.addi %scan3A_0, %scan3A_1 : i32
    %scan3A_3 = arith.constant 1 : i32
    %scan3A_4 = scf.for %scan3A_28 = %scan3A_0 to %scan3A_2 step %scan3A_3 iter_args(%scan3A_29 = %scan3A) -> (i32)  : i32 {
      %broadcast_in_dim3A = arith.constant 0.000000e+00 : f32
      %broadcast_in_dim3A_30 = vector.broadcast %broadcast_in_dim3A : f32 to vector<16xf32>
      %swap3A = arith.index_cast %scan3A_28 : i32 to index
      %swap3A_31 = arith.constant 0 : index
      %swap3A_32 = tpu.vector_load %arg10[%swap3A, %swap3A_31] {strides = array<i32>} : memref<128x128xf32, #tpu.memory_space<vmem>>, vector<1x16xf32>,
      %swap3A_33 = vector.shape_cast %swap3A_32 : vector<1x16xf32> to vector<16xf32>
      %swap3A_34 = vector.shape_cast %broadcast_in_dim3A_30 : vector<16xf32> to vector<1x16xf32>
      tpu.vector_store %arg10[%swap3A, %swap3A_31], %swap3A_34 {strides = array<i32>} : memref<128x128xf32, #tpu.memory_space<vmem>>, vector<1x16xf32>,
      %broadcast_in_dim3A_35 = arith.constant 0.000000e+00 : f32
      %broadcast_in_dim3A_36 = vector.broadcast %broadcast_in_dim3A_35 : f32 to vector<16xf32>
      %swap3A_37 = arith.index_cast %scan3A_28 : i32 to index
      %swap3A_38 = arith.constant 16 : index
      %swap3A_39 = tpu.vector_load %arg10[%swap3A_37, %swap3A_38] {strides = array<i32>} : memref<128x128xf32, #tpu.memory_space<vmem>>, vector<1x16xf32>,
      %swap3A_40 = vector.shape_cast %swap3A_39 : vector<1x16xf32> to vector<16xf32>
      %swap3A_41 = vector.shape_cast %broadcast_in_dim3A_36 : vector<16xf32> to vector<1x16xf32>
      tpu.vector_store %arg10[%swap3A_37, %swap3A_38], %swap3A_41 {strides = array<i32>} : memref<128x128xf32, #tpu.memory_space<vmem>>, vector<1x16xf32>,
      %broadcast_in_dim3A_42 = arith.constant 0.000000e+00 : f32
      %broadcast_in_dim3A_43 = vector.broadcast %broadcast_in_dim3A_42 : f32 to vector<16xf32>
      %swap3A_44 = arith.index_cast %scan3A_28 : i32 to index
      %swap3A_45 = arith.constant 32 : index
      %swap3A_46 = tpu.vector_load %arg10[%swap3A_44, %swap3A_45] {strides = array<i32>} : memref<128x128xf32, #tpu.memory_space<vmem>>, vector<1x16xf32>,
      %swap3A_47 = vector.shape_cast %swap3A_46 : vector<1x16xf32> to vector<16xf32>
      %swap3A_48 = vector.shape_cast %broadcast_in_dim3A_43 : vector<16xf32> to vector<1x16xf32>
      tpu.vector_store %arg10[%swap3A_44, %swap3A_45], %swap3A_48 {strides = array<i32>} : memref<128x128xf32, #tpu.memory_space<vmem>>, vector<1x16xf32>,
      %broadcast_in_dim3A_49 = arith.constant 0.000000e+00 : f32
      %broadcast_in_dim3A_50 = vector.broadcast %broadcast_in_dim3A_49 : f32 to vector<16xf32>
      %swap3A_51 = arith.index_cast %scan3A_28 : i32 to index
      %swap3A_52 = arith.constant 48 : index
      %swap3A_53 = tpu.vector_load %arg10[%swap3A_51, %swap3A_52] {strides = array<i32>} : memref<128x128xf32, #tpu.memory_space<vmem>>, vector<1x16xf32>,
      %swap3A_54 = vector.shape_cast %swap3A_53 : vector<1x16xf32> to vector<16xf32>
      %swap3A_55 = vector.shape_cast %broadcast_in_dim3A_50 : vector<16xf32> to vector<1x16xf32>
      tpu.vector_store %arg10[%swap3A_51, %swap3A_52], %swap3A_55 {strides = array<i32>} : memref<128x128xf32, #tpu.memory_space<vmem>>, vector<1x16xf32>,
      %broadcast_in_dim3A_56 = arith.constant 0.000000e+00 : f32
      %broadcast_in_dim3A_57 = vector.broadcast %broadcast_in_dim3A_56 : f32 to vector<16xf32>
      %swap3A_58 = arith.index_cast %scan3A_28 : i32 to index
      %swap3A_59 = arith.constant 64 : index
      %swap3A_60 = tpu.vector_load %arg10[%swap3A_58, %swap3A_59] {strides = array<i32>} : memref<128x128xf32, #tpu.memory_space<vmem>>, vector<1x16xf32>,
      %swap3A_61 = vector.shape_cast %swap3A_60 : vector<1x16xf32> to vector<16xf32>
      %swap3A_62 = vector.shape_cast %broadcast_in_dim3A_57 : vector<16xf32> to vector<1x16xf32>
      tpu.vector_store %arg10[%swap3A_58, %swap3A_59], %swap3A_62 {strides = array<i32>} : memref<128x128xf32, #tpu.memory_space<vmem>>, vector<1x16xf32>,
      %broadcast_in_dim3A_63 = arith.constant 0.000000e+00 : f32
      %broadcast_in_dim3A_64 = vector.broadcast %broadcast_in_dim3A_63 : f32 to vector<16xf32>
      %swap3A_65 = arith.index_cast %scan3A_28 : i32 to index
      %swap3A_66 = arith.constant 80 : index
      %swap3A_67 = tpu.vector_load %arg10[%swap3A_65, %swap3A_66] {strides = array<i32>} : memref<128x128xf32, #tpu.memory_space<vmem>>, vector<1x16xf32>,
      %swap3A_68 = vector.shape_cast %swap3A_67 : vector<1x16xf32> to vector<16xf32>
      %swap3A_69 = vector.shape_cast %broadcast_in_dim3A_64 : vector<16xf32> to vector<1x16xf32>
      tpu.vector_store %arg10[%swap3A_65, %swap3A_66], %swap3A_69 {strides = array<i32>} : memref<128x128xf32, #tpu.memory_space<vmem>>, vector<1x16xf32>,
      %broadcast_in_dim3A_70 = arith.constant 0.000000e+00 : f32
      %broadcast_in_dim3A_71 = vector.broadcast %broadcast_in_dim3A_70 : f32 to vector<16xf32>
      %swap3A_72 = arith.index_cast %scan3A_28 : i32 to index
      %swap3A_73 = arith.constant 96 : index
      %swap3A_74 = tpu.vector_load %arg10[%swap3A_72, %swap3A_73] {strides = array<i32>} : memref<128x128xf32, #tpu.memory_space<vmem>>, vector<1x16xf32>,
      %swap3A_75 = vector.shape_cast %swap3A_74 : vector<1x16xf32> to vector<16xf32>
      %swap3A_76 = vector.shape_cast %broadcast_in_dim3A_71 : vector<16xf32> to vector<1x16xf32>
      tpu.vector_store %arg10[%swap3A_72, %swap3A_73], %swap3A_76 {strides = array<i32>} : memref<128x128xf32, #tpu.memory_space<vmem>>, vector<1x16xf32>,
      %broadcast_in_dim3A_77 = arith.constant 0.000000e+00 : f32
      %broadcast_in_dim3A_78 = vector.broadcast %broadcast_in_dim3A_77 : f32 to vector<16xf32>
      %swap3A_79 = arith.index_cast %scan3A_28 : i32 to index
      %swap3A_80 = arith.constant 112 : index
      %swap3A_81 = tpu.vector_load %arg10[%swap3A_79, %swap3A_80] {strides = array<i32>} : memref<128x128xf32, #tpu.memory_space<vmem>>, vector<1x16xf32>,
      %swap3A_82 = vector.shape_cast %swap3A_81 : vector<1x16xf32> to vector<16xf32>
      %swap3A_83 = vector.shape_cast %broadcast_in_dim3A_78 : vector<16xf32> to vector<1x16xf32>
      tpu.vector_store %arg10[%swap3A_79, %swap3A_80], %swap3A_83 {strides = array<i32>} : memref<128x128xf32, #tpu.memory_space<vmem>>, vector<1x16xf32>,
      %scan3A_84 = arith.constant 0 : i32
      scf.yield %scan3A_84 : i32
    }
    %scan3A_5 = arith.constant 128 : i32
    %scan3A_6 = arith.constant 0 : i32
    %scan3A_7 = arith.constant 0 : i32
    %scan3A_8 = arith.constant 5 : i32
    %scan3A_9 = arith.addi %scan3A_7, %scan3A_8 : i32
    %scan3A_10 = arith.constant 1 : i32
    %scan3A_11 = scf.for %scan3A_28 = %scan3A_7 to %scan3A_9 step %scan3A_10 iter_args(%scan3A_29 = %scan3A_6) -> (i32)  : i32 {
      %mul3A_30 = arith.constant 640 : i32
      %mul3A_31 = arith.muli %arg1, %mul3A_30 : i32
      %mul3A_32 = arith.constant 128 : i32
      %mul3A_33 = arith.muli %scan3A_28, %mul3A_32 : i32
      %add3A_34 = arith.addi %mul3A_31, %mul3A_33 : i32
      "tpu.region"() ({
        %run_scoped3A = tpu.sem_alloc : memref<!tpu.dma_semaphore, #tpu.memory_space<semaphore_mem>>
        %dma_start3A = arith.constant 0 : i32
        %dma_start3A_36 = tpu.memref_slice %arg12[%add3A_34, %dma_start3A] : memref<10240x128xf32, #tpu.memory_space<vmem_shared>> -> memref<128x128xf32, #tpu.memory_space<vmem_shared>>
        %dma_start3A_37 = arith.constant 0 : i32
        %dma_start3A_38 = tpu.memref_slice %arg12[%add3A_34, %dma_start3A_37] : memref<10240x128xf32, #tpu.memory_space<vmem_shared>> -> memref<128x128xf32, #tpu.memory_space<vmem_shared>>
        tpu.enqueue_dma source(%arg10 : memref<128x128xf32, #tpu.memory_space<vmem>>) target(%dma_start3A_38 : memref<128x128xf32, #tpu.memory_space<vmem_shared>>) target_semaphore(%run_scoped3A : memref<!tpu.dma_semaphore, #tpu.memory_space<semaphore_mem>>)
        %dma_wait3A = arith.constant 0 : i32
        %dma_wait3A_39 = tpu.memref_slice %arg12[%add3A_34, %dma_wait3A] : memref<10240x128xf32, #tpu.memory_space<vmem_shared>> -> memref<128x128xf32, #tpu.memory_space<vmem_shared>>
        %dma_wait3A_40 = arith.constant 0 : i32
        %dma_wait3A_41 = tpu.memref_slice %arg12[%add3A_34, %dma_wait3A_40] : memref<10240x128xf32, #tpu.memory_space<vmem_shared>> -> memref<128x128xf32, #tpu.memory_space<vmem_shared>>
        tpu.wait_dma2 semaphore(%run_scoped3A : memref<!tpu.dma_semaphore, #tpu.memory_space<semaphore_mem>>) src(%arg10 : memref<128x128xf32, #tpu.memory_space<vmem>>) dst(%dma_wait3A_41 : memref<128x128xf32, #tpu.memory_space<vmem_shared>>)
        tpu.yield
      }) : () -> ()
      %scan3A_35 = arith.constant 0 : i32
      scf.yield %scan3A_35 : i32
    }
    %scan3A_12 = arith.constant 5 : i32
    %barrier3A = arith.constant 0 : index
    tpu.barrier barrier_id(%barrier3A)
    %mul3A = arith.constant 323584 : i32
    %mul3A_13 = arith.muli %arg0, %mul3A : i32
    %scan3A_14 = arith.constant 0 : i32
    %scan3A_15 = arith.constant 0 : i32
    %scan3A_16 = arith.constant 79 : i32
    %scan3A_17 = arith.addi %scan3A_15, %scan3A_16 : i32
    %scan3A_18 = arith.constant 1 : i32
    %scan3A_19 = scf.for %scan3A_28 = %scan3A_15 to %scan3A_17 step %scan3A_18 iter_args(%scan3A_29 = %scan3A_14) -> (i32)  : i32 {
      %mul3A_30 = arith.constant 2 : i32
      %mul3A_31 = arith.muli %mul3A_30, %scan3A_28 : i32
      %mul3A_32 = arith.constant 16 : i32
      %mul3A_33 = arith.muli %mul3A_31, %mul3A_32 : i32
      %add3A_34 = arith.addi %mul3A_33, %arg1 : i32
      %mul3A_35 = arith.constant 128 : i32
      %mul3A_36 = arith.muli %add3A_34, %mul3A_35 : i32
      %add3A_37 = arith.constant 0 : i32
      %add3A_38 = arith.addi %add3A_37, %mul3A_36 : i32
      %mul3A_39 = arith.constant 2 : i32
      %mul3A_40 = arith.muli %mul3A_39, %scan3A_28 : i32
      %add3A_41 = arith.constant 1 : i32
      %add3A_42 = arith.addi %mul3A_40, %add3A_41 : i32
      %mul3A_43 = arith.constant 16 : i32
      %mul3A_44 = arith.muli %add3A_42, %mul3A_43 : i32
      %add3A_45 = arith.addi %mul3A_44, %arg1 : i32
      %mul3A_46 = arith.constant 128 : i32
      %mul3A_47 = arith.muli %add3A_45, %mul3A_46 : i32
      %add3A_48 = arith.constant 0 : i32
      %add3A_49 = arith.addi %add3A_48, %mul3A_47 : i32
      %sub3A = arith.constant 0 : i32
      %sub3A_50 = arith.subi %mul3A_13, %sub3A : i32
      %add3A_51 = arith.addi %sub3A_50, %add3A_38 : i32
      "tpu.region"() ({
        %run_scoped3A = tpu.sem_alloc : memref<!tpu.dma_semaphore, #tpu.memory_space<semaphore_mem>>
        %dma_start3A_66 = tpu.memref_slice %arg3[%add3A_51] : memref<647168xi32, #tpu.memory_space<hbm>> -> memref<128xi32, #tpu.memory_space<hbm>>
        %dma_start3A_67 = tpu.memref_slice %arg3[%add3A_51] : memref<647168xi32, #tpu.memory_space<hbm>> -> memref<128xi32, #tpu.memory_space<hbm>>
        tpu.enqueue_dma source(%dma_start3A_67 : memref<128xi32, #tpu.memory_space<hbm>>) target(%arg6 : memref<128xi32, #tpu.memory_space<vmem>>) target_semaphore(%run_scoped3A : memref<!tpu.dma_semaphore, #tpu.memory_space<semaphore_mem>>)
        %dma_wait3A_68 = tpu.memref_slice %arg3[%add3A_51] : memref<647168xi32, #tpu.memory_space<hbm>> -> memref<128xi32, #tpu.memory_space<hbm>>
        %dma_wait3A_69 = tpu.memref_slice %arg3[%add3A_51] : memref<647168xi32, #tpu.memory_space<hbm>> -> memref<128xi32, #tpu.memory_space<hbm>>
        tpu.wait_dma2 semaphore(%run_scoped3A : memref<!tpu.dma_semaphore, #tpu.memory_space<semaphore_mem>>) src(%dma_wait3A_69 : memref<128xi32, #tpu.memory_space<hbm>>) dst(%arg6 : memref<128xi32, #tpu.memory_space<vmem>>)
        tpu.yield
      }) : () -> ()
      "tpu.region"() ({
        %run_scoped3A = tpu.sem_alloc : memref<!tpu.dma_semaphore, #tpu.memory_space<semaphore_mem>>
        %dma_start3A_66 = tpu.memref_slice %arg4[%add3A_38] : memref<323584xi32, #tpu.memory_space<hbm>> -> memref<128xi32, #tpu.memory_space<hbm>>
        %dma_start3A_67 = tpu.memref_slice %arg4[%add3A_38] : memref<323584xi32, #tpu.memory_space<hbm>> -> memref<128xi32, #tpu.memory_space<hbm>>
        tpu.enqueue_dma source(%dma_start3A_67 : memref<128xi32, #tpu.memory_space<hbm>>) target(%arg7 : memref<128xi32, #tpu.memory_space<vmem>>) target_semaphore(%run_scoped3A : memref<!tpu.dma_semaphore, #tpu.memory_space<semaphore_mem>>)
        %dma_wait3A_68 = tpu.memref_slice %arg4[%add3A_38] : memref<323584xi32, #tpu.memory_space<hbm>> -> memref<128xi32, #tpu.memory_space<hbm>>
        %dma_wait3A_69 = tpu.memref_slice %arg4[%add3A_38] : memref<323584xi32, #tpu.memory_space<hbm>> -> memref<128xi32, #tpu.memory_space<hbm>>
        tpu.wait_dma2 semaphore(%run_scoped3A : memref<!tpu.dma_semaphore, #tpu.memory_space<semaphore_mem>>) src(%dma_wait3A_69 : memref<128xi32, #tpu.memory_space<hbm>>) dst(%arg7 : memref<128xi32, #tpu.memory_space<vmem>>)
        tpu.yield
      }) : () -> ()
      %dma_start3A = arith.constant 0 : i32
      %dma_start3A_52 = arith.constant 0 : i32
      %dma_start3A_53 = tpu.memref_slice %arg2[%dma_start3A, %dma_start3A_52] : memref<20480x128xf32, #tpu.memory_space<hbm>> -> memref<20480x128xf32, #tpu.memory_space<hbm>>
      tpu.enqueue_indirect_dma source(%dma_start3A_53 : memref<20480x128xf32, #tpu.memory_space<hbm>>) target(%arg10 : memref<128x128xf32, #tpu.memory_space<vmem>>) offsets(%arg6 : memref<128xi32, #tpu.memory_space<vmem>>) semaphore(%arg13 : memref<!tpu.dma_semaphore, #tpu.memory_space<semaphore_mem>>)
      %sub3A_54 = arith.constant 0 : i32
      %sub3A_55 = arith.subi %mul3A_13, %sub3A_54 : i32
      %add3A_56 = arith.addi %sub3A_55, %add3A_49 : i32
      "tpu.region"() ({
        %run_scoped3A = tpu.sem_alloc : memref<!tpu.dma_semaphore, #tpu.memory_space<semaphore_mem>>
        %dma_start3A_66 = tpu.memref_slice %arg3[%add3A_56] : memref<647168xi32, #tpu.memory_space<hbm>> -> memref<128xi32, #tpu.memory_space<hbm>>
        %dma_start3A_67 = tpu.memref_slice %arg3[%add3A_56] : memref<647168xi32, #tpu.memory_space<hbm>> -> memref<128xi32, #tpu.memory_space<hbm>>
        tpu.enqueue_dma source(%dma_start3A_67 : memref<128xi32, #tpu.memory_space<hbm>>) target(%arg8 : memref<128xi32, #tpu.memory_space<vmem>>) target_semaphore(%run_scoped3A : memref<!tpu.dma_semaphore, #tpu.memory_space<semaphore_mem>>)
        %dma_wait3A_68 = tpu.memref_slice %arg3[%add3A_56] : memref<647168xi32, #tpu.memory_space<hbm>> -> memref<128xi32, #tpu.memory_space<hbm>>
        %dma_wait3A_69 = tpu.memref_slice %arg3[%add3A_56] : memref<647168xi32, #tpu.memory_space<hbm>> -> memref<128xi32, #tpu.memory_space<hbm>>
        tpu.wait_dma2 semaphore(%run_scoped3A : memref<!tpu.dma_semaphore, #tpu.memory_space<semaphore_mem>>) src(%dma_wait3A_69 : memref<128xi32, #tpu.memory_space<hbm>>) dst(%arg8 : memref<128xi32, #tpu.memory_space<vmem>>)
        tpu.yield
      }) : () -> ()
      "tpu.region"() ({
        %run_scoped3A = tpu.sem_alloc : memref<!tpu.dma_semaphore, #tpu.memory_space<semaphore_mem>>
        %dma_start3A_66 = tpu.memref_slice %arg4[%add3A_49] : memref<323584xi32, #tpu.memory_space<hbm>> -> memref<128xi32, #tpu.memory_space<hbm>>
        %dma_start3A_67 = tpu.memref_slice %arg4[%add3A_49] : memref<323584xi32, #tpu.memory_space<hbm>> -> memref<128xi32, #tpu.memory_space<hbm>>
        tpu.enqueue_dma source(%dma_start3A_67 : memref<128xi32, #tpu.memory_space<hbm>>) target(%arg9 : memref<128xi32, #tpu.memory_space<vmem>>) target_semaphore(%run_scoped3A : memref<!tpu.dma_semaphore, #tpu.memory_space<semaphore_mem>>)
        %dma_wait3A_68 = tpu.memref_slice %arg4[%add3A_49] : memref<323584xi32, #tpu.memory_space<hbm>> -> memref<128xi32, #tpu.memory_space<hbm>>
        %dma_wait3A_69 = tpu.memref_slice %arg4[%add3A_49] : memref<323584xi32, #tpu.memory_space<hbm>> -> memref<128xi32, #tpu.memory_space<hbm>>
        tpu.wait_dma2 semaphore(%run_scoped3A : memref<!tpu.dma_semaphore, #tpu.memory_space<semaphore_mem>>) src(%dma_wait3A_69 : memref<128xi32, #tpu.memory_space<hbm>>) dst(%arg9 : memref<128xi32, #tpu.memory_space<vmem>>)
        tpu.yield
      }) : () -> ()
      %dma_start3A_57 = arith.constant 0 : i32
      %dma_start3A_58 = arith.constant 0 : i32
      %dma_start3A_59 = tpu.memref_slice %arg2[%dma_start3A_57, %dma_start3A_58] : memref<20480x128xf32, #tpu.memory_space<hbm>> -> memref<20480x128xf32, #tpu.memory_space<hbm>>
      tpu.enqueue_indirect_dma source(%dma_start3A_59 : memref<20480x128xf32, #tpu.memory_space<hbm>>) target(%arg11 : memref<128x128xf32, #tpu.memory_space<vmem>>) offsets(%arg8 : memref<128xi32, #tpu.memory_space<vmem>>) semaphore(%arg14 : memref<!tpu.dma_semaphore, #tpu.memory_space<semaphore_mem>>)
      %dma_wait3A = arith.constant 0 : i32
      %dma_wait3A_60 = arith.constant 0 : i32
      %dma_wait3A_61 = tpu.memref_slice %arg2[%dma_wait3A, %dma_wait3A_60] : memref<20480x128xf32, #tpu.memory_space<hbm>> -> memref<20480x128xf32, #tpu.memory_space<hbm>>
      tpu.wait_indirect_dma semaphore(%arg13 : memref<!tpu.dma_semaphore, #tpu.memory_space<semaphore_mem>>) src(%dma_wait3A_61 : memref<20480x128xf32, #tpu.memory_space<hbm>>) dst(%arg10 : memref<128x128xf32, #tpu.memory_space<vmem>>)
      "tpu.region"() ({
        %run_scoped3A = tpu.sem_alloc : memref<!tpu.dma_semaphore, #tpu.memory_space<semaphore_mem>>
        %dma_start3A_66 = arith.constant 0 : i32
        %dma_start3A_67 = arith.constant 0 : i32
        %dma_start3A_68 = tpu.memref_slice %arg12[%dma_start3A_66, %dma_start3A_67] : memref<10240x128xf32, #tpu.memory_space<vmem_shared>> -> memref<10240x128xf32, #tpu.memory_space<vmem_shared>>
        tpu.enqueue_indirect_dma source(%arg10 : memref<128x128xf32, #tpu.memory_space<vmem>>) target(%dma_start3A_68 : memref<10240x128xf32, #tpu.memory_space<vmem_shared>>) offsets(%arg7 : memref<128xi32, #tpu.memory_space<vmem>>) semaphore(%run_scoped3A : memref<!tpu.dma_semaphore, #tpu.memory_space<semaphore_mem>>) {add = true}
        %dma_wait3A_69 = arith.constant 0 : i32
        %dma_wait3A_70 = arith.constant 0 : i32
        %dma_wait3A_71 = tpu.memref_slice %arg12[%dma_wait3A_69, %dma_wait3A_70] : memref<10240x128xf32, #tpu.memory_space<vmem_shared>> -> memref<10240x128xf32, #tpu.memory_space<vmem_shared>>
        tpu.wait_indirect_dma semaphore(%run_scoped3A : memref<!tpu.dma_semaphore, #tpu.memory_space<semaphore_mem>>) src(%arg10 : memref<128x128xf32, #tpu.memory_space<vmem>>) dst(%dma_wait3A_71 : memref<10240x128xf32, #tpu.memory_space<vmem_shared>>)
        tpu.yield
      }) : () -> ()
      %dma_wait3A_62 = arith.constant 0 : i32
      %dma_wait3A_63 = arith.constant 0 : i32
      %dma_wait3A_64 = tpu.memref_slice %arg2[%dma_wait3A_62, %dma_wait3A_63] : memref<20480x128xf32, #tpu.memory_space<hbm>> -> memref<20480x128xf32, #tpu.memory_space<hbm>>
      tpu.wait_indirect_dma semaphore(%arg14 : memref<!tpu.dma_semaphore, #tpu.memory_space<semaphore_mem>>) src(%dma_wait3A_64 : memref<20480x128xf32, #tpu.memory_space<hbm>>) dst(%arg11 : memref<128x128xf32, #tpu.memory_space<vmem>>)
      "tpu.region"() ({
        %run_scoped3A = tpu.sem_alloc : memref<!tpu.dma_semaphore, #tpu.memory_space<semaphore_mem>>
        %dma_start3A_66 = arith.constant 0 : i32
        %dma_start3A_67 = arith.constant 0 : i32
        %dma_start3A_68 = tpu.memref_slice %arg12[%dma_start3A_66, %dma_start3A_67] : memref<10240x128xf32, #tpu.memory_space<vmem_shared>> -> memref<10240x128xf32, #tpu.memory_space<vmem_shared>>
        tpu.enqueue_indirect_dma source(%arg11 : memref<128x128xf32, #tpu.memory_space<vmem>>) target(%dma_start3A_68 : memref<10240x128xf32, #tpu.memory_space<vmem_shared>>) offsets(%arg9 : memref<128xi32, #tpu.memory_space<vmem>>) semaphore(%run_scoped3A : memref<!tpu.dma_semaphore, #tpu.memory_space<semaphore_mem>>) {add = true}
        %dma_wait3A_69 = arith.constant 0 : i32
        %dma_wait3A_70 = arith.constant 0 : i32
        %dma_wait3A_71 = tpu.memref_slice %arg12[%dma_wait3A_69, %dma_wait3A_70] : memref<10240x128xf32, #tpu.memory_space<vmem_shared>> -> memref<10240x128xf32, #tpu.memory_space<vmem_shared>>
        tpu.wait_indirect_dma semaphore(%run_scoped3A : memref<!tpu.dma_semaphore, #tpu.memory_space<semaphore_mem>>) src(%arg11 : memref<128x128xf32, #tpu.memory_space<vmem>>) dst(%dma_wait3A_71 : memref<10240x128xf32, #tpu.memory_space<vmem_shared>>)
        tpu.yield
      }) : () -> ()
      %scan3A_65 = arith.constant 0 : i32
      scf.yield %scan3A_65 : i32
    }
    %scan3A_20 = arith.constant 79 : i32
    %barrier3A_21 = arith.constant 0 : index
    tpu.barrier barrier_id(%barrier3A_21)
    %mul3A_22 = arith.constant 640 : i32
    %mul3A_23 = arith.muli %arg1, %mul3A_22 : i32
    %mul3A_24 = arith.constant 10240 : i32
    %mul3A_25 = arith.muli %arg0, %mul3A_24 : i32
    %mul3A_26 = arith.constant 640 : i32
    %mul3A_27 = arith.muli %arg1, %mul3A_26 : i32
    %add3A = arith.addi %mul3A_25, %mul3A_27 : i32
    "tpu.region"() ({
      %run_scoped3A = tpu.sem_alloc : memref<!tpu.dma_semaphore, #tpu.memory_space<semaphore_mem>>
      %dma_start3A = arith.constant 0 : i32
      %dma_start3A_28 = tpu.memref_slice %arg5[%add3A, %dma_start3A] : memref<20480x128xf32, #tpu.memory_space<hbm>> -> memref<640x128xf32, #tpu.memory_space<hbm>>
      %dma_start3A_29 = arith.constant 0 : i32
      %dma_start3A_30 = tpu.memref_slice %arg12[%mul3A_23, %dma_start3A_29] : memref<10240x128xf32, #tpu.memory_space<vmem_shared>> -> memref<640x128xf32, #tpu.memory_space<vmem_shared>>
      tpu.enqueue_dma source(%dma_start3A_30 : memref<640x128xf32, #tpu.memory_space<vmem_shared>>) target(%dma_start3A_28 : memref<640x128xf32, #tpu.memory_space<hbm>>) target_semaphore(%run_scoped3A : memref<!tpu.dma_semaphore, #tpu.memory_space<semaphore_mem>>)
      %dma_wait3A = arith.constant 0 : i32
      %dma_wait3A_31 = tpu.memref_slice %arg5[%add3A, %dma_wait3A] : memref<20480x128xf32, #tpu.memory_space<hbm>> -> memref<640x128xf32, #tpu.memory_space<hbm>>
      %dma_wait3A_32 = arith.constant 0 : i32
      %dma_wait3A_33 = tpu.memref_slice %arg12[%mul3A_23, %dma_wait3A_32] : memref<10240x128xf32, #tpu.memory_space<vmem_shared>> -> memref<640x128xf32, #tpu.memory_space<vmem_shared>>
      tpu.wait_dma2 semaphore(%run_scoped3A : memref<!tpu.dma_semaphore, #tpu.memory_space<semaphore_mem>>) src(%dma_wait3A_33 : memref<640x128xf32, #tpu.memory_space<vmem_shared>>) dst(%dma_wait3A_31 : memref<640x128xf32, #tpu.memory_space<hbm>>)
      tpu.yield
    }) : () -> ()
    return
  }
}

#map = affine_map<(d0, d1) -> (0, 0)>
#map1 = affine_map<(d0, d1) -> (0)>
module attributes {stable_mosaic.version = 14 : i64} {
  func.func @agg(%arg0: i32, %arg1: i32, %arg2: memref<20480x128xf32, #tpu.memory_space<hbm>>, %arg3: memref<323584xi32, #tpu.memory_space<hbm>>, %arg4: memref<323584xi32, #tpu.memory_space<hbm>>, %arg5: memref<20480x128xf32, #tpu.memory_space<hbm>>, %arg6: memref<128xi32, #tpu.memory_space<vmem>>, %arg7: memref<128xi32, #tpu.memory_space<vmem>>, %arg8: memref<128xi32, #tpu.memory_space<vmem>>, %arg9: memref<128xi32, #tpu.memory_space<vmem>>, %arg10: memref<128x128xf32, #tpu.memory_space<vmem>>, %arg11: memref<128x128xf32, #tpu.memory_space<vmem>>, %arg12: memref<10240x128xf32, #tpu.memory_space<vmem_shared>>, %arg13: memref<!tpu.dma_semaphore, #tpu.memory_space<semaphore_mem>>, %arg14: memref<!tpu.dma_semaphore, #tpu.memory_space<semaphore_mem>>) attributes {dimension_semantics = [#tpu.dimension_semantics<core_parallel>, #tpu.dimension_semantics<subcore_parallel>], iteration_bounds = array<i64: 2, 16>, scalar_prefetch = 0 : i64, scratch_operands = 9 : i64, tpu.core_type = #tpu.core_type<sc_vector_subcore>, window_params = [{transform_indices = #map}, {transform_indices = #map1}, {transform_indices = #map1}, {transform_indices = #map}]} {
    %scan3A = arith.constant 0 : i32
    %scan3A_0 = arith.constant 0 : i32
    %scan3A_1 = arith.constant 128 : i32
    %scan3A_2 = arith.addi %scan3A_0, %scan3A_1 : i32
    %scan3A_3 = arith.constant 1 : i32
    %scan3A_4 = scf.for %scan3A_28 = %scan3A_0 to %scan3A_2 step %scan3A_3 iter_args(%scan3A_29 = %scan3A) -> (i32)  : i32 {
      %broadcast_in_dim3A = arith.constant 0.000000e+00 : f32
      %broadcast_in_dim3A_30 = vector.broadcast %broadcast_in_dim3A : f32 to vector<16xf32>
      %swap3A = arith.index_cast %scan3A_28 : i32 to index
      %swap3A_31 = arith.constant 0 : index
      %swap3A_32 = tpu.vector_load %arg10[%swap3A, %swap3A_31] {strides = array<i32>} : memref<128x128xf32, #tpu.memory_space<vmem>>, vector<1x16xf32>,
      %swap3A_33 = vector.shape_cast %swap3A_32 : vector<1x16xf32> to vector<16xf32>
      %swap3A_34 = vector.shape_cast %broadcast_in_dim3A_30 : vector<16xf32> to vector<1x16xf32>
      tpu.vector_store %arg10[%swap3A, %swap3A_31], %swap3A_34 {strides = array<i32>} : memref<128x128xf32, #tpu.memory_space<vmem>>, vector<1x16xf32>,
      %broadcast_in_dim3A_35 = arith.constant 0.000000e+00 : f32
      %broadcast_in_dim3A_36 = vector.broadcast %broadcast_in_dim3A_35 : f32 to vector<16xf32>
      %swap3A_37 = arith.index_cast %scan3A_28 : i32 to index
      %swap3A_38 = arith.constant 16 : index
      %swap3A_39 = tpu.vector_load %arg10[%swap3A_37, %swap3A_38] {strides = array<i32>} : memref<128x128xf32, #tpu.memory_space<vmem>>, vector<1x16xf32>,
      %swap3A_40 = vector.shape_cast %swap3A_39 : vector<1x16xf32> to vector<16xf32>
      %swap3A_41 = vector.shape_cast %broadcast_in_dim3A_36 : vector<16xf32> to vector<1x16xf32>
      tpu.vector_store %arg10[%swap3A_37, %swap3A_38], %swap3A_41 {strides = array<i32>} : memref<128x128xf32, #tpu.memory_space<vmem>>, vector<1x16xf32>,
      %broadcast_in_dim3A_42 = arith.constant 0.000000e+00 : f32
      %broadcast_in_dim3A_43 = vector.broadcast %broadcast_in_dim3A_42 : f32 to vector<16xf32>
      %swap3A_44 = arith.index_cast %scan3A_28 : i32 to index
      %swap3A_45 = arith.constant 32 : index
      %swap3A_46 = tpu.vector_load %arg10[%swap3A_44, %swap3A_45] {strides = array<i32>} : memref<128x128xf32, #tpu.memory_space<vmem>>, vector<1x16xf32>,
      %swap3A_47 = vector.shape_cast %swap3A_46 : vector<1x16xf32> to vector<16xf32>
      %swap3A_48 = vector.shape_cast %broadcast_in_dim3A_43 : vector<16xf32> to vector<1x16xf32>
      tpu.vector_store %arg10[%swap3A_44, %swap3A_45], %swap3A_48 {strides = array<i32>} : memref<128x128xf32, #tpu.memory_space<vmem>>, vector<1x16xf32>,
      %broadcast_in_dim3A_49 = arith.constant 0.000000e+00 : f32
      %broadcast_in_dim3A_50 = vector.broadcast %broadcast_in_dim3A_49 : f32 to vector<16xf32>
      %swap3A_51 = arith.index_cast %scan3A_28 : i32 to index
      %swap3A_52 = arith.constant 48 : index
      %swap3A_53 = tpu.vector_load %arg10[%swap3A_51, %swap3A_52] {strides = array<i32>} : memref<128x128xf32, #tpu.memory_space<vmem>>, vector<1x16xf32>,
      %swap3A_54 = vector.shape_cast %swap3A_53 : vector<1x16xf32> to vector<16xf32>
      %swap3A_55 = vector.shape_cast %broadcast_in_dim3A_50 : vector<16xf32> to vector<1x16xf32>
      tpu.vector_store %arg10[%swap3A_51, %swap3A_52], %swap3A_55 {strides = array<i32>} : memref<128x128xf32, #tpu.memory_space<vmem>>, vector<1x16xf32>,
      %broadcast_in_dim3A_56 = arith.constant 0.000000e+00 : f32
      %broadcast_in_dim3A_57 = vector.broadcast %broadcast_in_dim3A_56 : f32 to vector<16xf32>
      %swap3A_58 = arith.index_cast %scan3A_28 : i32 to index
      %swap3A_59 = arith.constant 64 : index
      %swap3A_60 = tpu.vector_load %arg10[%swap3A_58, %swap3A_59] {strides = array<i32>} : memref<128x128xf32, #tpu.memory_space<vmem>>, vector<1x16xf32>,
      %swap3A_61 = vector.shape_cast %swap3A_60 : vector<1x16xf32> to vector<16xf32>
      %swap3A_62 = vector.shape_cast %broadcast_in_dim3A_57 : vector<16xf32> to vector<1x16xf32>
      tpu.vector_store %arg10[%swap3A_58, %swap3A_59], %swap3A_62 {strides = array<i32>} : memref<128x128xf32, #tpu.memory_space<vmem>>, vector<1x16xf32>,
      %broadcast_in_dim3A_63 = arith.constant 0.000000e+00 : f32
      %broadcast_in_dim3A_64 = vector.broadcast %broadcast_in_dim3A_63 : f32 to vector<16xf32>
      %swap3A_65 = arith.index_cast %scan3A_28 : i32 to index
      %swap3A_66 = arith.constant 80 : index
      %swap3A_67 = tpu.vector_load %arg10[%swap3A_65, %swap3A_66] {strides = array<i32>} : memref<128x128xf32, #tpu.memory_space<vmem>>, vector<1x16xf32>,
      %swap3A_68 = vector.shape_cast %swap3A_67 : vector<1x16xf32> to vector<16xf32>
      %swap3A_69 = vector.shape_cast %broadcast_in_dim3A_64 : vector<16xf32> to vector<1x16xf32>
      tpu.vector_store %arg10[%swap3A_65, %swap3A_66], %swap3A_69 {strides = array<i32>} : memref<128x128xf32, #tpu.memory_space<vmem>>, vector<1x16xf32>,
      %broadcast_in_dim3A_70 = arith.constant 0.000000e+00 : f32
      %broadcast_in_dim3A_71 = vector.broadcast %broadcast_in_dim3A_70 : f32 to vector<16xf32>
      %swap3A_72 = arith.index_cast %scan3A_28 : i32 to index
      %swap3A_73 = arith.constant 96 : index
      %swap3A_74 = tpu.vector_load %arg10[%swap3A_72, %swap3A_73] {strides = array<i32>} : memref<128x128xf32, #tpu.memory_space<vmem>>, vector<1x16xf32>,
      %swap3A_75 = vector.shape_cast %swap3A_74 : vector<1x16xf32> to vector<16xf32>
      %swap3A_76 = vector.shape_cast %broadcast_in_dim3A_71 : vector<16xf32> to vector<1x16xf32>
      tpu.vector_store %arg10[%swap3A_72, %swap3A_73], %swap3A_76 {strides = array<i32>} : memref<128x128xf32, #tpu.memory_space<vmem>>, vector<1x16xf32>,
      %broadcast_in_dim3A_77 = arith.constant 0.000000e+00 : f32
      %broadcast_in_dim3A_78 = vector.broadcast %broadcast_in_dim3A_77 : f32 to vector<16xf32>
      %swap3A_79 = arith.index_cast %scan3A_28 : i32 to index
      %swap3A_80 = arith.constant 112 : index
      %swap3A_81 = tpu.vector_load %arg10[%swap3A_79, %swap3A_80] {strides = array<i32>} : memref<128x128xf32, #tpu.memory_space<vmem>>, vector<1x16xf32>,
      %swap3A_82 = vector.shape_cast %swap3A_81 : vector<1x16xf32> to vector<16xf32>
      %swap3A_83 = vector.shape_cast %broadcast_in_dim3A_78 : vector<16xf32> to vector<1x16xf32>
      tpu.vector_store %arg10[%swap3A_79, %swap3A_80], %swap3A_83 {strides = array<i32>} : memref<128x128xf32, #tpu.memory_space<vmem>>, vector<1x16xf32>,
      %scan3A_84 = arith.constant 0 : i32
      scf.yield %scan3A_84 : i32
    }
    %scan3A_5 = arith.constant 128 : i32
    %scan3A_6 = arith.constant 0 : i32
    %scan3A_7 = arith.constant 0 : i32
    %scan3A_8 = arith.constant 5 : i32
    %scan3A_9 = arith.addi %scan3A_7, %scan3A_8 : i32
    %scan3A_10 = arith.constant 1 : i32
    %scan3A_11 = scf.for %scan3A_28 = %scan3A_7 to %scan3A_9 step %scan3A_10 iter_args(%scan3A_29 = %scan3A_6) -> (i32)  : i32 {
      %mul3A_30 = arith.constant 640 : i32
      %mul3A_31 = arith.muli %arg1, %mul3A_30 : i32
      %mul3A_32 = arith.constant 128 : i32
      %mul3A_33 = arith.muli %scan3A_28, %mul3A_32 : i32
      %add3A_34 = arith.addi %mul3A_31, %mul3A_33 : i32
      "tpu.region"() ({
        %run_scoped3A = tpu.sem_alloc : memref<!tpu.dma_semaphore, #tpu.memory_space<semaphore_mem>>
        %dma_start3A = arith.constant 0 : i32
        %dma_start3A_36 = tpu.memref_slice %arg12[%add3A_34, %dma_start3A] : memref<10240x128xf32, #tpu.memory_space<vmem_shared>> -> memref<128x128xf32, #tpu.memory_space<vmem_shared>>
        %dma_start3A_37 = arith.constant 0 : i32
        %dma_start3A_38 = tpu.memref_slice %arg12[%add3A_34, %dma_start3A_37] : memref<10240x128xf32, #tpu.memory_space<vmem_shared>> -> memref<128x128xf32, #tpu.memory_space<vmem_shared>>
        tpu.enqueue_dma source(%arg10 : memref<128x128xf32, #tpu.memory_space<vmem>>) target(%dma_start3A_38 : memref<128x128xf32, #tpu.memory_space<vmem_shared>>) target_semaphore(%run_scoped3A : memref<!tpu.dma_semaphore, #tpu.memory_space<semaphore_mem>>)
        %dma_wait3A = arith.constant 0 : i32
        %dma_wait3A_39 = tpu.memref_slice %arg12[%add3A_34, %dma_wait3A] : memref<10240x128xf32, #tpu.memory_space<vmem_shared>> -> memref<128x128xf32, #tpu.memory_space<vmem_shared>>
        %dma_wait3A_40 = arith.constant 0 : i32
        %dma_wait3A_41 = tpu.memref_slice %arg12[%add3A_34, %dma_wait3A_40] : memref<10240x128xf32, #tpu.memory_space<vmem_shared>> -> memref<128x128xf32, #tpu.memory_space<vmem_shared>>
        tpu.wait_dma2 semaphore(%run_scoped3A : memref<!tpu.dma_semaphore, #tpu.memory_space<semaphore_mem>>) src(%arg10 : memref<128x128xf32, #tpu.memory_space<vmem>>) dst(%dma_wait3A_41 : memref<128x128xf32, #tpu.memory_space<vmem_shared>>)
        tpu.yield
      }) : () -> ()
      %scan3A_35 = arith.constant 0 : i32
      scf.yield %scan3A_35 : i32
    }
    %scan3A_12 = arith.constant 5 : i32
    %barrier3A = arith.constant 0 : index
    tpu.barrier barrier_id(%barrier3A)
    %mul3A = arith.constant 161792 : i32
    %mul3A_13 = arith.muli %arg0, %mul3A : i32
    %scan3A_14 = arith.constant 0 : i32
    %scan3A_15 = arith.constant 0 : i32
    %scan3A_16 = arith.constant 79 : i32
    %scan3A_17 = arith.addi %scan3A_15, %scan3A_16 : i32
    %scan3A_18 = arith.constant 1 : i32
    %scan3A_19 = scf.for %scan3A_28 = %scan3A_15 to %scan3A_17 step %scan3A_18 iter_args(%scan3A_29 = %scan3A_14) -> (i32)  : i32 {
      %mul3A_30 = arith.constant 16 : i32
      %mul3A_31 = arith.muli %scan3A_28, %mul3A_30 : i32
      %add3A_32 = arith.addi %mul3A_31, %arg1 : i32
      %mul3A_33 = arith.constant 128 : i32
      %mul3A_34 = arith.muli %add3A_32, %mul3A_33 : i32
      %add3A_35 = arith.addi %mul3A_13, %mul3A_34 : i32
      %sub3A = arith.subi %mul3A_13, %mul3A_13 : i32
      %add3A_36 = arith.addi %sub3A, %add3A_35 : i32
      "tpu.region"() ({
        %run_scoped3A = tpu.sem_alloc : memref<!tpu.dma_semaphore, #tpu.memory_space<semaphore_mem>>
        %dma_start3A_42 = tpu.memref_slice %arg3[%add3A_36] : memref<323584xi32, #tpu.memory_space<hbm>> -> memref<128xi32, #tpu.memory_space<hbm>>
        %dma_start3A_43 = tpu.memref_slice %arg3[%add3A_36] : memref<323584xi32, #tpu.memory_space<hbm>> -> memref<128xi32, #tpu.memory_space<hbm>>
        tpu.enqueue_dma source(%dma_start3A_43 : memref<128xi32, #tpu.memory_space<hbm>>) target(%arg6 : memref<128xi32, #tpu.memory_space<vmem>>) target_semaphore(%run_scoped3A : memref<!tpu.dma_semaphore, #tpu.memory_space<semaphore_mem>>)
        %dma_wait3A_44 = tpu.memref_slice %arg3[%add3A_36] : memref<323584xi32, #tpu.memory_space<hbm>> -> memref<128xi32, #tpu.memory_space<hbm>>
        %dma_wait3A_45 = tpu.memref_slice %arg3[%add3A_36] : memref<323584xi32, #tpu.memory_space<hbm>> -> memref<128xi32, #tpu.memory_space<hbm>>
        tpu.wait_dma2 semaphore(%run_scoped3A : memref<!tpu.dma_semaphore, #tpu.memory_space<semaphore_mem>>) src(%dma_wait3A_45 : memref<128xi32, #tpu.memory_space<hbm>>) dst(%arg6 : memref<128xi32, #tpu.memory_space<vmem>>)
        tpu.yield
      }) : () -> ()
      "tpu.region"() ({
        %run_scoped3A = tpu.sem_alloc : memref<!tpu.dma_semaphore, #tpu.memory_space<semaphore_mem>>
        %dma_start3A_42 = tpu.memref_slice %arg4[%add3A_35] : memref<323584xi32, #tpu.memory_space<hbm>> -> memref<128xi32, #tpu.memory_space<hbm>>
        %dma_start3A_43 = tpu.memref_slice %arg4[%add3A_35] : memref<323584xi32, #tpu.memory_space<hbm>> -> memref<128xi32, #tpu.memory_space<hbm>>
        tpu.enqueue_dma source(%dma_start3A_43 : memref<128xi32, #tpu.memory_space<hbm>>) target(%arg7 : memref<128xi32, #tpu.memory_space<vmem>>) target_semaphore(%run_scoped3A : memref<!tpu.dma_semaphore, #tpu.memory_space<semaphore_mem>>)
        %dma_wait3A_44 = tpu.memref_slice %arg4[%add3A_35] : memref<323584xi32, #tpu.memory_space<hbm>> -> memref<128xi32, #tpu.memory_space<hbm>>
        %dma_wait3A_45 = tpu.memref_slice %arg4[%add3A_35] : memref<323584xi32, #tpu.memory_space<hbm>> -> memref<128xi32, #tpu.memory_space<hbm>>
        tpu.wait_dma2 semaphore(%run_scoped3A : memref<!tpu.dma_semaphore, #tpu.memory_space<semaphore_mem>>) src(%dma_wait3A_45 : memref<128xi32, #tpu.memory_space<hbm>>) dst(%arg7 : memref<128xi32, #tpu.memory_space<vmem>>)
        tpu.yield
      }) : () -> ()
      %dma_start3A = arith.constant 0 : i32
      %dma_start3A_37 = arith.constant 0 : i32
      %dma_start3A_38 = tpu.memref_slice %arg2[%dma_start3A, %dma_start3A_37] : memref<20480x128xf32, #tpu.memory_space<hbm>> -> memref<20480x128xf32, #tpu.memory_space<hbm>>
      tpu.enqueue_indirect_dma source(%dma_start3A_38 : memref<20480x128xf32, #tpu.memory_space<hbm>>) target(%arg10 : memref<128x128xf32, #tpu.memory_space<vmem>>) offsets(%arg6 : memref<128xi32, #tpu.memory_space<vmem>>) semaphore(%arg13 : memref<!tpu.dma_semaphore, #tpu.memory_space<semaphore_mem>>)
      %dma_wait3A = arith.constant 0 : i32
      %dma_wait3A_39 = arith.constant 0 : i32
      %dma_wait3A_40 = tpu.memref_slice %arg2[%dma_wait3A, %dma_wait3A_39] : memref<20480x128xf32, #tpu.memory_space<hbm>> -> memref<20480x128xf32, #tpu.memory_space<hbm>>
      tpu.wait_indirect_dma semaphore(%arg13 : memref<!tpu.dma_semaphore, #tpu.memory_space<semaphore_mem>>) src(%dma_wait3A_40 : memref<20480x128xf32, #tpu.memory_space<hbm>>) dst(%arg10 : memref<128x128xf32, #tpu.memory_space<vmem>>)
      "tpu.region"() ({
        %run_scoped3A = tpu.sem_alloc : memref<!tpu.dma_semaphore, #tpu.memory_space<semaphore_mem>>
        %dma_start3A_42 = arith.constant 0 : i32
        %dma_start3A_43 = arith.constant 0 : i32
        %dma_start3A_44 = tpu.memref_slice %arg12[%dma_start3A_42, %dma_start3A_43] : memref<10240x128xf32, #tpu.memory_space<vmem_shared>> -> memref<10240x128xf32, #tpu.memory_space<vmem_shared>>
        tpu.enqueue_indirect_dma source(%arg10 : memref<128x128xf32, #tpu.memory_space<vmem>>) target(%dma_start3A_44 : memref<10240x128xf32, #tpu.memory_space<vmem_shared>>) offsets(%arg7 : memref<128xi32, #tpu.memory_space<vmem>>) semaphore(%run_scoped3A : memref<!tpu.dma_semaphore, #tpu.memory_space<semaphore_mem>>) {add = true}
        %dma_wait3A_45 = arith.constant 0 : i32
        %dma_wait3A_46 = arith.constant 0 : i32
        %dma_wait3A_47 = tpu.memref_slice %arg12[%dma_wait3A_45, %dma_wait3A_46] : memref<10240x128xf32, #tpu.memory_space<vmem_shared>> -> memref<10240x128xf32, #tpu.memory_space<vmem_shared>>
        tpu.wait_indirect_dma semaphore(%run_scoped3A : memref<!tpu.dma_semaphore, #tpu.memory_space<semaphore_mem>>) src(%arg10 : memref<128x128xf32, #tpu.memory_space<vmem>>) dst(%dma_wait3A_47 : memref<10240x128xf32, #tpu.memory_space<vmem_shared>>)
        tpu.yield
      }) : () -> ()
      %scan3A_41 = arith.constant 0 : i32
      scf.yield %scan3A_41 : i32
    }
    %scan3A_20 = arith.constant 79 : i32
    %barrier3A_21 = arith.constant 0 : index
    tpu.barrier barrier_id(%barrier3A_21)
    %mul3A_22 = arith.constant 640 : i32
    %mul3A_23 = arith.muli %arg1, %mul3A_22 : i32
    %mul3A_24 = arith.constant 10240 : i32
    %mul3A_25 = arith.muli %arg0, %mul3A_24 : i32
    %mul3A_26 = arith.constant 640 : i32
    %mul3A_27 = arith.muli %arg1, %mul3A_26 : i32
    %add3A = arith.addi %mul3A_25, %mul3A_27 : i32
    "tpu.region"() ({
      %run_scoped3A = tpu.sem_alloc : memref<!tpu.dma_semaphore, #tpu.memory_space<semaphore_mem>>
      %dma_start3A = arith.constant 0 : i32
      %dma_start3A_28 = tpu.memref_slice %arg5[%add3A, %dma_start3A] : memref<20480x128xf32, #tpu.memory_space<hbm>> -> memref<640x128xf32, #tpu.memory_space<hbm>>
      %dma_start3A_29 = arith.constant 0 : i32
      %dma_start3A_30 = tpu.memref_slice %arg12[%mul3A_23, %dma_start3A_29] : memref<10240x128xf32, #tpu.memory_space<vmem_shared>> -> memref<640x128xf32, #tpu.memory_space<vmem_shared>>
      tpu.enqueue_dma source(%dma_start3A_30 : memref<640x128xf32, #tpu.memory_space<vmem_shared>>) target(%dma_start3A_28 : memref<640x128xf32, #tpu.memory_space<hbm>>) target_semaphore(%run_scoped3A : memref<!tpu.dma_semaphore, #tpu.memory_space<semaphore_mem>>)
      %dma_wait3A = arith.constant 0 : i32
      %dma_wait3A_31 = tpu.memref_slice %arg5[%add3A, %dma_wait3A] : memref<20480x128xf32, #tpu.memory_space<hbm>> -> memref<640x128xf32, #tpu.memory_space<hbm>>
      %dma_wait3A_32 = arith.constant 0 : i32
      %dma_wait3A_33 = tpu.memref_slice %arg12[%mul3A_23, %dma_wait3A_32] : memref<10240x128xf32, #tpu.memory_space<vmem_shared>> -> memref<640x128xf32, #tpu.memory_space<vmem_shared>>
      tpu.wait_dma2 semaphore(%run_scoped3A : memref<!tpu.dma_semaphore, #tpu.memory_space<semaphore_mem>>) src(%dma_wait3A_33 : memref<640x128xf32, #tpu.memory_space<vmem_shared>>) dst(%dma_wait3A_31 : memref<640x128xf32, #tpu.memory_space<hbm>>)
      tpu.yield
    }) : () -> ()
    return
  }
}

#map = affine_map<(d0, d1) -> (0, 0)>
#map1 = affine_map<(d0, d1) -> (0)>
module attributes {stable_mosaic.version = 14 : i64} {
  func.func @agg(%arg0: i32, %arg1: i32, %arg2: memref<20480x128xf32, #tpu.memory_space<hbm>>, %arg3: memref<647168xi32, #tpu.memory_space<hbm>>, %arg4: memref<323584xi32, #tpu.memory_space<hbm>>, %arg5: memref<20480x128xf32, #tpu.memory_space<hbm>>, %arg6: memref<128xi32, #tpu.memory_space<vmem>>, %arg7: memref<128xi32, #tpu.memory_space<vmem>>, %arg8: memref<128xi32, #tpu.memory_space<vmem>>, %arg9: memref<128xi32, #tpu.memory_space<vmem>>, %arg10: memref<128x128xf32, #tpu.memory_space<vmem>>, %arg11: memref<128x128xf32, #tpu.memory_space<vmem>>, %arg12: memref<10240x128xf32, #tpu.memory_space<vmem_shared>>, %arg13: memref<!tpu.dma_semaphore, #tpu.memory_space<semaphore_mem>>, %arg14: memref<!tpu.dma_semaphore, #tpu.memory_space<semaphore_mem>>) attributes {dimension_semantics = [#tpu.dimension_semantics<core_parallel>, #tpu.dimension_semantics<subcore_parallel>], iteration_bounds = array<i64: 2, 16>, scalar_prefetch = 0 : i64, scratch_operands = 9 : i64, tpu.core_type = #tpu.core_type<sc_vector_subcore>, window_params = [{transform_indices = #map}, {transform_indices = #map1}, {transform_indices = #map1}, {transform_indices = #map}]} {
    %scan3A = arith.constant 0 : i32
    %scan3A_0 = arith.constant 0 : i32
    %scan3A_1 = arith.constant 128 : i32
    %scan3A_2 = arith.addi %scan3A_0, %scan3A_1 : i32
    %scan3A_3 = arith.constant 1 : i32
    %scan3A_4 = scf.for %scan3A_28 = %scan3A_0 to %scan3A_2 step %scan3A_3 iter_args(%scan3A_29 = %scan3A) -> (i32)  : i32 {
      %broadcast_in_dim3A = arith.constant 0.000000e+00 : f32
      %broadcast_in_dim3A_30 = vector.broadcast %broadcast_in_dim3A : f32 to vector<16xf32>
      %swap3A = arith.index_cast %scan3A_28 : i32 to index
      %swap3A_31 = arith.constant 0 : index
      %swap3A_32 = tpu.vector_load %arg10[%swap3A, %swap3A_31] {strides = array<i32>} : memref<128x128xf32, #tpu.memory_space<vmem>>, vector<1x16xf32>,
      %swap3A_33 = vector.shape_cast %swap3A_32 : vector<1x16xf32> to vector<16xf32>
      %swap3A_34 = vector.shape_cast %broadcast_in_dim3A_30 : vector<16xf32> to vector<1x16xf32>
      tpu.vector_store %arg10[%swap3A, %swap3A_31], %swap3A_34 {strides = array<i32>} : memref<128x128xf32, #tpu.memory_space<vmem>>, vector<1x16xf32>,
      %broadcast_in_dim3A_35 = arith.constant 0.000000e+00 : f32
      %broadcast_in_dim3A_36 = vector.broadcast %broadcast_in_dim3A_35 : f32 to vector<16xf32>
      %swap3A_37 = arith.index_cast %scan3A_28 : i32 to index
      %swap3A_38 = arith.constant 16 : index
      %swap3A_39 = tpu.vector_load %arg10[%swap3A_37, %swap3A_38] {strides = array<i32>} : memref<128x128xf32, #tpu.memory_space<vmem>>, vector<1x16xf32>,
      %swap3A_40 = vector.shape_cast %swap3A_39 : vector<1x16xf32> to vector<16xf32>
      %swap3A_41 = vector.shape_cast %broadcast_in_dim3A_36 : vector<16xf32> to vector<1x16xf32>
      tpu.vector_store %arg10[%swap3A_37, %swap3A_38], %swap3A_41 {strides = array<i32>} : memref<128x128xf32, #tpu.memory_space<vmem>>, vector<1x16xf32>,
      %broadcast_in_dim3A_42 = arith.constant 0.000000e+00 : f32
      %broadcast_in_dim3A_43 = vector.broadcast %broadcast_in_dim3A_42 : f32 to vector<16xf32>
      %swap3A_44 = arith.index_cast %scan3A_28 : i32 to index
      %swap3A_45 = arith.constant 32 : index
      %swap3A_46 = tpu.vector_load %arg10[%swap3A_44, %swap3A_45] {strides = array<i32>} : memref<128x128xf32, #tpu.memory_space<vmem>>, vector<1x16xf32>,
      %swap3A_47 = vector.shape_cast %swap3A_46 : vector<1x16xf32> to vector<16xf32>
      %swap3A_48 = vector.shape_cast %broadcast_in_dim3A_43 : vector<16xf32> to vector<1x16xf32>
      tpu.vector_store %arg10[%swap3A_44, %swap3A_45], %swap3A_48 {strides = array<i32>} : memref<128x128xf32, #tpu.memory_space<vmem>>, vector<1x16xf32>,
      %broadcast_in_dim3A_49 = arith.constant 0.000000e+00 : f32
      %broadcast_in_dim3A_50 = vector.broadcast %broadcast_in_dim3A_49 : f32 to vector<16xf32>
      %swap3A_51 = arith.index_cast %scan3A_28 : i32 to index
      %swap3A_52 = arith.constant 48 : index
      %swap3A_53 = tpu.vector_load %arg10[%swap3A_51, %swap3A_52] {strides = array<i32>} : memref<128x128xf32, #tpu.memory_space<vmem>>, vector<1x16xf32>,
      %swap3A_54 = vector.shape_cast %swap3A_53 : vector<1x16xf32> to vector<16xf32>
      %swap3A_55 = vector.shape_cast %broadcast_in_dim3A_50 : vector<16xf32> to vector<1x16xf32>
      tpu.vector_store %arg10[%swap3A_51, %swap3A_52], %swap3A_55 {strides = array<i32>} : memref<128x128xf32, #tpu.memory_space<vmem>>, vector<1x16xf32>,
      %broadcast_in_dim3A_56 = arith.constant 0.000000e+00 : f32
      %broadcast_in_dim3A_57 = vector.broadcast %broadcast_in_dim3A_56 : f32 to vector<16xf32>
      %swap3A_58 = arith.index_cast %scan3A_28 : i32 to index
      %swap3A_59 = arith.constant 64 : index
      %swap3A_60 = tpu.vector_load %arg10[%swap3A_58, %swap3A_59] {strides = array<i32>} : memref<128x128xf32, #tpu.memory_space<vmem>>, vector<1x16xf32>,
      %swap3A_61 = vector.shape_cast %swap3A_60 : vector<1x16xf32> to vector<16xf32>
      %swap3A_62 = vector.shape_cast %broadcast_in_dim3A_57 : vector<16xf32> to vector<1x16xf32>
      tpu.vector_store %arg10[%swap3A_58, %swap3A_59], %swap3A_62 {strides = array<i32>} : memref<128x128xf32, #tpu.memory_space<vmem>>, vector<1x16xf32>,
      %broadcast_in_dim3A_63 = arith.constant 0.000000e+00 : f32
      %broadcast_in_dim3A_64 = vector.broadcast %broadcast_in_dim3A_63 : f32 to vector<16xf32>
      %swap3A_65 = arith.index_cast %scan3A_28 : i32 to index
      %swap3A_66 = arith.constant 80 : index
      %swap3A_67 = tpu.vector_load %arg10[%swap3A_65, %swap3A_66] {strides = array<i32>} : memref<128x128xf32, #tpu.memory_space<vmem>>, vector<1x16xf32>,
      %swap3A_68 = vector.shape_cast %swap3A_67 : vector<1x16xf32> to vector<16xf32>
      %swap3A_69 = vector.shape_cast %broadcast_in_dim3A_64 : vector<16xf32> to vector<1x16xf32>
      tpu.vector_store %arg10[%swap3A_65, %swap3A_66], %swap3A_69 {strides = array<i32>} : memref<128x128xf32, #tpu.memory_space<vmem>>, vector<1x16xf32>,
      %broadcast_in_dim3A_70 = arith.constant 0.000000e+00 : f32
      %broadcast_in_dim3A_71 = vector.broadcast %broadcast_in_dim3A_70 : f32 to vector<16xf32>
      %swap3A_72 = arith.index_cast %scan3A_28 : i32 to index
      %swap3A_73 = arith.constant 96 : index
      %swap3A_74 = tpu.vector_load %arg10[%swap3A_72, %swap3A_73] {strides = array<i32>} : memref<128x128xf32, #tpu.memory_space<vmem>>, vector<1x16xf32>,
      %swap3A_75 = vector.shape_cast %swap3A_74 : vector<1x16xf32> to vector<16xf32>
      %swap3A_76 = vector.shape_cast %broadcast_in_dim3A_71 : vector<16xf32> to vector<1x16xf32>
      tpu.vector_store %arg10[%swap3A_72, %swap3A_73], %swap3A_76 {strides = array<i32>} : memref<128x128xf32, #tpu.memory_space<vmem>>, vector<1x16xf32>,
      %broadcast_in_dim3A_77 = arith.constant 0.000000e+00 : f32
      %broadcast_in_dim3A_78 = vector.broadcast %broadcast_in_dim3A_77 : f32 to vector<16xf32>
      %swap3A_79 = arith.index_cast %scan3A_28 : i32 to index
      %swap3A_80 = arith.constant 112 : index
      %swap3A_81 = tpu.vector_load %arg10[%swap3A_79, %swap3A_80] {strides = array<i32>} : memref<128x128xf32, #tpu.memory_space<vmem>>, vector<1x16xf32>,
      %swap3A_82 = vector.shape_cast %swap3A_81 : vector<1x16xf32> to vector<16xf32>
      %swap3A_83 = vector.shape_cast %broadcast_in_dim3A_78 : vector<16xf32> to vector<1x16xf32>
      tpu.vector_store %arg10[%swap3A_79, %swap3A_80], %swap3A_83 {strides = array<i32>} : memref<128x128xf32, #tpu.memory_space<vmem>>, vector<1x16xf32>,
      %scan3A_84 = arith.constant 0 : i32
      scf.yield %scan3A_84 : i32
    }
    %scan3A_5 = arith.constant 128 : i32
    %scan3A_6 = arith.constant 0 : i32
    %scan3A_7 = arith.constant 0 : i32
    %scan3A_8 = arith.constant 5 : i32
    %scan3A_9 = arith.addi %scan3A_7, %scan3A_8 : i32
    %scan3A_10 = arith.constant 1 : i32
    %scan3A_11 = scf.for %scan3A_28 = %scan3A_7 to %scan3A_9 step %scan3A_10 iter_args(%scan3A_29 = %scan3A_6) -> (i32)  : i32 {
      %mul3A_30 = arith.constant 640 : i32
      %mul3A_31 = arith.muli %arg1, %mul3A_30 : i32
      %mul3A_32 = arith.constant 128 : i32
      %mul3A_33 = arith.muli %scan3A_28, %mul3A_32 : i32
      %add3A_34 = arith.addi %mul3A_31, %mul3A_33 : i32
      "tpu.region"() ({
        %run_scoped3A = tpu.sem_alloc : memref<!tpu.dma_semaphore, #tpu.memory_space<semaphore_mem>>
        %dma_start3A = arith.constant 0 : i32
        %dma_start3A_36 = tpu.memref_slice %arg12[%add3A_34, %dma_start3A] : memref<10240x128xf32, #tpu.memory_space<vmem_shared>> -> memref<128x128xf32, #tpu.memory_space<vmem_shared>>
        %dma_start3A_37 = arith.constant 0 : i32
        %dma_start3A_38 = tpu.memref_slice %arg12[%add3A_34, %dma_start3A_37] : memref<10240x128xf32, #tpu.memory_space<vmem_shared>> -> memref<128x128xf32, #tpu.memory_space<vmem_shared>>
        tpu.enqueue_dma source(%arg10 : memref<128x128xf32, #tpu.memory_space<vmem>>) target(%dma_start3A_38 : memref<128x128xf32, #tpu.memory_space<vmem_shared>>) target_semaphore(%run_scoped3A : memref<!tpu.dma_semaphore, #tpu.memory_space<semaphore_mem>>)
        %dma_wait3A = arith.constant 0 : i32
        %dma_wait3A_39 = tpu.memref_slice %arg12[%add3A_34, %dma_wait3A] : memref<10240x128xf32, #tpu.memory_space<vmem_shared>> -> memref<128x128xf32, #tpu.memory_space<vmem_shared>>
        %dma_wait3A_40 = arith.constant 0 : i32
        %dma_wait3A_41 = tpu.memref_slice %arg12[%add3A_34, %dma_wait3A_40] : memref<10240x128xf32, #tpu.memory_space<vmem_shared>> -> memref<128x128xf32, #tpu.memory_space<vmem_shared>>
        tpu.wait_dma2 semaphore(%run_scoped3A : memref<!tpu.dma_semaphore, #tpu.memory_space<semaphore_mem>>) src(%arg10 : memref<128x128xf32, #tpu.memory_space<vmem>>) dst(%dma_wait3A_41 : memref<128x128xf32, #tpu.memory_space<vmem_shared>>)
        tpu.yield
      }) : () -> ()
      %scan3A_35 = arith.constant 0 : i32
      scf.yield %scan3A_35 : i32
    }
    %scan3A_12 = arith.constant 5 : i32
    %barrier3A = arith.constant 0 : index
    tpu.barrier barrier_id(%barrier3A)
    %mul3A = arith.constant 323584 : i32
    %mul3A_13 = arith.muli %arg0, %mul3A : i32
    %scan3A_14 = arith.constant 0 : i32
    %scan3A_15 = arith.constant 0 : i32
    %scan3A_16 = arith.constant 79 : i32
    %scan3A_17 = arith.addi %scan3A_15, %scan3A_16 : i32
    %scan3A_18 = arith.constant 1 : i32
    %scan3A_19 = scf.for %scan3A_28 = %scan3A_15 to %scan3A_17 step %scan3A_18 iter_args(%scan3A_29 = %scan3A_14) -> (i32)  : i32 {
      %mul3A_30 = arith.constant 2 : i32
      %mul3A_31 = arith.muli %mul3A_30, %scan3A_28 : i32
      %mul3A_32 = arith.constant 16 : i32
      %mul3A_33 = arith.muli %mul3A_31, %mul3A_32 : i32
      %add3A_34 = arith.addi %mul3A_33, %arg1 : i32
      %mul3A_35 = arith.constant 128 : i32
      %mul3A_36 = arith.muli %add3A_34, %mul3A_35 : i32
      %add3A_37 = arith.constant 0 : i32
      %add3A_38 = arith.addi %add3A_37, %mul3A_36 : i32
      %mul3A_39 = arith.constant 2 : i32
      %mul3A_40 = arith.muli %mul3A_39, %scan3A_28 : i32
      %add3A_41 = arith.constant 1 : i32
      %add3A_42 = arith.addi %mul3A_40, %add3A_41 : i32
      %mul3A_43 = arith.constant 16 : i32
      %mul3A_44 = arith.muli %add3A_42, %mul3A_43 : i32
      %add3A_45 = arith.addi %mul3A_44, %arg1 : i32
      %mul3A_46 = arith.constant 128 : i32
      %mul3A_47 = arith.muli %add3A_45, %mul3A_46 : i32
      %add3A_48 = arith.constant 0 : i32
      %add3A_49 = arith.addi %add3A_48, %mul3A_47 : i32
      %sub3A = arith.constant 0 : i32
      %sub3A_50 = arith.subi %mul3A_13, %sub3A : i32
      %add3A_51 = arith.addi %sub3A_50, %add3A_38 : i32
      "tpu.region"() ({
        %run_scoped3A = tpu.sem_alloc : memref<!tpu.dma_semaphore, #tpu.memory_space<semaphore_mem>>
        %dma_start3A_66 = tpu.memref_slice %arg3[%add3A_51] : memref<647168xi32, #tpu.memory_space<hbm>> -> memref<128xi32, #tpu.memory_space<hbm>>
        %dma_start3A_67 = tpu.memref_slice %arg3[%add3A_51] : memref<647168xi32, #tpu.memory_space<hbm>> -> memref<128xi32, #tpu.memory_space<hbm>>
        tpu.enqueue_dma source(%dma_start3A_67 : memref<128xi32, #tpu.memory_space<hbm>>) target(%arg6 : memref<128xi32, #tpu.memory_space<vmem>>) target_semaphore(%run_scoped3A : memref<!tpu.dma_semaphore, #tpu.memory_space<semaphore_mem>>)
        %dma_wait3A_68 = tpu.memref_slice %arg3[%add3A_51] : memref<647168xi32, #tpu.memory_space<hbm>> -> memref<128xi32, #tpu.memory_space<hbm>>
        %dma_wait3A_69 = tpu.memref_slice %arg3[%add3A_51] : memref<647168xi32, #tpu.memory_space<hbm>> -> memref<128xi32, #tpu.memory_space<hbm>>
        tpu.wait_dma2 semaphore(%run_scoped3A : memref<!tpu.dma_semaphore, #tpu.memory_space<semaphore_mem>>) src(%dma_wait3A_69 : memref<128xi32, #tpu.memory_space<hbm>>) dst(%arg6 : memref<128xi32, #tpu.memory_space<vmem>>)
        tpu.yield
      }) : () -> ()
      "tpu.region"() ({
        %run_scoped3A = tpu.sem_alloc : memref<!tpu.dma_semaphore, #tpu.memory_space<semaphore_mem>>
        %dma_start3A_66 = tpu.memref_slice %arg4[%add3A_38] : memref<323584xi32, #tpu.memory_space<hbm>> -> memref<128xi32, #tpu.memory_space<hbm>>
        %dma_start3A_67 = tpu.memref_slice %arg4[%add3A_38] : memref<323584xi32, #tpu.memory_space<hbm>> -> memref<128xi32, #tpu.memory_space<hbm>>
        tpu.enqueue_dma source(%dma_start3A_67 : memref<128xi32, #tpu.memory_space<hbm>>) target(%arg7 : memref<128xi32, #tpu.memory_space<vmem>>) target_semaphore(%run_scoped3A : memref<!tpu.dma_semaphore, #tpu.memory_space<semaphore_mem>>)
        %dma_wait3A_68 = tpu.memref_slice %arg4[%add3A_38] : memref<323584xi32, #tpu.memory_space<hbm>> -> memref<128xi32, #tpu.memory_space<hbm>>
        %dma_wait3A_69 = tpu.memref_slice %arg4[%add3A_38] : memref<323584xi32, #tpu.memory_space<hbm>> -> memref<128xi32, #tpu.memory_space<hbm>>
        tpu.wait_dma2 semaphore(%run_scoped3A : memref<!tpu.dma_semaphore, #tpu.memory_space<semaphore_mem>>) src(%dma_wait3A_69 : memref<128xi32, #tpu.memory_space<hbm>>) dst(%arg7 : memref<128xi32, #tpu.memory_space<vmem>>)
        tpu.yield
      }) : () -> ()
      %dma_start3A = arith.constant 0 : i32
      %dma_start3A_52 = arith.constant 0 : i32
      %dma_start3A_53 = tpu.memref_slice %arg2[%dma_start3A, %dma_start3A_52] : memref<20480x128xf32, #tpu.memory_space<hbm>> -> memref<20480x128xf32, #tpu.memory_space<hbm>>
      tpu.enqueue_indirect_dma source(%dma_start3A_53 : memref<20480x128xf32, #tpu.memory_space<hbm>>) target(%arg10 : memref<128x128xf32, #tpu.memory_space<vmem>>) offsets(%arg6 : memref<128xi32, #tpu.memory_space<vmem>>) semaphore(%arg13 : memref<!tpu.dma_semaphore, #tpu.memory_space<semaphore_mem>>)
      %sub3A_54 = arith.constant 0 : i32
      %sub3A_55 = arith.subi %mul3A_13, %sub3A_54 : i32
      %add3A_56 = arith.addi %sub3A_55, %add3A_49 : i32
      "tpu.region"() ({
        %run_scoped3A = tpu.sem_alloc : memref<!tpu.dma_semaphore, #tpu.memory_space<semaphore_mem>>
        %dma_start3A_66 = tpu.memref_slice %arg3[%add3A_56] : memref<647168xi32, #tpu.memory_space<hbm>> -> memref<128xi32, #tpu.memory_space<hbm>>
        %dma_start3A_67 = tpu.memref_slice %arg3[%add3A_56] : memref<647168xi32, #tpu.memory_space<hbm>> -> memref<128xi32, #tpu.memory_space<hbm>>
        tpu.enqueue_dma source(%dma_start3A_67 : memref<128xi32, #tpu.memory_space<hbm>>) target(%arg8 : memref<128xi32, #tpu.memory_space<vmem>>) target_semaphore(%run_scoped3A : memref<!tpu.dma_semaphore, #tpu.memory_space<semaphore_mem>>)
        %dma_wait3A_68 = tpu.memref_slice %arg3[%add3A_56] : memref<647168xi32, #tpu.memory_space<hbm>> -> memref<128xi32, #tpu.memory_space<hbm>>
        %dma_wait3A_69 = tpu.memref_slice %arg3[%add3A_56] : memref<647168xi32, #tpu.memory_space<hbm>> -> memref<128xi32, #tpu.memory_space<hbm>>
        tpu.wait_dma2 semaphore(%run_scoped3A : memref<!tpu.dma_semaphore, #tpu.memory_space<semaphore_mem>>) src(%dma_wait3A_69 : memref<128xi32, #tpu.memory_space<hbm>>) dst(%arg8 : memref<128xi32, #tpu.memory_space<vmem>>)
        tpu.yield
      }) : () -> ()
      "tpu.region"() ({
        %run_scoped3A = tpu.sem_alloc : memref<!tpu.dma_semaphore, #tpu.memory_space<semaphore_mem>>
        %dma_start3A_66 = tpu.memref_slice %arg4[%add3A_49] : memref<323584xi32, #tpu.memory_space<hbm>> -> memref<128xi32, #tpu.memory_space<hbm>>
        %dma_start3A_67 = tpu.memref_slice %arg4[%add3A_49] : memref<323584xi32, #tpu.memory_space<hbm>> -> memref<128xi32, #tpu.memory_space<hbm>>
        tpu.enqueue_dma source(%dma_start3A_67 : memref<128xi32, #tpu.memory_space<hbm>>) target(%arg9 : memref<128xi32, #tpu.memory_space<vmem>>) target_semaphore(%run_scoped3A : memref<!tpu.dma_semaphore, #tpu.memory_space<semaphore_mem>>)
        %dma_wait3A_68 = tpu.memref_slice %arg4[%add3A_49] : memref<323584xi32, #tpu.memory_space<hbm>> -> memref<128xi32, #tpu.memory_space<hbm>>
        %dma_wait3A_69 = tpu.memref_slice %arg4[%add3A_49] : memref<323584xi32, #tpu.memory_space<hbm>> -> memref<128xi32, #tpu.memory_space<hbm>>
        tpu.wait_dma2 semaphore(%run_scoped3A : memref<!tpu.dma_semaphore, #tpu.memory_space<semaphore_mem>>) src(%dma_wait3A_69 : memref<128xi32, #tpu.memory_space<hbm>>) dst(%arg9 : memref<128xi32, #tpu.memory_space<vmem>>)
        tpu.yield
      }) : () -> ()
      %dma_start3A_57 = arith.constant 0 : i32
      %dma_start3A_58 = arith.constant 0 : i32
      %dma_start3A_59 = tpu.memref_slice %arg2[%dma_start3A_57, %dma_start3A_58] : memref<20480x128xf32, #tpu.memory_space<hbm>> -> memref<20480x128xf32, #tpu.memory_space<hbm>>
      tpu.enqueue_indirect_dma source(%dma_start3A_59 : memref<20480x128xf32, #tpu.memory_space<hbm>>) target(%arg11 : memref<128x128xf32, #tpu.memory_space<vmem>>) offsets(%arg8 : memref<128xi32, #tpu.memory_space<vmem>>) semaphore(%arg14 : memref<!tpu.dma_semaphore, #tpu.memory_space<semaphore_mem>>)
      %dma_wait3A = arith.constant 0 : i32
      %dma_wait3A_60 = arith.constant 0 : i32
      %dma_wait3A_61 = tpu.memref_slice %arg2[%dma_wait3A, %dma_wait3A_60] : memref<20480x128xf32, #tpu.memory_space<hbm>> -> memref<20480x128xf32, #tpu.memory_space<hbm>>
      tpu.wait_indirect_dma semaphore(%arg13 : memref<!tpu.dma_semaphore, #tpu.memory_space<semaphore_mem>>) src(%dma_wait3A_61 : memref<20480x128xf32, #tpu.memory_space<hbm>>) dst(%arg10 : memref<128x128xf32, #tpu.memory_space<vmem>>)
      "tpu.region"() ({
        %run_scoped3A = tpu.sem_alloc : memref<!tpu.dma_semaphore, #tpu.memory_space<semaphore_mem>>
        %dma_start3A_66 = arith.constant 0 : i32
        %dma_start3A_67 = arith.constant 0 : i32
        %dma_start3A_68 = tpu.memref_slice %arg12[%dma_start3A_66, %dma_start3A_67] : memref<10240x128xf32, #tpu.memory_space<vmem_shared>> -> memref<10240x128xf32, #tpu.memory_space<vmem_shared>>
        tpu.enqueue_indirect_dma source(%arg10 : memref<128x128xf32, #tpu.memory_space<vmem>>) target(%dma_start3A_68 : memref<10240x128xf32, #tpu.memory_space<vmem_shared>>) offsets(%arg7 : memref<128xi32, #tpu.memory_space<vmem>>) semaphore(%run_scoped3A : memref<!tpu.dma_semaphore, #tpu.memory_space<semaphore_mem>>) {add = true}
        %dma_wait3A_69 = arith.constant 0 : i32
        %dma_wait3A_70 = arith.constant 0 : i32
        %dma_wait3A_71 = tpu.memref_slice %arg12[%dma_wait3A_69, %dma_wait3A_70] : memref<10240x128xf32, #tpu.memory_space<vmem_shared>> -> memref<10240x128xf32, #tpu.memory_space<vmem_shared>>
        tpu.wait_indirect_dma semaphore(%run_scoped3A : memref<!tpu.dma_semaphore, #tpu.memory_space<semaphore_mem>>) src(%arg10 : memref<128x128xf32, #tpu.memory_space<vmem>>) dst(%dma_wait3A_71 : memref<10240x128xf32, #tpu.memory_space<vmem_shared>>)
        tpu.yield
      }) : () -> ()
      %dma_wait3A_62 = arith.constant 0 : i32
      %dma_wait3A_63 = arith.constant 0 : i32
      %dma_wait3A_64 = tpu.memref_slice %arg2[%dma_wait3A_62, %dma_wait3A_63] : memref<20480x128xf32, #tpu.memory_space<hbm>> -> memref<20480x128xf32, #tpu.memory_space<hbm>>
      tpu.wait_indirect_dma semaphore(%arg14 : memref<!tpu.dma_semaphore, #tpu.memory_space<semaphore_mem>>) src(%dma_wait3A_64 : memref<20480x128xf32, #tpu.memory_space<hbm>>) dst(%arg11 : memref<128x128xf32, #tpu.memory_space<vmem>>)
      "tpu.region"() ({
        %run_scoped3A = tpu.sem_alloc : memref<!tpu.dma_semaphore, #tpu.memory_space<semaphore_mem>>
        %dma_start3A_66 = arith.constant 0 : i32
        %dma_start3A_67 = arith.constant 0 : i32
        %dma_start3A_68 = tpu.memref_slice %arg12[%dma_start3A_66, %dma_start3A_67] : memref<10240x128xf32, #tpu.memory_space<vmem_shared>> -> memref<10240x128xf32, #tpu.memory_space<vmem_shared>>
        tpu.enqueue_indirect_dma source(%arg11 : memref<128x128xf32, #tpu.memory_space<vmem>>) target(%dma_start3A_68 : memref<10240x128xf32, #tpu.memory_space<vmem_shared>>) offsets(%arg9 : memref<128xi32, #tpu.memory_space<vmem>>) semaphore(%run_scoped3A : memref<!tpu.dma_semaphore, #tpu.memory_space<semaphore_mem>>) {add = true}
        %dma_wait3A_69 = arith.constant 0 : i32
        %dma_wait3A_70 = arith.constant 0 : i32
        %dma_wait3A_71 = tpu.memref_slice %arg12[%dma_wait3A_69, %dma_wait3A_70] : memref<10240x128xf32, #tpu.memory_space<vmem_shared>> -> memref<10240x128xf32, #tpu.memory_space<vmem_shared>>
        tpu.wait_indirect_dma semaphore(%run_scoped3A : memref<!tpu.dma_semaphore, #tpu.memory_space<semaphore_mem>>) src(%arg11 : memref<128x128xf32, #tpu.memory_space<vmem>>) dst(%dma_wait3A_71 : memref<10240x128xf32, #tpu.memory_space<vmem_shared>>)
        tpu.yield
      }) : () -> ()
      %scan3A_65 = arith.constant 0 : i32
      scf.yield %scan3A_65 : i32
    }
    %scan3A_20 = arith.constant 79 : i32
    %barrier3A_21 = arith.constant 0 : index
    tpu.barrier barrier_id(%barrier3A_21)
    %mul3A_22 = arith.constant 640 : i32
    %mul3A_23 = arith.muli %arg1, %mul3A_22 : i32
    %mul3A_24 = arith.constant 10240 : i32
    %mul3A_25 = arith.muli %arg0, %mul3A_24 : i32
    %mul3A_26 = arith.constant 640 : i32
    %mul3A_27 = arith.muli %arg1, %mul3A_26 : i32
    %add3A = arith.addi %mul3A_25, %mul3A_27 : i32
    "tpu.region"() ({
      %run_scoped3A = tpu.sem_alloc : memref<!tpu.dma_semaphore, #tpu.memory_space<semaphore_mem>>
      %dma_start3A = arith.constant 0 : i32
      %dma_start3A_28 = tpu.memref_slice %arg5[%add3A, %dma_start3A] : memref<20480x128xf32, #tpu.memory_space<hbm>> -> memref<640x128xf32, #tpu.memory_space<hbm>>
      %dma_start3A_29 = arith.constant 0 : i32
      %dma_start3A_30 = tpu.memref_slice %arg12[%mul3A_23, %dma_start3A_29] : memref<10240x128xf32, #tpu.memory_space<vmem_shared>> -> memref<640x128xf32, #tpu.memory_space<vmem_shared>>
      tpu.enqueue_dma source(%dma_start3A_30 : memref<640x128xf32, #tpu.memory_space<vmem_shared>>) target(%dma_start3A_28 : memref<640x128xf32, #tpu.memory_space<hbm>>) target_semaphore(%run_scoped3A : memref<!tpu.dma_semaphore, #tpu.memory_space<semaphore_mem>>)
      %dma_wait3A = arith.constant 0 : i32
      %dma_wait3A_31 = tpu.memref_slice %arg5[%add3A, %dma_wait3A] : memref<20480x128xf32, #tpu.memory_space<hbm>> -> memref<640x128xf32, #tpu.memory_space<hbm>>
      %dma_wait3A_32 = arith.constant 0 : i32
      %dma_wait3A_33 = tpu.memref_slice %arg12[%mul3A_23, %dma_wait3A_32] : memref<10240x128xf32, #tpu.memory_space<vmem_shared>> -> memref<640x128xf32, #tpu.memory_space<vmem_shared>>
      tpu.wait_dma2 semaphore(%run_scoped3A : memref<!tpu.dma_semaphore, #tpu.memory_space<semaphore_mem>>) src(%dma_wait3A_33 : memref<640x128xf32, #tpu.memory_space<vmem_shared>>) dst(%dma_wait3A_31 : memref<640x128xf32, #tpu.memory_space<hbm>>)
      tpu.yield
    }) : () -> ()
    return
  }
}

#map = affine_map<(d0, d1) -> (0, 0)>
#map1 = affine_map<(d0, d1) -> (0)>
module attributes {stable_mosaic.version = 14 : i64} {
  func.func @agg(%arg0: i32, %arg1: i32, %arg2: memref<20480x128xf32, #tpu.memory_space<hbm>>, %arg3: memref<647168xi32, #tpu.memory_space<hbm>>, %arg4: memref<323584xi32, #tpu.memory_space<hbm>>, %arg5: memref<20480x128xf32, #tpu.memory_space<hbm>>, %arg6: memref<128xi32, #tpu.memory_space<vmem>>, %arg7: memref<128xi32, #tpu.memory_space<vmem>>, %arg8: memref<128xi32, #tpu.memory_space<vmem>>, %arg9: memref<128xi32, #tpu.memory_space<vmem>>, %arg10: memref<128x128xf32, #tpu.memory_space<vmem>>, %arg11: memref<128x128xf32, #tpu.memory_space<vmem>>, %arg12: memref<10240x128xf32, #tpu.memory_space<vmem_shared>>, %arg13: memref<!tpu.dma_semaphore, #tpu.memory_space<semaphore_mem>>, %arg14: memref<!tpu.dma_semaphore, #tpu.memory_space<semaphore_mem>>) attributes {dimension_semantics = [#tpu.dimension_semantics<core_parallel>, #tpu.dimension_semantics<subcore_parallel>], iteration_bounds = array<i64: 2, 16>, scalar_prefetch = 0 : i64, scratch_operands = 9 : i64, tpu.core_type = #tpu.core_type<sc_vector_subcore>, window_params = [{transform_indices = #map}, {transform_indices = #map1}, {transform_indices = #map1}, {transform_indices = #map}]} {
    %scan3A = arith.constant 0 : i32
    %scan3A_0 = arith.constant 0 : i32
    %scan3A_1 = arith.constant 128 : i32
    %scan3A_2 = arith.addi %scan3A_0, %scan3A_1 : i32
    %scan3A_3 = arith.constant 1 : i32
    %scan3A_4 = scf.for %scan3A_28 = %scan3A_0 to %scan3A_2 step %scan3A_3 iter_args(%scan3A_29 = %scan3A) -> (i32)  : i32 {
      %broadcast_in_dim3A = arith.constant 0.000000e+00 : f32
      %broadcast_in_dim3A_30 = vector.broadcast %broadcast_in_dim3A : f32 to vector<16xf32>
      %swap3A = arith.index_cast %scan3A_28 : i32 to index
      %swap3A_31 = arith.constant 0 : index
      %swap3A_32 = tpu.vector_load %arg10[%swap3A, %swap3A_31] {strides = array<i32>} : memref<128x128xf32, #tpu.memory_space<vmem>>, vector<1x16xf32>,
      %swap3A_33 = vector.shape_cast %swap3A_32 : vector<1x16xf32> to vector<16xf32>
      %swap3A_34 = vector.shape_cast %broadcast_in_dim3A_30 : vector<16xf32> to vector<1x16xf32>
      tpu.vector_store %arg10[%swap3A, %swap3A_31], %swap3A_34 {strides = array<i32>} : memref<128x128xf32, #tpu.memory_space<vmem>>, vector<1x16xf32>,
      %broadcast_in_dim3A_35 = arith.constant 0.000000e+00 : f32
      %broadcast_in_dim3A_36 = vector.broadcast %broadcast_in_dim3A_35 : f32 to vector<16xf32>
      %swap3A_37 = arith.index_cast %scan3A_28 : i32 to index
      %swap3A_38 = arith.constant 16 : index
      %swap3A_39 = tpu.vector_load %arg10[%swap3A_37, %swap3A_38] {strides = array<i32>} : memref<128x128xf32, #tpu.memory_space<vmem>>, vector<1x16xf32>,
      %swap3A_40 = vector.shape_cast %swap3A_39 : vector<1x16xf32> to vector<16xf32>
      %swap3A_41 = vector.shape_cast %broadcast_in_dim3A_36 : vector<16xf32> to vector<1x16xf32>
      tpu.vector_store %arg10[%swap3A_37, %swap3A_38], %swap3A_41 {strides = array<i32>} : memref<128x128xf32, #tpu.memory_space<vmem>>, vector<1x16xf32>,
      %broadcast_in_dim3A_42 = arith.constant 0.000000e+00 : f32
      %broadcast_in_dim3A_43 = vector.broadcast %broadcast_in_dim3A_42 : f32 to vector<16xf32>
      %swap3A_44 = arith.index_cast %scan3A_28 : i32 to index
      %swap3A_45 = arith.constant 32 : index
      %swap3A_46 = tpu.vector_load %arg10[%swap3A_44, %swap3A_45] {strides = array<i32>} : memref<128x128xf32, #tpu.memory_space<vmem>>, vector<1x16xf32>,
      %swap3A_47 = vector.shape_cast %swap3A_46 : vector<1x16xf32> to vector<16xf32>
      %swap3A_48 = vector.shape_cast %broadcast_in_dim3A_43 : vector<16xf32> to vector<1x16xf32>
      tpu.vector_store %arg10[%swap3A_44, %swap3A_45], %swap3A_48 {strides = array<i32>} : memref<128x128xf32, #tpu.memory_space<vmem>>, vector<1x16xf32>,
      %broadcast_in_dim3A_49 = arith.constant 0.000000e+00 : f32
      %broadcast_in_dim3A_50 = vector.broadcast %broadcast_in_dim3A_49 : f32 to vector<16xf32>
      %swap3A_51 = arith.index_cast %scan3A_28 : i32 to index
      %swap3A_52 = arith.constant 48 : index
      %swap3A_53 = tpu.vector_load %arg10[%swap3A_51, %swap3A_52] {strides = array<i32>} : memref<128x128xf32, #tpu.memory_space<vmem>>, vector<1x16xf32>,
      %swap3A_54 = vector.shape_cast %swap3A_53 : vector<1x16xf32> to vector<16xf32>
      %swap3A_55 = vector.shape_cast %broadcast_in_dim3A_50 : vector<16xf32> to vector<1x16xf32>
      tpu.vector_store %arg10[%swap3A_51, %swap3A_52], %swap3A_55 {strides = array<i32>} : memref<128x128xf32, #tpu.memory_space<vmem>>, vector<1x16xf32>,
      %broadcast_in_dim3A_56 = arith.constant 0.000000e+00 : f32
      %broadcast_in_dim3A_57 = vector.broadcast %broadcast_in_dim3A_56 : f32 to vector<16xf32>
      %swap3A_58 = arith.index_cast %scan3A_28 : i32 to index
      %swap3A_59 = arith.constant 64 : index
      %swap3A_60 = tpu.vector_load %arg10[%swap3A_58, %swap3A_59] {strides = array<i32>} : memref<128x128xf32, #tpu.memory_space<vmem>>, vector<1x16xf32>,
      %swap3A_61 = vector.shape_cast %swap3A_60 : vector<1x16xf32> to vector<16xf32>
      %swap3A_62 = vector.shape_cast %broadcast_in_dim3A_57 : vector<16xf32> to vector<1x16xf32>
      tpu.vector_store %arg10[%swap3A_58, %swap3A_59], %swap3A_62 {strides = array<i32>} : memref<128x128xf32, #tpu.memory_space<vmem>>, vector<1x16xf32>,
      %broadcast_in_dim3A_63 = arith.constant 0.000000e+00 : f32
      %broadcast_in_dim3A_64 = vector.broadcast %broadcast_in_dim3A_63 : f32 to vector<16xf32>
      %swap3A_65 = arith.index_cast %scan3A_28 : i32 to index
      %swap3A_66 = arith.constant 80 : index
      %swap3A_67 = tpu.vector_load %arg10[%swap3A_65, %swap3A_66] {strides = array<i32>} : memref<128x128xf32, #tpu.memory_space<vmem>>, vector<1x16xf32>,
      %swap3A_68 = vector.shape_cast %swap3A_67 : vector<1x16xf32> to vector<16xf32>
      %swap3A_69 = vector.shape_cast %broadcast_in_dim3A_64 : vector<16xf32> to vector<1x16xf32>
      tpu.vector_store %arg10[%swap3A_65, %swap3A_66], %swap3A_69 {strides = array<i32>} : memref<128x128xf32, #tpu.memory_space<vmem>>, vector<1x16xf32>,
      %broadcast_in_dim3A_70 = arith.constant 0.000000e+00 : f32
      %broadcast_in_dim3A_71 = vector.broadcast %broadcast_in_dim3A_70 : f32 to vector<16xf32>
      %swap3A_72 = arith.index_cast %scan3A_28 : i32 to index
      %swap3A_73 = arith.constant 96 : index
      %swap3A_74 = tpu.vector_load %arg10[%swap3A_72, %swap3A_73] {strides = array<i32>} : memref<128x128xf32, #tpu.memory_space<vmem>>, vector<1x16xf32>,
      %swap3A_75 = vector.shape_cast %swap3A_74 : vector<1x16xf32> to vector<16xf32>
      %swap3A_76 = vector.shape_cast %broadcast_in_dim3A_71 : vector<16xf32> to vector<1x16xf32>
      tpu.vector_store %arg10[%swap3A_72, %swap3A_73], %swap3A_76 {strides = array<i32>} : memref<128x128xf32, #tpu.memory_space<vmem>>, vector<1x16xf32>,
      %broadcast_in_dim3A_77 = arith.constant 0.000000e+00 : f32
      %broadcast_in_dim3A_78 = vector.broadcast %broadcast_in_dim3A_77 : f32 to vector<16xf32>
      %swap3A_79 = arith.index_cast %scan3A_28 : i32 to index
      %swap3A_80 = arith.constant 112 : index
      %swap3A_81 = tpu.vector_load %arg10[%swap3A_79, %swap3A_80] {strides = array<i32>} : memref<128x128xf32, #tpu.memory_space<vmem>>, vector<1x16xf32>,
      %swap3A_82 = vector.shape_cast %swap3A_81 : vector<1x16xf32> to vector<16xf32>
      %swap3A_83 = vector.shape_cast %broadcast_in_dim3A_78 : vector<16xf32> to vector<1x16xf32>
      tpu.vector_store %arg10[%swap3A_79, %swap3A_80], %swap3A_83 {strides = array<i32>} : memref<128x128xf32, #tpu.memory_space<vmem>>, vector<1x16xf32>,
      %scan3A_84 = arith.constant 0 : i32
      scf.yield %scan3A_84 : i32
    }
    %scan3A_5 = arith.constant 128 : i32
    %scan3A_6 = arith.constant 0 : i32
    %scan3A_7 = arith.constant 0 : i32
    %scan3A_8 = arith.constant 5 : i32
    %scan3A_9 = arith.addi %scan3A_7, %scan3A_8 : i32
    %scan3A_10 = arith.constant 1 : i32
    %scan3A_11 = scf.for %scan3A_28 = %scan3A_7 to %scan3A_9 step %scan3A_10 iter_args(%scan3A_29 = %scan3A_6) -> (i32)  : i32 {
      %mul3A_30 = arith.constant 640 : i32
      %mul3A_31 = arith.muli %arg1, %mul3A_30 : i32
      %mul3A_32 = arith.constant 128 : i32
      %mul3A_33 = arith.muli %scan3A_28, %mul3A_32 : i32
      %add3A_34 = arith.addi %mul3A_31, %mul3A_33 : i32
      "tpu.region"() ({
        %run_scoped3A = tpu.sem_alloc : memref<!tpu.dma_semaphore, #tpu.memory_space<semaphore_mem>>
        %dma_start3A = arith.constant 0 : i32
        %dma_start3A_36 = tpu.memref_slice %arg12[%add3A_34, %dma_start3A] : memref<10240x128xf32, #tpu.memory_space<vmem_shared>> -> memref<128x128xf32, #tpu.memory_space<vmem_shared>>
        %dma_start3A_37 = arith.constant 0 : i32
        %dma_start3A_38 = tpu.memref_slice %arg12[%add3A_34, %dma_start3A_37] : memref<10240x128xf32, #tpu.memory_space<vmem_shared>> -> memref<128x128xf32, #tpu.memory_space<vmem_shared>>
        tpu.enqueue_dma source(%arg10 : memref<128x128xf32, #tpu.memory_space<vmem>>) target(%dma_start3A_38 : memref<128x128xf32, #tpu.memory_space<vmem_shared>>) target_semaphore(%run_scoped3A : memref<!tpu.dma_semaphore, #tpu.memory_space<semaphore_mem>>)
        %dma_wait3A = arith.constant 0 : i32
        %dma_wait3A_39 = tpu.memref_slice %arg12[%add3A_34, %dma_wait3A] : memref<10240x128xf32, #tpu.memory_space<vmem_shared>> -> memref<128x128xf32, #tpu.memory_space<vmem_shared>>
        %dma_wait3A_40 = arith.constant 0 : i32
        %dma_wait3A_41 = tpu.memref_slice %arg12[%add3A_34, %dma_wait3A_40] : memref<10240x128xf32, #tpu.memory_space<vmem_shared>> -> memref<128x128xf32, #tpu.memory_space<vmem_shared>>
        tpu.wait_dma2 semaphore(%run_scoped3A : memref<!tpu.dma_semaphore, #tpu.memory_space<semaphore_mem>>) src(%arg10 : memref<128x128xf32, #tpu.memory_space<vmem>>) dst(%dma_wait3A_41 : memref<128x128xf32, #tpu.memory_space<vmem_shared>>)
        tpu.yield
      }) : () -> ()
      %scan3A_35 = arith.constant 0 : i32
      scf.yield %scan3A_35 : i32
    }
    %scan3A_12 = arith.constant 5 : i32
    %barrier3A = arith.constant 0 : index
    tpu.barrier barrier_id(%barrier3A)
    %mul3A = arith.constant 323584 : i32
    %mul3A_13 = arith.muli %arg0, %mul3A : i32
    %scan3A_14 = arith.constant 0 : i32
    %scan3A_15 = arith.constant 0 : i32
    %scan3A_16 = arith.constant 79 : i32
    %scan3A_17 = arith.addi %scan3A_15, %scan3A_16 : i32
    %scan3A_18 = arith.constant 1 : i32
    %scan3A_19 = scf.for %scan3A_28 = %scan3A_15 to %scan3A_17 step %scan3A_18 iter_args(%scan3A_29 = %scan3A_14) -> (i32)  : i32 {
      %mul3A_30 = arith.constant 2 : i32
      %mul3A_31 = arith.muli %mul3A_30, %scan3A_28 : i32
      %mul3A_32 = arith.constant 16 : i32
      %mul3A_33 = arith.muli %mul3A_31, %mul3A_32 : i32
      %add3A_34 = arith.addi %mul3A_33, %arg1 : i32
      %mul3A_35 = arith.constant 128 : i32
      %mul3A_36 = arith.muli %add3A_34, %mul3A_35 : i32
      %add3A_37 = arith.constant 0 : i32
      %add3A_38 = arith.addi %add3A_37, %mul3A_36 : i32
      %mul3A_39 = arith.constant 2 : i32
      %mul3A_40 = arith.muli %mul3A_39, %scan3A_28 : i32
      %add3A_41 = arith.constant 1 : i32
      %add3A_42 = arith.addi %mul3A_40, %add3A_41 : i32
      %mul3A_43 = arith.constant 16 : i32
      %mul3A_44 = arith.muli %add3A_42, %mul3A_43 : i32
      %add3A_45 = arith.addi %mul3A_44, %arg1 : i32
      %mul3A_46 = arith.constant 128 : i32
      %mul3A_47 = arith.muli %add3A_45, %mul3A_46 : i32
      %add3A_48 = arith.constant 0 : i32
      %add3A_49 = arith.addi %add3A_48, %mul3A_47 : i32
      %sub3A = arith.constant 0 : i32
      %sub3A_50 = arith.subi %mul3A_13, %sub3A : i32
      %add3A_51 = arith.addi %sub3A_50, %add3A_38 : i32
      "tpu.region"() ({
        %run_scoped3A = tpu.sem_alloc : memref<!tpu.dma_semaphore, #tpu.memory_space<semaphore_mem>>
        %dma_start3A_66 = tpu.memref_slice %arg3[%add3A_51] : memref<647168xi32, #tpu.memory_space<hbm>> -> memref<128xi32, #tpu.memory_space<hbm>>
        %dma_start3A_67 = tpu.memref_slice %arg3[%add3A_51] : memref<647168xi32, #tpu.memory_space<hbm>> -> memref<128xi32, #tpu.memory_space<hbm>>
        tpu.enqueue_dma source(%dma_start3A_67 : memref<128xi32, #tpu.memory_space<hbm>>) target(%arg6 : memref<128xi32, #tpu.memory_space<vmem>>) target_semaphore(%run_scoped3A : memref<!tpu.dma_semaphore, #tpu.memory_space<semaphore_mem>>)
        %dma_wait3A_68 = tpu.memref_slice %arg3[%add3A_51] : memref<647168xi32, #tpu.memory_space<hbm>> -> memref<128xi32, #tpu.memory_space<hbm>>
        %dma_wait3A_69 = tpu.memref_slice %arg3[%add3A_51] : memref<647168xi32, #tpu.memory_space<hbm>> -> memref<128xi32, #tpu.memory_space<hbm>>
        tpu.wait_dma2 semaphore(%run_scoped3A : memref<!tpu.dma_semaphore, #tpu.memory_space<semaphore_mem>>) src(%dma_wait3A_69 : memref<128xi32, #tpu.memory_space<hbm>>) dst(%arg6 : memref<128xi32, #tpu.memory_space<vmem>>)
        tpu.yield
      }) : () -> ()
      "tpu.region"() ({
        %run_scoped3A = tpu.sem_alloc : memref<!tpu.dma_semaphore, #tpu.memory_space<semaphore_mem>>
        %dma_start3A_66 = tpu.memref_slice %arg4[%add3A_38] : memref<323584xi32, #tpu.memory_space<hbm>> -> memref<128xi32, #tpu.memory_space<hbm>>
        %dma_start3A_67 = tpu.memref_slice %arg4[%add3A_38] : memref<323584xi32, #tpu.memory_space<hbm>> -> memref<128xi32, #tpu.memory_space<hbm>>
        tpu.enqueue_dma source(%dma_start3A_67 : memref<128xi32, #tpu.memory_space<hbm>>) target(%arg7 : memref<128xi32, #tpu.memory_space<vmem>>) target_semaphore(%run_scoped3A : memref<!tpu.dma_semaphore, #tpu.memory_space<semaphore_mem>>)
        %dma_wait3A_68 = tpu.memref_slice %arg4[%add3A_38] : memref<323584xi32, #tpu.memory_space<hbm>> -> memref<128xi32, #tpu.memory_space<hbm>>
        %dma_wait3A_69 = tpu.memref_slice %arg4[%add3A_38] : memref<323584xi32, #tpu.memory_space<hbm>> -> memref<128xi32, #tpu.memory_space<hbm>>
        tpu.wait_dma2 semaphore(%run_scoped3A : memref<!tpu.dma_semaphore, #tpu.memory_space<semaphore_mem>>) src(%dma_wait3A_69 : memref<128xi32, #tpu.memory_space<hbm>>) dst(%arg7 : memref<128xi32, #tpu.memory_space<vmem>>)
        tpu.yield
      }) : () -> ()
      %dma_start3A = arith.constant 0 : i32
      %dma_start3A_52 = arith.constant 0 : i32
      %dma_start3A_53 = tpu.memref_slice %arg2[%dma_start3A, %dma_start3A_52] : memref<20480x128xf32, #tpu.memory_space<hbm>> -> memref<20480x128xf32, #tpu.memory_space<hbm>>
      tpu.enqueue_indirect_dma source(%dma_start3A_53 : memref<20480x128xf32, #tpu.memory_space<hbm>>) target(%arg10 : memref<128x128xf32, #tpu.memory_space<vmem>>) offsets(%arg6 : memref<128xi32, #tpu.memory_space<vmem>>) semaphore(%arg13 : memref<!tpu.dma_semaphore, #tpu.memory_space<semaphore_mem>>)
      %sub3A_54 = arith.constant 0 : i32
      %sub3A_55 = arith.subi %mul3A_13, %sub3A_54 : i32
      %add3A_56 = arith.addi %sub3A_55, %add3A_49 : i32
      "tpu.region"() ({
        %run_scoped3A = tpu.sem_alloc : memref<!tpu.dma_semaphore, #tpu.memory_space<semaphore_mem>>
        %dma_start3A_66 = tpu.memref_slice %arg3[%add3A_56] : memref<647168xi32, #tpu.memory_space<hbm>> -> memref<128xi32, #tpu.memory_space<hbm>>
        %dma_start3A_67 = tpu.memref_slice %arg3[%add3A_56] : memref<647168xi32, #tpu.memory_space<hbm>> -> memref<128xi32, #tpu.memory_space<hbm>>
        tpu.enqueue_dma source(%dma_start3A_67 : memref<128xi32, #tpu.memory_space<hbm>>) target(%arg8 : memref<128xi32, #tpu.memory_space<vmem>>) target_semaphore(%run_scoped3A : memref<!tpu.dma_semaphore, #tpu.memory_space<semaphore_mem>>)
        %dma_wait3A_68 = tpu.memref_slice %arg3[%add3A_56] : memref<647168xi32, #tpu.memory_space<hbm>> -> memref<128xi32, #tpu.memory_space<hbm>>
        %dma_wait3A_69 = tpu.memref_slice %arg3[%add3A_56] : memref<647168xi32, #tpu.memory_space<hbm>> -> memref<128xi32, #tpu.memory_space<hbm>>
        tpu.wait_dma2 semaphore(%run_scoped3A : memref<!tpu.dma_semaphore, #tpu.memory_space<semaphore_mem>>) src(%dma_wait3A_69 : memref<128xi32, #tpu.memory_space<hbm>>) dst(%arg8 : memref<128xi32, #tpu.memory_space<vmem>>)
        tpu.yield
      }) : () -> ()
      "tpu.region"() ({
        %run_scoped3A = tpu.sem_alloc : memref<!tpu.dma_semaphore, #tpu.memory_space<semaphore_mem>>
        %dma_start3A_66 = tpu.memref_slice %arg4[%add3A_49] : memref<323584xi32, #tpu.memory_space<hbm>> -> memref<128xi32, #tpu.memory_space<hbm>>
        %dma_start3A_67 = tpu.memref_slice %arg4[%add3A_49] : memref<323584xi32, #tpu.memory_space<hbm>> -> memref<128xi32, #tpu.memory_space<hbm>>
        tpu.enqueue_dma source(%dma_start3A_67 : memref<128xi32, #tpu.memory_space<hbm>>) target(%arg9 : memref<128xi32, #tpu.memory_space<vmem>>) target_semaphore(%run_scoped3A : memref<!tpu.dma_semaphore, #tpu.memory_space<semaphore_mem>>)
        %dma_wait3A_68 = tpu.memref_slice %arg4[%add3A_49] : memref<323584xi32, #tpu.memory_space<hbm>> -> memref<128xi32, #tpu.memory_space<hbm>>
        %dma_wait3A_69 = tpu.memref_slice %arg4[%add3A_49] : memref<323584xi32, #tpu.memory_space<hbm>> -> memref<128xi32, #tpu.memory_space<hbm>>
        tpu.wait_dma2 semaphore(%run_scoped3A : memref<!tpu.dma_semaphore, #tpu.memory_space<semaphore_mem>>) src(%dma_wait3A_69 : memref<128xi32, #tpu.memory_space<hbm>>) dst(%arg9 : memref<128xi32, #tpu.memory_space<vmem>>)
        tpu.yield
      }) : () -> ()
      %dma_start3A_57 = arith.constant 0 : i32
      %dma_start3A_58 = arith.constant 0 : i32
      %dma_start3A_59 = tpu.memref_slice %arg2[%dma_start3A_57, %dma_start3A_58] : memref<20480x128xf32, #tpu.memory_space<hbm>> -> memref<20480x128xf32, #tpu.memory_space<hbm>>
      tpu.enqueue_indirect_dma source(%dma_start3A_59 : memref<20480x128xf32, #tpu.memory_space<hbm>>) target(%arg11 : memref<128x128xf32, #tpu.memory_space<vmem>>) offsets(%arg8 : memref<128xi32, #tpu.memory_space<vmem>>) semaphore(%arg14 : memref<!tpu.dma_semaphore, #tpu.memory_space<semaphore_mem>>)
      %dma_wait3A = arith.constant 0 : i32
      %dma_wait3A_60 = arith.constant 0 : i32
      %dma_wait3A_61 = tpu.memref_slice %arg2[%dma_wait3A, %dma_wait3A_60] : memref<20480x128xf32, #tpu.memory_space<hbm>> -> memref<20480x128xf32, #tpu.memory_space<hbm>>
      tpu.wait_indirect_dma semaphore(%arg13 : memref<!tpu.dma_semaphore, #tpu.memory_space<semaphore_mem>>) src(%dma_wait3A_61 : memref<20480x128xf32, #tpu.memory_space<hbm>>) dst(%arg10 : memref<128x128xf32, #tpu.memory_space<vmem>>)
      "tpu.region"() ({
        %run_scoped3A = tpu.sem_alloc : memref<!tpu.dma_semaphore, #tpu.memory_space<semaphore_mem>>
        %dma_start3A_66 = arith.constant 0 : i32
        %dma_start3A_67 = arith.constant 0 : i32
        %dma_start3A_68 = tpu.memref_slice %arg12[%dma_start3A_66, %dma_start3A_67] : memref<10240x128xf32, #tpu.memory_space<vmem_shared>> -> memref<10240x128xf32, #tpu.memory_space<vmem_shared>>
        tpu.enqueue_indirect_dma source(%arg10 : memref<128x128xf32, #tpu.memory_space<vmem>>) target(%dma_start3A_68 : memref<10240x128xf32, #tpu.memory_space<vmem_shared>>) offsets(%arg7 : memref<128xi32, #tpu.memory_space<vmem>>) semaphore(%run_scoped3A : memref<!tpu.dma_semaphore, #tpu.memory_space<semaphore_mem>>) {add = true}
        %dma_wait3A_69 = arith.constant 0 : i32
        %dma_wait3A_70 = arith.constant 0 : i32
        %dma_wait3A_71 = tpu.memref_slice %arg12[%dma_wait3A_69, %dma_wait3A_70] : memref<10240x128xf32, #tpu.memory_space<vmem_shared>> -> memref<10240x128xf32, #tpu.memory_space<vmem_shared>>
        tpu.wait_indirect_dma semaphore(%run_scoped3A : memref<!tpu.dma_semaphore, #tpu.memory_space<semaphore_mem>>) src(%arg10 : memref<128x128xf32, #tpu.memory_space<vmem>>) dst(%dma_wait3A_71 : memref<10240x128xf32, #tpu.memory_space<vmem_shared>>)
        tpu.yield
      }) : () -> ()
      %dma_wait3A_62 = arith.constant 0 : i32
      %dma_wait3A_63 = arith.constant 0 : i32
      %dma_wait3A_64 = tpu.memref_slice %arg2[%dma_wait3A_62, %dma_wait3A_63] : memref<20480x128xf32, #tpu.memory_space<hbm>> -> memref<20480x128xf32, #tpu.memory_space<hbm>>
      tpu.wait_indirect_dma semaphore(%arg14 : memref<!tpu.dma_semaphore, #tpu.memory_space<semaphore_mem>>) src(%dma_wait3A_64 : memref<20480x128xf32, #tpu.memory_space<hbm>>) dst(%arg11 : memref<128x128xf32, #tpu.memory_space<vmem>>)
      "tpu.region"() ({
        %run_scoped3A = tpu.sem_alloc : memref<!tpu.dma_semaphore, #tpu.memory_space<semaphore_mem>>
        %dma_start3A_66 = arith.constant 0 : i32
        %dma_start3A_67 = arith.constant 0 : i32
        %dma_start3A_68 = tpu.memref_slice %arg12[%dma_start3A_66, %dma_start3A_67] : memref<10240x128xf32, #tpu.memory_space<vmem_shared>> -> memref<10240x128xf32, #tpu.memory_space<vmem_shared>>
        tpu.enqueue_indirect_dma source(%arg11 : memref<128x128xf32, #tpu.memory_space<vmem>>) target(%dma_start3A_68 : memref<10240x128xf32, #tpu.memory_space<vmem_shared>>) offsets(%arg9 : memref<128xi32, #tpu.memory_space<vmem>>) semaphore(%run_scoped3A : memref<!tpu.dma_semaphore, #tpu.memory_space<semaphore_mem>>) {add = true}
        %dma_wait3A_69 = arith.constant 0 : i32
        %dma_wait3A_70 = arith.constant 0 : i32
        %dma_wait3A_71 = tpu.memref_slice %arg12[%dma_wait3A_69, %dma_wait3A_70] : memref<10240x128xf32, #tpu.memory_space<vmem_shared>> -> memref<10240x128xf32, #tpu.memory_space<vmem_shared>>
        tpu.wait_indirect_dma semaphore(%run_scoped3A : memref<!tpu.dma_semaphore, #tpu.memory_space<semaphore_mem>>) src(%arg11 : memref<128x128xf32, #tpu.memory_space<vmem>>) dst(%dma_wait3A_71 : memref<10240x128xf32, #tpu.memory_space<vmem_shared>>)
        tpu.yield
      }) : () -> ()
      %scan3A_65 = arith.constant 0 : i32
      scf.yield %scan3A_65 : i32
    }
    %scan3A_20 = arith.constant 79 : i32
    %barrier3A_21 = arith.constant 0 : index
    tpu.barrier barrier_id(%barrier3A_21)
    %mul3A_22 = arith.constant 640 : i32
    %mul3A_23 = arith.muli %arg1, %mul3A_22 : i32
    %mul3A_24 = arith.constant 10240 : i32
    %mul3A_25 = arith.muli %arg0, %mul3A_24 : i32
    %mul3A_26 = arith.constant 640 : i32
    %mul3A_27 = arith.muli %arg1, %mul3A_26 : i32
    %add3A = arith.addi %mul3A_25, %mul3A_27 : i32
    "tpu.region"() ({
      %run_scoped3A = tpu.sem_alloc : memref<!tpu.dma_semaphore, #tpu.memory_space<semaphore_mem>>
      %dma_start3A = arith.constant 0 : i32
      %dma_start3A_28 = tpu.memref_slice %arg5[%add3A, %dma_start3A] : memref<20480x128xf32, #tpu.memory_space<hbm>> -> memref<640x128xf32, #tpu.memory_space<hbm>>
      %dma_start3A_29 = arith.constant 0 : i32
      %dma_start3A_30 = tpu.memref_slice %arg12[%mul3A_23, %dma_start3A_29] : memref<10240x128xf32, #tpu.memory_space<vmem_shared>> -> memref<640x128xf32, #tpu.memory_space<vmem_shared>>
      tpu.enqueue_dma source(%dma_start3A_30 : memref<640x128xf32, #tpu.memory_space<vmem_shared>>) target(%dma_start3A_28 : memref<640x128xf32, #tpu.memory_space<hbm>>) target_semaphore(%run_scoped3A : memref<!tpu.dma_semaphore, #tpu.memory_space<semaphore_mem>>)
      %dma_wait3A = arith.constant 0 : i32
      %dma_wait3A_31 = tpu.memref_slice %arg5[%add3A, %dma_wait3A] : memref<20480x128xf32, #tpu.memory_space<hbm>> -> memref<640x128xf32, #tpu.memory_space<hbm>>
      %dma_wait3A_32 = arith.constant 0 : i32
      %dma_wait3A_33 = tpu.memref_slice %arg12[%mul3A_23, %dma_wait3A_32] : memref<10240x128xf32, #tpu.memory_space<vmem_shared>> -> memref<640x128xf32, #tpu.memory_space<vmem_shared>>
      tpu.wait_dma2 semaphore(%run_scoped3A : memref<!tpu.dma_semaphore, #tpu.memory_space<semaphore_mem>>) src(%dma_wait3A_33 : memref<640x128xf32, #tpu.memory_space<vmem_shared>>) dst(%dma_wait3A_31 : memref<640x128xf32, #tpu.memory_space<hbm>>)
      tpu.yield
    }) : () -> ()
    return
  }
}

#map = affine_map<(d0, d1) -> (0, 0)>
#map1 = affine_map<(d0, d1) -> (0)>
module attributes {stable_mosaic.version = 14 : i64} {
  func.func @agg(%arg0: i32, %arg1: i32, %arg2: memref<20480x128xf32, #tpu.memory_space<hbm>>, %arg3: memref<647168xi32, #tpu.memory_space<hbm>>, %arg4: memref<323584xi32, #tpu.memory_space<hbm>>, %arg5: memref<20480x128xf32, #tpu.memory_space<hbm>>, %arg6: memref<128xi32, #tpu.memory_space<vmem>>, %arg7: memref<128xi32, #tpu.memory_space<vmem>>, %arg8: memref<128xi32, #tpu.memory_space<vmem>>, %arg9: memref<128xi32, #tpu.memory_space<vmem>>, %arg10: memref<128x128xf32, #tpu.memory_space<vmem>>, %arg11: memref<128x128xf32, #tpu.memory_space<vmem>>, %arg12: memref<10240x128xf32, #tpu.memory_space<vmem_shared>>, %arg13: memref<!tpu.dma_semaphore, #tpu.memory_space<semaphore_mem>>, %arg14: memref<!tpu.dma_semaphore, #tpu.memory_space<semaphore_mem>>) attributes {dimension_semantics = [#tpu.dimension_semantics<core_parallel>, #tpu.dimension_semantics<subcore_parallel>], iteration_bounds = array<i64: 2, 16>, scalar_prefetch = 0 : i64, scratch_operands = 9 : i64, tpu.core_type = #tpu.core_type<sc_vector_subcore>, window_params = [{transform_indices = #map}, {transform_indices = #map1}, {transform_indices = #map1}, {transform_indices = #map}]} {
    %scan3A = arith.constant 0 : i32
    %scan3A_0 = arith.constant 0 : i32
    %scan3A_1 = arith.constant 128 : i32
    %scan3A_2 = arith.addi %scan3A_0, %scan3A_1 : i32
    %scan3A_3 = arith.constant 1 : i32
    %scan3A_4 = scf.for %scan3A_28 = %scan3A_0 to %scan3A_2 step %scan3A_3 iter_args(%scan3A_29 = %scan3A) -> (i32)  : i32 {
      %broadcast_in_dim3A = arith.constant 0.000000e+00 : f32
      %broadcast_in_dim3A_30 = vector.broadcast %broadcast_in_dim3A : f32 to vector<16xf32>
      %swap3A = arith.index_cast %scan3A_28 : i32 to index
      %swap3A_31 = arith.constant 0 : index
      %swap3A_32 = tpu.vector_load %arg10[%swap3A, %swap3A_31] {strides = array<i32>} : memref<128x128xf32, #tpu.memory_space<vmem>>, vector<1x16xf32>,
      %swap3A_33 = vector.shape_cast %swap3A_32 : vector<1x16xf32> to vector<16xf32>
      %swap3A_34 = vector.shape_cast %broadcast_in_dim3A_30 : vector<16xf32> to vector<1x16xf32>
      tpu.vector_store %arg10[%swap3A, %swap3A_31], %swap3A_34 {strides = array<i32>} : memref<128x128xf32, #tpu.memory_space<vmem>>, vector<1x16xf32>,
      %broadcast_in_dim3A_35 = arith.constant 0.000000e+00 : f32
      %broadcast_in_dim3A_36 = vector.broadcast %broadcast_in_dim3A_35 : f32 to vector<16xf32>
      %swap3A_37 = arith.index_cast %scan3A_28 : i32 to index
      %swap3A_38 = arith.constant 16 : index
      %swap3A_39 = tpu.vector_load %arg10[%swap3A_37, %swap3A_38] {strides = array<i32>} : memref<128x128xf32, #tpu.memory_space<vmem>>, vector<1x16xf32>,
      %swap3A_40 = vector.shape_cast %swap3A_39 : vector<1x16xf32> to vector<16xf32>
      %swap3A_41 = vector.shape_cast %broadcast_in_dim3A_36 : vector<16xf32> to vector<1x16xf32>
      tpu.vector_store %arg10[%swap3A_37, %swap3A_38], %swap3A_41 {strides = array<i32>} : memref<128x128xf32, #tpu.memory_space<vmem>>, vector<1x16xf32>,
      %broadcast_in_dim3A_42 = arith.constant 0.000000e+00 : f32
      %broadcast_in_dim3A_43 = vector.broadcast %broadcast_in_dim3A_42 : f32 to vector<16xf32>
      %swap3A_44 = arith.index_cast %scan3A_28 : i32 to index
      %swap3A_45 = arith.constant 32 : index
      %swap3A_46 = tpu.vector_load %arg10[%swap3A_44, %swap3A_45] {strides = array<i32>} : memref<128x128xf32, #tpu.memory_space<vmem>>, vector<1x16xf32>,
      %swap3A_47 = vector.shape_cast %swap3A_46 : vector<1x16xf32> to vector<16xf32>
      %swap3A_48 = vector.shape_cast %broadcast_in_dim3A_43 : vector<16xf32> to vector<1x16xf32>
      tpu.vector_store %arg10[%swap3A_44, %swap3A_45], %swap3A_48 {strides = array<i32>} : memref<128x128xf32, #tpu.memory_space<vmem>>, vector<1x16xf32>,
      %broadcast_in_dim3A_49 = arith.constant 0.000000e+00 : f32
      %broadcast_in_dim3A_50 = vector.broadcast %broadcast_in_dim3A_49 : f32 to vector<16xf32>
      %swap3A_51 = arith.index_cast %scan3A_28 : i32 to index
      %swap3A_52 = arith.constant 48 : index
      %swap3A_53 = tpu.vector_load %arg10[%swap3A_51, %swap3A_52] {strides = array<i32>} : memref<128x128xf32, #tpu.memory_space<vmem>>, vector<1x16xf32>,
      %swap3A_54 = vector.shape_cast %swap3A_53 : vector<1x16xf32> to vector<16xf32>
      %swap3A_55 = vector.shape_cast %broadcast_in_dim3A_50 : vector<16xf32> to vector<1x16xf32>
      tpu.vector_store %arg10[%swap3A_51, %swap3A_52], %swap3A_55 {strides = array<i32>} : memref<128x128xf32, #tpu.memory_space<vmem>>, vector<1x16xf32>,
      %broadcast_in_dim3A_56 = arith.constant 0.000000e+00 : f32
      %broadcast_in_dim3A_57 = vector.broadcast %broadcast_in_dim3A_56 : f32 to vector<16xf32>
      %swap3A_58 = arith.index_cast %scan3A_28 : i32 to index
      %swap3A_59 = arith.constant 64 : index
      %swap3A_60 = tpu.vector_load %arg10[%swap3A_58, %swap3A_59] {strides = array<i32>} : memref<128x128xf32, #tpu.memory_space<vmem>>, vector<1x16xf32>,
      %swap3A_61 = vector.shape_cast %swap3A_60 : vector<1x16xf32> to vector<16xf32>
      %swap3A_62 = vector.shape_cast %broadcast_in_dim3A_57 : vector<16xf32> to vector<1x16xf32>
      tpu.vector_store %arg10[%swap3A_58, %swap3A_59], %swap3A_62 {strides = array<i32>} : memref<128x128xf32, #tpu.memory_space<vmem>>, vector<1x16xf32>,
      %broadcast_in_dim3A_63 = arith.constant 0.000000e+00 : f32
      %broadcast_in_dim3A_64 = vector.broadcast %broadcast_in_dim3A_63 : f32 to vector<16xf32>
      %swap3A_65 = arith.index_cast %scan3A_28 : i32 to index
      %swap3A_66 = arith.constant 80 : index
      %swap3A_67 = tpu.vector_load %arg10[%swap3A_65, %swap3A_66] {strides = array<i32>} : memref<128x128xf32, #tpu.memory_space<vmem>>, vector<1x16xf32>,
      %swap3A_68 = vector.shape_cast %swap3A_67 : vector<1x16xf32> to vector<16xf32>
      %swap3A_69 = vector.shape_cast %broadcast_in_dim3A_64 : vector<16xf32> to vector<1x16xf32>
      tpu.vector_store %arg10[%swap3A_65, %swap3A_66], %swap3A_69 {strides = array<i32>} : memref<128x128xf32, #tpu.memory_space<vmem>>, vector<1x16xf32>,
      %broadcast_in_dim3A_70 = arith.constant 0.000000e+00 : f32
      %broadcast_in_dim3A_71 = vector.broadcast %broadcast_in_dim3A_70 : f32 to vector<16xf32>
      %swap3A_72 = arith.index_cast %scan3A_28 : i32 to index
      %swap3A_73 = arith.constant 96 : index
      %swap3A_74 = tpu.vector_load %arg10[%swap3A_72, %swap3A_73] {strides = array<i32>} : memref<128x128xf32, #tpu.memory_space<vmem>>, vector<1x16xf32>,
      %swap3A_75 = vector.shape_cast %swap3A_74 : vector<1x16xf32> to vector<16xf32>
      %swap3A_76 = vector.shape_cast %broadcast_in_dim3A_71 : vector<16xf32> to vector<1x16xf32>
      tpu.vector_store %arg10[%swap3A_72, %swap3A_73], %swap3A_76 {strides = array<i32>} : memref<128x128xf32, #tpu.memory_space<vmem>>, vector<1x16xf32>,
      %broadcast_in_dim3A_77 = arith.constant 0.000000e+00 : f32
      %broadcast_in_dim3A_78 = vector.broadcast %broadcast_in_dim3A_77 : f32 to vector<16xf32>
      %swap3A_79 = arith.index_cast %scan3A_28 : i32 to index
      %swap3A_80 = arith.constant 112 : index
      %swap3A_81 = tpu.vector_load %arg10[%swap3A_79, %swap3A_80] {strides = array<i32>} : memref<128x128xf32, #tpu.memory_space<vmem>>, vector<1x16xf32>,
      %swap3A_82 = vector.shape_cast %swap3A_81 : vector<1x16xf32> to vector<16xf32>
      %swap3A_83 = vector.shape_cast %broadcast_in_dim3A_78 : vector<16xf32> to vector<1x16xf32>
      tpu.vector_store %arg10[%swap3A_79, %swap3A_80], %swap3A_83 {strides = array<i32>} : memref<128x128xf32, #tpu.memory_space<vmem>>, vector<1x16xf32>,
      %scan3A_84 = arith.constant 0 : i32
      scf.yield %scan3A_84 : i32
    }
    %scan3A_5 = arith.constant 128 : i32
    %scan3A_6 = arith.constant 0 : i32
    %scan3A_7 = arith.constant 0 : i32
    %scan3A_8 = arith.constant 5 : i32
    %scan3A_9 = arith.addi %scan3A_7, %scan3A_8 : i32
    %scan3A_10 = arith.constant 1 : i32
    %scan3A_11 = scf.for %scan3A_28 = %scan3A_7 to %scan3A_9 step %scan3A_10 iter_args(%scan3A_29 = %scan3A_6) -> (i32)  : i32 {
      %mul3A_30 = arith.constant 640 : i32
      %mul3A_31 = arith.muli %arg1, %mul3A_30 : i32
      %mul3A_32 = arith.constant 128 : i32
      %mul3A_33 = arith.muli %scan3A_28, %mul3A_32 : i32
      %add3A_34 = arith.addi %mul3A_31, %mul3A_33 : i32
      "tpu.region"() ({
        %run_scoped3A = tpu.sem_alloc : memref<!tpu.dma_semaphore, #tpu.memory_space<semaphore_mem>>
        %dma_start3A = arith.constant 0 : i32
        %dma_start3A_36 = tpu.memref_slice %arg12[%add3A_34, %dma_start3A] : memref<10240x128xf32, #tpu.memory_space<vmem_shared>> -> memref<128x128xf32, #tpu.memory_space<vmem_shared>>
        %dma_start3A_37 = arith.constant 0 : i32
        %dma_start3A_38 = tpu.memref_slice %arg12[%add3A_34, %dma_start3A_37] : memref<10240x128xf32, #tpu.memory_space<vmem_shared>> -> memref<128x128xf32, #tpu.memory_space<vmem_shared>>
        tpu.enqueue_dma source(%arg10 : memref<128x128xf32, #tpu.memory_space<vmem>>) target(%dma_start3A_38 : memref<128x128xf32, #tpu.memory_space<vmem_shared>>) target_semaphore(%run_scoped3A : memref<!tpu.dma_semaphore, #tpu.memory_space<semaphore_mem>>)
        %dma_wait3A = arith.constant 0 : i32
        %dma_wait3A_39 = tpu.memref_slice %arg12[%add3A_34, %dma_wait3A] : memref<10240x128xf32, #tpu.memory_space<vmem_shared>> -> memref<128x128xf32, #tpu.memory_space<vmem_shared>>
        %dma_wait3A_40 = arith.constant 0 : i32
        %dma_wait3A_41 = tpu.memref_slice %arg12[%add3A_34, %dma_wait3A_40] : memref<10240x128xf32, #tpu.memory_space<vmem_shared>> -> memref<128x128xf32, #tpu.memory_space<vmem_shared>>
        tpu.wait_dma2 semaphore(%run_scoped3A : memref<!tpu.dma_semaphore, #tpu.memory_space<semaphore_mem>>) src(%arg10 : memref<128x128xf32, #tpu.memory_space<vmem>>) dst(%dma_wait3A_41 : memref<128x128xf32, #tpu.memory_space<vmem_shared>>)
        tpu.yield
      }) : () -> ()
      %scan3A_35 = arith.constant 0 : i32
      scf.yield %scan3A_35 : i32
    }
    %scan3A_12 = arith.constant 5 : i32
    %barrier3A = arith.constant 0 : index
    tpu.barrier barrier_id(%barrier3A)
    %mul3A = arith.constant 323584 : i32
    %mul3A_13 = arith.muli %arg0, %mul3A : i32
    %scan3A_14 = arith.constant 0 : i32
    %scan3A_15 = arith.constant 0 : i32
    %scan3A_16 = arith.constant 79 : i32
    %scan3A_17 = arith.addi %scan3A_15, %scan3A_16 : i32
    %scan3A_18 = arith.constant 1 : i32
    %scan3A_19 = scf.for %scan3A_28 = %scan3A_15 to %scan3A_17 step %scan3A_18 iter_args(%scan3A_29 = %scan3A_14) -> (i32)  : i32 {
      %mul3A_30 = arith.constant 2 : i32
      %mul3A_31 = arith.muli %mul3A_30, %scan3A_28 : i32
      %mul3A_32 = arith.constant 16 : i32
      %mul3A_33 = arith.muli %mul3A_31, %mul3A_32 : i32
      %add3A_34 = arith.addi %mul3A_33, %arg1 : i32
      %mul3A_35 = arith.constant 128 : i32
      %mul3A_36 = arith.muli %add3A_34, %mul3A_35 : i32
      %add3A_37 = arith.constant 0 : i32
      %add3A_38 = arith.addi %add3A_37, %mul3A_36 : i32
      %mul3A_39 = arith.constant 2 : i32
      %mul3A_40 = arith.muli %mul3A_39, %scan3A_28 : i32
      %add3A_41 = arith.constant 1 : i32
      %add3A_42 = arith.addi %mul3A_40, %add3A_41 : i32
      %mul3A_43 = arith.constant 16 : i32
      %mul3A_44 = arith.muli %add3A_42, %mul3A_43 : i32
      %add3A_45 = arith.addi %mul3A_44, %arg1 : i32
      %mul3A_46 = arith.constant 128 : i32
      %mul3A_47 = arith.muli %add3A_45, %mul3A_46 : i32
      %add3A_48 = arith.constant 0 : i32
      %add3A_49 = arith.addi %add3A_48, %mul3A_47 : i32
      %sub3A = arith.constant 0 : i32
      %sub3A_50 = arith.subi %mul3A_13, %sub3A : i32
      %add3A_51 = arith.addi %sub3A_50, %add3A_38 : i32
      "tpu.region"() ({
        %run_scoped3A = tpu.sem_alloc : memref<!tpu.dma_semaphore, #tpu.memory_space<semaphore_mem>>
        %dma_start3A_66 = tpu.memref_slice %arg3[%add3A_51] : memref<647168xi32, #tpu.memory_space<hbm>> -> memref<128xi32, #tpu.memory_space<hbm>>
        %dma_start3A_67 = tpu.memref_slice %arg3[%add3A_51] : memref<647168xi32, #tpu.memory_space<hbm>> -> memref<128xi32, #tpu.memory_space<hbm>>
        tpu.enqueue_dma source(%dma_start3A_67 : memref<128xi32, #tpu.memory_space<hbm>>) target(%arg6 : memref<128xi32, #tpu.memory_space<vmem>>) target_semaphore(%run_scoped3A : memref<!tpu.dma_semaphore, #tpu.memory_space<semaphore_mem>>)
        %dma_wait3A_68 = tpu.memref_slice %arg3[%add3A_51] : memref<647168xi32, #tpu.memory_space<hbm>> -> memref<128xi32, #tpu.memory_space<hbm>>
        %dma_wait3A_69 = tpu.memref_slice %arg3[%add3A_51] : memref<647168xi32, #tpu.memory_space<hbm>> -> memref<128xi32, #tpu.memory_space<hbm>>
        tpu.wait_dma2 semaphore(%run_scoped3A : memref<!tpu.dma_semaphore, #tpu.memory_space<semaphore_mem>>) src(%dma_wait3A_69 : memref<128xi32, #tpu.memory_space<hbm>>) dst(%arg6 : memref<128xi32, #tpu.memory_space<vmem>>)
        tpu.yield
      }) : () -> ()
      "tpu.region"() ({
        %run_scoped3A = tpu.sem_alloc : memref<!tpu.dma_semaphore, #tpu.memory_space<semaphore_mem>>
        %dma_start3A_66 = tpu.memref_slice %arg4[%add3A_38] : memref<323584xi32, #tpu.memory_space<hbm>> -> memref<128xi32, #tpu.memory_space<hbm>>
        %dma_start3A_67 = tpu.memref_slice %arg4[%add3A_38] : memref<323584xi32, #tpu.memory_space<hbm>> -> memref<128xi32, #tpu.memory_space<hbm>>
        tpu.enqueue_dma source(%dma_start3A_67 : memref<128xi32, #tpu.memory_space<hbm>>) target(%arg7 : memref<128xi32, #tpu.memory_space<vmem>>) target_semaphore(%run_scoped3A : memref<!tpu.dma_semaphore, #tpu.memory_space<semaphore_mem>>)
        %dma_wait3A_68 = tpu.memref_slice %arg4[%add3A_38] : memref<323584xi32, #tpu.memory_space<hbm>> -> memref<128xi32, #tpu.memory_space<hbm>>
        %dma_wait3A_69 = tpu.memref_slice %arg4[%add3A_38] : memref<323584xi32, #tpu.memory_space<hbm>> -> memref<128xi32, #tpu.memory_space<hbm>>
        tpu.wait_dma2 semaphore(%run_scoped3A : memref<!tpu.dma_semaphore, #tpu.memory_space<semaphore_mem>>) src(%dma_wait3A_69 : memref<128xi32, #tpu.memory_space<hbm>>) dst(%arg7 : memref<128xi32, #tpu.memory_space<vmem>>)
        tpu.yield
      }) : () -> ()
      %dma_start3A = arith.constant 0 : i32
      %dma_start3A_52 = arith.constant 0 : i32
      %dma_start3A_53 = tpu.memref_slice %arg2[%dma_start3A, %dma_start3A_52] : memref<20480x128xf32, #tpu.memory_space<hbm>> -> memref<20480x128xf32, #tpu.memory_space<hbm>>
      tpu.enqueue_indirect_dma source(%dma_start3A_53 : memref<20480x128xf32, #tpu.memory_space<hbm>>) target(%arg10 : memref<128x128xf32, #tpu.memory_space<vmem>>) offsets(%arg6 : memref<128xi32, #tpu.memory_space<vmem>>) semaphore(%arg13 : memref<!tpu.dma_semaphore, #tpu.memory_space<semaphore_mem>>)
      %sub3A_54 = arith.constant 0 : i32
      %sub3A_55 = arith.subi %mul3A_13, %sub3A_54 : i32
      %add3A_56 = arith.addi %sub3A_55, %add3A_49 : i32
      "tpu.region"() ({
        %run_scoped3A = tpu.sem_alloc : memref<!tpu.dma_semaphore, #tpu.memory_space<semaphore_mem>>
        %dma_start3A_66 = tpu.memref_slice %arg3[%add3A_56] : memref<647168xi32, #tpu.memory_space<hbm>> -> memref<128xi32, #tpu.memory_space<hbm>>
        %dma_start3A_67 = tpu.memref_slice %arg3[%add3A_56] : memref<647168xi32, #tpu.memory_space<hbm>> -> memref<128xi32, #tpu.memory_space<hbm>>
        tpu.enqueue_dma source(%dma_start3A_67 : memref<128xi32, #tpu.memory_space<hbm>>) target(%arg8 : memref<128xi32, #tpu.memory_space<vmem>>) target_semaphore(%run_scoped3A : memref<!tpu.dma_semaphore, #tpu.memory_space<semaphore_mem>>)
        %dma_wait3A_68 = tpu.memref_slice %arg3[%add3A_56] : memref<647168xi32, #tpu.memory_space<hbm>> -> memref<128xi32, #tpu.memory_space<hbm>>
        %dma_wait3A_69 = tpu.memref_slice %arg3[%add3A_56] : memref<647168xi32, #tpu.memory_space<hbm>> -> memref<128xi32, #tpu.memory_space<hbm>>
        tpu.wait_dma2 semaphore(%run_scoped3A : memref<!tpu.dma_semaphore, #tpu.memory_space<semaphore_mem>>) src(%dma_wait3A_69 : memref<128xi32, #tpu.memory_space<hbm>>) dst(%arg8 : memref<128xi32, #tpu.memory_space<vmem>>)
        tpu.yield
      }) : () -> ()
      "tpu.region"() ({
        %run_scoped3A = tpu.sem_alloc : memref<!tpu.dma_semaphore, #tpu.memory_space<semaphore_mem>>
        %dma_start3A_66 = tpu.memref_slice %arg4[%add3A_49] : memref<323584xi32, #tpu.memory_space<hbm>> -> memref<128xi32, #tpu.memory_space<hbm>>
        %dma_start3A_67 = tpu.memref_slice %arg4[%add3A_49] : memref<323584xi32, #tpu.memory_space<hbm>> -> memref<128xi32, #tpu.memory_space<hbm>>
        tpu.enqueue_dma source(%dma_start3A_67 : memref<128xi32, #tpu.memory_space<hbm>>) target(%arg9 : memref<128xi32, #tpu.memory_space<vmem>>) target_semaphore(%run_scoped3A : memref<!tpu.dma_semaphore, #tpu.memory_space<semaphore_mem>>)
        %dma_wait3A_68 = tpu.memref_slice %arg4[%add3A_49] : memref<323584xi32, #tpu.memory_space<hbm>> -> memref<128xi32, #tpu.memory_space<hbm>>
        %dma_wait3A_69 = tpu.memref_slice %arg4[%add3A_49] : memref<323584xi32, #tpu.memory_space<hbm>> -> memref<128xi32, #tpu.memory_space<hbm>>
        tpu.wait_dma2 semaphore(%run_scoped3A : memref<!tpu.dma_semaphore, #tpu.memory_space<semaphore_mem>>) src(%dma_wait3A_69 : memref<128xi32, #tpu.memory_space<hbm>>) dst(%arg9 : memref<128xi32, #tpu.memory_space<vmem>>)
        tpu.yield
      }) : () -> ()
      %dma_start3A_57 = arith.constant 0 : i32
      %dma_start3A_58 = arith.constant 0 : i32
      %dma_start3A_59 = tpu.memref_slice %arg2[%dma_start3A_57, %dma_start3A_58] : memref<20480x128xf32, #tpu.memory_space<hbm>> -> memref<20480x128xf32, #tpu.memory_space<hbm>>
      tpu.enqueue_indirect_dma source(%dma_start3A_59 : memref<20480x128xf32, #tpu.memory_space<hbm>>) target(%arg11 : memref<128x128xf32, #tpu.memory_space<vmem>>) offsets(%arg8 : memref<128xi32, #tpu.memory_space<vmem>>) semaphore(%arg14 : memref<!tpu.dma_semaphore, #tpu.memory_space<semaphore_mem>>)
      %dma_wait3A = arith.constant 0 : i32
      %dma_wait3A_60 = arith.constant 0 : i32
      %dma_wait3A_61 = tpu.memref_slice %arg2[%dma_wait3A, %dma_wait3A_60] : memref<20480x128xf32, #tpu.memory_space<hbm>> -> memref<20480x128xf32, #tpu.memory_space<hbm>>
      tpu.wait_indirect_dma semaphore(%arg13 : memref<!tpu.dma_semaphore, #tpu.memory_space<semaphore_mem>>) src(%dma_wait3A_61 : memref<20480x128xf32, #tpu.memory_space<hbm>>) dst(%arg10 : memref<128x128xf32, #tpu.memory_space<vmem>>)
      "tpu.region"() ({
        %run_scoped3A = tpu.sem_alloc : memref<!tpu.dma_semaphore, #tpu.memory_space<semaphore_mem>>
        %dma_start3A_66 = arith.constant 0 : i32
        %dma_start3A_67 = arith.constant 0 : i32
        %dma_start3A_68 = tpu.memref_slice %arg12[%dma_start3A_66, %dma_start3A_67] : memref<10240x128xf32, #tpu.memory_space<vmem_shared>> -> memref<10240x128xf32, #tpu.memory_space<vmem_shared>>
        tpu.enqueue_indirect_dma source(%arg10 : memref<128x128xf32, #tpu.memory_space<vmem>>) target(%dma_start3A_68 : memref<10240x128xf32, #tpu.memory_space<vmem_shared>>) offsets(%arg7 : memref<128xi32, #tpu.memory_space<vmem>>) semaphore(%run_scoped3A : memref<!tpu.dma_semaphore, #tpu.memory_space<semaphore_mem>>) {add = true}
        %dma_wait3A_69 = arith.constant 0 : i32
        %dma_wait3A_70 = arith.constant 0 : i32
        %dma_wait3A_71 = tpu.memref_slice %arg12[%dma_wait3A_69, %dma_wait3A_70] : memref<10240x128xf32, #tpu.memory_space<vmem_shared>> -> memref<10240x128xf32, #tpu.memory_space<vmem_shared>>
        tpu.wait_indirect_dma semaphore(%run_scoped3A : memref<!tpu.dma_semaphore, #tpu.memory_space<semaphore_mem>>) src(%arg10 : memref<128x128xf32, #tpu.memory_space<vmem>>) dst(%dma_wait3A_71 : memref<10240x128xf32, #tpu.memory_space<vmem_shared>>)
        tpu.yield
      }) : () -> ()
      %dma_wait3A_62 = arith.constant 0 : i32
      %dma_wait3A_63 = arith.constant 0 : i32
      %dma_wait3A_64 = tpu.memref_slice %arg2[%dma_wait3A_62, %dma_wait3A_63] : memref<20480x128xf32, #tpu.memory_space<hbm>> -> memref<20480x128xf32, #tpu.memory_space<hbm>>
      tpu.wait_indirect_dma semaphore(%arg14 : memref<!tpu.dma_semaphore, #tpu.memory_space<semaphore_mem>>) src(%dma_wait3A_64 : memref<20480x128xf32, #tpu.memory_space<hbm>>) dst(%arg11 : memref<128x128xf32, #tpu.memory_space<vmem>>)
      "tpu.region"() ({
        %run_scoped3A = tpu.sem_alloc : memref<!tpu.dma_semaphore, #tpu.memory_space<semaphore_mem>>
        %dma_start3A_66 = arith.constant 0 : i32
        %dma_start3A_67 = arith.constant 0 : i32
        %dma_start3A_68 = tpu.memref_slice %arg12[%dma_start3A_66, %dma_start3A_67] : memref<10240x128xf32, #tpu.memory_space<vmem_shared>> -> memref<10240x128xf32, #tpu.memory_space<vmem_shared>>
        tpu.enqueue_indirect_dma source(%arg11 : memref<128x128xf32, #tpu.memory_space<vmem>>) target(%dma_start3A_68 : memref<10240x128xf32, #tpu.memory_space<vmem_shared>>) offsets(%arg9 : memref<128xi32, #tpu.memory_space<vmem>>) semaphore(%run_scoped3A : memref<!tpu.dma_semaphore, #tpu.memory_space<semaphore_mem>>) {add = true}
        %dma_wait3A_69 = arith.constant 0 : i32
        %dma_wait3A_70 = arith.constant 0 : i32
        %dma_wait3A_71 = tpu.memref_slice %arg12[%dma_wait3A_69, %dma_wait3A_70] : memref<10240x128xf32, #tpu.memory_space<vmem_shared>> -> memref<10240x128xf32, #tpu.memory_space<vmem_shared>>
        tpu.wait_indirect_dma semaphore(%run_scoped3A : memref<!tpu.dma_semaphore, #tpu.memory_space<semaphore_mem>>) src(%arg11 : memref<128x128xf32, #tpu.memory_space<vmem>>) dst(%dma_wait3A_71 : memref<10240x128xf32, #tpu.memory_space<vmem_shared>>)
        tpu.yield
      }) : () -> ()
      %scan3A_65 = arith.constant 0 : i32
      scf.yield %scan3A_65 : i32
    }
    %scan3A_20 = arith.constant 79 : i32
    %barrier3A_21 = arith.constant 0 : index
    tpu.barrier barrier_id(%barrier3A_21)
    %mul3A_22 = arith.constant 640 : i32
    %mul3A_23 = arith.muli %arg1, %mul3A_22 : i32
    %mul3A_24 = arith.constant 10240 : i32
    %mul3A_25 = arith.muli %arg0, %mul3A_24 : i32
    %mul3A_26 = arith.constant 640 : i32
    %mul3A_27 = arith.muli %arg1, %mul3A_26 : i32
    %add3A = arith.addi %mul3A_25, %mul3A_27 : i32
    "tpu.region"() ({
      %run_scoped3A = tpu.sem_alloc : memref<!tpu.dma_semaphore, #tpu.memory_space<semaphore_mem>>
      %dma_start3A = arith.constant 0 : i32
      %dma_start3A_28 = tpu.memref_slice %arg5[%add3A, %dma_start3A] : memref<20480x128xf32, #tpu.memory_space<hbm>> -> memref<640x128xf32, #tpu.memory_space<hbm>>
      %dma_start3A_29 = arith.constant 0 : i32
      %dma_start3A_30 = tpu.memref_slice %arg12[%mul3A_23, %dma_start3A_29] : memref<10240x128xf32, #tpu.memory_space<vmem_shared>> -> memref<640x128xf32, #tpu.memory_space<vmem_shared>>
      tpu.enqueue_dma source(%dma_start3A_30 : memref<640x128xf32, #tpu.memory_space<vmem_shared>>) target(%dma_start3A_28 : memref<640x128xf32, #tpu.memory_space<hbm>>) target_semaphore(%run_scoped3A : memref<!tpu.dma_semaphore, #tpu.memory_space<semaphore_mem>>)
      %dma_wait3A = arith.constant 0 : i32
      %dma_wait3A_31 = tpu.memref_slice %arg5[%add3A, %dma_wait3A] : memref<20480x128xf32, #tpu.memory_space<hbm>> -> memref<640x128xf32, #tpu.memory_space<hbm>>
      %dma_wait3A_32 = arith.constant 0 : i32
      %dma_wait3A_33 = tpu.memref_slice %arg12[%mul3A_23, %dma_wait3A_32] : memref<10240x128xf32, #tpu.memory_space<vmem_shared>> -> memref<640x128xf32, #tpu.memory_space<vmem_shared>>
      tpu.wait_dma2 semaphore(%run_scoped3A : memref<!tpu.dma_semaphore, #tpu.memory_space<semaphore_mem>>) src(%dma_wait3A_33 : memref<640x128xf32, #tpu.memory_space<vmem_shared>>) dst(%dma_wait3A_31 : memref<640x128xf32, #tpu.memory_space<hbm>>)
      tpu.yield
    }) : () -> ()
    return
  }
}

#map = affine_map<(d0, d1) -> (0, 0)>
#map1 = affine_map<(d0, d1) -> (0)>
module attributes {stable_mosaic.version = 14 : i64} {
  func.func @agg(%arg0: i32, %arg1: i32, %arg2: memref<20480x128xf32, #tpu.memory_space<hbm>>, %arg3: memref<647168xi32, #tpu.memory_space<hbm>>, %arg4: memref<323584xi32, #tpu.memory_space<hbm>>, %arg5: memref<20480x128xf32, #tpu.memory_space<hbm>>, %arg6: memref<128xi32, #tpu.memory_space<vmem>>, %arg7: memref<128xi32, #tpu.memory_space<vmem>>, %arg8: memref<128xi32, #tpu.memory_space<vmem>>, %arg9: memref<128xi32, #tpu.memory_space<vmem>>, %arg10: memref<128x128xf32, #tpu.memory_space<vmem>>, %arg11: memref<128x128xf32, #tpu.memory_space<vmem>>, %arg12: memref<10240x128xf32, #tpu.memory_space<vmem_shared>>, %arg13: memref<!tpu.dma_semaphore, #tpu.memory_space<semaphore_mem>>, %arg14: memref<!tpu.dma_semaphore, #tpu.memory_space<semaphore_mem>>) attributes {dimension_semantics = [#tpu.dimension_semantics<core_parallel>, #tpu.dimension_semantics<subcore_parallel>], iteration_bounds = array<i64: 2, 16>, scalar_prefetch = 0 : i64, scratch_operands = 9 : i64, tpu.core_type = #tpu.core_type<sc_vector_subcore>, window_params = [{transform_indices = #map}, {transform_indices = #map1}, {transform_indices = #map1}, {transform_indices = #map}]} {
    %scan3A = arith.constant 0 : i32
    %scan3A_0 = arith.constant 0 : i32
    %scan3A_1 = arith.constant 128 : i32
    %scan3A_2 = arith.addi %scan3A_0, %scan3A_1 : i32
    %scan3A_3 = arith.constant 1 : i32
    %scan3A_4 = scf.for %scan3A_28 = %scan3A_0 to %scan3A_2 step %scan3A_3 iter_args(%scan3A_29 = %scan3A) -> (i32)  : i32 {
      %broadcast_in_dim3A = arith.constant 0.000000e+00 : f32
      %broadcast_in_dim3A_30 = vector.broadcast %broadcast_in_dim3A : f32 to vector<16xf32>
      %swap3A = arith.index_cast %scan3A_28 : i32 to index
      %swap3A_31 = arith.constant 0 : index
      %swap3A_32 = tpu.vector_load %arg10[%swap3A, %swap3A_31] {strides = array<i32>} : memref<128x128xf32, #tpu.memory_space<vmem>>, vector<1x16xf32>,
      %swap3A_33 = vector.shape_cast %swap3A_32 : vector<1x16xf32> to vector<16xf32>
      %swap3A_34 = vector.shape_cast %broadcast_in_dim3A_30 : vector<16xf32> to vector<1x16xf32>
      tpu.vector_store %arg10[%swap3A, %swap3A_31], %swap3A_34 {strides = array<i32>} : memref<128x128xf32, #tpu.memory_space<vmem>>, vector<1x16xf32>,
      %broadcast_in_dim3A_35 = arith.constant 0.000000e+00 : f32
      %broadcast_in_dim3A_36 = vector.broadcast %broadcast_in_dim3A_35 : f32 to vector<16xf32>
      %swap3A_37 = arith.index_cast %scan3A_28 : i32 to index
      %swap3A_38 = arith.constant 16 : index
      %swap3A_39 = tpu.vector_load %arg10[%swap3A_37, %swap3A_38] {strides = array<i32>} : memref<128x128xf32, #tpu.memory_space<vmem>>, vector<1x16xf32>,
      %swap3A_40 = vector.shape_cast %swap3A_39 : vector<1x16xf32> to vector<16xf32>
      %swap3A_41 = vector.shape_cast %broadcast_in_dim3A_36 : vector<16xf32> to vector<1x16xf32>
      tpu.vector_store %arg10[%swap3A_37, %swap3A_38], %swap3A_41 {strides = array<i32>} : memref<128x128xf32, #tpu.memory_space<vmem>>, vector<1x16xf32>,
      %broadcast_in_dim3A_42 = arith.constant 0.000000e+00 : f32
      %broadcast_in_dim3A_43 = vector.broadcast %broadcast_in_dim3A_42 : f32 to vector<16xf32>
      %swap3A_44 = arith.index_cast %scan3A_28 : i32 to index
      %swap3A_45 = arith.constant 32 : index
      %swap3A_46 = tpu.vector_load %arg10[%swap3A_44, %swap3A_45] {strides = array<i32>} : memref<128x128xf32, #tpu.memory_space<vmem>>, vector<1x16xf32>,
      %swap3A_47 = vector.shape_cast %swap3A_46 : vector<1x16xf32> to vector<16xf32>
      %swap3A_48 = vector.shape_cast %broadcast_in_dim3A_43 : vector<16xf32> to vector<1x16xf32>
      tpu.vector_store %arg10[%swap3A_44, %swap3A_45], %swap3A_48 {strides = array<i32>} : memref<128x128xf32, #tpu.memory_space<vmem>>, vector<1x16xf32>,
      %broadcast_in_dim3A_49 = arith.constant 0.000000e+00 : f32
      %broadcast_in_dim3A_50 = vector.broadcast %broadcast_in_dim3A_49 : f32 to vector<16xf32>
      %swap3A_51 = arith.index_cast %scan3A_28 : i32 to index
      %swap3A_52 = arith.constant 48 : index
      %swap3A_53 = tpu.vector_load %arg10[%swap3A_51, %swap3A_52] {strides = array<i32>} : memref<128x128xf32, #tpu.memory_space<vmem>>, vector<1x16xf32>,
      %swap3A_54 = vector.shape_cast %swap3A_53 : vector<1x16xf32> to vector<16xf32>
      %swap3A_55 = vector.shape_cast %broadcast_in_dim3A_50 : vector<16xf32> to vector<1x16xf32>
      tpu.vector_store %arg10[%swap3A_51, %swap3A_52], %swap3A_55 {strides = array<i32>} : memref<128x128xf32, #tpu.memory_space<vmem>>, vector<1x16xf32>,
      %broadcast_in_dim3A_56 = arith.constant 0.000000e+00 : f32
      %broadcast_in_dim3A_57 = vector.broadcast %broadcast_in_dim3A_56 : f32 to vector<16xf32>
      %swap3A_58 = arith.index_cast %scan3A_28 : i32 to index
      %swap3A_59 = arith.constant 64 : index
      %swap3A_60 = tpu.vector_load %arg10[%swap3A_58, %swap3A_59] {strides = array<i32>} : memref<128x128xf32, #tpu.memory_space<vmem>>, vector<1x16xf32>,
      %swap3A_61 = vector.shape_cast %swap3A_60 : vector<1x16xf32> to vector<16xf32>
      %swap3A_62 = vector.shape_cast %broadcast_in_dim3A_57 : vector<16xf32> to vector<1x16xf32>
      tpu.vector_store %arg10[%swap3A_58, %swap3A_59], %swap3A_62 {strides = array<i32>} : memref<128x128xf32, #tpu.memory_space<vmem>>, vector<1x16xf32>,
      %broadcast_in_dim3A_63 = arith.constant 0.000000e+00 : f32
      %broadcast_in_dim3A_64 = vector.broadcast %broadcast_in_dim3A_63 : f32 to vector<16xf32>
      %swap3A_65 = arith.index_cast %scan3A_28 : i32 to index
      %swap3A_66 = arith.constant 80 : index
      %swap3A_67 = tpu.vector_load %arg10[%swap3A_65, %swap3A_66] {strides = array<i32>} : memref<128x128xf32, #tpu.memory_space<vmem>>, vector<1x16xf32>,
      %swap3A_68 = vector.shape_cast %swap3A_67 : vector<1x16xf32> to vector<16xf32>
      %swap3A_69 = vector.shape_cast %broadcast_in_dim3A_64 : vector<16xf32> to vector<1x16xf32>
      tpu.vector_store %arg10[%swap3A_65, %swap3A_66], %swap3A_69 {strides = array<i32>} : memref<128x128xf32, #tpu.memory_space<vmem>>, vector<1x16xf32>,
      %broadcast_in_dim3A_70 = arith.constant 0.000000e+00 : f32
      %broadcast_in_dim3A_71 = vector.broadcast %broadcast_in_dim3A_70 : f32 to vector<16xf32>
      %swap3A_72 = arith.index_cast %scan3A_28 : i32 to index
      %swap3A_73 = arith.constant 96 : index
      %swap3A_74 = tpu.vector_load %arg10[%swap3A_72, %swap3A_73] {strides = array<i32>} : memref<128x128xf32, #tpu.memory_space<vmem>>, vector<1x16xf32>,
      %swap3A_75 = vector.shape_cast %swap3A_74 : vector<1x16xf32> to vector<16xf32>
      %swap3A_76 = vector.shape_cast %broadcast_in_dim3A_71 : vector<16xf32> to vector<1x16xf32>
      tpu.vector_store %arg10[%swap3A_72, %swap3A_73], %swap3A_76 {strides = array<i32>} : memref<128x128xf32, #tpu.memory_space<vmem>>, vector<1x16xf32>,
      %broadcast_in_dim3A_77 = arith.constant 0.000000e+00 : f32
      %broadcast_in_dim3A_78 = vector.broadcast %broadcast_in_dim3A_77 : f32 to vector<16xf32>
      %swap3A_79 = arith.index_cast %scan3A_28 : i32 to index
      %swap3A_80 = arith.constant 112 : index
      %swap3A_81 = tpu.vector_load %arg10[%swap3A_79, %swap3A_80] {strides = array<i32>} : memref<128x128xf32, #tpu.memory_space<vmem>>, vector<1x16xf32>,
      %swap3A_82 = vector.shape_cast %swap3A_81 : vector<1x16xf32> to vector<16xf32>
      %swap3A_83 = vector.shape_cast %broadcast_in_dim3A_78 : vector<16xf32> to vector<1x16xf32>
      tpu.vector_store %arg10[%swap3A_79, %swap3A_80], %swap3A_83 {strides = array<i32>} : memref<128x128xf32, #tpu.memory_space<vmem>>, vector<1x16xf32>,
      %scan3A_84 = arith.constant 0 : i32
      scf.yield %scan3A_84 : i32
    }
    %scan3A_5 = arith.constant 128 : i32
    %scan3A_6 = arith.constant 0 : i32
    %scan3A_7 = arith.constant 0 : i32
    %scan3A_8 = arith.constant 5 : i32
    %scan3A_9 = arith.addi %scan3A_7, %scan3A_8 : i32
    %scan3A_10 = arith.constant 1 : i32
    %scan3A_11 = scf.for %scan3A_28 = %scan3A_7 to %scan3A_9 step %scan3A_10 iter_args(%scan3A_29 = %scan3A_6) -> (i32)  : i32 {
      %mul3A_30 = arith.constant 640 : i32
      %mul3A_31 = arith.muli %arg1, %mul3A_30 : i32
      %mul3A_32 = arith.constant 128 : i32
      %mul3A_33 = arith.muli %scan3A_28, %mul3A_32 : i32
      %add3A_34 = arith.addi %mul3A_31, %mul3A_33 : i32
      "tpu.region"() ({
        %run_scoped3A = tpu.sem_alloc : memref<!tpu.dma_semaphore, #tpu.memory_space<semaphore_mem>>
        %dma_start3A = arith.constant 0 : i32
        %dma_start3A_36 = tpu.memref_slice %arg12[%add3A_34, %dma_start3A] : memref<10240x128xf32, #tpu.memory_space<vmem_shared>> -> memref<128x128xf32, #tpu.memory_space<vmem_shared>>
        %dma_start3A_37 = arith.constant 0 : i32
        %dma_start3A_38 = tpu.memref_slice %arg12[%add3A_34, %dma_start3A_37] : memref<10240x128xf32, #tpu.memory_space<vmem_shared>> -> memref<128x128xf32, #tpu.memory_space<vmem_shared>>
        tpu.enqueue_dma source(%arg10 : memref<128x128xf32, #tpu.memory_space<vmem>>) target(%dma_start3A_38 : memref<128x128xf32, #tpu.memory_space<vmem_shared>>) target_semaphore(%run_scoped3A : memref<!tpu.dma_semaphore, #tpu.memory_space<semaphore_mem>>)
        %dma_wait3A = arith.constant 0 : i32
        %dma_wait3A_39 = tpu.memref_slice %arg12[%add3A_34, %dma_wait3A] : memref<10240x128xf32, #tpu.memory_space<vmem_shared>> -> memref<128x128xf32, #tpu.memory_space<vmem_shared>>
        %dma_wait3A_40 = arith.constant 0 : i32
        %dma_wait3A_41 = tpu.memref_slice %arg12[%add3A_34, %dma_wait3A_40] : memref<10240x128xf32, #tpu.memory_space<vmem_shared>> -> memref<128x128xf32, #tpu.memory_space<vmem_shared>>
        tpu.wait_dma2 semaphore(%run_scoped3A : memref<!tpu.dma_semaphore, #tpu.memory_space<semaphore_mem>>) src(%arg10 : memref<128x128xf32, #tpu.memory_space<vmem>>) dst(%dma_wait3A_41 : memref<128x128xf32, #tpu.memory_space<vmem_shared>>)
        tpu.yield
      }) : () -> ()
      %scan3A_35 = arith.constant 0 : i32
      scf.yield %scan3A_35 : i32
    }
    %scan3A_12 = arith.constant 5 : i32
    %barrier3A = arith.constant 0 : index
    tpu.barrier barrier_id(%barrier3A)
    %mul3A = arith.constant 323584 : i32
    %mul3A_13 = arith.muli %arg0, %mul3A : i32
    %scan3A_14 = arith.constant 0 : i32
    %scan3A_15 = arith.constant 0 : i32
    %scan3A_16 = arith.constant 79 : i32
    %scan3A_17 = arith.addi %scan3A_15, %scan3A_16 : i32
    %scan3A_18 = arith.constant 1 : i32
    %scan3A_19 = scf.for %scan3A_28 = %scan3A_15 to %scan3A_17 step %scan3A_18 iter_args(%scan3A_29 = %scan3A_14) -> (i32)  : i32 {
      %mul3A_30 = arith.constant 2 : i32
      %mul3A_31 = arith.muli %mul3A_30, %scan3A_28 : i32
      %mul3A_32 = arith.constant 16 : i32
      %mul3A_33 = arith.muli %mul3A_31, %mul3A_32 : i32
      %add3A_34 = arith.addi %mul3A_33, %arg1 : i32
      %mul3A_35 = arith.constant 128 : i32
      %mul3A_36 = arith.muli %add3A_34, %mul3A_35 : i32
      %add3A_37 = arith.constant 0 : i32
      %add3A_38 = arith.addi %add3A_37, %mul3A_36 : i32
      %mul3A_39 = arith.constant 2 : i32
      %mul3A_40 = arith.muli %mul3A_39, %scan3A_28 : i32
      %add3A_41 = arith.constant 1 : i32
      %add3A_42 = arith.addi %mul3A_40, %add3A_41 : i32
      %mul3A_43 = arith.constant 16 : i32
      %mul3A_44 = arith.muli %add3A_42, %mul3A_43 : i32
      %add3A_45 = arith.addi %mul3A_44, %arg1 : i32
      %mul3A_46 = arith.constant 128 : i32
      %mul3A_47 = arith.muli %add3A_45, %mul3A_46 : i32
      %add3A_48 = arith.constant 0 : i32
      %add3A_49 = arith.addi %add3A_48, %mul3A_47 : i32
      %sub3A = arith.constant 0 : i32
      %sub3A_50 = arith.subi %mul3A_13, %sub3A : i32
      %add3A_51 = arith.addi %sub3A_50, %add3A_38 : i32
      "tpu.region"() ({
        %run_scoped3A = tpu.sem_alloc : memref<!tpu.dma_semaphore, #tpu.memory_space<semaphore_mem>>
        %dma_start3A_66 = tpu.memref_slice %arg3[%add3A_51] : memref<647168xi32, #tpu.memory_space<hbm>> -> memref<128xi32, #tpu.memory_space<hbm>>
        %dma_start3A_67 = tpu.memref_slice %arg3[%add3A_51] : memref<647168xi32, #tpu.memory_space<hbm>> -> memref<128xi32, #tpu.memory_space<hbm>>
        tpu.enqueue_dma source(%dma_start3A_67 : memref<128xi32, #tpu.memory_space<hbm>>) target(%arg6 : memref<128xi32, #tpu.memory_space<vmem>>) target_semaphore(%run_scoped3A : memref<!tpu.dma_semaphore, #tpu.memory_space<semaphore_mem>>)
        %dma_wait3A_68 = tpu.memref_slice %arg3[%add3A_51] : memref<647168xi32, #tpu.memory_space<hbm>> -> memref<128xi32, #tpu.memory_space<hbm>>
        %dma_wait3A_69 = tpu.memref_slice %arg3[%add3A_51] : memref<647168xi32, #tpu.memory_space<hbm>> -> memref<128xi32, #tpu.memory_space<hbm>>
        tpu.wait_dma2 semaphore(%run_scoped3A : memref<!tpu.dma_semaphore, #tpu.memory_space<semaphore_mem>>) src(%dma_wait3A_69 : memref<128xi32, #tpu.memory_space<hbm>>) dst(%arg6 : memref<128xi32, #tpu.memory_space<vmem>>)
        tpu.yield
      }) : () -> ()
      "tpu.region"() ({
        %run_scoped3A = tpu.sem_alloc : memref<!tpu.dma_semaphore, #tpu.memory_space<semaphore_mem>>
        %dma_start3A_66 = tpu.memref_slice %arg4[%add3A_38] : memref<323584xi32, #tpu.memory_space<hbm>> -> memref<128xi32, #tpu.memory_space<hbm>>
        %dma_start3A_67 = tpu.memref_slice %arg4[%add3A_38] : memref<323584xi32, #tpu.memory_space<hbm>> -> memref<128xi32, #tpu.memory_space<hbm>>
        tpu.enqueue_dma source(%dma_start3A_67 : memref<128xi32, #tpu.memory_space<hbm>>) target(%arg7 : memref<128xi32, #tpu.memory_space<vmem>>) target_semaphore(%run_scoped3A : memref<!tpu.dma_semaphore, #tpu.memory_space<semaphore_mem>>)
        %dma_wait3A_68 = tpu.memref_slice %arg4[%add3A_38] : memref<323584xi32, #tpu.memory_space<hbm>> -> memref<128xi32, #tpu.memory_space<hbm>>
        %dma_wait3A_69 = tpu.memref_slice %arg4[%add3A_38] : memref<323584xi32, #tpu.memory_space<hbm>> -> memref<128xi32, #tpu.memory_space<hbm>>
        tpu.wait_dma2 semaphore(%run_scoped3A : memref<!tpu.dma_semaphore, #tpu.memory_space<semaphore_mem>>) src(%dma_wait3A_69 : memref<128xi32, #tpu.memory_space<hbm>>) dst(%arg7 : memref<128xi32, #tpu.memory_space<vmem>>)
        tpu.yield
      }) : () -> ()
      %dma_start3A = arith.constant 0 : i32
      %dma_start3A_52 = arith.constant 0 : i32
      %dma_start3A_53 = tpu.memref_slice %arg2[%dma_start3A, %dma_start3A_52] : memref<20480x128xf32, #tpu.memory_space<hbm>> -> memref<20480x128xf32, #tpu.memory_space<hbm>>
      tpu.enqueue_indirect_dma source(%dma_start3A_53 : memref<20480x128xf32, #tpu.memory_space<hbm>>) target(%arg10 : memref<128x128xf32, #tpu.memory_space<vmem>>) offsets(%arg6 : memref<128xi32, #tpu.memory_space<vmem>>) semaphore(%arg13 : memref<!tpu.dma_semaphore, #tpu.memory_space<semaphore_mem>>)
      %sub3A_54 = arith.constant 0 : i32
      %sub3A_55 = arith.subi %mul3A_13, %sub3A_54 : i32
      %add3A_56 = arith.addi %sub3A_55, %add3A_49 : i32
      "tpu.region"() ({
        %run_scoped3A = tpu.sem_alloc : memref<!tpu.dma_semaphore, #tpu.memory_space<semaphore_mem>>
        %dma_start3A_66 = tpu.memref_slice %arg3[%add3A_56] : memref<647168xi32, #tpu.memory_space<hbm>> -> memref<128xi32, #tpu.memory_space<hbm>>
        %dma_start3A_67 = tpu.memref_slice %arg3[%add3A_56] : memref<647168xi32, #tpu.memory_space<hbm>> -> memref<128xi32, #tpu.memory_space<hbm>>
        tpu.enqueue_dma source(%dma_start3A_67 : memref<128xi32, #tpu.memory_space<hbm>>) target(%arg8 : memref<128xi32, #tpu.memory_space<vmem>>) target_semaphore(%run_scoped3A : memref<!tpu.dma_semaphore, #tpu.memory_space<semaphore_mem>>)
        %dma_wait3A_68 = tpu.memref_slice %arg3[%add3A_56] : memref<647168xi32, #tpu.memory_space<hbm>> -> memref<128xi32, #tpu.memory_space<hbm>>
        %dma_wait3A_69 = tpu.memref_slice %arg3[%add3A_56] : memref<647168xi32, #tpu.memory_space<hbm>> -> memref<128xi32, #tpu.memory_space<hbm>>
        tpu.wait_dma2 semaphore(%run_scoped3A : memref<!tpu.dma_semaphore, #tpu.memory_space<semaphore_mem>>) src(%dma_wait3A_69 : memref<128xi32, #tpu.memory_space<hbm>>) dst(%arg8 : memref<128xi32, #tpu.memory_space<vmem>>)
        tpu.yield
      }) : () -> ()
      "tpu.region"() ({
        %run_scoped3A = tpu.sem_alloc : memref<!tpu.dma_semaphore, #tpu.memory_space<semaphore_mem>>
        %dma_start3A_66 = tpu.memref_slice %arg4[%add3A_49] : memref<323584xi32, #tpu.memory_space<hbm>> -> memref<128xi32, #tpu.memory_space<hbm>>
        %dma_start3A_67 = tpu.memref_slice %arg4[%add3A_49] : memref<323584xi32, #tpu.memory_space<hbm>> -> memref<128xi32, #tpu.memory_space<hbm>>
        tpu.enqueue_dma source(%dma_start3A_67 : memref<128xi32, #tpu.memory_space<hbm>>) target(%arg9 : memref<128xi32, #tpu.memory_space<vmem>>) target_semaphore(%run_scoped3A : memref<!tpu.dma_semaphore, #tpu.memory_space<semaphore_mem>>)
        %dma_wait3A_68 = tpu.memref_slice %arg4[%add3A_49] : memref<323584xi32, #tpu.memory_space<hbm>> -> memref<128xi32, #tpu.memory_space<hbm>>
        %dma_wait3A_69 = tpu.memref_slice %arg4[%add3A_49] : memref<323584xi32, #tpu.memory_space<hbm>> -> memref<128xi32, #tpu.memory_space<hbm>>
        tpu.wait_dma2 semaphore(%run_scoped3A : memref<!tpu.dma_semaphore, #tpu.memory_space<semaphore_mem>>) src(%dma_wait3A_69 : memref<128xi32, #tpu.memory_space<hbm>>) dst(%arg9 : memref<128xi32, #tpu.memory_space<vmem>>)
        tpu.yield
      }) : () -> ()
      %dma_start3A_57 = arith.constant 0 : i32
      %dma_start3A_58 = arith.constant 0 : i32
      %dma_start3A_59 = tpu.memref_slice %arg2[%dma_start3A_57, %dma_start3A_58] : memref<20480x128xf32, #tpu.memory_space<hbm>> -> memref<20480x128xf32, #tpu.memory_space<hbm>>
      tpu.enqueue_indirect_dma source(%dma_start3A_59 : memref<20480x128xf32, #tpu.memory_space<hbm>>) target(%arg11 : memref<128x128xf32, #tpu.memory_space<vmem>>) offsets(%arg8 : memref<128xi32, #tpu.memory_space<vmem>>) semaphore(%arg14 : memref<!tpu.dma_semaphore, #tpu.memory_space<semaphore_mem>>)
      %dma_wait3A = arith.constant 0 : i32
      %dma_wait3A_60 = arith.constant 0 : i32
      %dma_wait3A_61 = tpu.memref_slice %arg2[%dma_wait3A, %dma_wait3A_60] : memref<20480x128xf32, #tpu.memory_space<hbm>> -> memref<20480x128xf32, #tpu.memory_space<hbm>>
      tpu.wait_indirect_dma semaphore(%arg13 : memref<!tpu.dma_semaphore, #tpu.memory_space<semaphore_mem>>) src(%dma_wait3A_61 : memref<20480x128xf32, #tpu.memory_space<hbm>>) dst(%arg10 : memref<128x128xf32, #tpu.memory_space<vmem>>)
      "tpu.region"() ({
        %run_scoped3A = tpu.sem_alloc : memref<!tpu.dma_semaphore, #tpu.memory_space<semaphore_mem>>
        %dma_start3A_66 = arith.constant 0 : i32
        %dma_start3A_67 = arith.constant 0 : i32
        %dma_start3A_68 = tpu.memref_slice %arg12[%dma_start3A_66, %dma_start3A_67] : memref<10240x128xf32, #tpu.memory_space<vmem_shared>> -> memref<10240x128xf32, #tpu.memory_space<vmem_shared>>
        tpu.enqueue_indirect_dma source(%arg10 : memref<128x128xf32, #tpu.memory_space<vmem>>) target(%dma_start3A_68 : memref<10240x128xf32, #tpu.memory_space<vmem_shared>>) offsets(%arg7 : memref<128xi32, #tpu.memory_space<vmem>>) semaphore(%run_scoped3A : memref<!tpu.dma_semaphore, #tpu.memory_space<semaphore_mem>>) {add = true}
        %dma_wait3A_69 = arith.constant 0 : i32
        %dma_wait3A_70 = arith.constant 0 : i32
        %dma_wait3A_71 = tpu.memref_slice %arg12[%dma_wait3A_69, %dma_wait3A_70] : memref<10240x128xf32, #tpu.memory_space<vmem_shared>> -> memref<10240x128xf32, #tpu.memory_space<vmem_shared>>
        tpu.wait_indirect_dma semaphore(%run_scoped3A : memref<!tpu.dma_semaphore, #tpu.memory_space<semaphore_mem>>) src(%arg10 : memref<128x128xf32, #tpu.memory_space<vmem>>) dst(%dma_wait3A_71 : memref<10240x128xf32, #tpu.memory_space<vmem_shared>>)
        tpu.yield
      }) : () -> ()
      %dma_wait3A_62 = arith.constant 0 : i32
      %dma_wait3A_63 = arith.constant 0 : i32
      %dma_wait3A_64 = tpu.memref_slice %arg2[%dma_wait3A_62, %dma_wait3A_63] : memref<20480x128xf32, #tpu.memory_space<hbm>> -> memref<20480x128xf32, #tpu.memory_space<hbm>>
      tpu.wait_indirect_dma semaphore(%arg14 : memref<!tpu.dma_semaphore, #tpu.memory_space<semaphore_mem>>) src(%dma_wait3A_64 : memref<20480x128xf32, #tpu.memory_space<hbm>>) dst(%arg11 : memref<128x128xf32, #tpu.memory_space<vmem>>)
      "tpu.region"() ({
        %run_scoped3A = tpu.sem_alloc : memref<!tpu.dma_semaphore, #tpu.memory_space<semaphore_mem>>
        %dma_start3A_66 = arith.constant 0 : i32
        %dma_start3A_67 = arith.constant 0 : i32
        %dma_start3A_68 = tpu.memref_slice %arg12[%dma_start3A_66, %dma_start3A_67] : memref<10240x128xf32, #tpu.memory_space<vmem_shared>> -> memref<10240x128xf32, #tpu.memory_space<vmem_shared>>
        tpu.enqueue_indirect_dma source(%arg11 : memref<128x128xf32, #tpu.memory_space<vmem>>) target(%dma_start3A_68 : memref<10240x128xf32, #tpu.memory_space<vmem_shared>>) offsets(%arg9 : memref<128xi32, #tpu.memory_space<vmem>>) semaphore(%run_scoped3A : memref<!tpu.dma_semaphore, #tpu.memory_space<semaphore_mem>>) {add = true}
        %dma_wait3A_69 = arith.constant 0 : i32
        %dma_wait3A_70 = arith.constant 0 : i32
        %dma_wait3A_71 = tpu.memref_slice %arg12[%dma_wait3A_69, %dma_wait3A_70] : memref<10240x128xf32, #tpu.memory_space<vmem_shared>> -> memref<10240x128xf32, #tpu.memory_space<vmem_shared>>
        tpu.wait_indirect_dma semaphore(%run_scoped3A : memref<!tpu.dma_semaphore, #tpu.memory_space<semaphore_mem>>) src(%arg11 : memref<128x128xf32, #tpu.memory_space<vmem>>) dst(%dma_wait3A_71 : memref<10240x128xf32, #tpu.memory_space<vmem_shared>>)
        tpu.yield
      }) : () -> ()
      %scan3A_65 = arith.constant 0 : i32
      scf.yield %scan3A_65 : i32
    }
    %scan3A_20 = arith.constant 79 : i32
    %barrier3A_21 = arith.constant 0 : index
    tpu.barrier barrier_id(%barrier3A_21)
    %mul3A_22 = arith.constant 640 : i32
    %mul3A_23 = arith.muli %arg1, %mul3A_22 : i32
    %mul3A_24 = arith.constant 10240 : i32
    %mul3A_25 = arith.muli %arg0, %mul3A_24 : i32
    %mul3A_26 = arith.constant 640 : i32
    %mul3A_27 = arith.muli %arg1, %mul3A_26 : i32
    %add3A = arith.addi %mul3A_25, %mul3A_27 : i32
    "tpu.region"() ({
      %run_scoped3A = tpu.sem_alloc : memref<!tpu.dma_semaphore, #tpu.memory_space<semaphore_mem>>
      %dma_start3A = arith.constant 0 : i32
      %dma_start3A_28 = tpu.memref_slice %arg5[%add3A, %dma_start3A] : memref<20480x128xf32, #tpu.memory_space<hbm>> -> memref<640x128xf32, #tpu.memory_space<hbm>>
      %dma_start3A_29 = arith.constant 0 : i32
      %dma_start3A_30 = tpu.memref_slice %arg12[%mul3A_23, %dma_start3A_29] : memref<10240x128xf32, #tpu.memory_space<vmem_shared>> -> memref<640x128xf32, #tpu.memory_space<vmem_shared>>
      tpu.enqueue_dma source(%dma_start3A_30 : memref<640x128xf32, #tpu.memory_space<vmem_shared>>) target(%dma_start3A_28 : memref<640x128xf32, #tpu.memory_space<hbm>>) target_semaphore(%run_scoped3A : memref<!tpu.dma_semaphore, #tpu.memory_space<semaphore_mem>>)
      %dma_wait3A = arith.constant 0 : i32
      %dma_wait3A_31 = tpu.memref_slice %arg5[%add3A, %dma_wait3A] : memref<20480x128xf32, #tpu.memory_space<hbm>> -> memref<640x128xf32, #tpu.memory_space<hbm>>
      %dma_wait3A_32 = arith.constant 0 : i32
      %dma_wait3A_33 = tpu.memref_slice %arg12[%mul3A_23, %dma_wait3A_32] : memref<10240x128xf32, #tpu.memory_space<vmem_shared>> -> memref<640x128xf32, #tpu.memory_space<vmem_shared>>
      tpu.wait_dma2 semaphore(%run_scoped3A : memref<!tpu.dma_semaphore, #tpu.memory_space<semaphore_mem>>) src(%dma_wait3A_33 : memref<640x128xf32, #tpu.memory_space<vmem_shared>>) dst(%dma_wait3A_31 : memref<640x128xf32, #tpu.memory_space<hbm>>)
      tpu.yield
    }) : () -> ()
    return
  }
}

#map = affine_map<(d0, d1) -> (0, 0)>
#map1 = affine_map<(d0, d1) -> (0)>
module attributes {stable_mosaic.version = 14 : i64} {
  func.func @agg(%arg0: i32, %arg1: i32, %arg2: memref<20480x128xf32, #tpu.memory_space<hbm>>, %arg3: memref<647168xi32, #tpu.memory_space<hbm>>, %arg4: memref<323584xi32, #tpu.memory_space<hbm>>, %arg5: memref<20480x128xf32, #tpu.memory_space<hbm>>, %arg6: memref<128xi32, #tpu.memory_space<vmem>>, %arg7: memref<128xi32, #tpu.memory_space<vmem>>, %arg8: memref<128xi32, #tpu.memory_space<vmem>>, %arg9: memref<128xi32, #tpu.memory_space<vmem>>, %arg10: memref<128x128xf32, #tpu.memory_space<vmem>>, %arg11: memref<128x128xf32, #tpu.memory_space<vmem>>, %arg12: memref<10240x128xf32, #tpu.memory_space<vmem_shared>>, %arg13: memref<!tpu.dma_semaphore, #tpu.memory_space<semaphore_mem>>, %arg14: memref<!tpu.dma_semaphore, #tpu.memory_space<semaphore_mem>>) attributes {dimension_semantics = [#tpu.dimension_semantics<core_parallel>, #tpu.dimension_semantics<subcore_parallel>], iteration_bounds = array<i64: 2, 16>, scalar_prefetch = 0 : i64, scratch_operands = 9 : i64, tpu.core_type = #tpu.core_type<sc_vector_subcore>, window_params = [{transform_indices = #map}, {transform_indices = #map1}, {transform_indices = #map1}, {transform_indices = #map}]} {
    %scan3A = arith.constant 0 : i32
    %scan3A_0 = arith.constant 0 : i32
    %scan3A_1 = arith.constant 128 : i32
    %scan3A_2 = arith.addi %scan3A_0, %scan3A_1 : i32
    %scan3A_3 = arith.constant 1 : i32
    %scan3A_4 = scf.for %scan3A_28 = %scan3A_0 to %scan3A_2 step %scan3A_3 iter_args(%scan3A_29 = %scan3A) -> (i32)  : i32 {
      %broadcast_in_dim3A = arith.constant 0.000000e+00 : f32
      %broadcast_in_dim3A_30 = vector.broadcast %broadcast_in_dim3A : f32 to vector<16xf32>
      %swap3A = arith.index_cast %scan3A_28 : i32 to index
      %swap3A_31 = arith.constant 0 : index
      %swap3A_32 = tpu.vector_load %arg10[%swap3A, %swap3A_31] {strides = array<i32>} : memref<128x128xf32, #tpu.memory_space<vmem>>, vector<1x16xf32>,
      %swap3A_33 = vector.shape_cast %swap3A_32 : vector<1x16xf32> to vector<16xf32>
      %swap3A_34 = vector.shape_cast %broadcast_in_dim3A_30 : vector<16xf32> to vector<1x16xf32>
      tpu.vector_store %arg10[%swap3A, %swap3A_31], %swap3A_34 {strides = array<i32>} : memref<128x128xf32, #tpu.memory_space<vmem>>, vector<1x16xf32>,
      %broadcast_in_dim3A_35 = arith.constant 0.000000e+00 : f32
      %broadcast_in_dim3A_36 = vector.broadcast %broadcast_in_dim3A_35 : f32 to vector<16xf32>
      %swap3A_37 = arith.index_cast %scan3A_28 : i32 to index
      %swap3A_38 = arith.constant 16 : index
      %swap3A_39 = tpu.vector_load %arg10[%swap3A_37, %swap3A_38] {strides = array<i32>} : memref<128x128xf32, #tpu.memory_space<vmem>>, vector<1x16xf32>,
      %swap3A_40 = vector.shape_cast %swap3A_39 : vector<1x16xf32> to vector<16xf32>
      %swap3A_41 = vector.shape_cast %broadcast_in_dim3A_36 : vector<16xf32> to vector<1x16xf32>
      tpu.vector_store %arg10[%swap3A_37, %swap3A_38], %swap3A_41 {strides = array<i32>} : memref<128x128xf32, #tpu.memory_space<vmem>>, vector<1x16xf32>,
      %broadcast_in_dim3A_42 = arith.constant 0.000000e+00 : f32
      %broadcast_in_dim3A_43 = vector.broadcast %broadcast_in_dim3A_42 : f32 to vector<16xf32>
      %swap3A_44 = arith.index_cast %scan3A_28 : i32 to index
      %swap3A_45 = arith.constant 32 : index
      %swap3A_46 = tpu.vector_load %arg10[%swap3A_44, %swap3A_45] {strides = array<i32>} : memref<128x128xf32, #tpu.memory_space<vmem>>, vector<1x16xf32>,
      %swap3A_47 = vector.shape_cast %swap3A_46 : vector<1x16xf32> to vector<16xf32>
      %swap3A_48 = vector.shape_cast %broadcast_in_dim3A_43 : vector<16xf32> to vector<1x16xf32>
      tpu.vector_store %arg10[%swap3A_44, %swap3A_45], %swap3A_48 {strides = array<i32>} : memref<128x128xf32, #tpu.memory_space<vmem>>, vector<1x16xf32>,
      %broadcast_in_dim3A_49 = arith.constant 0.000000e+00 : f32
      %broadcast_in_dim3A_50 = vector.broadcast %broadcast_in_dim3A_49 : f32 to vector<16xf32>
      %swap3A_51 = arith.index_cast %scan3A_28 : i32 to index
      %swap3A_52 = arith.constant 48 : index
      %swap3A_53 = tpu.vector_load %arg10[%swap3A_51, %swap3A_52] {strides = array<i32>} : memref<128x128xf32, #tpu.memory_space<vmem>>, vector<1x16xf32>,
      %swap3A_54 = vector.shape_cast %swap3A_53 : vector<1x16xf32> to vector<16xf32>
      %swap3A_55 = vector.shape_cast %broadcast_in_dim3A_50 : vector<16xf32> to vector<1x16xf32>
      tpu.vector_store %arg10[%swap3A_51, %swap3A_52], %swap3A_55 {strides = array<i32>} : memref<128x128xf32, #tpu.memory_space<vmem>>, vector<1x16xf32>,
      %broadcast_in_dim3A_56 = arith.constant 0.000000e+00 : f32
      %broadcast_in_dim3A_57 = vector.broadcast %broadcast_in_dim3A_56 : f32 to vector<16xf32>
      %swap3A_58 = arith.index_cast %scan3A_28 : i32 to index
      %swap3A_59 = arith.constant 64 : index
      %swap3A_60 = tpu.vector_load %arg10[%swap3A_58, %swap3A_59] {strides = array<i32>} : memref<128x128xf32, #tpu.memory_space<vmem>>, vector<1x16xf32>,
      %swap3A_61 = vector.shape_cast %swap3A_60 : vector<1x16xf32> to vector<16xf32>
      %swap3A_62 = vector.shape_cast %broadcast_in_dim3A_57 : vector<16xf32> to vector<1x16xf32>
      tpu.vector_store %arg10[%swap3A_58, %swap3A_59], %swap3A_62 {strides = array<i32>} : memref<128x128xf32, #tpu.memory_space<vmem>>, vector<1x16xf32>,
      %broadcast_in_dim3A_63 = arith.constant 0.000000e+00 : f32
      %broadcast_in_dim3A_64 = vector.broadcast %broadcast_in_dim3A_63 : f32 to vector<16xf32>
      %swap3A_65 = arith.index_cast %scan3A_28 : i32 to index
      %swap3A_66 = arith.constant 80 : index
      %swap3A_67 = tpu.vector_load %arg10[%swap3A_65, %swap3A_66] {strides = array<i32>} : memref<128x128xf32, #tpu.memory_space<vmem>>, vector<1x16xf32>,
      %swap3A_68 = vector.shape_cast %swap3A_67 : vector<1x16xf32> to vector<16xf32>
      %swap3A_69 = vector.shape_cast %broadcast_in_dim3A_64 : vector<16xf32> to vector<1x16xf32>
      tpu.vector_store %arg10[%swap3A_65, %swap3A_66], %swap3A_69 {strides = array<i32>} : memref<128x128xf32, #tpu.memory_space<vmem>>, vector<1x16xf32>,
      %broadcast_in_dim3A_70 = arith.constant 0.000000e+00 : f32
      %broadcast_in_dim3A_71 = vector.broadcast %broadcast_in_dim3A_70 : f32 to vector<16xf32>
      %swap3A_72 = arith.index_cast %scan3A_28 : i32 to index
      %swap3A_73 = arith.constant 96 : index
      %swap3A_74 = tpu.vector_load %arg10[%swap3A_72, %swap3A_73] {strides = array<i32>} : memref<128x128xf32, #tpu.memory_space<vmem>>, vector<1x16xf32>,
      %swap3A_75 = vector.shape_cast %swap3A_74 : vector<1x16xf32> to vector<16xf32>
      %swap3A_76 = vector.shape_cast %broadcast_in_dim3A_71 : vector<16xf32> to vector<1x16xf32>
      tpu.vector_store %arg10[%swap3A_72, %swap3A_73], %swap3A_76 {strides = array<i32>} : memref<128x128xf32, #tpu.memory_space<vmem>>, vector<1x16xf32>,
      %broadcast_in_dim3A_77 = arith.constant 0.000000e+00 : f32
      %broadcast_in_dim3A_78 = vector.broadcast %broadcast_in_dim3A_77 : f32 to vector<16xf32>
      %swap3A_79 = arith.index_cast %scan3A_28 : i32 to index
      %swap3A_80 = arith.constant 112 : index
      %swap3A_81 = tpu.vector_load %arg10[%swap3A_79, %swap3A_80] {strides = array<i32>} : memref<128x128xf32, #tpu.memory_space<vmem>>, vector<1x16xf32>,
      %swap3A_82 = vector.shape_cast %swap3A_81 : vector<1x16xf32> to vector<16xf32>
      %swap3A_83 = vector.shape_cast %broadcast_in_dim3A_78 : vector<16xf32> to vector<1x16xf32>
      tpu.vector_store %arg10[%swap3A_79, %swap3A_80], %swap3A_83 {strides = array<i32>} : memref<128x128xf32, #tpu.memory_space<vmem>>, vector<1x16xf32>,
      %scan3A_84 = arith.constant 0 : i32
      scf.yield %scan3A_84 : i32
    }
    %scan3A_5 = arith.constant 128 : i32
    %scan3A_6 = arith.constant 0 : i32
    %scan3A_7 = arith.constant 0 : i32
    %scan3A_8 = arith.constant 5 : i32
    %scan3A_9 = arith.addi %scan3A_7, %scan3A_8 : i32
    %scan3A_10 = arith.constant 1 : i32
    %scan3A_11 = scf.for %scan3A_28 = %scan3A_7 to %scan3A_9 step %scan3A_10 iter_args(%scan3A_29 = %scan3A_6) -> (i32)  : i32 {
      %mul3A_30 = arith.constant 640 : i32
      %mul3A_31 = arith.muli %arg1, %mul3A_30 : i32
      %mul3A_32 = arith.constant 128 : i32
      %mul3A_33 = arith.muli %scan3A_28, %mul3A_32 : i32
      %add3A_34 = arith.addi %mul3A_31, %mul3A_33 : i32
      "tpu.region"() ({
        %run_scoped3A = tpu.sem_alloc : memref<!tpu.dma_semaphore, #tpu.memory_space<semaphore_mem>>
        %dma_start3A = arith.constant 0 : i32
        %dma_start3A_36 = tpu.memref_slice %arg12[%add3A_34, %dma_start3A] : memref<10240x128xf32, #tpu.memory_space<vmem_shared>> -> memref<128x128xf32, #tpu.memory_space<vmem_shared>>
        %dma_start3A_37 = arith.constant 0 : i32
        %dma_start3A_38 = tpu.memref_slice %arg12[%add3A_34, %dma_start3A_37] : memref<10240x128xf32, #tpu.memory_space<vmem_shared>> -> memref<128x128xf32, #tpu.memory_space<vmem_shared>>
        tpu.enqueue_dma source(%arg10 : memref<128x128xf32, #tpu.memory_space<vmem>>) target(%dma_start3A_38 : memref<128x128xf32, #tpu.memory_space<vmem_shared>>) target_semaphore(%run_scoped3A : memref<!tpu.dma_semaphore, #tpu.memory_space<semaphore_mem>>)
        %dma_wait3A = arith.constant 0 : i32
        %dma_wait3A_39 = tpu.memref_slice %arg12[%add3A_34, %dma_wait3A] : memref<10240x128xf32, #tpu.memory_space<vmem_shared>> -> memref<128x128xf32, #tpu.memory_space<vmem_shared>>
        %dma_wait3A_40 = arith.constant 0 : i32
        %dma_wait3A_41 = tpu.memref_slice %arg12[%add3A_34, %dma_wait3A_40] : memref<10240x128xf32, #tpu.memory_space<vmem_shared>> -> memref<128x128xf32, #tpu.memory_space<vmem_shared>>
        tpu.wait_dma2 semaphore(%run_scoped3A : memref<!tpu.dma_semaphore, #tpu.memory_space<semaphore_mem>>) src(%arg10 : memref<128x128xf32, #tpu.memory_space<vmem>>) dst(%dma_wait3A_41 : memref<128x128xf32, #tpu.memory_space<vmem_shared>>)
        tpu.yield
      }) : () -> ()
      %scan3A_35 = arith.constant 0 : i32
      scf.yield %scan3A_35 : i32
    }
    %scan3A_12 = arith.constant 5 : i32
    %barrier3A = arith.constant 0 : index
    tpu.barrier barrier_id(%barrier3A)
    %mul3A = arith.constant 323584 : i32
    %mul3A_13 = arith.muli %arg0, %mul3A : i32
    %scan3A_14 = arith.constant 0 : i32
    %scan3A_15 = arith.constant 0 : i32
    %scan3A_16 = arith.constant 79 : i32
    %scan3A_17 = arith.addi %scan3A_15, %scan3A_16 : i32
    %scan3A_18 = arith.constant 1 : i32
    %scan3A_19 = scf.for %scan3A_28 = %scan3A_15 to %scan3A_17 step %scan3A_18 iter_args(%scan3A_29 = %scan3A_14) -> (i32)  : i32 {
      %mul3A_30 = arith.constant 2 : i32
      %mul3A_31 = arith.muli %mul3A_30, %scan3A_28 : i32
      %mul3A_32 = arith.constant 16 : i32
      %mul3A_33 = arith.muli %mul3A_31, %mul3A_32 : i32
      %add3A_34 = arith.addi %mul3A_33, %arg1 : i32
      %mul3A_35 = arith.constant 128 : i32
      %mul3A_36 = arith.muli %add3A_34, %mul3A_35 : i32
      %add3A_37 = arith.constant 0 : i32
      %add3A_38 = arith.addi %add3A_37, %mul3A_36 : i32
      %mul3A_39 = arith.constant 2 : i32
      %mul3A_40 = arith.muli %mul3A_39, %scan3A_28 : i32
      %add3A_41 = arith.constant 1 : i32
      %add3A_42 = arith.addi %mul3A_40, %add3A_41 : i32
      %mul3A_43 = arith.constant 16 : i32
      %mul3A_44 = arith.muli %add3A_42, %mul3A_43 : i32
      %add3A_45 = arith.addi %mul3A_44, %arg1 : i32
      %mul3A_46 = arith.constant 128 : i32
      %mul3A_47 = arith.muli %add3A_45, %mul3A_46 : i32
      %add3A_48 = arith.constant 0 : i32
      %add3A_49 = arith.addi %add3A_48, %mul3A_47 : i32
      %sub3A = arith.constant 0 : i32
      %sub3A_50 = arith.subi %mul3A_13, %sub3A : i32
      %add3A_51 = arith.addi %sub3A_50, %add3A_38 : i32
      "tpu.region"() ({
        %run_scoped3A = tpu.sem_alloc : memref<!tpu.dma_semaphore, #tpu.memory_space<semaphore_mem>>
        %dma_start3A_66 = tpu.memref_slice %arg3[%add3A_51] : memref<647168xi32, #tpu.memory_space<hbm>> -> memref<128xi32, #tpu.memory_space<hbm>>
        %dma_start3A_67 = tpu.memref_slice %arg3[%add3A_51] : memref<647168xi32, #tpu.memory_space<hbm>> -> memref<128xi32, #tpu.memory_space<hbm>>
        tpu.enqueue_dma source(%dma_start3A_67 : memref<128xi32, #tpu.memory_space<hbm>>) target(%arg6 : memref<128xi32, #tpu.memory_space<vmem>>) target_semaphore(%run_scoped3A : memref<!tpu.dma_semaphore, #tpu.memory_space<semaphore_mem>>)
        %dma_wait3A_68 = tpu.memref_slice %arg3[%add3A_51] : memref<647168xi32, #tpu.memory_space<hbm>> -> memref<128xi32, #tpu.memory_space<hbm>>
        %dma_wait3A_69 = tpu.memref_slice %arg3[%add3A_51] : memref<647168xi32, #tpu.memory_space<hbm>> -> memref<128xi32, #tpu.memory_space<hbm>>
        tpu.wait_dma2 semaphore(%run_scoped3A : memref<!tpu.dma_semaphore, #tpu.memory_space<semaphore_mem>>) src(%dma_wait3A_69 : memref<128xi32, #tpu.memory_space<hbm>>) dst(%arg6 : memref<128xi32, #tpu.memory_space<vmem>>)
        tpu.yield
      }) : () -> ()
      "tpu.region"() ({
        %run_scoped3A = tpu.sem_alloc : memref<!tpu.dma_semaphore, #tpu.memory_space<semaphore_mem>>
        %dma_start3A_66 = tpu.memref_slice %arg4[%add3A_38] : memref<323584xi32, #tpu.memory_space<hbm>> -> memref<128xi32, #tpu.memory_space<hbm>>
        %dma_start3A_67 = tpu.memref_slice %arg4[%add3A_38] : memref<323584xi32, #tpu.memory_space<hbm>> -> memref<128xi32, #tpu.memory_space<hbm>>
        tpu.enqueue_dma source(%dma_start3A_67 : memref<128xi32, #tpu.memory_space<hbm>>) target(%arg7 : memref<128xi32, #tpu.memory_space<vmem>>) target_semaphore(%run_scoped3A : memref<!tpu.dma_semaphore, #tpu.memory_space<semaphore_mem>>)
        %dma_wait3A_68 = tpu.memref_slice %arg4[%add3A_38] : memref<323584xi32, #tpu.memory_space<hbm>> -> memref<128xi32, #tpu.memory_space<hbm>>
        %dma_wait3A_69 = tpu.memref_slice %arg4[%add3A_38] : memref<323584xi32, #tpu.memory_space<hbm>> -> memref<128xi32, #tpu.memory_space<hbm>>
        tpu.wait_dma2 semaphore(%run_scoped3A : memref<!tpu.dma_semaphore, #tpu.memory_space<semaphore_mem>>) src(%dma_wait3A_69 : memref<128xi32, #tpu.memory_space<hbm>>) dst(%arg7 : memref<128xi32, #tpu.memory_space<vmem>>)
        tpu.yield
      }) : () -> ()
      %dma_start3A = arith.constant 0 : i32
      %dma_start3A_52 = arith.constant 0 : i32
      %dma_start3A_53 = tpu.memref_slice %arg2[%dma_start3A, %dma_start3A_52] : memref<20480x128xf32, #tpu.memory_space<hbm>> -> memref<20480x128xf32, #tpu.memory_space<hbm>>
      tpu.enqueue_indirect_dma source(%dma_start3A_53 : memref<20480x128xf32, #tpu.memory_space<hbm>>) target(%arg10 : memref<128x128xf32, #tpu.memory_space<vmem>>) offsets(%arg6 : memref<128xi32, #tpu.memory_space<vmem>>) semaphore(%arg13 : memref<!tpu.dma_semaphore, #tpu.memory_space<semaphore_mem>>)
      %sub3A_54 = arith.constant 0 : i32
      %sub3A_55 = arith.subi %mul3A_13, %sub3A_54 : i32
      %add3A_56 = arith.addi %sub3A_55, %add3A_49 : i32
      "tpu.region"() ({
        %run_scoped3A = tpu.sem_alloc : memref<!tpu.dma_semaphore, #tpu.memory_space<semaphore_mem>>
        %dma_start3A_66 = tpu.memref_slice %arg3[%add3A_56] : memref<647168xi32, #tpu.memory_space<hbm>> -> memref<128xi32, #tpu.memory_space<hbm>>
        %dma_start3A_67 = tpu.memref_slice %arg3[%add3A_56] : memref<647168xi32, #tpu.memory_space<hbm>> -> memref<128xi32, #tpu.memory_space<hbm>>
        tpu.enqueue_dma source(%dma_start3A_67 : memref<128xi32, #tpu.memory_space<hbm>>) target(%arg8 : memref<128xi32, #tpu.memory_space<vmem>>) target_semaphore(%run_scoped3A : memref<!tpu.dma_semaphore, #tpu.memory_space<semaphore_mem>>)
        %dma_wait3A_68 = tpu.memref_slice %arg3[%add3A_56] : memref<647168xi32, #tpu.memory_space<hbm>> -> memref<128xi32, #tpu.memory_space<hbm>>
        %dma_wait3A_69 = tpu.memref_slice %arg3[%add3A_56] : memref<647168xi32, #tpu.memory_space<hbm>> -> memref<128xi32, #tpu.memory_space<hbm>>
        tpu.wait_dma2 semaphore(%run_scoped3A : memref<!tpu.dma_semaphore, #tpu.memory_space<semaphore_mem>>) src(%dma_wait3A_69 : memref<128xi32, #tpu.memory_space<hbm>>) dst(%arg8 : memref<128xi32, #tpu.memory_space<vmem>>)
        tpu.yield
      }) : () -> ()
      "tpu.region"() ({
        %run_scoped3A = tpu.sem_alloc : memref<!tpu.dma_semaphore, #tpu.memory_space<semaphore_mem>>
        %dma_start3A_66 = tpu.memref_slice %arg4[%add3A_49] : memref<323584xi32, #tpu.memory_space<hbm>> -> memref<128xi32, #tpu.memory_space<hbm>>
        %dma_start3A_67 = tpu.memref_slice %arg4[%add3A_49] : memref<323584xi32, #tpu.memory_space<hbm>> -> memref<128xi32, #tpu.memory_space<hbm>>
        tpu.enqueue_dma source(%dma_start3A_67 : memref<128xi32, #tpu.memory_space<hbm>>) target(%arg9 : memref<128xi32, #tpu.memory_space<vmem>>) target_semaphore(%run_scoped3A : memref<!tpu.dma_semaphore, #tpu.memory_space<semaphore_mem>>)
        %dma_wait3A_68 = tpu.memref_slice %arg4[%add3A_49] : memref<323584xi32, #tpu.memory_space<hbm>> -> memref<128xi32, #tpu.memory_space<hbm>>
        %dma_wait3A_69 = tpu.memref_slice %arg4[%add3A_49] : memref<323584xi32, #tpu.memory_space<hbm>> -> memref<128xi32, #tpu.memory_space<hbm>>
        tpu.wait_dma2 semaphore(%run_scoped3A : memref<!tpu.dma_semaphore, #tpu.memory_space<semaphore_mem>>) src(%dma_wait3A_69 : memref<128xi32, #tpu.memory_space<hbm>>) dst(%arg9 : memref<128xi32, #tpu.memory_space<vmem>>)
        tpu.yield
      }) : () -> ()
      %dma_start3A_57 = arith.constant 0 : i32
      %dma_start3A_58 = arith.constant 0 : i32
      %dma_start3A_59 = tpu.memref_slice %arg2[%dma_start3A_57, %dma_start3A_58] : memref<20480x128xf32, #tpu.memory_space<hbm>> -> memref<20480x128xf32, #tpu.memory_space<hbm>>
      tpu.enqueue_indirect_dma source(%dma_start3A_59 : memref<20480x128xf32, #tpu.memory_space<hbm>>) target(%arg11 : memref<128x128xf32, #tpu.memory_space<vmem>>) offsets(%arg8 : memref<128xi32, #tpu.memory_space<vmem>>) semaphore(%arg14 : memref<!tpu.dma_semaphore, #tpu.memory_space<semaphore_mem>>)
      %dma_wait3A = arith.constant 0 : i32
      %dma_wait3A_60 = arith.constant 0 : i32
      %dma_wait3A_61 = tpu.memref_slice %arg2[%dma_wait3A, %dma_wait3A_60] : memref<20480x128xf32, #tpu.memory_space<hbm>> -> memref<20480x128xf32, #tpu.memory_space<hbm>>
      tpu.wait_indirect_dma semaphore(%arg13 : memref<!tpu.dma_semaphore, #tpu.memory_space<semaphore_mem>>) src(%dma_wait3A_61 : memref<20480x128xf32, #tpu.memory_space<hbm>>) dst(%arg10 : memref<128x128xf32, #tpu.memory_space<vmem>>)
      "tpu.region"() ({
        %run_scoped3A = tpu.sem_alloc : memref<!tpu.dma_semaphore, #tpu.memory_space<semaphore_mem>>
        %dma_start3A_66 = arith.constant 0 : i32
        %dma_start3A_67 = arith.constant 0 : i32
        %dma_start3A_68 = tpu.memref_slice %arg12[%dma_start3A_66, %dma_start3A_67] : memref<10240x128xf32, #tpu.memory_space<vmem_shared>> -> memref<10240x128xf32, #tpu.memory_space<vmem_shared>>
        tpu.enqueue_indirect_dma source(%arg10 : memref<128x128xf32, #tpu.memory_space<vmem>>) target(%dma_start3A_68 : memref<10240x128xf32, #tpu.memory_space<vmem_shared>>) offsets(%arg7 : memref<128xi32, #tpu.memory_space<vmem>>) semaphore(%run_scoped3A : memref<!tpu.dma_semaphore, #tpu.memory_space<semaphore_mem>>) {add = true}
        %dma_wait3A_69 = arith.constant 0 : i32
        %dma_wait3A_70 = arith.constant 0 : i32
        %dma_wait3A_71 = tpu.memref_slice %arg12[%dma_wait3A_69, %dma_wait3A_70] : memref<10240x128xf32, #tpu.memory_space<vmem_shared>> -> memref<10240x128xf32, #tpu.memory_space<vmem_shared>>
        tpu.wait_indirect_dma semaphore(%run_scoped3A : memref<!tpu.dma_semaphore, #tpu.memory_space<semaphore_mem>>) src(%arg10 : memref<128x128xf32, #tpu.memory_space<vmem>>) dst(%dma_wait3A_71 : memref<10240x128xf32, #tpu.memory_space<vmem_shared>>)
        tpu.yield
      }) : () -> ()
      %dma_wait3A_62 = arith.constant 0 : i32
      %dma_wait3A_63 = arith.constant 0 : i32
      %dma_wait3A_64 = tpu.memref_slice %arg2[%dma_wait3A_62, %dma_wait3A_63] : memref<20480x128xf32, #tpu.memory_space<hbm>> -> memref<20480x128xf32, #tpu.memory_space<hbm>>
      tpu.wait_indirect_dma semaphore(%arg14 : memref<!tpu.dma_semaphore, #tpu.memory_space<semaphore_mem>>) src(%dma_wait3A_64 : memref<20480x128xf32, #tpu.memory_space<hbm>>) dst(%arg11 : memref<128x128xf32, #tpu.memory_space<vmem>>)
      "tpu.region"() ({
        %run_scoped3A = tpu.sem_alloc : memref<!tpu.dma_semaphore, #tpu.memory_space<semaphore_mem>>
        %dma_start3A_66 = arith.constant 0 : i32
        %dma_start3A_67 = arith.constant 0 : i32
        %dma_start3A_68 = tpu.memref_slice %arg12[%dma_start3A_66, %dma_start3A_67] : memref<10240x128xf32, #tpu.memory_space<vmem_shared>> -> memref<10240x128xf32, #tpu.memory_space<vmem_shared>>
        tpu.enqueue_indirect_dma source(%arg11 : memref<128x128xf32, #tpu.memory_space<vmem>>) target(%dma_start3A_68 : memref<10240x128xf32, #tpu.memory_space<vmem_shared>>) offsets(%arg9 : memref<128xi32, #tpu.memory_space<vmem>>) semaphore(%run_scoped3A : memref<!tpu.dma_semaphore, #tpu.memory_space<semaphore_mem>>) {add = true}
        %dma_wait3A_69 = arith.constant 0 : i32
        %dma_wait3A_70 = arith.constant 0 : i32
        %dma_wait3A_71 = tpu.memref_slice %arg12[%dma_wait3A_69, %dma_wait3A_70] : memref<10240x128xf32, #tpu.memory_space<vmem_shared>> -> memref<10240x128xf32, #tpu.memory_space<vmem_shared>>
        tpu.wait_indirect_dma semaphore(%run_scoped3A : memref<!tpu.dma_semaphore, #tpu.memory_space<semaphore_mem>>) src(%arg11 : memref<128x128xf32, #tpu.memory_space<vmem>>) dst(%dma_wait3A_71 : memref<10240x128xf32, #tpu.memory_space<vmem_shared>>)
        tpu.yield
      }) : () -> ()
      %scan3A_65 = arith.constant 0 : i32
      scf.yield %scan3A_65 : i32
    }
    %scan3A_20 = arith.constant 79 : i32
    %barrier3A_21 = arith.constant 0 : index
    tpu.barrier barrier_id(%barrier3A_21)
    %mul3A_22 = arith.constant 640 : i32
    %mul3A_23 = arith.muli %arg1, %mul3A_22 : i32
    %mul3A_24 = arith.constant 10240 : i32
    %mul3A_25 = arith.muli %arg0, %mul3A_24 : i32
    %mul3A_26 = arith.constant 640 : i32
    %mul3A_27 = arith.muli %arg1, %mul3A_26 : i32
    %add3A = arith.addi %mul3A_25, %mul3A_27 : i32
    "tpu.region"() ({
      %run_scoped3A = tpu.sem_alloc : memref<!tpu.dma_semaphore, #tpu.memory_space<semaphore_mem>>
      %dma_start3A = arith.constant 0 : i32
      %dma_start3A_28 = tpu.memref_slice %arg5[%add3A, %dma_start3A] : memref<20480x128xf32, #tpu.memory_space<hbm>> -> memref<640x128xf32, #tpu.memory_space<hbm>>
      %dma_start3A_29 = arith.constant 0 : i32
      %dma_start3A_30 = tpu.memref_slice %arg12[%mul3A_23, %dma_start3A_29] : memref<10240x128xf32, #tpu.memory_space<vmem_shared>> -> memref<640x128xf32, #tpu.memory_space<vmem_shared>>
      tpu.enqueue_dma source(%dma_start3A_30 : memref<640x128xf32, #tpu.memory_space<vmem_shared>>) target(%dma_start3A_28 : memref<640x128xf32, #tpu.memory_space<hbm>>) target_semaphore(%run_scoped3A : memref<!tpu.dma_semaphore, #tpu.memory_space<semaphore_mem>>)
      %dma_wait3A = arith.constant 0 : i32
      %dma_wait3A_31 = tpu.memref_slice %arg5[%add3A, %dma_wait3A] : memref<20480x128xf32, #tpu.memory_space<hbm>> -> memref<640x128xf32, #tpu.memory_space<hbm>>
      %dma_wait3A_32 = arith.constant 0 : i32
      %dma_wait3A_33 = tpu.memref_slice %arg12[%mul3A_23, %dma_wait3A_32] : memref<10240x128xf32, #tpu.memory_space<vmem_shared>> -> memref<640x128xf32, #tpu.memory_space<vmem_shared>>
      tpu.wait_dma2 semaphore(%run_scoped3A : memref<!tpu.dma_semaphore, #tpu.memory_space<semaphore_mem>>) src(%dma_wait3A_33 : memref<640x128xf32, #tpu.memory_space<vmem_shared>>) dst(%dma_wait3A_31 : memref<640x128xf32, #tpu.memory_space<hbm>>)
      tpu.yield
    }) : () -> ()
    return
  }
}

module attributes {stable_mosaic.version = 14 : i64} {
  func.func @_k2_body(%arg0: i32, %arg1: memref<1x1xf32, #tpu.memory_space<smem>>, %arg2: memref<1024x128xf32, #tpu.memory_space<vmem>>, %arg3: memref<1024x128xf32, #tpu.memory_space<vmem>>, %arg4: memref<1024x128xf32, #tpu.memory_space<vmem>>, %arg5: memref<1024x128xf32, #tpu.memory_space<vmem>>, %arg6: memref<256x128xf32, #tpu.memory_space<vmem>>, %arg7: memref<1024x128xf32, #tpu.memory_space<vmem>>, %arg8: memref<8x128xf32, #tpu.memory_space<vmem>>) attributes {dimension_semantics = [#tpu.dimension_semantics<arbitrary>], iteration_bounds = array<i64: 10>, scalar_prefetch = 0 : i64, scratch_operands = 0 : i64, tpu.core_type = #tpu.core_type<tc>, window_params = [{transform_indices = @transform_0, window_bounds = array<i64: 1, 1>}, {transform_indices = @transform_1, window_bounds = array<i64: 1024, 128>}, {transform_indices = @transform_2, window_bounds = array<i64: 1024, 128>}, {transform_indices = @transform_3, window_bounds = array<i64: 1024, 128>}, {transform_indices = @transform_4, window_bounds = array<i64: 1024, 128>}, {pipeline_mode = #tpu.pipeline_mode<synchronous>, transform_indices = @transform_5, window_bounds = array<i64: 256, 128>}, {transform_indices = @transform_6, window_bounds = array<i64: 1024, 128>}, {pipeline_mode = #tpu.pipeline_mode<synchronous>, transform_indices = @transform_7, window_bounds = array<i64: 8, 128>}]} {
    %get3A = arith.constant 0 : index
    %get3A_0 = arith.constant 0 : index
    %get3A_1 = memref.load %arg1[%get3A, %get3A_0] : memref<1x1xf32, #tpu.memory_space<smem>>
    %add3A = arith.constant 1.000000e+00 : f32
    %add3A_2 = arith.addf %add3A, %get3A_1 : f32
    %get3A_3 = arith.constant 0 : index
    %get3A_4 = arith.constant 0 : index
    %get3A_5 = vector.load %arg2[%get3A_3, %get3A_4] : memref<1024x128xf32, #tpu.memory_space<vmem>>, vector<1024x128xf32>
    %mul3A = vector.broadcast %add3A_2 : f32 to vector<1024x128xf32>
    %mul3A_6 = arith.mulf %mul3A, %get3A_5 : vector<1024x128xf32>
    %get3A_7 = arith.constant 0 : index
    %get3A_8 = arith.constant 0 : index
    %get3A_9 = vector.load %arg4[%get3A_7, %get3A_8] : memref<1024x128xf32, #tpu.memory_space<vmem>>, vector<1024x128xf32>
    %add3A_10 = arith.addf %mul3A_6, %get3A_9 : vector<1024x128xf32>
    %get3A_11 = arith.constant 0 : index
    %get3A_12 = arith.constant 0 : index
    %get3A_13 = vector.load %arg3[%get3A_11, %get3A_12] : memref<1024x128xf32, #tpu.memory_space<vmem>>, vector<1024x128xf32>
    %mul3A_14 = vector.broadcast %add3A_2 : f32 to vector<1024x128xf32>
    %mul3A_15 = arith.mulf %mul3A_14, %get3A_13 : vector<1024x128xf32>
    %get3A_16 = arith.constant 0 : index
    %get3A_17 = arith.constant 0 : index
    %get3A_18 = vector.load %arg5[%get3A_16, %get3A_17] : memref<1024x128xf32, #tpu.memory_space<vmem>>, vector<1024x128xf32>
    %add3A_19 = arith.addf %mul3A_15, %get3A_18 : vector<1024x128xf32>
    %get3A_20 = arith.constant 0 : index
    %get3A_21 = arith.constant 0 : index
    %get3A_22 = vector.load %arg6[%get3A_20, %get3A_21] : memref<256x128xf32, #tpu.memory_space<vmem>>, vector<128x128xf32>
    %dot_general3A = arith.constant dense<0.000000e+00> : vector<1024x128xf32>
    %dot_general3A_23 = tpu.matmul %add3A_10, %get3A_22, %dot_general3A {dimension_numbers = #tpu.dot_dimension_numbers<[1], [0], [0], [1], [0, 0, 1, 1], [], []>, precision = #tpu.contract_precision<fp32>, transpose_lhs_hint = false} : vector<1024x128xf32>, vector<128x128xf32>, vector<1024x128xf32> -> vector<1024x128xf32>
    %get3A_24 = arith.constant 128 : index
    %get3A_25 = arith.constant 0 : index
    %get3A_26 = vector.load %arg6[%get3A_24, %get3A_25] : memref<256x128xf32, #tpu.memory_space<vmem>>, vector<128x128xf32>
    %dot_general3A_27 = arith.constant dense<0.000000e+00> : vector<1024x128xf32>
    %dot_general3A_28 = tpu.matmul %add3A_19, %get3A_26, %dot_general3A_27 {dimension_numbers = #tpu.dot_dimension_numbers<[1], [0], [0], [1], [0, 0, 1, 1], [], []>, precision = #tpu.contract_precision<fp32>, transpose_lhs_hint = false} : vector<1024x128xf32>, vector<128x128xf32>, vector<1024x128xf32> -> vector<1024x128xf32>
    %add3A_29 = arith.addf %dot_general3A_23, %dot_general3A_28 : vector<1024x128xf32>
    %swap3A = arith.constant 0 : index
    %swap3A_30 = arith.constant 0 : index
    %swap3A_31 = vector.load %arg7[%swap3A, %swap3A_30] : memref<1024x128xf32, #tpu.memory_space<vmem>>, vector<1024x128xf32>
    tpu.vector_store %arg7[%swap3A, %swap3A_30], %add3A_29 {strides = array<i32>} : memref<1024x128xf32, #tpu.memory_space<vmem>>, vector<1024x128xf32>,
    %iota3A = tpu.iota {dimensions = array<i32: 0>} : vector<1024x1xi32>
    %mul3A_32 = arith.constant 1024 : i32
    %mul3A_33 = arith.muli %arg0, %mul3A_32 : i32
    %add3A_34 = vector.broadcast %mul3A_33 : i32 to vector<1024x1xi32>
    %add3A_35 = arith.addi %iota3A, %add3A_34 : vector<1024x1xi32>
    %lt3A = arith.constant 10000 : i32
    %lt3A_36 = vector.broadcast %lt3A : i32 to vector<1024x1xi32>
    %lt3A_37 = arith.cmpi slt, %add3A_35, %lt3A_36 : vector<1024x1xi32>
    %jit3A = arith.constant 0.000000e+00 : f32
    %broadcast_in_dim3A = vector.shape_cast %lt3A_37 : vector<1024x1xi1> to vector<1024x1xi1>
    %broadcast_in_dim3A_38 = vector.broadcast %broadcast_in_dim3A : vector<1024x1xi1> to vector<1024x128xi1>
    %broadcast_in_dim3A_39 = vector.broadcast %jit3A : f32 to vector<1024x128xf32>
    %select_n3A = arith.select %broadcast_in_dim3A_38, %add3A_29, %broadcast_in_dim3A_39 : vector<1024x128xi1>, vector<1024x128xf32>
    %reduce_sum3A = arith.constant dense<0.000000e+00> : vector<128xf32>
    %reduce_sum3A_40 = vector.multi_reduction <add>, %select_n3A, %reduce_sum3A [0] : vector<1024x128xf32> to vector<128xf32>
    %broadcast_in_dim3A_41 = vector.shape_cast %reduce_sum3A_40 : vector<128xf32> to vector<1x128xf32>
    %mul3A_42 = arith.mulf %select_n3A, %select_n3A : vector<1024x128xf32>
    %reduce_sum3A_43 = arith.constant dense<0.000000e+00> : vector<128xf32>
    %reduce_sum3A_44 = vector.multi_reduction <add>, %mul3A_42, %reduce_sum3A_43 [0] : vector<1024x128xf32> to vector<128xf32>
    %broadcast_in_dim3A_45 = vector.shape_cast %reduce_sum3A_44 : vector<128xf32> to vector<1x128xf32>
    %broadcast_in_dim3A_46 = arith.constant 0.000000e+00 : f32
    %broadcast_in_dim3A_47 = vector.broadcast %broadcast_in_dim3A_46 : f32 to vector<6x128xf32>
    %concatenate3A = tpu.concatenate %broadcast_in_dim3A_41, %broadcast_in_dim3A_45, %broadcast_in_dim3A_47 in 0 : vector<1x128xf32>, vector<1x128xf32>, vector<6x128xf32> -> vector<8x128xf32>
    %eq3A = arith.constant 0 : i32
    %eq3A_48 = arith.cmpi eq, %arg0, %eq3A : i32
    %convert_element_type3A = arith.extui %eq3A_48 : i1 to i32
    %cond3A = arith.constant 0 : i32
    %cond3A_49 = arith.cmpi ne, %convert_element_type3A, %cond3A : i32
    scf.if %cond3A_49 {
      %swap3A_54 = arith.constant 0 : index
      %swap3A_55 = arith.constant 0 : index
      %swap3A_56 = vector.load %arg8[%swap3A_54, %swap3A_55] : memref<8x128xf32, #tpu.memory_space<vmem>>, vector<8x128xf32>
      tpu.vector_store %arg8[%swap3A_54, %swap3A_55], %concatenate3A {strides = array<i32>} : memref<8x128xf32, #tpu.memory_space<vmem>>, vector<8x128xf32>,
    } else {
    }
    %gt3A = arith.constant 0 : i32
    %gt3A_50 = arith.cmpi sgt, %arg0, %gt3A : i32
    %convert_element_type3A_51 = arith.extui %gt3A_50 : i1 to i32
    %cond3A_52 = arith.constant 0 : i32
    %cond3A_53 = arith.cmpi ne, %convert_element_type3A_51, %cond3A_52 : i32
    scf.if %cond3A_53 {
      %get3A_54 = arith.constant 0 : index
      %get3A_55 = arith.constant 0 : index
      %get3A_56 = vector.load %arg8[%get3A_54, %get3A_55] : memref<8x128xf32, #tpu.memory_space<vmem>>, vector<8x128xf32>
      %add3A_57 = arith.addf %get3A_56, %concatenate3A : vector<8x128xf32>
      %swap3A_58 = arith.constant 0 : index
      %swap3A_59 = arith.constant 0 : index
      %swap3A_60 = vector.load %arg8[%swap3A_58, %swap3A_59] : memref<8x128xf32, #tpu.memory_space<vmem>>, vector<8x128xf32>
      tpu.vector_store %arg8[%swap3A_58, %swap3A_59], %add3A_57 {strides = array<i32>} : memref<8x128xf32, #tpu.memory_space<vmem>>, vector<8x128xf32>,
    } else {
    }
    return
  }
  func.func @transform_0(%arg0: i32) -> (i32, i32) {
    %c0_i32 = arith.constant 0 : i32
    %c0_i32_0 = arith.constant 0 : i32
    %c0_i32_1 = arith.constant 0 : i32
    return %c0_i32, %c0_i32_0 : i32, i32
  }
  func.func @transform_1(%arg0: i32) -> (i32, i32) {
    %add3A = arith.constant 0 : i32
    %add3A_0 = arith.addi %add3A, %arg0 : i32
    %c0_i32 = arith.constant 0 : i32
    %c0_i32_1 = arith.constant 0 : i32
    return %add3A_0, %c0_i32 : i32, i32
  }
  func.func @transform_2(%arg0: i32) -> (i32, i32) {
    %add3A = arith.constant 10 : i32
    %add3A_0 = arith.addi %add3A, %arg0 : i32
    %c0_i32 = arith.constant 0 : i32
    %c0_i32_1 = arith.constant 0 : i32
    return %add3A_0, %c0_i32 : i32, i32
  }
  func.func @transform_3(%arg0: i32) -> (i32, i32) {
    %add3A = arith.constant 0 : i32
    %add3A_0 = arith.addi %add3A, %arg0 : i32
    %c0_i32 = arith.constant 0 : i32
    %c0_i32_1 = arith.constant 0 : i32
    return %add3A_0, %c0_i32 : i32, i32
  }
  func.func @transform_4(%arg0: i32) -> (i32, i32) {
    %add3A = arith.constant 10 : i32
    %add3A_0 = arith.addi %add3A, %arg0 : i32
    %c0_i32 = arith.constant 0 : i32
    %c0_i32_1 = arith.constant 0 : i32
    return %add3A_0, %c0_i32 : i32, i32
  }
  func.func @transform_5(%arg0: i32) -> (i32, i32) {
    %c0_i32 = arith.constant 0 : i32
    %c0_i32_0 = arith.constant 0 : i32
    %c0_i32_1 = arith.constant 0 : i32
    return %c0_i32, %c0_i32_0 : i32, i32
  }
  func.func @transform_6(%arg0: i32) -> (i32, i32) {
    %c0_i32 = arith.constant 0 : i32
    %c0_i32_0 = arith.constant 0 : i32
    return %arg0, %c0_i32 : i32, i32
  }
  func.func @transform_7(%arg0: i32) -> (i32, i32) {
    %c0_i32 = arith.constant 0 : i32
    %c0_i32_0 = arith.constant 0 : i32
    %c0_i32_1 = arith.constant 0 : i32
    return %c0_i32, %c0_i32_0 : i32, i32
  }
}

module attributes {stable_mosaic.version = 14 : i64} {
  func.func @_k1_body(%arg0: i32, %arg1: i32, %arg2: memref<1024x128xf32, #tpu.memory_space<vmem>>, %arg3: memref<8x128xf32, #tpu.memory_space<vmem>>, %arg4: memref<1x128xf32, #tpu.memory_space<vmem>>, %arg5: memref<1x128xf32, #tpu.memory_space<vmem>>, %arg6: memref<1024x128xf32, #tpu.memory_space<vmem>>) attributes {dimension_semantics = [#tpu.dimension_semantics<arbitrary>, #tpu.dimension_semantics<arbitrary>], iteration_bounds = array<i64: 2, 10>, scalar_prefetch = 0 : i64, scratch_operands = 0 : i64, tpu.core_type = #tpu.core_type<tc>, window_params = [{transform_indices = @transform_0, window_bounds = array<i64: 1024, 128>}, {transform_indices = @transform_1, window_bounds = array<i64: 8, 128>}, {transform_indices = @transform_2, window_bounds = array<i64: 1, 128>}, {transform_indices = @transform_3, window_bounds = array<i64: 1, 128>}, {transform_indices = @transform_4, window_bounds = array<i64: 1024, 128>}]} {
    %get3A = arith.constant 0 : index
    %get3A_0 = arith.constant 0 : index
    %get3A_1 = vector.load %arg3[%get3A, %get3A_0] : memref<8x128xf32, #tpu.memory_space<vmem>>, vector<1x128xf32>
    %div3A = arith.constant 1.000000e+04 : f32
    %div3A_2 = vector.broadcast %div3A : f32 to vector<1x128xf32>
    %div3A_3 = arith.divf %get3A_1, %div3A_2 : vector<1x128xf32>
    %get3A_4 = arith.constant 1 : index
    %get3A_5 = arith.constant 0 : index
    %get3A_6 = vector.load %arg3[%get3A_4, %get3A_5] : memref<8x128xf32, #tpu.memory_space<vmem>>, vector<1x128xf32>
    %div3A_7 = arith.constant 1.000000e+04 : f32
    %div3A_8 = vector.broadcast %div3A_7 : f32 to vector<1x128xf32>
    %div3A_9 = arith.divf %get3A_6, %div3A_8 : vector<1x128xf32>
    %mul3A = arith.mulf %div3A_3, %div3A_3 : vector<1x128xf32>
    %sub3A = arith.subf %div3A_9, %mul3A : vector<1x128xf32>
    %get3A_10 = arith.constant 0 : index
    %get3A_11 = arith.constant 0 : index
    %get3A_12 = vector.load %arg4[%get3A_10, %get3A_11] : memref<1x128xf32, #tpu.memory_space<vmem>>, vector<1x128xf32>
    %add3A = arith.constant 9.99999974E-6 : f32
    %add3A_13 = vector.broadcast %add3A : f32 to vector<1x128xf32>
    %add3A_14 = arith.addf %sub3A, %add3A_13 : vector<1x128xf32>
    %sqrt3A = math.sqrt %add3A_14 : vector<1x128xf32>
    %div3A_15 = arith.divf %get3A_12, %sqrt3A : vector<1x128xf32>
    %get3A_16 = arith.constant 0 : index
    %get3A_17 = arith.constant 0 : index
    %get3A_18 = vector.load %arg5[%get3A_16, %get3A_17] : memref<1x128xf32, #tpu.memory_space<vmem>>, vector<1x128xf32>
    %mul3A_19 = arith.mulf %div3A_3, %div3A_15 : vector<1x128xf32>
    %sub3A_20 = arith.subf %get3A_18, %mul3A_19 : vector<1x128xf32>
    %get3A_21 = arith.constant 0 : index
    %get3A_22 = arith.constant 0 : index
    %get3A_23 = vector.load %arg2[%get3A_21, %get3A_22] : memref<1024x128xf32, #tpu.memory_space<vmem>>, vector<1024x128xf32>
    %mul3A_24 = vector.broadcast %div3A_15 : vector<1x128xf32> to vector<1024x128xf32>
    %mul3A_25 = arith.mulf %get3A_23, %mul3A_24 : vector<1024x128xf32>
    %add3A_26 = vector.broadcast %sub3A_20 : vector<1x128xf32> to vector<1024x128xf32>
    %add3A_27 = arith.addf %mul3A_25, %add3A_26 : vector<1024x128xf32>
    %max3A = arith.constant 0.000000e+00 : f32
    %max3A_28 = vector.broadcast %max3A : f32 to vector<1024x128xf32>
    %max3A_29 = arith.maximumf %add3A_27, %max3A_28 : vector<1024x128xf32>
    %swap3A = arith.constant 0 : index
    %swap3A_30 = arith.constant 0 : index
    %swap3A_31 = vector.load %arg6[%swap3A, %swap3A_30] : memref<1024x128xf32, #tpu.memory_space<vmem>>, vector<1024x128xf32>
    tpu.vector_store %arg6[%swap3A, %swap3A_30], %max3A_29 {strides = array<i32>} : memref<1024x128xf32, #tpu.memory_space<vmem>>, vector<1024x128xf32>,
    return
  }
  func.func @transform_0(%arg0: i32, %arg1: i32) -> (i32, i32) {
    %c0_i32 = arith.constant 0 : i32
    return %arg1, %arg0 : i32, i32
  }
  func.func @transform_1(%arg0: i32, %arg1: i32) -> (i32, i32) {
    %c0_i32 = arith.constant 0 : i32
    %c0_i32_0 = arith.constant 0 : i32
    return %c0_i32, %arg0 : i32, i32
  }
  func.func @transform_2(%arg0: i32, %arg1: i32) -> (i32, i32) {
    %c0_i32 = arith.constant 0 : i32
    %c0_i32_0 = arith.constant 0 : i32
    return %c0_i32, %arg0 : i32, i32
  }
  func.func @transform_3(%arg0: i32, %arg1: i32) -> (i32, i32) {
    %c0_i32 = arith.constant 0 : i32
    %c0_i32_0 = arith.constant 0 : i32
    return %c0_i32, %arg0 : i32, i32
  }
  func.func @transform_4(%arg0: i32, %arg1: i32) -> (i32, i32) {
    %mul3A = arith.constant 10 : i32
    %mul3A_0 = arith.muli %arg0, %mul3A : i32
    %add3A = arith.addi %mul3A_0, %arg1 : i32
    %c0_i32 = arith.constant 0 : i32
    %c0_i32_1 = arith.constant 0 : i32
    return %add3A, %c0_i32 : i32, i32
  }
}

module attributes {stable_mosaic.version = 14 : i64} {
  func.func @_k3_body(%arg0: i32, %arg1: memref<1024x128xf32, #tpu.memory_space<vmem>>, %arg2: memref<8x128xf32, #tpu.memory_space<vmem>>, %arg3: memref<1x128xf32, #tpu.memory_space<vmem>>, %arg4: memref<1x128xf32, #tpu.memory_space<vmem>>, %arg5: memref<128x256xf32, #tpu.memory_space<vmem>>, %arg6: memref<1024x256xf32, #tpu.memory_space<vmem>>, %arg7: memref<8x256xf32, #tpu.memory_space<vmem>>) attributes {dimension_semantics = [#tpu.dimension_semantics<arbitrary>], iteration_bounds = array<i64: 10>, scalar_prefetch = 0 : i64, scratch_operands = 0 : i64, tpu.core_type = #tpu.core_type<tc>, window_params = [{transform_indices = @transform_0, window_bounds = array<i64: 1024, 128>}, {pipeline_mode = #tpu.pipeline_mode<synchronous>, transform_indices = @transform_1, window_bounds = array<i64: 8, 128>}, {pipeline_mode = #tpu.pipeline_mode<synchronous>, transform_indices = @transform_2, window_bounds = array<i64: 1, 128>}, {pipeline_mode = #tpu.pipeline_mode<synchronous>, transform_indices = @transform_3, window_bounds = array<i64: 1, 128>}, {pipeline_mode = #tpu.pipeline_mode<synchronous>, transform_indices = @transform_4, window_bounds = array<i64: 128, 256>}, {transform_indices = @transform_5, window_bounds = array<i64: 1024, 256>}, {pipeline_mode = #tpu.pipeline_mode<synchronous>, transform_indices = @transform_6, window_bounds = array<i64: 8, 256>}]} {
    %get3A = arith.constant 0 : index
    %get3A_0 = arith.constant 0 : index
    %get3A_1 = vector.load %arg2[%get3A, %get3A_0] : memref<8x128xf32, #tpu.memory_space<vmem>>, vector<1x128xf32>
    %div3A = arith.constant 1.000000e+04 : f32
    %div3A_2 = vector.broadcast %div3A : f32 to vector<1x128xf32>
    %div3A_3 = arith.divf %get3A_1, %div3A_2 : vector<1x128xf32>
    %get3A_4 = arith.constant 1 : index
    %get3A_5 = arith.constant 0 : index
    %get3A_6 = vector.load %arg2[%get3A_4, %get3A_5] : memref<8x128xf32, #tpu.memory_space<vmem>>, vector<1x128xf32>
    %div3A_7 = arith.constant 1.000000e+04 : f32
    %div3A_8 = vector.broadcast %div3A_7 : f32 to vector<1x128xf32>
    %div3A_9 = arith.divf %get3A_6, %div3A_8 : vector<1x128xf32>
    %mul3A = arith.mulf %div3A_3, %div3A_3 : vector<1x128xf32>
    %sub3A = arith.subf %div3A_9, %mul3A : vector<1x128xf32>
    %get3A_10 = arith.constant 0 : index
    %get3A_11 = arith.constant 0 : index
    %get3A_12 = vector.load %arg3[%get3A_10, %get3A_11] : memref<1x128xf32, #tpu.memory_space<vmem>>, vector<1x128xf32>
    %add3A = arith.constant 9.99999974E-6 : f32
    %add3A_13 = vector.broadcast %add3A : f32 to vector<1x128xf32>
    %add3A_14 = arith.addf %sub3A, %add3A_13 : vector<1x128xf32>
    %sqrt3A = math.sqrt %add3A_14 : vector<1x128xf32>
    %div3A_15 = arith.divf %get3A_12, %sqrt3A : vector<1x128xf32>
    %get3A_16 = arith.constant 0 : index
    %get3A_17 = arith.constant 0 : index
    %get3A_18 = vector.load %arg4[%get3A_16, %get3A_17] : memref<1x128xf32, #tpu.memory_space<vmem>>, vector<1x128xf32>
    %mul3A_19 = arith.mulf %div3A_3, %div3A_15 : vector<1x128xf32>
    %sub3A_20 = arith.subf %get3A_18, %mul3A_19 : vector<1x128xf32>
    %get3A_21 = arith.constant 0 : index
    %get3A_22 = arith.constant 0 : index
    %get3A_23 = vector.load %arg1[%get3A_21, %get3A_22] : memref<1024x128xf32, #tpu.memory_space<vmem>>, vector<1024x128xf32>
    %mul3A_24 = vector.broadcast %div3A_15 : vector<1x128xf32> to vector<1024x128xf32>
    %mul3A_25 = arith.mulf %get3A_23, %mul3A_24 : vector<1024x128xf32>
    %add3A_26 = vector.broadcast %sub3A_20 : vector<1x128xf32> to vector<1024x128xf32>
    %add3A_27 = arith.addf %mul3A_25, %add3A_26 : vector<1024x128xf32>
    %max3A = arith.constant 0.000000e+00 : f32
    %max3A_28 = vector.broadcast %max3A : f32 to vector<1024x128xf32>
    %max3A_29 = arith.maximumf %add3A_27, %max3A_28 : vector<1024x128xf32>
    %get3A_30 = arith.constant 0 : index
    %get3A_31 = arith.constant 0 : index
    %get3A_32 = vector.load %arg5[%get3A_30, %get3A_31] : memref<128x256xf32, #tpu.memory_space<vmem>>, vector<128x256xf32>
    %dot_general3A = arith.constant dense<0.000000e+00> : vector<1024x256xf32>
    %dot_general3A_33 = tpu.matmul %max3A_29, %get3A_32, %dot_general3A {dimension_numbers = #tpu.dot_dimension_numbers<[1], [0], [0], [1], [0, 0, 1, 1], [], []>, precision = #tpu.contract_precision<fp32>, transpose_lhs_hint = false} : vector<1024x128xf32>, vector<128x256xf32>, vector<1024x256xf32> -> vector<1024x256xf32>
    %swap3A = arith.constant 0 : index
    %swap3A_34 = arith.constant 0 : index
    %swap3A_35 = vector.load %arg6[%swap3A, %swap3A_34] : memref<1024x256xf32, #tpu.memory_space<vmem>>, vector<1024x256xf32>
    tpu.vector_store %arg6[%swap3A, %swap3A_34], %dot_general3A_33 {strides = array<i32>} : memref<1024x256xf32, #tpu.memory_space<vmem>>, vector<1024x256xf32>,
    %iota3A = tpu.iota {dimensions = array<i32: 0>} : vector<1024x1xi32>
    %mul3A_36 = arith.constant 1024 : i32
    %mul3A_37 = arith.muli %arg0, %mul3A_36 : i32
    %add3A_38 = vector.broadcast %mul3A_37 : i32 to vector<1024x1xi32>
    %add3A_39 = arith.addi %iota3A, %add3A_38 : vector<1024x1xi32>
    %lt3A = arith.constant 10000 : i32
    %lt3A_40 = vector.broadcast %lt3A : i32 to vector<1024x1xi32>
    %lt3A_41 = arith.cmpi slt, %add3A_39, %lt3A_40 : vector<1024x1xi32>
    %jit3A = arith.constant 0.000000e+00 : f32
    %broadcast_in_dim3A = vector.shape_cast %lt3A_41 : vector<1024x1xi1> to vector<1024x1xi1>
    %broadcast_in_dim3A_42 = vector.broadcast %broadcast_in_dim3A : vector<1024x1xi1> to vector<1024x256xi1>
    %broadcast_in_dim3A_43 = vector.broadcast %jit3A : f32 to vector<1024x256xf32>
    %select_n3A = arith.select %broadcast_in_dim3A_42, %dot_general3A_33, %broadcast_in_dim3A_43 : vector<1024x256xi1>, vector<1024x256xf32>
    %reduce_sum3A = arith.constant dense<0.000000e+00> : vector<256xf32>
    %reduce_sum3A_44 = vector.multi_reduction <add>, %select_n3A, %reduce_sum3A [0] : vector<1024x256xf32> to vector<256xf32>
    %broadcast_in_dim3A_45 = vector.shape_cast %reduce_sum3A_44 : vector<256xf32> to vector<1x256xf32>
    %mul3A_46 = arith.mulf %select_n3A, %select_n3A : vector<1024x256xf32>
    %reduce_sum3A_47 = arith.constant dense<0.000000e+00> : vector<256xf32>
    %reduce_sum3A_48 = vector.multi_reduction <add>, %mul3A_46, %reduce_sum3A_47 [0] : vector<1024x256xf32> to vector<256xf32>
    %broadcast_in_dim3A_49 = vector.shape_cast %reduce_sum3A_48 : vector<256xf32> to vector<1x256xf32>
    %broadcast_in_dim3A_50 = arith.constant 0.000000e+00 : f32
    %broadcast_in_dim3A_51 = vector.broadcast %broadcast_in_dim3A_50 : f32 to vector<6x256xf32>
    %concatenate3A = tpu.concatenate %broadcast_in_dim3A_45, %broadcast_in_dim3A_49, %broadcast_in_dim3A_51 in 0 : vector<1x256xf32>, vector<1x256xf32>, vector<6x256xf32> -> vector<8x256xf32>
    %eq3A = arith.constant 0 : i32
    %eq3A_52 = arith.cmpi eq, %arg0, %eq3A : i32
    %convert_element_type3A = arith.extui %eq3A_52 : i1 to i32
    %cond3A = arith.constant 0 : i32
    %cond3A_53 = arith.cmpi ne, %convert_element_type3A, %cond3A : i32
    scf.if %cond3A_53 {
      %swap3A_58 = arith.constant 0 : index
      %swap3A_59 = arith.constant 0 : index
      %swap3A_60 = vector.load %arg7[%swap3A_58, %swap3A_59] : memref<8x256xf32, #tpu.memory_space<vmem>>, vector<8x256xf32>
      tpu.vector_store %arg7[%swap3A_58, %swap3A_59], %concatenate3A {strides = array<i32>} : memref<8x256xf32, #tpu.memory_space<vmem>>, vector<8x256xf32>,
    } else {
    }
    %gt3A = arith.constant 0 : i32
    %gt3A_54 = arith.cmpi sgt, %arg0, %gt3A : i32
    %convert_element_type3A_55 = arith.extui %gt3A_54 : i1 to i32
    %cond3A_56 = arith.constant 0 : i32
    %cond3A_57 = arith.cmpi ne, %convert_element_type3A_55, %cond3A_56 : i32
    scf.if %cond3A_57 {
      %get3A_58 = arith.constant 0 : index
      %get3A_59 = arith.constant 0 : index
      %get3A_60 = vector.load %arg7[%get3A_58, %get3A_59] : memref<8x256xf32, #tpu.memory_space<vmem>>, vector<8x256xf32>
      %add3A_61 = arith.addf %get3A_60, %concatenate3A : vector<8x256xf32>
      %swap3A_62 = arith.constant 0 : index
      %swap3A_63 = arith.constant 0 : index
      %swap3A_64 = vector.load %arg7[%swap3A_62, %swap3A_63] : memref<8x256xf32, #tpu.memory_space<vmem>>, vector<8x256xf32>
      tpu.vector_store %arg7[%swap3A_62, %swap3A_63], %add3A_61 {strides = array<i32>} : memref<8x256xf32, #tpu.memory_space<vmem>>, vector<8x256xf32>,
    } else {
    }
    return
  }
  func.func @transform_0(%arg0: i32) -> (i32, i32) {
    %c0_i32 = arith.constant 0 : i32
    %c0_i32_0 = arith.constant 0 : i32
    return %arg0, %c0_i32 : i32, i32
  }
  func.func @transform_1(%arg0: i32) -> (i32, i32) {
    %c0_i32 = arith.constant 0 : i32
    %c0_i32_0 = arith.constant 0 : i32
    %c0_i32_1 = arith.constant 0 : i32
    return %c0_i32, %c0_i32_0 : i32, i32
  }
  func.func @transform_2(%arg0: i32) -> (i32, i32) {
    %c0_i32 = arith.constant 0 : i32
    %c0_i32_0 = arith.constant 0 : i32
    %c0_i32_1 = arith.constant 0 : i32
    return %c0_i32, %c0_i32_0 : i32, i32
  }
  func.func @transform_3(%arg0: i32) -> (i32, i32) {
    %c0_i32 = arith.constant 0 : i32
    %c0_i32_0 = arith.constant 0 : i32
    %c0_i32_1 = arith.constant 0 : i32
    return %c0_i32, %c0_i32_0 : i32, i32
  }
  func.func @transform_4(%arg0: i32) -> (i32, i32) {
    %c0_i32 = arith.constant 0 : i32
    %c0_i32_0 = arith.constant 0 : i32
    %c0_i32_1 = arith.constant 0 : i32
    return %c0_i32, %c0_i32_0 : i32, i32
  }
  func.func @transform_5(%arg0: i32) -> (i32, i32) {
    %c0_i32 = arith.constant 0 : i32
    %c0_i32_0 = arith.constant 0 : i32
    return %arg0, %c0_i32 : i32, i32
  }
  func.func @transform_6(%arg0: i32) -> (i32, i32) {
    %c0_i32 = arith.constant 0 : i32
    %c0_i32_0 = arith.constant 0 : i32
    %c0_i32_1 = arith.constant 0 : i32
    return %c0_i32, %c0_i32_0 : i32, i32
  }
}

module attributes {stable_mosaic.version = 14 : i64} {
  func.func @_k3f_body(%arg0: i32, %arg1: memref<1024x128xf32, #tpu.memory_space<vmem>>, %arg2: memref<8x128xf32, #tpu.memory_space<vmem>>, %arg3: memref<1x128xf32, #tpu.memory_space<vmem>>, %arg4: memref<1x128xf32, #tpu.memory_space<vmem>>, %arg5: memref<128x128xf32, #tpu.memory_space<vmem>>, %arg6: memref<1024x128xf32, #tpu.memory_space<vmem>>) attributes {dimension_semantics = [#tpu.dimension_semantics<arbitrary>], iteration_bounds = array<i64: 10>, scalar_prefetch = 0 : i64, scratch_operands = 0 : i64, tpu.core_type = #tpu.core_type<tc>, window_params = [{transform_indices = @transform_0, window_bounds = array<i64: 1024, 128>}, {pipeline_mode = #tpu.pipeline_mode<synchronous>, transform_indices = @transform_1, window_bounds = array<i64: 8, 128>}, {pipeline_mode = #tpu.pipeline_mode<synchronous>, transform_indices = @transform_2, window_bounds = array<i64: 1, 128>}, {pipeline_mode = #tpu.pipeline_mode<synchronous>, transform_indices = @transform_3, window_bounds = array<i64: 1, 128>}, {pipeline_mode = #tpu.pipeline_mode<synchronous>, transform_indices = @transform_4, window_bounds = array<i64: 128, 128>}, {transform_indices = @transform_5, window_bounds = array<i64: 1024, 128>}]} {
    %get3A = arith.constant 0 : index
    %get3A_0 = arith.constant 0 : index
    %get3A_1 = vector.load %arg2[%get3A, %get3A_0] : memref<8x128xf32, #tpu.memory_space<vmem>>, vector<1x128xf32>
    %div3A = arith.constant 1.000000e+04 : f32
    %div3A_2 = vector.broadcast %div3A : f32 to vector<1x128xf32>
    %div3A_3 = arith.divf %get3A_1, %div3A_2 : vector<1x128xf32>
    %get3A_4 = arith.constant 1 : index
    %get3A_5 = arith.constant 0 : index
    %get3A_6 = vector.load %arg2[%get3A_4, %get3A_5] : memref<8x128xf32, #tpu.memory_space<vmem>>, vector<1x128xf32>
    %div3A_7 = arith.constant 1.000000e+04 : f32
    %div3A_8 = vector.broadcast %div3A_7 : f32 to vector<1x128xf32>
    %div3A_9 = arith.divf %get3A_6, %div3A_8 : vector<1x128xf32>
    %mul3A = arith.mulf %div3A_3, %div3A_3 : vector<1x128xf32>
    %sub3A = arith.subf %div3A_9, %mul3A : vector<1x128xf32>
    %get3A_10 = arith.constant 0 : index
    %get3A_11 = arith.constant 0 : index
    %get3A_12 = vector.load %arg3[%get3A_10, %get3A_11] : memref<1x128xf32, #tpu.memory_space<vmem>>, vector<1x128xf32>
    %add3A = arith.constant 9.99999974E-6 : f32
    %add3A_13 = vector.broadcast %add3A : f32 to vector<1x128xf32>
    %add3A_14 = arith.addf %sub3A, %add3A_13 : vector<1x128xf32>
    %sqrt3A = math.sqrt %add3A_14 : vector<1x128xf32>
    %div3A_15 = arith.divf %get3A_12, %sqrt3A : vector<1x128xf32>
    %get3A_16 = arith.constant 0 : index
    %get3A_17 = arith.constant 0 : index
    %get3A_18 = vector.load %arg4[%get3A_16, %get3A_17] : memref<1x128xf32, #tpu.memory_space<vmem>>, vector<1x128xf32>
    %mul3A_19 = arith.mulf %div3A_3, %div3A_15 : vector<1x128xf32>
    %sub3A_20 = arith.subf %get3A_18, %mul3A_19 : vector<1x128xf32>
    %get3A_21 = arith.constant 0 : index
    %get3A_22 = arith.constant 0 : index
    %get3A_23 = vector.load %arg1[%get3A_21, %get3A_22] : memref<1024x128xf32, #tpu.memory_space<vmem>>, vector<1024x128xf32>
    %mul3A_24 = vector.broadcast %div3A_15 : vector<1x128xf32> to vector<1024x128xf32>
    %mul3A_25 = arith.mulf %get3A_23, %mul3A_24 : vector<1024x128xf32>
    %add3A_26 = vector.broadcast %sub3A_20 : vector<1x128xf32> to vector<1024x128xf32>
    %add3A_27 = arith.addf %mul3A_25, %add3A_26 : vector<1024x128xf32>
    %max3A = arith.constant 0.000000e+00 : f32
    %max3A_28 = vector.broadcast %max3A : f32 to vector<1024x128xf32>
    %max3A_29 = arith.maximumf %add3A_27, %max3A_28 : vector<1024x128xf32>
    %get3A_30 = arith.constant 0 : index
    %get3A_31 = arith.constant 0 : index
    %get3A_32 = vector.load %arg5[%get3A_30, %get3A_31] : memref<128x128xf32, #tpu.memory_space<vmem>>, vector<128x128xf32>
    %dot_general3A = arith.constant dense<0.000000e+00> : vector<1024x128xf32>
    %dot_general3A_33 = tpu.matmul %max3A_29, %get3A_32, %dot_general3A {dimension_numbers = #tpu.dot_dimension_numbers<[1], [0], [0], [1], [0, 0, 1, 1], [], []>, precision = #tpu.contract_precision<fp32>, transpose_lhs_hint = false} : vector<1024x128xf32>, vector<128x128xf32>, vector<1024x128xf32> -> vector<1024x128xf32>
    %max3A_34 = arith.constant 0.000000e+00 : f32
    %max3A_35 = vector.broadcast %max3A_34 : f32 to vector<1024x128xf32>
    %max3A_36 = arith.maximumf %dot_general3A_33, %max3A_35 : vector<1024x128xf32>
    %swap3A = arith.constant 0 : index
    %swap3A_37 = arith.constant 0 : index
    %swap3A_38 = vector.load %arg6[%swap3A, %swap3A_37] : memref<1024x128xf32, #tpu.memory_space<vmem>>, vector<1024x128xf32>
    tpu.vector_store %arg6[%swap3A, %swap3A_37], %max3A_36 {strides = array<i32>} : memref<1024x128xf32, #tpu.memory_space<vmem>>, vector<1024x128xf32>,
    return
  }
  func.func @transform_0(%arg0: i32) -> (i32, i32) {
    %c0_i32 = arith.constant 0 : i32
    %c0_i32_0 = arith.constant 0 : i32
    return %arg0, %c0_i32 : i32, i32
  }
  func.func @transform_1(%arg0: i32) -> (i32, i32) {
    %c0_i32 = arith.constant 0 : i32
    %c0_i32_0 = arith.constant 0 : i32
    %c0_i32_1 = arith.constant 0 : i32
    return %c0_i32, %c0_i32_0 : i32, i32
  }
  func.func @transform_2(%arg0: i32) -> (i32, i32) {
    %c0_i32 = arith.constant 0 : i32
    %c0_i32_0 = arith.constant 0 : i32
    %c0_i32_1 = arith.constant 0 : i32
    return %c0_i32, %c0_i32_0 : i32, i32
  }
  func.func @transform_3(%arg0: i32) -> (i32, i32) {
    %c0_i32 = arith.constant 0 : i32
    %c0_i32_0 = arith.constant 0 : i32
    %c0_i32_1 = arith.constant 0 : i32
    return %c0_i32, %c0_i32_0 : i32, i32
  }
  func.func @transform_4(%arg0: i32) -> (i32, i32) {
    %c0_i32 = arith.constant 0 : i32
    %c0_i32_0 = arith.constant 0 : i32
    %c0_i32_1 = arith.constant 0 : i32
    return %c0_i32, %c0_i32_0 : i32, i32
  }
  func.func @transform_5(%arg0: i32) -> (i32, i32) {
    %c0_i32 = arith.constant 0 : i32
    %c0_i32_0 = arith.constant 0 : i32
    return %arg0, %c0_i32 : i32, i32
  }
}

module attributes {stable_mosaic.version = 14 : i64} {
  func.func @_pool_body(%arg0: i32, %arg1: memref<1024x1xi32, #tpu.memory_space<vmem>>, %arg2: memref<1024x128xf32, #tpu.memory_space<vmem>>, %arg3: memref<64x128xf32, #tpu.memory_space<vmem>>, %arg4: memref<64x128xf32, #tpu.memory_space<vmem>>, %arg5: memref<64x128xf32, #tpu.memory_space<vmem>>) attributes {dimension_semantics = [#tpu.dimension_semantics<arbitrary>], iteration_bounds = array<i64: 10>, scalar_prefetch = 0 : i64, scratch_operands = 2 : i64, tpu.core_type = #tpu.core_type<tc>, window_params = [{transform_indices = @transform_0, window_bounds = array<i64: 1024, 1>}, {transform_indices = @transform_1, window_bounds = array<i64: 1024, 128>}, {pipeline_mode = #tpu.pipeline_mode<synchronous>, transform_indices = @transform_2, window_bounds = array<i64: 64, 128>}]} {
    %iota3A = tpu.iota {dimensions = array<i32: 1>} : vector<1024x64xi32>
    %get3A = arith.constant 0 : index
    %get3A_0 = arith.constant 0 : index
    %get3A_1 = vector.load %arg1[%get3A, %get3A_0] : memref<1024x1xi32, #tpu.memory_space<vmem>>, vector<1024x1xi32>
    %eq3A = vector.broadcast %get3A_1 : vector<1024x1xi32> to vector<1024x64xi32>
    %eq3A_2 = arith.cmpi eq, %eq3A, %iota3A : vector<1024x64xi32>
    %convert_element_type3A = arith.extui %eq3A_2 : vector<1024x64xi1> to vector<1024x64xi32>
    %convert_element_type3A_3 = arith.sitofp %convert_element_type3A : vector<1024x64xi32> to vector<1024x64xf32>
    %eq3A_4 = arith.constant 0 : i32
    %eq3A_5 = arith.cmpi eq, %arg0, %eq3A_4 : i32
    %convert_element_type3A_6 = arith.extui %eq3A_5 : i1 to i32
    %cond3A = arith.constant 0 : i32
    %cond3A_7 = arith.cmpi ne, %convert_element_type3A_6, %cond3A : i32
    scf.if %cond3A_7 {
      %broadcast_in_dim3A_38 = arith.constant 0.000000e+00 : f32
      %broadcast_in_dim3A_39 = vector.broadcast %broadcast_in_dim3A_38 : f32 to vector<64x128xf32>
      %swap3A_40 = arith.constant 0 : index
      %swap3A_41 = arith.constant 0 : index
      %swap3A_42 = vector.load %arg4[%swap3A_40, %swap3A_41] : memref<64x128xf32, #tpu.memory_space<vmem>>, vector<64x128xf32>
      tpu.vector_store %arg4[%swap3A_40, %swap3A_41], %broadcast_in_dim3A_39 {strides = array<i32>} : memref<64x128xf32, #tpu.memory_space<vmem>>, vector<64x128xf32>,
      %broadcast_in_dim3A_43 = arith.constant 0.000000e+00 : f32
      %broadcast_in_dim3A_44 = vector.broadcast %broadcast_in_dim3A_43 : f32 to vector<64x128xf32>
      %swap3A_45 = arith.constant 0 : index
      %swap3A_46 = arith.constant 0 : index
      %swap3A_47 = vector.load %arg5[%swap3A_45, %swap3A_46] : memref<64x128xf32, #tpu.memory_space<vmem>>, vector<64x128xf32>
      tpu.vector_store %arg5[%swap3A_45, %swap3A_46], %broadcast_in_dim3A_44 {strides = array<i32>} : memref<64x128xf32, #tpu.memory_space<vmem>>, vector<64x128xf32>,
    } else {
    }
    %get3A_8 = arith.constant 0 : index
    %get3A_9 = arith.constant 0 : index
    %get3A_10 = vector.load %arg4[%get3A_8, %get3A_9] : memref<64x128xf32, #tpu.memory_space<vmem>>, vector<64x128xf32>
    %get3A_11 = arith.constant 0 : index
    %get3A_12 = arith.constant 0 : index
    %get3A_13 = vector.load %arg2[%get3A_11, %get3A_12] : memref<1024x128xf32, #tpu.memory_space<vmem>>, vector<1024x128xf32>
    %dot_general3A = arith.constant dense<0.000000e+00> : vector<64x128xf32>
    %dot_general3A_14 = tpu.matmul %convert_element_type3A_3, %get3A_13, %dot_general3A {dimension_numbers = #tpu.dot_dimension_numbers<[0], [0], [1], [1], [0, 1, 1, 1], [], []>, precision = #tpu.contract_precision<fp32>, transpose_lhs_hint = false} : vector<1024x64xf32>, vector<1024x128xf32>, vector<64x128xf32> -> vector<64x128xf32>
    %add3A = arith.addf %get3A_10, %dot_general3A_14 : vector<64x128xf32>
    %swap3A = arith.constant 0 : index
    %swap3A_15 = arith.constant 0 : index
    %swap3A_16 = vector.load %arg4[%swap3A, %swap3A_15] : memref<64x128xf32, #tpu.memory_space<vmem>>, vector<64x128xf32>
    tpu.vector_store %arg4[%swap3A, %swap3A_15], %add3A {strides = array<i32>} : memref<64x128xf32, #tpu.memory_space<vmem>>, vector<64x128xf32>,
    %get3A_17 = arith.constant 0 : index
    %get3A_18 = arith.constant 0 : index
    %get3A_19 = vector.load %arg5[%get3A_17, %get3A_18] : memref<64x128xf32, #tpu.memory_space<vmem>>, vector<64x128xf32>
    %broadcast_in_dim3A = arith.constant 1.000000e+00 : f32
    %broadcast_in_dim3A_20 = vector.broadcast %broadcast_in_dim3A : f32 to vector<1024x128xf32>
    %dot_general3A_21 = arith.constant dense<0.000000e+00> : vector<64x128xf32>
    %dot_general3A_22 = tpu.matmul %convert_element_type3A_3, %broadcast_in_dim3A_20, %dot_general3A_21 {dimension_numbers = #tpu.dot_dimension_numbers<[0], [0], [1], [1], [0, 1, 1, 1], [], []>, precision = #tpu.contract_precision<fp32>, transpose_lhs_hint = false} : vector<1024x64xf32>, vector<1024x128xf32>, vector<64x128xf32> -> vector<64x128xf32>
    %add3A_23 = arith.addf %get3A_19, %dot_general3A_22 : vector<64x128xf32>
    %swap3A_24 = arith.constant 0 : index
    %swap3A_25 = arith.constant 0 : index
    %swap3A_26 = vector.load %arg5[%swap3A_24, %swap3A_25] : memref<64x128xf32, #tpu.memory_space<vmem>>, vector<64x128xf32>
    tpu.vector_store %arg5[%swap3A_24, %swap3A_25], %add3A_23 {strides = array<i32>} : memref<64x128xf32, #tpu.memory_space<vmem>>, vector<64x128xf32>,
    %get3A_27 = arith.constant 0 : index
    %get3A_28 = arith.constant 0 : index
    %get3A_29 = vector.load %arg4[%get3A_27, %get3A_28] : memref<64x128xf32, #tpu.memory_space<vmem>>, vector<64x128xf32>
    %get3A_30 = arith.constant 0 : index
    %get3A_31 = arith.constant 0 : index
    %get3A_32 = vector.load %arg5[%get3A_30, %get3A_31] : memref<64x128xf32, #tpu.memory_space<vmem>>, vector<64x128xf32>
    %max3A = arith.constant 1.000000e+00 : f32
    %max3A_33 = vector.broadcast %max3A : f32 to vector<64x128xf32>
    %max3A_34 = arith.maximumf %get3A_32, %max3A_33 : vector<64x128xf32>
    %div3A = arith.divf %get3A_29, %max3A_34 : vector<64x128xf32>
    %swap3A_35 = arith.constant 0 : index
    %swap3A_36 = arith.constant 0 : index
    %swap3A_37 = vector.load %arg3[%swap3A_35, %swap3A_36] : memref<64x128xf32, #tpu.memory_space<vmem>>, vector<64x128xf32>
    tpu.vector_store %arg3[%swap3A_35, %swap3A_36], %div3A {strides = array<i32>} : memref<64x128xf32, #tpu.memory_space<vmem>>, vector<64x128xf32>,
    return
  }
  func.func @transform_0(%arg0: i32) -> (i32, i32) {
    %c0_i32 = arith.constant 0 : i32
    %c0_i32_0 = arith.constant 0 : i32
    return %arg0, %c0_i32 : i32, i32
  }
  func.func @transform_1(%arg0: i32) -> (i32, i32) {
    %c0_i32 = arith.constant 0 : i32
    %c0_i32_0 = arith.constant 0 : i32
    return %arg0, %c0_i32 : i32, i32
  }
  func.func @transform_2(%arg0: i32) -> (i32, i32) {
    %c0_i32 = arith.constant 0 : i32
    %c0_i32_0 = arith.constant 0 : i32
    %c0_i32_1 = arith.constant 0 : i32
    return %c0_i32, %c0_i32_0 : i32, i32
  }
}

</mosaic_0001>

<sc_bundles>
// kernel: kernel.30.cloned.1.call-start
scs
__scs_entry_jumppad:
0x0: {  	(pc) =	sbr.rel $0x88, $3  }
0x1: {  	(tag) =	ssettag $0x0;
	lr =	simm.s32 $0x1  }
0x2: {  	[smem:$0x3F6F] =	sst lr;
	_ =	strace $0xD0000000  }
0x3: {  	_ = 	snop  }
0x4: {  	_ = 	snop  }
0x5: {  	_ = 	snop  }
0x6: {  	_ = 	snop  }
0x7: {  	_ = 	snop  }
__scs_overlays_trampoline_lowered:
0x8: {  	[smem:$0x3F7E] =	sst s0  }
0x9: {  	[smem:$0x3F7F] =	sst s1  }
0xa: {  	[smem:$0x3F80] =	sst s2  }
0xb: {  	[smem:$0x3F81] =	sst s3  }
0xc: {  	[smem:$0x3F82] =	sst s4  }
0xd: {  	[smem:$0x3F83] =	sst s5  }
0xe: {  	[smem:$0x3F84] =	sst s6  }
0xf: {  	[smem:$0x3F85] =	sst s7  }
0x10: {  	[smem:$0x3F86] =	sst s8  }
0x11: {  	[smem:$0x3F87] =	sst s9;
	s0 =	simm.s32 @!p0 $0x0  }
0x12: {  	s1 =	sld [smem:$0x3F6D];
	s0 =	simm.s32 @p0 $0x1  }
0x13: {  	[smem:$0x3F88] =	sst s0;
	s0 =	simm.s32 @!p1 $0x0  }
0x14: {  	s2 =	sld [smem:$0x3F6C];
	s0 =	simm.s32 @p1 $0x1  }
0x15: {  	[smem:$0x3F89] =	sst s0;
	s0 =	simm.s32 @!p2 $0x0  }
0x16: {  	s3 =	sld [smem:$0x3FDB];
	s0 =	simm.s32 @p2 $0x1  }
0x17: {  	s4 =	simm.s32 $0x1BF5;
	[smem:$0x3F8B] =	sst s0  }
0x18: {  	s0 =	sld [smem:$0x3F6E];
	_ =	swait.ge [sflag:s4], $0x0  }
0x19: {  	s7 =	sld [smem:$0x3F6F]  }
0x1a: {  	s8 =	sadd.s32 $0xFFFFE003, lr  }
0x1b: {  	s9 =	sadd.s32 $0xFFFFFEF7, lr;
	s5 =	simm.s32 $0xFFFFFFFF;
	p2 =	slt.u32 s8, $0xFFFFF086  }
0x1c: {  	p1 =	slt.u32 s9, $0xF7A;
	s5 =	simm.s32 @!p2 $0x0  }
0x1d: {  	s5 =	simm.s32 @p1 $0x1;
	p0 =	seq.s32 s7, s2  }
0x1e: {  	s7 =	smul.u32 @!p0 $0xF7A, s2;
	p2 =	seq.s32 @!p0 s5, $0x0  }
0x1f: {  	s9 =	smul.u32 $0xF7A, s1;
	s8 =	simm.s32 @!p0 $0x1BF5;
	p2 =	por !p2, p0  }
0x20: {  	[sflag:s8] =	ssyncset.s32 @!p0 $0xFFFFF086;
	s6 =	sadd.s32 @!p0 s3, s7;
	s7 =	simm.s32 @!p0 $0x108  }
0x21: {  	s3 =	sadd.s32 s3, s9;
	s6 =	sadd.s32 @!p0 $0x88, s6;
	s7 =	simm.s32 @p2 $0x1082  }
0x22: {  	[simem:s7], [sflag:s8] =	dma.local @!p0 [hbm:s6], $0xF7A  }
0x23: {  	s9 =	sor.u32 $0xD0000000, s2;
	s6 =	simm.s32 $0x108;
	_ =	swait.ge @!p0 [sflag:s8], $0x0  }
0x24: {  	s3 =	sadd.s32 $0x88, s3;
	s6 =	simm.s32 @!p1 $0x1082;
	[sflag:s4] =	ssyncset.s32 $0xFFFFF086  }
0x25: {  	[simem:s6], [sflag:s4] =	dma.local [hbm:s3], $0xF7A  }
0x26: {  	[smem:$0x3F6F] =	sst s1;
	(tag) =	ssettag s2;
	_ =	strace s9  }
0x27: {  	s1 =	sld [smem:$0x3F7F]  }
0x28: {  	s2 =	sld [smem:$0x3F80]  }
0x29: {  	s4 =	sld [smem:$0x3F82]  }
0x2a: {  	p0 =	seq.s32 s5, $0x0;
	s5 =	sld [smem:$0x3F83]  }
0x2b: {  	s6 =	sld [smem:$0x3F84]  }
0x2c: {  	s7 =	sld [smem:$0x3F85]  }
0x2d: {  	s3 =	simm.s32 $0x108;
	s8 =	sld [smem:$0x3F86]  }
0x2e: {  	s3 =	simm.s32 @!p0 $0x1082;
	s9 =	sld [smem:$0x3F87]  }
0x2f: {  	lr =	sadd.s32 s0, s3;
	s0 =	sld [smem:$0x3F7E]  }
0x30: {  	s3 =	sld [smem:$0x3F81]  }
0x31: {  	[smem:$0x3F8A] =	sst s10  }
0x32: {  	s10 =	sld [smem:$0x3F88];
	_ =	sdelay $0x3  }
0x33: {  	p0 =	seq.s32 s10, $0x1;
	s10 =	sld [smem:$0x3F8A];
	_ =	sdelay $0x3  }
0x34: {  	[smem:$0x3F8A] =	sst s10  }
0x35: {  	s10 =	sld [smem:$0x3F89];
	_ =	sdelay $0x3  }
0x36: {  	p1 =	seq.s32 s10, $0x1;
	s10 =	sld [smem:$0x3F8A];
	_ =	sdelay $0x3  }
0x37: {  	[smem:$0x3F8A] =	sst s10  }
0x38: {  	s10 =	sld [smem:$0x3F8B]  }
0x39: {  	_ = 	snop;
	(pc) =	sbr.ind lr, $3  }
0x3a: {  	_ = 	snop  }
0x3b: {  	_ = 	snop  }
0x3c: {  	p2 =	seq.s32 s10, $0x1;
	s10 =	sld [smem:$0x3F8A]  }
0x3d: {  	_ =	shalt  }
0x3e: {  	_ =	shalt  }
0x3f: {  	_ =	shalt  }
0x40: {  	_ =	shalt  }
0x41: {  	_ =	shalt  }
0x42: {  	_ =	shalt  }
0x43: {  	_ =	shalt  }
0x44: {  	_ =	shalt  }
0x45: {  	_ =	shalt  }
0x46: {  	_ =	shalt  }
0x47: {  	_ =	shalt  }
0x48: {  	_ =	shalt  }
0x49: {  	_ =	shalt  }
0x4a: {  	_ =	shalt  }
0x4b: {  	_ =	shalt  }
0x4c: {  	_ =	shalt  }
0x4d: {  	_ =	shalt  }
0x4e: {  	_ =	shalt  }
0x4f: {  	_ =	shalt  }
0x50: {  	_ =	shalt  }
0x51: {  	_ =	shalt  }
0x52: {  	_ =	shalt  }
0x53: {  	_ =	shalt  }
0x54: {  	_ =	shalt  }
0x55: {  	_ =	shalt  }
0x56: {  	_ =	shalt  }
0x57: {  	_ =	shalt  }
0x58: {  	_ =	shalt  }
0x59: {  	_ =	shalt  }
0x5a: {  	_ =	shalt  }
0x5b: {  	_ =	shalt  }
0x5c: {  	_ =	shalt  }
0x5d: {  	_ =	shalt  }
0x5e: {  	_ =	shalt  }
0x5f: {  	_ =	shalt  }
0x60: {  	_ =	shalt  }
0x61: {  	_ =	shalt  }
0x62: {  	_ =	shalt  }
0x63: {  	_ =	shalt  }
0x64: {  	_ =	shalt  }
0x65: {  	_ =	shalt  }
0x66: {  	_ =	shalt  }
0x67: {  	_ =	shalt  }
0x68: {  	_ =	shalt  }
0x69: {  	_ =	shalt  }
0x6a: {  	_ =	shalt  }
0x6b: {  	_ =	shalt  }
0x6c: {  	_ =	shalt  }
0x6d: {  	_ =	shalt  }
0x6e: {  	_ =	shalt  }
0x6f: {  	_ =	shalt  }
0x70: {  	_ =	shalt  }
0x71: {  	_ =	shalt  }
0x72: {  	_ =	shalt  }
0x73: {  	_ =	shalt  }
0x74: {  	_ =	shalt  }
0x75: {  	_ =	shalt  }
0x76: {  	_ =	shalt  }
0x77: {  	_ =	shalt  }
0x78: {  	_ =	shalt  }
0x79: {  	_ =	shalt  }
0x7a: {  	_ =	shalt  }
0x7b: {  	_ =	shalt  }
0x7c: {  	_ =	shalt  }
0x7d: {  	_ =	shalt  }
0x7e: {  	_ =	shalt  }
0x7f: {  	_ =	shalt  }
0x80: {  	_ =	shalt  }
0x81: {  	_ =	shalt  }
0x82: {  	_ =	shalt  }
0x83: {  	_ =	shalt  }
0x84: {  	_ =	shalt  }
0x85: {  	_ =	shalt  }
0x86: {  	_ =	shalt  }
0x87: {  	_ =	shalt  }
.Lfunc_end0:
.L_simem_size_0:
called_computation_lowered:
.L_overlay_start_0:
0x88: {  	s2 =	sld [smem:$0x3FD9]  }
0x89: {  	s3 =	sld [smem:$0x3FFE];
	_ =	sdelay $0x1  }
0x8a: {  	s1 =	srdreg.scid  }
0x8b: {  	s0 =	sand.u32 $0x1, s1  }
0x8c: {  	s16 =	sshll.u32 s0, $0xA;
	s2 =	sadd.s32 s3, s2  }
0x8d: {  	s2 =	sadd.s32 s2, s16  }
0x8e: {  	[smem:$0x3F96] =	sst s2  }
0x8f: {  	_ = 	snop  }
0x90: {  	(tm) =	ssettm $0x1  }
0x91: {  	s17 =	sld [smem:$0x3FFB];
	_ =	sdelay $0x3  }
0x92: {  	_ =	strace s17  }
0x93: {  	s2 =	sld [smem:$0x3FFC];
	_ =	sdelay $0x3  }
0x94: {  	_ =	strace s2  }
0x95: {  	s2 =	sld [smem:$0x3FFD];
	_ =	sdelay $0x3  }
0x96: {  	_ =	strace s2  }
0x97: {  	_ =	strace $0x8FFFFFFF  }
0x98: {  	s18 =	sld [smem:$0x3FDB];
	_ =	sdelay $0x1  }
0x99: {  	s19 =	simm.s32 $_scs_section_size  }
0x9a: {  	s4 =	simm.s32 $_size__tile_overlayer_lowered;
	s5 =	simm.s32 $_tile_overlayer_lowered  }
0x9b: {  	s22 =	simm.s32 $0x1BFF;
	s21 =	sshll.u32 s5, $0x1;
	s2 =	sadd.s32 s19, s18  }
0x9c: {  	s6 =	simm.s32 $0x0;
	s20 =	sshll.u32 s4, $0x1;
	s4 =	sadd.s32 s21, s2  }
0x9d: {  	[timem:s6], [sflag:s22] =	dma.local [hbm:s4], s20  }
0x9e: {  	_ =	swait.ge [sflag:s22], s20  }
0x9f: {  	s3 =	ssub.s32 $0x0, s20;
	[sflag:s22] =	ssyncset.done $0x0  }
0xa0: {  	[sflag:s22] =	ssyncadd.s32 s3;
	_ =	sdelay $0x1  }
0xa1: {  	s23 =	simm.s32 $0x1B8B  }
0xa2: {  	_ =	swait.ge [sflag:s23], $0x1  }
0xa3: {  	[sflag:s23] =	ssyncset.done $0x0  }
0xa4: {  	s25 =	simm.s32 $0x1B8E;
	s24 =	sld [smem:$0x3FFE];
	[sflag:s23] =	ssyncadd.s32 $0xFFFFFFFF  }
0xa5: {  	s26 =	simm.s32 $execute0_lowered;
	[smem:$0x3FD2] =	sst s25  }
0xa6: {  	s4 =	sshll.u32 s26, $0x1;
	_ =	strace $0x80000046;
	[dreg:$0x1] =	wrdreg $0xFFFFFFFF  }
0xa7: {  	s28 =	simm.s32 $_size_execute0_lowered;
	s2 =	sadd.s32 s2, s4;
	[dreg:$0x0] =	wrdreg $0x0  }
0xa8: {  	s4 =	sshll.u32 s28, $0x1;
	[dreg:$0x2] =	wrdreg s2  }
0xa9: {  	[dreg:$0x3] =	wrdreg s4  }
0xaa: {  	[dreg:$0x4] =	wrdreg $0xC0  }
0xab: {  	_ =	task [dreg:s6], $0x5FFFF  }
0xac: {  	[dreg:$0x1] =	wrdreg $0xFFFFFFFF  }
0xad: {  	[dreg:$0x0] =	wrdreg $0x60  }
0xae: {  	[dreg:$0x2] =	wrdreg s24  }
0xaf: {  	[dreg:$0x3] =	wrdreg $0x41000  }
0xb0: {  	[dreg:$0x4] =	wrdreg $0x9  }
0xb1: {  	_ =	task.clear_ibuf [dreg:s6], $0x5FFFF;
	_ =	strace $0x90000046  }
0xb2: {  	s29 =	simm.s32 $0x9;
	_ =	strace $0x80000048  }
0xb3: {  	_ =	swait.ge [sflag:s29], $0x1  }
0xb4: {  	[sflag:s29] =	ssyncadd.s32 $0xFFFFFFFF  }
0xb5: {  	_ =	strace $0x90000048  }
0xb6: {  	_ =	sfence  }
0xb7: {  	s30 =	sld [smem:$0x0];
	_ =	sdelay $0x2  }
0xb8: {  	s31 =	sshll.u32 s1, $0xD;
	s1 =	sshrl.u32 s1, $0x2  }
0xb9: {  	s3 =	sand.u32 $0x4000, s31;
	s1 =	sadd.s32 s1, s30  }
0xba: {  	s0 =	sor.u32 s3, s0;
	s1 =	sshll.u32 s1, $0x11  }
0xbb: {  	s0 =	sor.u32 s1, s0  }
0xbc: {  	s0 =	sadd.s32 $0x8F2B, s0  }
0xbd: {  	[sflag:s0] =	ssyncadd.remote.s32 $0x1  }
0xbe: {  	_ =	sfence.sel $0xFFFF  }
0xbf: {  	[dreg:$0x0] =	wrdreg $0xFFFFFFFF;
	(pc) =	sbr.abs _section_cstart, $3  }
0xc0: {  	[dreg:$0x1] =	wrdreg $0xFFFFFFFF  }
0xc1: {  	_ =	task.clear_ibuf [dreg:s6], $0x2FFFF;
	_ =	strace $0x9FFFFFFF  }
0xc2: {  	(tm) =	ssettm $0x7FFFFFFF  }
0xc3: {  	_ =	shalt  }
tec
execute0_lowered:
.L_overlay_start_1:
0x0: {  	(tag) =	ssettag $0x1  }
0x1: {  	s5 =	rddreg [dreg:$0x0]  }
0x2: {  	s1 =	rddreg [dreg:$0x1]  }
0x3: {  	s2 =	srdreg.scid;
	s0 =	rddreg [dreg:$0x2];
	s3 =	simm.s32 $0x0  }
0x4: {  	s14 =	simm.s32 $0x100;
	s15 =	simm.s32 $0x2;
	s16 =	simm.s32 $0x80  }
0x5: {  	s17 =	simm.s32 $0x1;
	s6 =	sand.u32 $0x1, s2;
	s2 =	stileid.u32  }
0x6: {  	s20 =	simm.s32 $0x0;
	[smem:$0x7FF] =	sst s3;
	s4 =	smul.u32 $0x27800, s6  }
0x7: {  	s7 =	sshll.u32 s2, $0x7;
	s8 =	smul.u32 $0x28000, s6;
	_ =	strace $0x80000047  }
0x8: {  	s9 =	smul.u32 $0x2800, s2;
	s6 =	ssub.s32 $0x2, s6;
	s18 =	sshll.u32 s2, $0x6  }
0x9: {  	s10 =	smul.u32 $0x50000, s2;
	s29 =	sshrl.u32 s6, $0x1;
	s18 =	sor.u32 $0x1C02, s18  }
0xa: {  	s7 =	sor.u32 s7, s4;
	s4 =	sadd.s32 $0x1E400, s5;
	s28 =	sadd.s32 s9, s8  }
0xb: {  	s30 =	sshrl.u32 s10, $0x2;
	s31 =	ssub.s32 s6, s29;
	s7 =	sshrl.u32 s7, $0x3  }
0xc: {  	s13 =	sadd.s32 s7, s5;
	s7 =	sadd.s32 s28, s5;
	s5 =	sadd.s32 s30, s1  }
0xd: {  	s6 =	sadd.s32 $0x6E400, s7;
	s7 =	smax.u32 s31, $0x1;
	s8 =	sadd.s32 $0x4000, s5  }
0xe: {  	s9 =	sadd.s32 $0x8000, s5;
	s10 =	sadd.s32 $0xC000, s5;
	s11 =	sadd.s32 $0x10000, s5  }
0xf: {  	v0 =	vimm.f32 $0.0e+00;
	s12 =	sadd.s32 $0x14600, s13;
	s13 =	sadd.s32 $0xA800, s13;
	s19 =	sshrl.u32 s5, $0x3  }
.LBB2_1:
0x10: {  	s21 =	simm.s32 $0x0;
	s22 =	simm.s32 $0x200  }
.LBB2_2:
0x11: {  	p0 =	sne.s32 s22, $0xFE00;
	[tilespmem:s21+$0x170] =	vst v0  }
0x12: {  	[tilespmem:s21+$0x100] =	vst v0  }
0x13: {  	[tilespmem:s21+$0x110] =	vst v0  }
.Ltmp0:
0x14: {  	[tilespmem:s21+$0x120] =	vst v0;
	(pc) =	sbr.rel @p0 .LBB2_2-.Ltmp0, $4  }
0x15: {  	[tilespmem:s21+$0x130] =	vst v0  }
0x16: {  	[tilespmem:s21+$0x140] =	vst v0  }
0x17: {  	[tilespmem:s21+$0x150] =	vst v0  }
0x18: {  	[tilespmem:s21+$0x160] =	vst v0;
	s21 =	sshra.s32 s22, $0x2;
	s22 =	sadd.s32 $0x200, s22  }
0x19: {  	[tilespmem:s21+$0x170] =	vst v0  }
0x1a: {  	[tilespmem:s21+$0x100] =	vst v0  }
0x1b: {  	[tilespmem:s21+$0x110] =	vst v0  }
0x1c: {  	[tilespmem:s21+$0x120] =	vst v0  }
0x1d: {  	[tilespmem:s21+$0x130] =	vst v0  }
0x1e: {  	[tilespmem:s21+$0x140] =	vst v0  }
0x1f: {  	[tilespmem:s21+$0x150] =	vst v0  }
0x20: {  	[tilespmem:s21+$0x160] =	vst v0  }
0x21: {  	[spmem:s5] =	stream.linear.scatter [tilespmem:s14], [sflag:$0x2], $0x4000, $0x38;
	[tilespmem:$0x18100] =	vst v63  }
0x22: {  	_ =	swait.ge [sflag:s15], $0x4000  }
0x23: {  	[sflag:s15] =	ssyncset.done $0x0  }
0x24: {  	[sflag:s15] =	ssyncadd.s32 $0xFFFFC000  }
0x25: {  	[spmem:s8] =	stream.linear.scatter [tilespmem:s14], [sflag:$0x2], $0x4000, $0x38;
	[tilespmem:$0x18100] =	vst v63  }
0x26: {  	_ =	swait.ge [sflag:s15], $0x4000  }
0x27: {  	[sflag:s15] =	ssyncset.done $0x0  }
0x28: {  	[sflag:s15] =	ssyncadd.s32 $0xFFFFC000  }
0x29: {  	[spmem:s9] =	stream.linear.scatter [tilespmem:s14], [sflag:$0x2], $0x4000, $0x38;
	[tilespmem:$0x18100] =	vst v63  }
0x2a: {  	_ =	swait.ge [sflag:s15], $0x4000  }
0x2b: {  	[sflag:s15] =	ssyncset.done $0x0  }
0x2c: {  	[sflag:s15] =	ssyncadd.s32 $0xFFFFC000  }
0x2d: {  	[spmem:s10] =	stream.linear.scatter [tilespmem:s14], [sflag:$0x2], $0x4000, $0x38;
	[tilespmem:$0x18100] =	vst v63  }
0x2e: {  	_ =	swait.ge [sflag:s15], $0x4000  }
0x2f: {  	[sflag:s15] =	ssyncset.done $0x0  }
0x30: {  	[sflag:s15] =	ssyncadd.s32 $0xFFFFC000  }
0x31: {  	[spmem:s11] =	stream.linear.scatter [tilespmem:s14], [sflag:$0x2], $0x4000, $0x38;
	[tilespmem:$0x18100] =	vst v63  }
0x32: {  	_ =	swait.ge [sflag:s15], $0x4000  }
0x33: {  	[sflag:s15] =	ssyncset.done $0x0  }
0x34: {  	[sflag:s15] =	ssyncadd.s32 $0xFFFFC000  }
0x35: {  	s30 =	sadd.s32 $0x0, s13;
	[bflag:$0x0] =	sbarrier.arrive $0xFFFF  }
0x36: {  	[tilespmem:s3], [sflag:$0x2] =	stream.linear.gather [hbm4b:s30+s3], $0x80, $0x38;
	[tilespmem:$0x18100] =	vst v63  }
0x37: {  	_ =	swait.ge [sflag:s15], $0x80  }
0x38: {  	[sflag:s15] =	ssyncset.done $0x0  }
0x39: {  	s31 =	sadd.s32 $0x0, s12;
	[sflag:s15] =	ssyncadd.s32 $0xFFFFFF80  }
0x3a: {  	[tilespmem:s16], [sflag:$0x2] =	stream.linear.gather [hbm4b:s31+s3], $0x80, $0x38;
	[tilespmem:$0x18100] =	vst v63  }
0x3b: {  	_ =	swait.ge [sflag:s15], $0x80  }
0x3c: {  	[sflag:s15] =	ssyncset.done $0x0  }
0x3d: {  	[sflag:s15] =	ssyncadd.s32 $0xFFFFFF80  }
0x3e: {  	[tilespmem:s14], [sflag:$0x1] =	stream.indirect.gather [hbm4b:s4+s16], $0x80, s3, s16, $0xb8;
	[tilespmem:$0x18100] =	vst v63  }
0x3f: {  	_ =	swait.ge [sflag:s17], $0x4000  }
0x40: {  	[sflag:s17] =	ssyncset.done $0x0  }
0x41: {  	[sflag:s17] =	ssyncadd.s32 $0xFFFFC000  }
0x42: {  	[spmem:s1] =	stream.indirect.scatter.add.f32 [tilespmem:s14], [sflag:$0x2], $0x80, s16, s16, $0xb8;
	[tilespmem:$0x18100] =	vst v63  }
0x43: {  	_ =	swait.ge [sflag:s15], $0x4000  }
0x44: {  	s21 =	simm.s32 $0x100;
	s22 =	simm.s32 $0x200;
	[sflag:s15] =	ssyncset.done $0x0  }
.LBB2_4:
0x45: {  	s23 =	sadd.s32 s21, s13  }
0x46: {  	[sflag:s15] =	ssyncadd.s32 $0xFFFFC000;
	s24 =	smov.u32 s22;
	s25 =	sadd.s32 $0x100, s22  }
0x47: {  	[tilespmem:s3], [sflag:$0x2] =	stream.linear.gather [hbm4b:s23+s3], $0x80, $0x38;
	[tilespmem:$0x18100] =	vst v63  }
0x48: {  	p0 =	sne.s32 s22, $0x4E00;
	_ =	swait.ge [sflag:s15], $0x80  }
0x49: {  	[sflag:s15] =	ssyncset.done $0x0  }
0x4a: {  	s22 =	sadd.s32 s21, s12;
	s21 =	smov.u32 s24;
	[sflag:s15] =	ssyncadd.s32 $0xFFFFFF80  }
0x4b: {  	[tilespmem:s16], [sflag:$0x2] =	stream.linear.gather [hbm4b:s22+s3], $0x80, $0x38;
	[tilespmem:$0x18100] =	vst v63  }
0x4c: {  	_ =	swait.ge [sflag:s15], $0x80  }
0x4d: {  	[sflag:s15] =	ssyncset.done $0x0  }
0x4e: {  	[sflag:s15] =	ssyncadd.s32 $0xFFFFFF80  }
0x4f: {  	[tilespmem:s14], [sflag:$0x1] =	stream.indirect.gather [hbm4b:s4+s16], $0x80, s3, s16, $0xb8;
	[tilespmem:$0x18100] =	vst v63  }
0x50: {  	_ =	swait.ge [sflag:s17], $0x4000  }
.Ltmp1:
0x51: {  	[sflag:s17] =	ssyncset.done $0x0;
	(pc) =	sbr.rel @p0 .LBB2_4-.Ltmp1, $4  }
0x52: {  	[sflag:s17] =	ssyncadd.s32 $0xFFFFC000  }
0x53: {  	[spmem:s1] =	stream.indirect.scatter.add.f32 [tilespmem:s14], [sflag:$0x2], $0x80, s16, s16, $0xb8;
	[tilespmem:$0x18100] =	vst v63  }
0x54: {  	_ =	swait.ge [sflag:s15], $0x4000  }
0x55: {  	s22 =	smov.u32 s25;
	[sflag:s15] =	ssyncset.done $0x0  }
0x56: {  	s22 =	sadd.s32 s21, s13;
	[sflag:s15] =	ssyncadd.s32 $0xFFFFC000  }
0x57: {  	[tilespmem:s3], [sflag:$0x2] =	stream.linear.gather [hbm4b:s22+s3], $0x80, $0x38;
	[tilespmem:$0x18100] =	vst v63  }
0x58: {  	_ =	swait.ge [sflag:s15], $0x80  }
0x59: {  	[sflag:s15] =	ssyncset.done $0x0  }
0x5a: {  	s31 =	sadd.s32 s21, s12;
	[sflag:s15] =	ssyncadd.s32 $0xFFFFFF80  }
0x5b: {  	[tilespmem:s16], [sflag:$0x2] =	stream.linear.gather [hbm4b:s31+s3], $0x80, $0x38;
	[tilespmem:$0x18100] =	vst v63  }
0x5c: {  	_ =	swait.ge [sflag:s15], $0x80  }
0x5d: {  	[sflag:s15] =	ssyncset.done $0x0  }
0x5e: {  	[sflag:s15] =	ssyncadd.s32 $0xFFFFFF80  }
0x5f: {  	[tilespmem:s14], [sflag:$0x1] =	stream.indirect.gather [hbm4b:s4+s16], $0x80, s3, s16, $0xb8;
	[tilespmem:$0x18100] =	vst v63  }
0x60: {  	_ =	swait.ge [sflag:s17], $0x4000  }
0x61: {  	[sflag:s17] =	ssyncset.done $0x0  }
0x62: {  	[sflag:s17] =	ssyncadd.s32 $0xFFFFC000  }
0x63: {  	[spmem:s1] =	stream.indirect.scatter.add.f32 [tilespmem:s14], [sflag:$0x2], $0x80, s16, s16, $0xb8;
	[tilespmem:$0x18100] =	vst v63  }
0x64: {  	_ =	swait.ge [sflag:s15], $0x4000  }
0x65: {  	s20 =	sadd.s32 $0x1, s20;
	[sflag:s15] =	ssyncset.done $0x0  }
0x66: {  	p0 =	sne.s32 s20, s7;
	[sflag:s15] =	ssyncadd.s32 $0xFFFFC000  }
.Ltmp2:
0x67: {  	[bflag:$0x0] =	sbarrier.arrive $0xFFFF;
	(pc) =	sbr.rel @p0 .LBB2_1-.Ltmp2, $4  }
0x68: {  	[hbm:s6], [sflag:s18] =	dma.local [spmem:s19], $0x2800  }
0x69: {  	_ =	swait.ge [sflag:s15], $0x2800  }
0x6a: {  	[sflag:s15] =	ssyncset.done $0x0  }
0x6b: {  	[sflag:s15] =	ssyncadd.s32 $0xFFFFD800  }
0x6c: {  	_ =	sfence.sel $0x180000  }
0x6d: {  	[bflag:$0x0] =	sbarrier.arrive $0xFFFF  }
0x6e: {  	p0 =	sne.s32 s2, $0x0;
	_ =	strace $0x90000047  }
0x6f: {  	s0 =	sadd.s32 @!p0 $0x100000, s0;
	[bflag:$0x2] =	sbarrier.arrive $0xFFFF  }
0x70: {  	[sflag:s0] =	ssyncadd.tile.s32 @!p0 $0x1;
	_ =	shalt  }
.Lfunc_end2:
_tile_overlayer_lowered:
.L_overlay_start_2:
0x71: {  	(tag) =	ssettag $0x2  }
0x72: {  	s0 =	rddreg [dreg:$0x0];
	s2 =	stileid.u32  }
0x73: {  	s1 =	rddreg [dreg:$0x1];
	p0 =	sne.s32 s2, $0x0  }
0x74: {  	s3 =	rddreg [dreg:$0x2];
	[bflag:$0x3] =	sbarrier.arrive $0xFFFF;
	s2 =	simm.s32 @!p0 $0x1C02  }
0x75: {  	[timem:s3], [sflag:s2] =	dma.local @!p0 [hbm:s0], s1  }
0x76: {  	s0 =	simm.s32 @!p0 $0x2  }
0x77: {  	_ =	swait.ge @!p0 [sflag:s0], s1  }
0x78: {  	s1 =	ssub.s32 @!p0 $0x0, s1;
	[sflag:s0] =	ssyncset.done @!p0 $0x0  }
0x79: {  	[sflag:s0] =	ssyncadd.s32 @!p0 s1  }
0x7a: {  	[bflag:$0x3] =	sbarrier.arrive $0xFFFF  }
0x7b: {  	_ =	shalt  }

// kernel: kernel.33.cloned.1.call-start
scs
__scs_entry_jumppad:
0x0: {  	(pc) =	sbr.rel $0x88, $3  }
0x1: {  	(tag) =	ssettag $0x0;
	lr =	simm.s32 $0x1  }
0x2: {  	[smem:$0x3F6F] =	sst lr;
	_ =	strace $0xD0000000  }
0x3: {  	_ = 	snop  }
0x4: {  	_ = 	snop  }
0x5: {  	_ = 	snop  }
0x6: {  	_ = 	snop  }
0x7: {  	_ = 	snop  }
__scs_overlays_trampoline_lowered:
0x8: {  	[smem:$0x3F7E] =	sst s0  }
0x9: {  	[smem:$0x3F7F] =	sst s1  }
0xa: {  	[smem:$0x3F80] =	sst s2  }
0xb: {  	[smem:$0x3F81] =	sst s3  }
0xc: {  	[smem:$0x3F82] =	sst s4  }
0xd: {  	[smem:$0x3F83] =	sst s5  }
0xe: {  	[smem:$0x3F84] =	sst s6  }
0xf: {  	[smem:$0x3F85] =	sst s7  }
0x10: {  	[smem:$0x3F86] =	sst s8  }
0x11: {  	[smem:$0x3F87] =	sst s9;
	s0 =	simm.s32 @!p0 $0x0  }
0x12: {  	s1 =	sld [smem:$0x3F6D];
	s0 =	simm.s32 @p0 $0x1  }
0x13: {  	[smem:$0x3F88] =	sst s0;
	s0 =	simm.s32 @!p1 $0x0  }
0x14: {  	s2 =	sld [smem:$0x3F6C];
	s0 =	simm.s32 @p1 $0x1  }
0x15: {  	[smem:$0x3F89] =	sst s0;
	s0 =	simm.s32 @!p2 $0x0  }
0x16: {  	s3 =	sld [smem:$0x3FDB];
	s0 =	simm.s32 @p2 $0x1  }
0x17: {  	s4 =	simm.s32 $0x1BF5;
	[smem:$0x3F8B] =	sst s0  }
0x18: {  	s0 =	sld [smem:$0x3F6E];
	_ =	swait.ge [sflag:s4], $0x0  }
0x19: {  	s7 =	sld [smem:$0x3F6F]  }
0x1a: {  	s8 =	sadd.s32 $0xFFFFE003, lr  }
0x1b: {  	s9 =	sadd.s32 $0xFFFFFEF7, lr;
	s5 =	simm.s32 $0xFFFFFFFF;
	p2 =	slt.u32 s8, $0xFFFFF086  }
0x1c: {  	p1 =	slt.u32 s9, $0xF7A;
	s5 =	simm.s32 @!p2 $0x0  }
0x1d: {  	s5 =	simm.s32 @p1 $0x1;
	p0 =	seq.s32 s7, s2  }
0x1e: {  	s7 =	smul.u32 @!p0 $0xF7A, s2;
	p2 =	seq.s32 @!p0 s5, $0x0  }
0x1f: {  	s9 =	smul.u32 $0xF7A, s1;
	s8 =	simm.s32 @!p0 $0x1BF5;
	p2 =	por !p2, p0  }
0x20: {  	[sflag:s8] =	ssyncset.s32 @!p0 $0xFFFFF086;
	s6 =	sadd.s32 @!p0 s3, s7;
	s7 =	simm.s32 @!p0 $0x108  }
0x21: {  	s3 =	sadd.s32 s3, s9;
	s6 =	sadd.s32 @!p0 $0x88, s6;
	s7 =	simm.s32 @p2 $0x1082  }
0x22: {  	[simem:s7], [sflag:s8] =	dma.local @!p0 [hbm:s6], $0xF7A  }
0x23: {  	s9 =	sor.u32 $0xD0000000, s2;
	s6 =	simm.s32 $0x108;
	_ =	swait.ge @!p0 [sflag:s8], $0x0  }
0x24: {  	s3 =	sadd.s32 $0x88, s3;
	s6 =	simm.s32 @!p1 $0x1082;
	[sflag:s4] =	ssyncset.s32 $0xFFFFF086  }
0x25: {  	[simem:s6], [sflag:s4] =	dma.local [hbm:s3], $0xF7A  }
0x26: {  	[smem:$0x3F6F] =	sst s1;
	(tag) =	ssettag s2;
	_ =	strace s9  }
0x27: {  	s1 =	sld [smem:$0x3F7F]  }
0x28: {  	s2 =	sld [smem:$0x3F80]  }
0x29: {  	s4 =	sld [smem:$0x3F82]  }
0x2a: {  	p0 =	seq.s32 s5, $0x0;
	s5 =	sld [smem:$0x3F83]  }
0x2b: {  	s6 =	sld [smem:$0x3F84]  }
0x2c: {  	s7 =	sld [smem:$0x3F85]  }
0x2d: {  	s3 =	simm.s32 $0x108;
	s8 =	sld [smem:$0x3F86]  }
0x2e: {  	s3 =	simm.s32 @!p0 $0x1082;
	s9 =	sld [smem:$0x3F87]  }
0x2f: {  	lr =	sadd.s32 s0, s3;
	s0 =	sld [smem:$0x3F7E]  }
0x30: {  	s3 =	sld [smem:$0x3F81]  }
0x31: {  	[smem:$0x3F8A] =	sst s10  }
0x32: {  	s10 =	sld [smem:$0x3F88];
	_ =	sdelay $0x3  }
0x33: {  	p0 =	seq.s32 s10, $0x1;
	s10 =	sld [smem:$0x3F8A];
	_ =	sdelay $0x3  }
0x34: {  	[smem:$0x3F8A] =	sst s10  }
0x35: {  	s10 =	sld [smem:$0x3F89];
	_ =	sdelay $0x3  }
0x36: {  	p1 =	seq.s32 s10, $0x1;
	s10 =	sld [smem:$0x3F8A];
	_ =	sdelay $0x3  }
0x37: {  	[smem:$0x3F8A] =	sst s10  }
0x38: {  	s10 =	sld [smem:$0x3F8B]  }
0x39: {  	_ = 	snop;
	(pc) =	sbr.ind lr, $3  }
0x3a: {  	_ = 	snop  }
0x3b: {  	_ = 	snop  }
0x3c: {  	p2 =	seq.s32 s10, $0x1;
	s10 =	sld [smem:$0x3F8A]  }
0x3d: {  	_ =	shalt  }
0x3e: {  	_ =	shalt  }
0x3f: {  	_ =	shalt  }
0x40: {  	_ =	shalt  }
0x41: {  	_ =	shalt  }
0x42: {  	_ =	shalt  }
0x43: {  	_ =	shalt  }
0x44: {  	_ =	shalt  }
0x45: {  	_ =	shalt  }
0x46: {  	_ =	shalt  }
0x47: {  	_ =	shalt  }
0x48: {  	_ =	shalt  }
0x49: {  	_ =	shalt  }
0x4a: {  	_ =	shalt  }
0x4b: {  	_ =	shalt  }
0x4c: {  	_ =	shalt  }
0x4d: {  	_ =	shalt  }
0x4e: {  	_ =	shalt  }
0x4f: {  	_ =	shalt  }
0x50: {  	_ =	shalt  }
0x51: {  	_ =	shalt  }
0x52: {  	_ =	shalt  }
0x53: {  	_ =	shalt  }
0x54: {  	_ =	shalt  }
0x55: {  	_ =	shalt  }
0x56: {  	_ =	shalt  }
0x57: {  	_ =	shalt  }
0x58: {  	_ =	shalt  }
0x59: {  	_ =	shalt  }
0x5a: {  	_ =	shalt  }
0x5b: {  	_ =	shalt  }
0x5c: {  	_ =	shalt  }
0x5d: {  	_ =	shalt  }
0x5e: {  	_ =	shalt  }
0x5f: {  	_ =	shalt  }
0x60: {  	_ =	shalt  }
0x61: {  	_ =	shalt  }
0x62: {  	_ =	shalt  }
0x63: {  	_ =	shalt  }
0x64: {  	_ =	shalt  }
0x65: {  	_ =	shalt  }
0x66: {  	_ =	shalt  }
0x67: {  	_ =	shalt  }
0x68: {  	_ =	shalt  }
0x69: {  	_ =	shalt  }
0x6a: {  	_ =	shalt  }
0x6b: {  	_ =	shalt  }
0x6c: {  	_ =	shalt  }
0x6d: {  	_ =	shalt  }
0x6e: {  	_ =	shalt  }
0x6f: {  	_ =	shalt  }
0x70: {  	_ =	shalt  }
0x71: {  	_ =	shalt  }
0x72: {  	_ =	shalt  }
0x73: {  	_ =	shalt  }
0x74: {  	_ =	shalt  }
0x75: {  	_ =	shalt  }
0x76: {  	_ =	shalt  }
0x77: {  	_ =	shalt  }
0x78: {  	_ =	shalt  }
0x79: {  	_ =	shalt  }
0x7a: {  	_ =	shalt  }
0x7b: {  	_ =	shalt  }
0x7c: {  	_ =	shalt  }
0x7d: {  	_ =	shalt  }
0x7e: {  	_ =	shalt  }
0x7f: {  	_ =	shalt  }
0x80: {  	_ =	shalt  }
0x81: {  	_ =	shalt  }
0x82: {  	_ =	shalt  }
0x83: {  	_ =	shalt  }
0x84: {  	_ =	shalt  }
0x85: {  	_ =	shalt  }
0x86: {  	_ =	shalt  }
0x87: {  	_ =	shalt  }
.Lfunc_end0:
.L_simem_size_0:
called_computation.1_lowered:
.L_overlay_start_0:
0x88: {  	s2 =	sld [smem:$0x3FD9]  }
0x89: {  	s3 =	sld [smem:$0x3FFE];
	_ =	sdelay $0x1  }
0x8a: {  	s1 =	srdreg.scid  }
0x8b: {  	s0 =	sand.u32 $0x1, s1  }
0x8c: {  	s16 =	sshll.u32 s0, $0xA;
	s2 =	sadd.s32 s3, s2  }
0x8d: {  	s2 =	sadd.s32 s2, s16  }
0x8e: {  	[smem:$0x3F96] =	sst s2  }
0x8f: {  	_ = 	snop  }
0x90: {  	(tm) =	ssettm $0x1  }
0x91: {  	s17 =	sld [smem:$0x3FFB];
	_ =	sdelay $0x3  }
0x92: {  	_ =	strace s17  }
0x93: {  	s2 =	sld [smem:$0x3FFC];
	_ =	sdelay $0x3  }
0x94: {  	_ =	strace s2  }
0x95: {  	s2 =	sld [smem:$0x3FFD];
	_ =	sdelay $0x3  }
0x96: {  	_ =	strace s2  }
0x97: {  	_ =	strace $0x8FFFFFFF  }
0x98: {  	s18 =	sld [smem:$0x3FDB];
	_ =	sdelay $0x1  }
0x99: {  	s19 =	simm.s32 $_scs_section_size  }
0x9a: {  	s4 =	simm.s32 $_size__tile_overlayer_lowered;
	s5 =	simm.s32 $_tile_overlayer_lowered  }
0x9b: {  	s22 =	simm.s32 $0x1BFF;
	s21 =	sshll.u32 s5, $0x1;
	s2 =	sadd.s32 s19, s18  }
0x9c: {  	s6 =	simm.s32 $0x0;
	s20 =	sshll.u32 s4, $0x1;
	s4 =	sadd.s32 s21, s2  }
0x9d: {  	[timem:s6], [sflag:s22] =	dma.local [hbm:s4], s20  }
0x9e: {  	_ =	swait.ge [sflag:s22], s20  }
0x9f: {  	s3 =	ssub.s32 $0x0, s20;
	[sflag:s22] =	ssyncset.done $0x0  }
0xa0: {  	[sflag:s22] =	ssyncadd.s32 s3;
	_ =	sdelay $0x1  }
0xa1: {  	s23 =	simm.s32 $0x1B8B  }
0xa2: {  	_ =	swait.ge [sflag:s23], $0x1  }
0xa3: {  	[sflag:s23] =	ssyncset.done $0x0  }
0xa4: {  	s25 =	simm.s32 $0x1B8E;
	s24 =	sld [smem:$0x3FFE];
	[sflag:s23] =	ssyncadd.s32 $0xFFFFFFFF  }
0xa5: {  	s26 =	simm.s32 $execute0_lowered;
	[smem:$0x3FD2] =	sst s25  }
0xa6: {  	s4 =	sshll.u32 s26, $0x1;
	_ =	strace $0x80000049;
	[dreg:$0x1] =	wrdreg $0xFFFFFFFF  }
0xa7: {  	s28 =	simm.s32 $_size_execute0_lowered;
	s2 =	sadd.s32 s2, s4;
	[dreg:$0x0] =	wrdreg $0x0  }
0xa8: {  	s4 =	sshll.u32 s28, $0x1;
	[dreg:$0x2] =	wrdreg s2  }
0xa9: {  	[dreg:$0x3] =	wrdreg s4  }
0xaa: {  	[dreg:$0x4] =	wrdreg $0xC0  }
0xab: {  	_ =	task [dreg:s6], $0x5FFFF  }
0xac: {  	[dreg:$0x1] =	wrdreg $0xFFFFFFFF  }
0xad: {  	[dreg:$0x0] =	wrdreg $0x60  }
0xae: {  	[dreg:$0x2] =	wrdreg s24  }
0xaf: {  	[dreg:$0x3] =	wrdreg $0x82000  }
0xb0: {  	[dreg:$0x4] =	wrdreg $0x9  }
0xb1: {  	_ =	task.clear_ibuf [dreg:s6], $0x5FFFF;
	_ =	strace $0x90000049  }
0xb2: {  	s29 =	simm.s32 $0x9;
	_ =	strace $0x8000004B  }
0xb3: {  	_ =	swait.ge [sflag:s29], $0x1  }
0xb4: {  	[sflag:s29] =	ssyncadd.s32 $0xFFFFFFFF  }
0xb5: {  	_ =	strace $0x9000004B  }
0xb6: {  	_ =	sfence  }
0xb7: {  	s30 =	sld [smem:$0x0];
	_ =	sdelay $0x2  }
0xb8: {  	s31 =	sshll.u32 s1, $0xD;
	s1 =	sshrl.u32 s1, $0x2  }
0xb9: {  	s3 =	sand.u32 $0x4000, s31;
	s1 =	sadd.s32 s1, s30  }
0xba: {  	s0 =	sor.u32 s3, s0;
	s1 =	sshll.u32 s1, $0x11  }
0xbb: {  	s0 =	sor.u32 s1, s0  }
0xbc: {  	s0 =	sadd.s32 $0x8F2B, s0  }
0xbd: {  	[sflag:s0] =	ssyncadd.remote.s32 $0x1  }
0xbe: {  	_ =	sfence.sel $0xFFFF  }
0xbf: {  	[dreg:$0x0] =	wrdreg $0xFFFFFFFF;
	(pc) =	sbr.abs _section_cstart, $3  }
0xc0: {  	[dreg:$0x1] =	wrdreg $0xFFFFFFFF  }
0xc1: {  	_ =	task.clear_ibuf [dreg:s6], $0x2FFFF;
	_ =	strace $0x9FFFFFFF  }
0xc2: {  	(tm) =	ssettm $0x7FFFFFFF  }
0xc3: {  	_ =	shalt  }
tec
execute0_lowered:
.L_overlay_start_1:
0x0: {  	(tag) =	ssettag $0x1  }
0x1: {  	s5 =	rddreg [dreg:$0x0]  }
0x2: {  	s1 =	rddreg [dreg:$0x1]  }
0x3: {  	s0 =	rddreg [dreg:$0x2];
	s3 =	simm.s32 $0x0;
	s2 =	srdreg.scid  }
0x4: {  	s17 =	simm.s32 $0x80;
	s18 =	simm.s32 $0x100;
	s19 =	simm.s32 $0x180  }
0x5: {  	s20 =	simm.s32 $0x4200;
	s21 =	simm.s32 $0x1;
	s22 =	simm.s32 $0x2  }
0x6: {  	s23 =	simm.s32 $0x0;
	[smem:$0x7FF] =	sst s3;
	s6 =	sand.u32 $0x1, s2  }
0x7: {  	s2 =	stileid.u32;
	s4 =	sadd.s32 $0x1E400, s5;
	s7 =	smul.u32 $0x28000, s6  }
0x8: {  	s14 =	sadd.s32 $0xBE400, s5;
	_ =	strace $0x8000004A;
	s8 =	smul.u32 $0x2800, s2  }
0x9: {  	s9 =	sshll.u32 s2, $0x4;
	s26 =	ssub.s32 $0x2, s6;
	s10 =	smul.u32 $0x50000, s2  }
0xa: {  	s30 =	smul.u32 $0x4F000, s6;
	s31 =	sshll.u32 s2, $0x7;
	s28 =	sshrl.u32 s26, $0x1  }
0xb: {  	s12 =	sadd.s32 s9, s5;
	s7 =	sadd.s32 s8, s7;
	s8 =	ssub.s32 s26, s28  }
0xc: {  	s29 =	sshrl.u32 s10, $0x2;
	s13 =	sor.u32 s31, s30;
	s12 =	sadd.s32 $0x14600, s12  }
0xd: {  	s7 =	sadd.s32 s7, s5;
	s5 =	sadd.s32 s29, s1;
	s15 =	sor.u32 $0x800, s13  }
0xe: {  	s16 =	sshrl.u32 s13, $0x3;
	s6 =	sadd.s32 $0x6E400, s7;
	s7 =	smax.u32 s8, $0x1  }
0xf: {  	s8 =	sadd.s32 $0x4000, s5;
	s9 =	sadd.s32 $0x8000, s5;
	s15 =	sshrl.u32 s15, $0x3  }
0x10: {  	s10 =	sadd.s32 $0xC000, s5;
	s11 =	sadd.s32 $0x10000, s5;
	s13 =	sadd.s32 s15, s14  }
0x11: {  	v0 =	vimm.f32 $0.0e+00;
	s14 =	sadd.s32 s16, s14;
	s15 =	simm.s32 $0x200;
	s16 =	simm.s32 $0x3  }
.LBB2_1:
0x12: {  	s24 =	simm.s32 $0x0;
	s25 =	simm.s32 $0x200  }
.LBB2_2:
0x13: {  	p0 =	sne.s32 s25, $0xFE00;
	[tilespmem:s24+$0x270] =	vst v0  }
0x14: {  	[tilespmem:s24+$0x200] =	vst v0  }
0x15: {  	[tilespmem:s24+$0x210] =	vst v0  }
.Ltmp0:
0x16: {  	[tilespmem:s24+$0x220] =	vst v0;
	(pc) =	sbr.rel @p0 .LBB2_2-.Ltmp0, $4  }
0x17: {  	[tilespmem:s24+$0x230] =	vst v0  }
0x18: {  	[tilespmem:s24+$0x240] =	vst v0  }
0x19: {  	[tilespmem:s24+$0x250] =	vst v0  }
0x1a: {  	[tilespmem:s24+$0x260] =	vst v0;
	s24 =	sshra.s32 s25, $0x2;
	s25 =	sadd.s32 $0x200, s25  }
0x1b: {  	[tilespmem:s24+$0x270] =	vst v0  }
0x1c: {  	[tilespmem:s24+$0x200] =	vst v0  }
0x1d: {  	[tilespmem:s24+$0x210] =	vst v0  }
0x1e: {  	[tilespmem:s24+$0x220] =	vst v0  }
0x1f: {  	[tilespmem:s24+$0x230] =	vst v0  }
0x20: {  	[tilespmem:s24+$0x240] =	vst v0  }
0x21: {  	[tilespmem:s24+$0x250] =	vst v0  }
0x22: {  	[tilespmem:s24+$0x260] =	vst v0  }
0x23: {  	[spmem:s5] =	stream.linear.scatter [tilespmem:s15], [sflag:$0x3], $0x4000, $0x38;
	[tilespmem:$0x1C200] =	vst v63  }
0x24: {  	_ =	swait.ge [sflag:s16], $0x4000  }
0x25: {  	[sflag:s16] =	ssyncset.done $0x0  }
0x26: {  	[sflag:s16] =	ssyncadd.s32 $0xFFFFC000  }
0x27: {  	[spmem:s8] =	stream.linear.scatter [tilespmem:s15], [sflag:$0x3], $0x4000, $0x38;
	[tilespmem:$0x1C200] =	vst v63  }
0x28: {  	_ =	swait.ge [sflag:s16], $0x4000  }
0x29: {  	[sflag:s16] =	ssyncset.done $0x0  }
0x2a: {  	[sflag:s16] =	ssyncadd.s32 $0xFFFFC000  }
0x2b: {  	[spmem:s9] =	stream.linear.scatter [tilespmem:s15], [sflag:$0x3], $0x4000, $0x38;
	[tilespmem:$0x1C200] =	vst v63  }
0x2c: {  	_ =	swait.ge [sflag:s16], $0x4000  }
0x2d: {  	[sflag:s16] =	ssyncset.done $0x0  }
0x2e: {  	[sflag:s16] =	ssyncadd.s32 $0xFFFFC000  }
0x2f: {  	[spmem:s10] =	stream.linear.scatter [tilespmem:s15], [sflag:$0x3], $0x4000, $0x38;
	[tilespmem:$0x1C200] =	vst v63  }
0x30: {  	_ =	swait.ge [sflag:s16], $0x4000  }
0x31: {  	[sflag:s16] =	ssyncset.done $0x0  }
0x32: {  	[sflag:s16] =	ssyncadd.s32 $0xFFFFC000  }
0x33: {  	[spmem:s11] =	stream.linear.scatter [tilespmem:s15], [sflag:$0x3], $0x4000, $0x38;
	[tilespmem:$0x1C200] =	vst v63  }
0x34: {  	_ =	swait.ge [sflag:s16], $0x4000  }
0x35: {  	[sflag:s16] =	ssyncset.done $0x0  }
0x36: {  	[sflag:s16] =	ssyncadd.s32 $0xFFFFC000  }
0x37: {  	s30 =	sadd.s32 $0x0, s14;
	[bflag:$0x0] =	sbarrier.arrive $0xFFFF  }
0x38: {  	[tilespmem:s3], [sflag:$0x3] =	stream.linear.gather [hbm4b:s30+s3], $0x80, $0x38;
	[tilespmem:$0x1C200] =	vst v63  }
0x39: {  	_ =	swait.ge [sflag:s16], $0x80  }
0x3a: {  	[sflag:s16] =	ssyncset.done $0x0  }
0x3b: {  	s31 =	sadd.s32 $0x0, s12;
	[sflag:s16] =	ssyncadd.s32 $0xFFFFFF80  }
0x3c: {  	[tilespmem:s17], [sflag:$0x3] =	stream.linear.gather [hbm4b:s31+s3], $0x80, $0x38;
	[tilespmem:$0x1C200] =	vst v63  }
0x3d: {  	_ =	swait.ge [sflag:s16], $0x80  }
0x3e: {  	[sflag:s16] =	ssyncset.done $0x0  }
0x3f: {  	[sflag:s16] =	ssyncadd.s32 $0xFFFFFF80  }
0x40: {  	[tilespmem:s15], [sflag:$0x1] =	stream.indirect.gather [hbm4b:s4+s17], $0x80, s3, s17, $0xb8;
	[tilespmem:$0x1C200] =	vst v63  }
0x41: {  	s25 =	sadd.s32 $0x0, s13  }
0x42: {  	[tilespmem:s18], [sflag:$0x3] =	stream.linear.gather [hbm4b:s25+s3], $0x80, $0x38;
	[tilespmem:$0x1C200] =	vst v63  }
0x43: {  	_ =	swait.ge [sflag:s16], $0x80  }
0x44: {  	[sflag:s16] =	ssyncset.done $0x0  }
0x45: {  	s24 =	sadd.s32 $0x100, s31;
	[sflag:s16] =	ssyncadd.s32 $0xFFFFFF80  }
0x46: {  	[tilespmem:s19], [sflag:$0x3] =	stream.linear.gather [hbm4b:s24+s3], $0x80, $0x38;
	[tilespmem:$0x1C200] =	vst v63  }
0x47: {  	_ =	swait.ge [sflag:s16], $0x80  }
0x48: {  	[sflag:s16] =	ssyncset.done $0x0  }
0x49: {  	[sflag:s16] =	ssyncadd.s32 $0xFFFFFF80  }
0x4a: {  	[tilespmem:s20], [sflag:$0x2] =	stream.indirect.gather [hbm4b:s4+s17], $0x80, s18, s17, $0xb8;
	[tilespmem:$0x1C200] =	vst v63  }
0x4b: {  	_ =	swait.ge [sflag:s21], $0x4000  }
0x4c: {  	[sflag:s21] =	ssyncset.done $0x0  }
0x4d: {  	[sflag:s21] =	ssyncadd.s32 $0xFFFFC000  }
0x4e: {  	[spmem:s1] =	stream.indirect.scatter.add.f32 [tilespmem:s15], [sflag:$0x3], $0x80, s17, s17, $0xb8;
	[tilespmem:$0x1C200] =	vst v63  }
0x4f: {  	_ =	swait.ge [sflag:s16], $0x4000  }
0x50: {  	[sflag:s16] =	ssyncset.done $0x0  }
0x51: {  	[sflag:s16] =	ssyncadd.s32 $0xFFFFC000  }
0x52: {  	_ =	swait.ge [sflag:s22], $0x4000  }
0x53: {  	[sflag:s22] =	ssyncset.done $0x0  }
0x54: {  	[sflag:s22] =	ssyncadd.s32 $0xFFFFC000  }
0x55: {  	[spmem:s1] =	stream.indirect.scatter.add.f32 [tilespmem:s20], [sflag:$0x3], $0x80, s19, s17, $0xb8;
	[tilespmem:$0x1C200] =	vst v63  }
0x56: {  	_ =	swait.ge [sflag:s16], $0x4000  }
0x57: {  	s26 =	simm.s32 $0x400;
	s24 =	simm.s32 $0x200;
	[sflag:s16] =	ssyncset.done $0x0  }
.LBB2_4:
0x58: {  	s28 =	sadd.s32 s24, s14  }
0x59: {  	[sflag:s16] =	ssyncadd.s32 $0xFFFFC000;
	s29 =	smov.u32 s26;
	s25 =	sadd.s32 $0x200, s26  }
0x5a: {  	[tilespmem:s3], [sflag:$0x3] =	stream.linear.gather [hbm4b:s28+s3], $0x80, $0x38;
	[tilespmem:$0x1C200] =	vst v63  }
0x5b: {  	p0 =	sne.s32 s26, $0x9C00;
	_ =	swait.ge [sflag:s16], $0x80  }
0x5c: {  	[sflag:s16] =	ssyncset.done $0x0  }
0x5d: {  	s26 =	sadd.s32 s24, s12;
	[sflag:s16] =	ssyncadd.s32 $0xFFFFFF80  }
0x5e: {  	[tilespmem:s17], [sflag:$0x3] =	stream.linear.gather [hbm4b:s26+s3], $0x80, $0x38;
	[tilespmem:$0x1C200] =	vst v63  }
0x5f: {  	_ =	swait.ge [sflag:s16], $0x80  }
0x60: {  	[sflag:s16] =	ssyncset.done $0x0  }
0x61: {  	[sflag:s16] =	ssyncadd.s32 $0xFFFFFF80  }
0x62: {  	[tilespmem:s15], [sflag:$0x1] =	stream.indirect.gather [hbm4b:s4+s17], $0x80, s3, s17, $0xb8;
	[tilespmem:$0x1C200] =	vst v63  }
0x63: {  	s28 =	sadd.s32 s24, s13;
	s24 =	smov.u32 s29  }
0x64: {  	[tilespmem:s18], [sflag:$0x3] =	stream.linear.gather [hbm4b:s28+s3], $0x80, $0x38;
	[tilespmem:$0x1C200] =	vst v63  }
0x65: {  	_ =	swait.ge [sflag:s16], $0x80  }
0x66: {  	[sflag:s16] =	ssyncset.done $0x0  }
0x67: {  	s26 =	sadd.s32 $0x100, s26;
	[sflag:s16] =	ssyncadd.s32 $0xFFFFFF80  }
0x68: {  	[tilespmem:s19], [sflag:$0x3] =	stream.linear.gather [hbm4b:s26+s3], $0x80, $0x38;
	[tilespmem:$0x1C200] =	vst v63  }
0x69: {  	_ =	swait.ge [sflag:s16], $0x80  }
0x6a: {  	[sflag:s16] =	ssyncset.done $0x0  }
0x6b: {  	[sflag:s16] =	ssyncadd.s32 $0xFFFFFF80  }
0x6c: {  	[tilespmem:s20], [sflag:$0x2] =	stream.indirect.gather [hbm4b:s4+s17], $0x80, s18, s17, $0xb8;
	[tilespmem:$0x1C200] =	vst v63  }
0x6d: {  	_ =	swait.ge [sflag:s21], $0x4000  }
0x6e: {  	[sflag:s21] =	ssyncset.done $0x0  }
0x6f: {  	[sflag:s21] =	ssyncadd.s32 $0xFFFFC000  }
0x70: {  	[spmem:s1] =	stream.indirect.scatter.add.f32 [tilespmem:s15], [sflag:$0x3], $0x80, s17, s17, $0xb8;
	[tilespmem:$0x1C200] =	vst v63  }
0x71: {  	_ =	swait.ge [sflag:s16], $0x4000  }
0x72: {  	[sflag:s16] =	ssyncset.done $0x0  }
0x73: {  	[sflag:s16] =	ssyncadd.s32 $0xFFFFC000  }
0x74: {  	_ =	swait.ge [sflag:s22], $0x4000  }
.Ltmp1:
0x75: {  	[sflag:s22] =	ssyncset.done $0x0;
	(pc) =	sbr.rel @p0 .LBB2_4-.Ltmp1, $4  }
0x76: {  	[sflag:s22] =	ssyncadd.s32 $0xFFFFC000  }
0x77: {  	[spmem:s1] =	stream.indirect.scatter.add.f32 [tilespmem:s20], [sflag:$0x3], $0x80, s19, s17, $0xb8;
	[tilespmem:$0x1C200] =	vst v63  }
0x78: {  	_ =	swait.ge [sflag:s16], $0x4000  }
0x79: {  	s26 =	smov.u32 s25;
	[sflag:s16] =	ssyncset.done $0x0  }
0x7a: {  	s25 =	sadd.s32 s24, s14;
	[sflag:s16] =	ssyncadd.s32 $0xFFFFC000  }
0x7b: {  	[tilespmem:s3], [sflag:$0x3] =	stream.linear.gather [hbm4b:s25+s3], $0x80, $0x38;
	[tilespmem:$0x1C200] =	vst v63  }
0x7c: {  	_ =	swait.ge [sflag:s16], $0x80  }
0x7d: {  	[sflag:s16] =	ssyncset.done $0x0  }
0x7e: {  	s26 =	sadd.s32 s24, s12;
	[sflag:s16] =	ssyncadd.s32 $0xFFFFFF80  }
0x7f: {  	[tilespmem:s17], [sflag:$0x3] =	stream.linear.gather [hbm4b:s26+s3], $0x80, $0x38;
	[tilespmem:$0x1C200] =	vst v63  }
0x80: {  	_ =	swait.ge [sflag:s16], $0x80  }
0x81: {  	[sflag:s16] =	ssyncset.done $0x0  }
0x82: {  	[sflag:s16] =	ssyncadd.s32 $0xFFFFFF80  }
0x83: {  	[tilespmem:s15], [sflag:$0x1] =	stream.indirect.gather [hbm4b:s4+s17], $0x80, s3, s17, $0xb8;
	[tilespmem:$0x1C200] =	vst v63  }
0x84: {  	s28 =	sadd.s32 s24, s13  }
0x85: {  	[tilespmem:s18], [sflag:$0x3] =	stream.linear.gather [hbm4b:s28+s3], $0x80, $0x38;
	[tilespmem:$0x1C200] =	vst v63  }
0x86: {  	_ =	swait.ge [sflag:s16], $0x80  }
0x87: {  	[sflag:s16] =	ssyncset.done $0x0  }
0x88: {  	s29 =	sadd.s32 $0x100, s26;
	[sflag:s16] =	ssyncadd.s32 $0xFFFFFF80  }
0x89: {  	[tilespmem:s19], [sflag:$0x3] =	stream.linear.gather [hbm4b:s29+s3], $0x80, $0x38;
	[tilespmem:$0x1C200] =	vst v63  }
0x8a: {  	_ =	swait.ge [sflag:s16], $0x80  }
0x8b: {  	[sflag:s16] =	ssyncset.done $0x0  }
0x8c: {  	[sflag:s16] =	ssyncadd.s32 $0xFFFFFF80  }
0x8d: {  	[tilespmem:s20], [sflag:$0x2] =	stream.indirect.gather [hbm4b:s4+s17], $0x80, s18, s17, $0xb8;
	[tilespmem:$0x1C200] =	vst v63  }
0x8e: {  	_ =	swait.ge [sflag:s21], $0x4000  }
0x8f: {  	[sflag:s21] =	ssyncset.done $0x0  }
0x90: {  	[sflag:s21] =	ssyncadd.s32 $0xFFFFC000  }
0x91: {  	[spmem:s1] =	stream.indirect.scatter.add.f32 [tilespmem:s15], [sflag:$0x3], $0x80, s17, s17, $0xb8;
	[tilespmem:$0x1C200] =	vst v63  }
0x92: {  	_ =	swait.ge [sflag:s16], $0x4000  }
0x93: {  	[sflag:s16] =	ssyncset.done $0x0  }
0x94: {  	[sflag:s16] =	ssyncadd.s32 $0xFFFFC000  }
0x95: {  	_ =	swait.ge [sflag:s22], $0x4000  }
0x96: {  	[sflag:s22] =	ssyncset.done $0x0  }
0x97: {  	[sflag:s22] =	ssyncadd.s32 $0xFFFFC000  }
0x98: {  	[spmem:s1] =	stream.indirect.scatter.add.f32 [tilespmem:s20], [sflag:$0x3], $0x80, s19, s17, $0xb8;
	[tilespmem:$0x1C200] =	vst v63  }
0x99: {  	_ =	swait.ge [sflag:s16], $0x4000  }
0x9a: {  	s30 =	sshll.u32 s2, $0x6;
	s23 =	sadd.s32 $0x1, s23;
	[sflag:s16] =	ssyncset.done $0x0  }
0x9b: {  	s31 =	sshrl.u32 s5, $0x3;
	p0 =	sne.s32 s23, s7;
	[sflag:s16] =	ssyncadd.s32 $0xFFFFC000  }
.Ltmp2:
0x9c: {  	s24 =	sor.u32 $0x1C03, s30;
	[bflag:$0x0] =	sbarrier.arrive $0xFFFF;
	(pc) =	sbr.rel @p0 .LBB2_1-.Ltmp2, $4  }
0x9d: {  	[hbm:s6], [sflag:s24] =	dma.local [spmem:s31], $0x2800  }
0x9e: {  	_ =	swait.ge [sflag:s16], $0x2800  }
0x9f: {  	[sflag:s16] =	ssyncset.done $0x0  }
0xa0: {  	[sflag:s16] =	ssyncadd.s32 $0xFFFFD800  }
0xa1: {  	_ =	sfence.sel $0x180000  }
0xa2: {  	[bflag:$0x0] =	sbarrier.arrive $0xFFFF  }
0xa3: {  	p0 =	sne.s32 s2, $0x0;
	_ =	strace $0x9000004A  }
0xa4: {  	s0 =	sadd.s32 @!p0 $0x100000, s0;
	[bflag:$0x2] =	sbarrier.arrive $0xFFFF  }
0xa5: {  	[sflag:s0] =	ssyncadd.tile.s32 @!p0 $0x1;
	_ =	shalt  }
.Lfunc_end2:
_tile_overlayer_lowered:
.L_overlay_start_2:
0xa6: {  	(tag) =	ssettag $0x2  }
0xa7: {  	s0 =	rddreg [dreg:$0x0];
	s2 =	stileid.u32  }
0xa8: {  	s1 =	rddreg [dreg:$0x1];
	p0 =	sne.s32 s2, $0x0  }
0xa9: {  	s3 =	rddreg [dreg:$0x2];
	[bflag:$0x3] =	sbarrier.arrive $0xFFFF;
	s2 =	simm.s32 @!p0 $0x1C03  }
0xaa: {  	[timem:s3], [sflag:s2] =	dma.local @!p0 [hbm:s0], s1  }
0xab: {  	s0 =	simm.s32 @!p0 $0x3  }
0xac: {  	_ =	swait.ge @!p0 [sflag:s0], s1  }
0xad: {  	s1 =	ssub.s32 @!p0 $0x0, s1;
	[sflag:s0] =	ssyncset.done @!p0 $0x0  }
0xae: {  	[sflag:s0] =	ssyncadd.s32 @!p0 s1  }
0xaf: {  	[bflag:$0x3] =	sbarrier.arrive $0xFFFF  }
0xb0: {  	_ =	shalt  }

// kernel: kernel.36.cloned.1.call-start
scs
__scs_entry_jumppad:
0x0: {  	(pc) =	sbr.rel $0x88, $3  }
0x1: {  	(tag) =	ssettag $0x0;
	lr =	simm.s32 $0x1  }
0x2: {  	[smem:$0x3F6F] =	sst lr;
	_ =	strace $0xD0000000  }
0x3: {  	_ = 	snop  }
0x4: {  	_ = 	snop  }
0x5: {  	_ = 	snop  }
0x6: {  	_ = 	snop  }
0x7: {  	_ = 	snop  }
__scs_overlays_trampoline_lowered:
0x8: {  	[smem:$0x3F7E] =	sst s0  }
0x9: {  	[smem:$0x3F7F] =	sst s1  }
0xa: {  	[smem:$0x3F80] =	sst s2  }
0xb: {  	[smem:$0x3F81] =	sst s3  }
0xc: {  	[smem:$0x3F82] =	sst s4  }
0xd: {  	[smem:$0x3F83] =	sst s5  }
0xe: {  	[smem:$0x3F84] =	sst s6  }
0xf: {  	[smem:$0x3F85] =	sst s7  }
0x10: {  	[smem:$0x3F86] =	sst s8  }
0x11: {  	[smem:$0x3F87] =	sst s9;
	s0 =	simm.s32 @!p0 $0x0  }
0x12: {  	s1 =	sld [smem:$0x3F6D];
	s0 =	simm.s32 @p0 $0x1  }
0x13: {  	[smem:$0x3F88] =	sst s0;
	s0 =	simm.s32 @!p1 $0x0  }
0x14: {  	s2 =	sld [smem:$0x3F6C];
	s0 =	simm.s32 @p1 $0x1  }
0x15: {  	[smem:$0x3F89] =	sst s0;
	s0 =	simm.s32 @!p2 $0x0  }
0x16: {  	s3 =	sld [smem:$0x3FDB];
	s0 =	simm.s32 @p2 $0x1  }
0x17: {  	s4 =	simm.s32 $0x1BF5;
	[smem:$0x3F8B] =	sst s0  }
0x18: {  	s0 =	sld [smem:$0x3F6E];
	_ =	swait.ge [sflag:s4], $0x0  }
0x19: {  	s7 =	sld [smem:$0x3F6F]  }
0x1a: {  	s8 =	sadd.s32 $0xFFFFE003, lr  }
0x1b: {  	s9 =	sadd.s32 $0xFFFFFEF7, lr;
	s5 =	simm.s32 $0xFFFFFFFF;
	p2 =	slt.u32 s8, $0xFFFFF086  }
0x1c: {  	p1 =	slt.u32 s9, $0xF7A;
	s5 =	simm.s32 @!p2 $0x0  }
0x1d: {  	s5 =	simm.s32 @p1 $0x1;
	p0 =	seq.s32 s7, s2  }
0x1e: {  	s7 =	smul.u32 @!p0 $0xF7A, s2;
	p2 =	seq.s32 @!p0 s5, $0x0  }
0x1f: {  	s9 =	smul.u32 $0xF7A, s1;
	s8 =	simm.s32 @!p0 $0x1BF5;
	p2 =	por !p2, p0  }
0x20: {  	[sflag:s8] =	ssyncset.s32 @!p0 $0xFFFFF086;
	s6 =	sadd.s32 @!p0 s3, s7;
	s7 =	simm.s32 @!p0 $0x108  }
0x21: {  	s3 =	sadd.s32 s3, s9;
	s6 =	sadd.s32 @!p0 $0x88, s6;
	s7 =	simm.s32 @p2 $0x1082  }
0x22: {  	[simem:s7], [sflag:s8] =	dma.local @!p0 [hbm:s6], $0xF7A  }
0x23: {  	s9 =	sor.u32 $0xD0000000, s2;
	s6 =	simm.s32 $0x108;
	_ =	swait.ge @!p0 [sflag:s8], $0x0  }
0x24: {  	s3 =	sadd.s32 $0x88, s3;
	s6 =	simm.s32 @!p1 $0x1082;
	[sflag:s4] =	ssyncset.s32 $0xFFFFF086  }
0x25: {  	[simem:s6], [sflag:s4] =	dma.local [hbm:s3], $0xF7A  }
0x26: {  	[smem:$0x3F6F] =	sst s1;
	(tag) =	ssettag s2;
	_ =	strace s9  }
0x27: {  	s1 =	sld [smem:$0x3F7F]  }
0x28: {  	s2 =	sld [smem:$0x3F80]  }
0x29: {  	s4 =	sld [smem:$0x3F82]  }
0x2a: {  	p0 =	seq.s32 s5, $0x0;
	s5 =	sld [smem:$0x3F83]  }
0x2b: {  	s6 =	sld [smem:$0x3F84]  }
0x2c: {  	s7 =	sld [smem:$0x3F85]  }
0x2d: {  	s3 =	simm.s32 $0x108;
	s8 =	sld [smem:$0x3F86]  }
0x2e: {  	s3 =	simm.s32 @!p0 $0x1082;
	s9 =	sld [smem:$0x3F87]  }
0x2f: {  	lr =	sadd.s32 s0, s3;
	s0 =	sld [smem:$0x3F7E]  }
0x30: {  	s3 =	sld [smem:$0x3F81]  }
0x31: {  	[smem:$0x3F8A] =	sst s10  }
0x32: {  	s10 =	sld [smem:$0x3F88];
	_ =	sdelay $0x3  }
0x33: {  	p0 =	seq.s32 s10, $0x1;
	s10 =	sld [smem:$0x3F8A];
	_ =	sdelay $0x3  }
0x34: {  	[smem:$0x3F8A] =	sst s10  }
0x35: {  	s10 =	sld [smem:$0x3F89];
	_ =	sdelay $0x3  }
0x36: {  	p1 =	seq.s32 s10, $0x1;
	s10 =	sld [smem:$0x3F8A];
	_ =	sdelay $0x3  }
0x37: {  	[smem:$0x3F8A] =	sst s10  }
0x38: {  	s10 =	sld [smem:$0x3F8B]  }
0x39: {  	_ = 	snop;
	(pc) =	sbr.ind lr, $3  }
0x3a: {  	_ = 	snop  }
0x3b: {  	_ = 	snop  }
0x3c: {  	p2 =	seq.s32 s10, $0x1;
	s10 =	sld [smem:$0x3F8A]  }
0x3d: {  	_ =	shalt  }
0x3e: {  	_ =	shalt  }
0x3f: {  	_ =	shalt  }
0x40: {  	_ =	shalt  }
0x41: {  	_ =	shalt  }
0x42: {  	_ =	shalt  }
0x43: {  	_ =	shalt  }
0x44: {  	_ =	shalt  }
0x45: {  	_ =	shalt  }
0x46: {  	_ =	shalt  }
0x47: {  	_ =	shalt  }
0x48: {  	_ =	shalt  }
0x49: {  	_ =	shalt  }
0x4a: {  	_ =	shalt  }
0x4b: {  	_ =	shalt  }
0x4c: {  	_ =	shalt  }
0x4d: {  	_ =	shalt  }
0x4e: {  	_ =	shalt  }
0x4f: {  	_ =	shalt  }
0x50: {  	_ =	shalt  }
0x51: {  	_ =	shalt  }
0x52: {  	_ =	shalt  }
0x53: {  	_ =	shalt  }
0x54: {  	_ =	shalt  }
0x55: {  	_ =	shalt  }
0x56: {  	_ =	shalt  }
0x57: {  	_ =	shalt  }
0x58: {  	_ =	shalt  }
0x59: {  	_ =	shalt  }
0x5a: {  	_ =	shalt  }
0x5b: {  	_ =	shalt  }
0x5c: {  	_ =	shalt  }
0x5d: {  	_ =	shalt  }
0x5e: {  	_ =	shalt  }
0x5f: {  	_ =	shalt  }
0x60: {  	_ =	shalt  }
0x61: {  	_ =	shalt  }
0x62: {  	_ =	shalt  }
0x63: {  	_ =	shalt  }
0x64: {  	_ =	shalt  }
0x65: {  	_ =	shalt  }
0x66: {  	_ =	shalt  }
0x67: {  	_ =	shalt  }
0x68: {  	_ =	shalt  }
0x69: {  	_ =	shalt  }
0x6a: {  	_ =	shalt  }
0x6b: {  	_ =	shalt  }
0x6c: {  	_ =	shalt  }
0x6d: {  	_ =	shalt  }
0x6e: {  	_ =	shalt  }
0x6f: {  	_ =	shalt  }
0x70: {  	_ =	shalt  }
0x71: {  	_ =	shalt  }
0x72: {  	_ =	shalt  }
0x73: {  	_ =	shalt  }
0x74: {  	_ =	shalt  }
0x75: {  	_ =	shalt  }
0x76: {  	_ =	shalt  }
0x77: {  	_ =	shalt  }
0x78: {  	_ =	shalt  }
0x79: {  	_ =	shalt  }
0x7a: {  	_ =	shalt  }
0x7b: {  	_ =	shalt  }
0x7c: {  	_ =	shalt  }
0x7d: {  	_ =	shalt  }
0x7e: {  	_ =	shalt  }
0x7f: {  	_ =	shalt  }
0x80: {  	_ =	shalt  }
0x81: {  	_ =	shalt  }
0x82: {  	_ =	shalt  }
0x83: {  	_ =	shalt  }
0x84: {  	_ =	shalt  }
0x85: {  	_ =	shalt  }
0x86: {  	_ =	shalt  }
0x87: {  	_ =	shalt  }
.Lfunc_end0:
.L_simem_size_0:
called_computation.2_lowered:
.L_overlay_start_0:
0x88: {  	s2 =	sld [smem:$0x3FD9]  }
0x89: {  	s3 =	sld [smem:$0x3FFE];
	_ =	sdelay $0x1  }
0x8a: {  	s1 =	srdreg.scid  }
0x8b: {  	s0 =	sand.u32 $0x1, s1  }
0x8c: {  	s16 =	sshll.u32 s0, $0xA;
	s2 =	sadd.s32 s3, s2  }
0x8d: {  	s2 =	sadd.s32 s2, s16  }
0x8e: {  	[smem:$0x3F96] =	sst s2  }
0x8f: {  	_ = 	snop  }
0x90: {  	(tm) =	ssettm $0x1  }
0x91: {  	s17 =	sld [smem:$0x3FFB];
	_ =	sdelay $0x3  }
0x92: {  	_ =	strace s17  }
0x93: {  	s2 =	sld [smem:$0x3FFC];
	_ =	sdelay $0x3  }
0x94: {  	_ =	strace s2  }
0x95: {  	s2 =	sld [smem:$0x3FFD];
	_ =	sdelay $0x3  }
0x96: {  	_ =	strace s2  }
0x97: {  	_ =	strace $0x8FFFFFFF  }
0x98: {  	s18 =	sld [smem:$0x3FDB];
	_ =	sdelay $0x1  }
0x99: {  	s19 =	simm.s32 $_scs_section_size  }
0x9a: {  	s4 =	simm.s32 $_size__tile_overlayer_lowered;
	s5 =	simm.s32 $_tile_overlayer_lowered  }
0x9b: {  	s22 =	simm.s32 $0x1BFF;
	s21 =	sshll.u32 s5, $0x1;
	s2 =	sadd.s32 s19, s18  }
0x9c: {  	s6 =	simm.s32 $0x0;
	s20 =	sshll.u32 s4, $0x1;
	s4 =	sadd.s32 s21, s2  }
0x9d: {  	[timem:s6], [sflag:s22] =	dma.local [hbm:s4], s20  }
0x9e: {  	_ =	swait.ge [sflag:s22], s20  }
0x9f: {  	s3 =	ssub.s32 $0x0, s20;
	[sflag:s22] =	ssyncset.done $0x0  }
0xa0: {  	[sflag:s22] =	ssyncadd.s32 s3;
	_ =	sdelay $0x1  }
0xa1: {  	s23 =	simm.s32 $0x1B8B  }
0xa2: {  	_ =	swait.ge [sflag:s23], $0x1  }
0xa3: {  	[sflag:s23] =	ssyncset.done $0x0  }
0xa4: {  	s25 =	simm.s32 $0x1B8E;
	s24 =	sld [smem:$0x3FFE];
	[sflag:s23] =	ssyncadd.s32 $0xFFFFFFFF  }
0xa5: {  	s26 =	simm.s32 $execute0_lowered;
	[smem:$0x3FD2] =	sst s25  }
0xa6: {  	s4 =	sshll.u32 s26, $0x1;
	_ =	strace $0x8000004C;
	[dreg:$0x1] =	wrdreg $0xFFFFFFFF  }
0xa7: {  	s28 =	simm.s32 $_size_execute0_lowered;
	s2 =	sadd.s32 s2, s4;
	[dreg:$0x0] =	wrdreg $0x0  }
0xa8: {  	s4 =	sshll.u32 s28, $0x1;
	[dreg:$0x2] =	wrdreg s2  }
0xa9: {  	[dreg:$0x3] =	wrdreg s4  }
0xaa: {  	[dreg:$0x4] =	wrdreg $0xC0  }
0xab: {  	_ =	task [dreg:s6], $0x5FFFF  }
0xac: {  	[dreg:$0x1] =	wrdreg $0xFFFFFFFF  }
0xad: {  	[dreg:$0x0] =	wrdreg $0x60  }
0xae: {  	[dreg:$0x2] =	wrdreg s24  }
0xaf: {  	[dreg:$0x3] =	wrdreg $0x82000  }
0xb0: {  	[dreg:$0x4] =	wrdreg $0x9  }
0xb1: {  	_ =	task.clear_ibuf [dreg:s6], $0x5FFFF;
	_ =	strace $0x9000004C  }
0xb2: {  	s29 =	simm.s32 $0x9;
	_ =	strace $0x8000004E  }
0xb3: {  	_ =	swait.ge [sflag:s29], $0x1  }
0xb4: {  	[sflag:s29] =	ssyncadd.s32 $0xFFFFFFFF  }
0xb5: {  	_ =	strace $0x9000004E  }
0xb6: {  	_ =	sfence  }
0xb7: {  	s30 =	sld [smem:$0x0];
	_ =	sdelay $0x2  }
0xb8: {  	s31 =	sshll.u32 s1, $0xD;
	s1 =	sshrl.u32 s1, $0x2  }
0xb9: {  	s3 =	sand.u32 $0x4000, s31;
	s1 =	sadd.s32 s1, s30  }
0xba: {  	s0 =	sor.u32 s3, s0;
	s1 =	sshll.u32 s1, $0x11  }
0xbb: {  	s0 =	sor.u32 s1, s0  }
0xbc: {  	s0 =	sadd.s32 $0x8F2B, s0  }
0xbd: {  	[sflag:s0] =	ssyncadd.remote.s32 $0x1  }
0xbe: {  	_ =	sfence.sel $0xFFFF  }
0xbf: {  	[dreg:$0x0] =	wrdreg $0xFFFFFFFF;
	(pc) =	sbr.abs _section_cstart, $3  }
0xc0: {  	[dreg:$0x1] =	wrdreg $0xFFFFFFFF  }
0xc1: {  	_ =	task.clear_ibuf [dreg:s6], $0x2FFFF;
	_ =	strace $0x9FFFFFFF  }
0xc2: {  	(tm) =	ssettm $0x7FFFFFFF  }
0xc3: {  	_ =	shalt  }
tec
execute0_lowered:
.L_overlay_start_1:
0x0: {  	(tag) =	ssettag $0x1  }
0x1: {  	s5 =	rddreg [dreg:$0x0]  }
0x2: {  	s1 =	rddreg [dreg:$0x1]  }
0x3: {  	s0 =	rddreg [dreg:$0x2];
	s3 =	simm.s32 $0x0;
	s2 =	srdreg.scid  }
0x4: {  	s17 =	simm.s32 $0x80;
	s18 =	simm.s32 $0x100;
	s19 =	simm.s32 $0x180  }
0x5: {  	s20 =	simm.s32 $0x4200;
	s21 =	simm.s32 $0x1;
	s22 =	simm.s32 $0x2  }
0x6: {  	s23 =	simm.s32 $0x0;
	[smem:$0x7FF] =	sst s3;
	s6 =	sand.u32 $0x1, s2  }
0x7: {  	s2 =	stileid.u32;
	s4 =	sadd.s32 $0x1E400, s5;
	s7 =	smul.u32 $0x28000, s6  }
0x8: {  	s14 =	sadd.s32 $0xBE400, s5;
	_ =	strace $0x8000004D;
	s8 =	smul.u32 $0x2800, s2  }
0x9: {  	s9 =	sshll.u32 s2, $0x4;
	s26 =	ssub.s32 $0x2, s6;
	s10 =	smul.u32 $0x50000, s2  }
0xa: {  	s30 =	smul.u32 $0x4F000, s6;
	s31 =	sshll.u32 s2, $0x7;
	s28 =	sshrl.u32 s26, $0x1  }
0xb: {  	s12 =	sadd.s32 s9, s5;
	s7 =	sadd.s32 s8, s7;
	s8 =	ssub.s32 s26, s28  }
0xc: {  	s29 =	sshrl.u32 s10, $0x2;
	s13 =	sor.u32 s31, s30;
	s12 =	sadd.s32 $0x14600, s12  }
0xd: {  	s7 =	sadd.s32 s7, s5;
	s5 =	sadd.s32 s29, s1;
	s15 =	sor.u32 $0x800, s13  }
0xe: {  	s16 =	sshrl.u32 s13, $0x3;
	s6 =	sadd.s32 $0x6E400, s7;
	s7 =	smax.u32 s8, $0x1  }
0xf: {  	s8 =	sadd.s32 $0x4000, s5;
	s9 =	sadd.s32 $0x8000, s5;
	s15 =	sshrl.u32 s15, $0x3  }
0x10: {  	s10 =	sadd.s32 $0xC000, s5;
	s11 =	sadd.s32 $0x10000, s5;
	s13 =	sadd.s32 s15, s14  }
0x11: {  	v0 =	vimm.f32 $0.0e+00;
	s14 =	sadd.s32 s16, s14;
	s15 =	simm.s32 $0x200;
	s16 =	simm.s32 $0x3  }
.LBB2_1:
0x12: {  	s24 =	simm.s32 $0x0;
	s25 =	simm.s32 $0x200  }
.LBB2_2:
0x13: {  	p0 =	sne.s32 s25, $0xFE00;
	[tilespmem:s24+$0x270] =	vst v0  }
0x14: {  	[tilespmem:s24+$0x200] =	vst v0  }
0x15: {  	[tilespmem:s24+$0x210] =	vst v0  }
.Ltmp0:
0x16: {  	[tilespmem:s24+$0x220] =	vst v0;
	(pc) =	sbr.rel @p0 .LBB2_2-.Ltmp0, $4  }
0x17: {  	[tilespmem:s24+$0x230] =	vst v0  }
0x18: {  	[tilespmem:s24+$0x240] =	vst v0  }
0x19: {  	[tilespmem:s24+$0x250] =	vst v0  }
0x1a: {  	[tilespmem:s24+$0x260] =	vst v0;
	s24 =	sshra.s32 s25, $0x2;
	s25 =	sadd.s32 $0x200, s25  }
0x1b: {  	[tilespmem:s24+$0x270] =	vst v0  }
0x1c: {  	[tilespmem:s24+$0x200] =	vst v0  }
0x1d: {  	[tilespmem:s24+$0x210] =	vst v0  }
0x1e: {  	[tilespmem:s24+$0x220] =	vst v0  }
0x1f: {  	[tilespmem:s24+$0x230] =	vst v0  }
0x20: {  	[tilespmem:s24+$0x240] =	vst v0  }
0x21: {  	[tilespmem:s24+$0x250] =	vst v0  }
0x22: {  	[tilespmem:s24+$0x260] =	vst v0  }
0x23: {  	[spmem:s5] =	stream.linear.scatter [tilespmem:s15], [sflag:$0x3], $0x4000, $0x38;
	[tilespmem:$0x1C200] =	vst v63  }
0x24: {  	_ =	swait.ge [sflag:s16], $0x4000  }
0x25: {  	[sflag:s16] =	ssyncset.done $0x0  }
0x26: {  	[sflag:s16] =	ssyncadd.s32 $0xFFFFC000  }
0x27: {  	[spmem:s8] =	stream.linear.scatter [tilespmem:s15], [sflag:$0x3], $0x4000, $0x38;
	[tilespmem:$0x1C200] =	vst v63  }
0x28: {  	_ =	swait.ge [sflag:s16], $0x4000  }
0x29: {  	[sflag:s16] =	ssyncset.done $0x0  }
0x2a: {  	[sflag:s16] =	ssyncadd.s32 $0xFFFFC000  }
0x2b: {  	[spmem:s9] =	stream.linear.scatter [tilespmem:s15], [sflag:$0x3], $0x4000, $0x38;
	[tilespmem:$0x1C200] =	vst v63  }
0x2c: {  	_ =	swait.ge [sflag:s16], $0x4000  }
0x2d: {  	[sflag:s16] =	ssyncset.done $0x0  }
0x2e: {  	[sflag:s16] =	ssyncadd.s32 $0xFFFFC000  }
0x2f: {  	[spmem:s10] =	stream.linear.scatter [tilespmem:s15], [sflag:$0x3], $0x4000, $0x38;
	[tilespmem:$0x1C200] =	vst v63  }
0x30: {  	_ =	swait.ge [sflag:s16], $0x4000  }
0x31: {  	[sflag:s16] =	ssyncset.done $0x0  }
0x32: {  	[sflag:s16] =	ssyncadd.s32 $0xFFFFC000  }
0x33: {  	[spmem:s11] =	stream.linear.scatter [tilespmem:s15], [sflag:$0x3], $0x4000, $0x38;
	[tilespmem:$0x1C200] =	vst v63  }
0x34: {  	_ =	swait.ge [sflag:s16], $0x4000  }
0x35: {  	[sflag:s16] =	ssyncset.done $0x0  }
0x36: {  	[sflag:s16] =	ssyncadd.s32 $0xFFFFC000  }
0x37: {  	s30 =	sadd.s32 $0x0, s14;
	[bflag:$0x0] =	sbarrier.arrive $0xFFFF  }
0x38: {  	[tilespmem:s3], [sflag:$0x3] =	stream.linear.gather [hbm4b:s30+s3], $0x80, $0x38;
	[tilespmem:$0x1C200] =	vst v63  }
0x39: {  	_ =	swait.ge [sflag:s16], $0x80  }
0x3a: {  	[sflag:s16] =	ssyncset.done $0x0  }
0x3b: {  	s31 =	sadd.s32 $0x0, s12;
	[sflag:s16] =	ssyncadd.s32 $0xFFFFFF80  }
0x3c: {  	[tilespmem:s17], [sflag:$0x3] =	stream.linear.gather [hbm4b:s31+s3], $0x80, $0x38;
	[tilespmem:$0x1C200] =	vst v63  }
0x3d: {  	_ =	swait.ge [sflag:s16], $0x80  }
0x3e: {  	[sflag:s16] =	ssyncset.done $0x0  }
0x3f: {  	[sflag:s16] =	ssyncadd.s32 $0xFFFFFF80  }
0x40: {  	[tilespmem:s15], [sflag:$0x1] =	stream.indirect.gather [hbm4b:s4+s17], $0x80, s3, s17, $0xb8;
	[tilespmem:$0x1C200] =	vst v63  }
0x41: {  	s25 =	sadd.s32 $0x0, s13  }
0x42: {  	[tilespmem:s18], [sflag:$0x3] =	stream.linear.gather [hbm4b:s25+s3], $0x80, $0x38;
	[tilespmem:$0x1C200] =	vst v63  }
0x43: {  	_ =	swait.ge [sflag:s16], $0x80  }
0x44: {  	[sflag:s16] =	ssyncset.done $0x0  }
0x45: {  	s24 =	sadd.s32 $0x100, s31;
	[sflag:s16] =	ssyncadd.s32 $0xFFFFFF80  }
0x46: {  	[tilespmem:s19], [sflag:$0x3] =	stream.linear.gather [hbm4b:s24+s3], $0x80, $0x38;
	[tilespmem:$0x1C200] =	vst v63  }
0x47: {  	_ =	swait.ge [sflag:s16], $0x80  }
0x48: {  	[sflag:s16] =	ssyncset.done $0x0  }
0x49: {  	[sflag:s16] =	ssyncadd.s32 $0xFFFFFF80  }
0x4a: {  	[tilespmem:s20], [sflag:$0x2] =	stream.indirect.gather [hbm4b:s4+s17], $0x80, s18, s17, $0xb8;
	[tilespmem:$0x1C200] =	vst v63  }
0x4b: {  	_ =	swait.ge [sflag:s21], $0x4000  }
0x4c: {  	[sflag:s21] =	ssyncset.done $0x0  }
0x4d: {  	[sflag:s21] =	ssyncadd.s32 $0xFFFFC000  }
0x4e: {  	[spmem:s1] =	stream.indirect.scatter.add.f32 [tilespmem:s15], [sflag:$0x3], $0x80, s17, s17, $0xb8;
	[tilespmem:$0x1C200] =	vst v63  }
0x4f: {  	_ =	swait.ge [sflag:s16], $0x4000  }
0x50: {  	[sflag:s16] =	ssyncset.done $0x0  }
0x51: {  	[sflag:s16] =	ssyncadd.s32 $0xFFFFC000  }
0x52: {  	_ =	swait.ge [sflag:s22], $0x4000  }
0x53: {  	[sflag:s22] =	ssyncset.done $0x0  }
0x54: {  	[sflag:s22] =	ssyncadd.s32 $0xFFFFC000  }
0x55: {  	[spmem:s1] =	stream.indirect.scatter.add.f32 [tilespmem:s20], [sflag:$0x3], $0x80, s19, s17, $0xb8;
	[tilespmem:$0x1C200] =	vst v63  }
0x56: {  	_ =	swait.ge [sflag:s16], $0x4000  }
0x57: {  	s26 =	simm.s32 $0x400;
	s24 =	simm.s32 $0x200;
	[sflag:s16] =	ssyncset.done $0x0  }
.LBB2_4:
0x58: {  	s28 =	sadd.s32 s24, s14  }
0x59: {  	[sflag:s16] =	ssyncadd.s32 $0xFFFFC000;
	s29 =	smov.u32 s26;
	s25 =	sadd.s32 $0x200, s26  }
0x5a: {  	[tilespmem:s3], [sflag:$0x3] =	stream.linear.gather [hbm4b:s28+s3], $0x80, $0x38;
	[tilespmem:$0x1C200] =	vst v63  }
0x5b: {  	p0 =	sne.s32 s26, $0x9C00;
	_ =	swait.ge [sflag:s16], $0x80  }
0x5c: {  	[sflag:s16] =	ssyncset.done $0x0  }
0x5d: {  	s26 =	sadd.s32 s24, s12;
	[sflag:s16] =	ssyncadd.s32 $0xFFFFFF80  }
0x5e: {  	[tilespmem:s17], [sflag:$0x3] =	stream.linear.gather [hbm4b:s26+s3], $0x80, $0x38;
	[tilespmem:$0x1C200] =	vst v63  }
0x5f: {  	_ =	swait.ge [sflag:s16], $0x80  }
0x60: {  	[sflag:s16] =	ssyncset.done $0x0  }
0x61: {  	[sflag:s16] =	ssyncadd.s32 $0xFFFFFF80  }
0x62: {  	[tilespmem:s15], [sflag:$0x1] =	stream.indirect.gather [hbm4b:s4+s17], $0x80, s3, s17, $0xb8;
	[tilespmem:$0x1C200] =	vst v63  }
0x63: {  	s28 =	sadd.s32 s24, s13;
	s24 =	smov.u32 s29  }
0x64: {  	[tilespmem:s18], [sflag:$0x3] =	stream.linear.gather [hbm4b:s28+s3], $0x80, $0x38;
	[tilespmem:$0x1C200] =	vst v63  }
0x65: {  	_ =	swait.ge [sflag:s16], $0x80  }
0x66: {  	[sflag:s16] =	ssyncset.done $0x0  }
0x67: {  	s26 =	sadd.s32 $0x100, s26;
	[sflag:s16] =	ssyncadd.s32 $0xFFFFFF80  }
0x68: {  	[tilespmem:s19], [sflag:$0x3] =	stream.linear.gather [hbm4b:s26+s3], $0x80, $0x38;
	[tilespmem:$0x1C200] =	vst v63  }
0x69: {  	_ =	swait.ge [sflag:s16], $0x80  }
0x6a: {  	[sflag:s16] =	ssyncset.done $0x0  }
0x6b: {  	[sflag:s16] =	ssyncadd.s32 $0xFFFFFF80  }
0x6c: {  	[tilespmem:s20], [sflag:$0x2] =	stream.indirect.gather [hbm4b:s4+s17], $0x80, s18, s17, $0xb8;
	[tilespmem:$0x1C200] =	vst v63  }
0x6d: {  	_ =	swait.ge [sflag:s21], $0x4000  }
0x6e: {  	[sflag:s21] =	ssyncset.done $0x0  }
0x6f: {  	[sflag:s21] =	ssyncadd.s32 $0xFFFFC000  }
0x70: {  	[spmem:s1] =	stream.indirect.scatter.add.f32 [tilespmem:s15], [sflag:$0x3], $0x80, s17, s17, $0xb8;
	[tilespmem:$0x1C200] =	vst v63  }
0x71: {  	_ =	swait.ge [sflag:s16], $0x4000  }
0x72: {  	[sflag:s16] =	ssyncset.done $0x0  }
0x73: {  	[sflag:s16] =	ssyncadd.s32 $0xFFFFC000  }
0x74: {  	_ =	swait.ge [sflag:s22], $0x4000  }
.Ltmp1:
0x75: {  	[sflag:s22] =	ssyncset.done $0x0;
	(pc) =	sbr.rel @p0 .LBB2_4-.Ltmp1, $4  }
0x76: {  	[sflag:s22] =	ssyncadd.s32 $0xFFFFC000  }
0x77: {  	[spmem:s1] =	stream.indirect.scatter.add.f32 [tilespmem:s20], [sflag:$0x3], $0x80, s19, s17, $0xb8;
	[tilespmem:$0x1C200] =	vst v63  }
0x78: {  	_ =	swait.ge [sflag:s16], $0x4000  }
0x79: {  	s26 =	smov.u32 s25;
	[sflag:s16] =	ssyncset.done $0x0  }
0x7a: {  	s25 =	sadd.s32 s24, s14;
	[sflag:s16] =	ssyncadd.s32 $0xFFFFC000  }
0x7b: {  	[tilespmem:s3], [sflag:$0x3] =	stream.linear.gather [hbm4b:s25+s3], $0x80, $0x38;
	[tilespmem:$0x1C200] =	vst v63  }
0x7c: {  	_ =	swait.ge [sflag:s16], $0x80  }
0x7d: {  	[sflag:s16] =	ssyncset.done $0x0  }
0x7e: {  	s26 =	sadd.s32 s24, s12;
	[sflag:s16] =	ssyncadd.s32 $0xFFFFFF80  }
0x7f: {  	[tilespmem:s17], [sflag:$0x3] =	stream.linear.gather [hbm4b:s26+s3], $0x80, $0x38;
	[tilespmem:$0x1C200] =	vst v63  }
0x80: {  	_ =	swait.ge [sflag:s16], $0x80  }
0x81: {  	[sflag:s16] =	ssyncset.done $0x0  }
0x82: {  	[sflag:s16] =	ssyncadd.s32 $0xFFFFFF80  }
0x83: {  	[tilespmem:s15], [sflag:$0x1] =	stream.indirect.gather [hbm4b:s4+s17], $0x80, s3, s17, $0xb8;
	[tilespmem:$0x1C200] =	vst v63  }
0x84: {  	s28 =	sadd.s32 s24, s13  }
0x85: {  	[tilespmem:s18], [sflag:$0x3] =	stream.linear.gather [hbm4b:s28+s3], $0x80, $0x38;
	[tilespmem:$0x1C200] =	vst v63  }
0x86: {  	_ =	swait.ge [sflag:s16], $0x80  }
0x87: {  	[sflag:s16] =	ssyncset.done $0x0  }
0x88: {  	s29 =	sadd.s32 $0x100, s26;
	[sflag:s16] =	ssyncadd.s32 $0xFFFFFF80  }
0x89: {  	[tilespmem:s19], [sflag:$0x3] =	stream.linear.gather [hbm4b:s29+s3], $0x80, $0x38;
	[tilespmem:$0x1C200] =	vst v63  }
0x8a: {  	_ =	swait.ge [sflag:s16], $0x80  }
0x8b: {  	[sflag:s16] =	ssyncset.done $0x0  }
0x8c: {  	[sflag:s16] =	ssyncadd.s32 $0xFFFFFF80  }
0x8d: {  	[tilespmem:s20], [sflag:$0x2] =	stream.indirect.gather [hbm4b:s4+s17], $0x80, s18, s17, $0xb8;
	[tilespmem:$0x1C200] =	vst v63  }
0x8e: {  	_ =	swait.ge [sflag:s21], $0x4000  }
0x8f: {  	[sflag:s21] =	ssyncset.done $0x0  }
0x90: {  	[sflag:s21] =	ssyncadd.s32 $0xFFFFC000  }
0x91: {  	[spmem:s1] =	stream.indirect.scatter.add.f32 [tilespmem:s15], [sflag:$0x3], $0x80, s17, s17, $0xb8;
	[tilespmem:$0x1C200] =	vst v63  }
0x92: {  	_ =	swait.ge [sflag:s16], $0x4000  }
0x93: {  	[sflag:s16] =	ssyncset.done $0x0  }
0x94: {  	[sflag:s16] =	ssyncadd.s32 $0xFFFFC000  }
0x95: {  	_ =	swait.ge [sflag:s22], $0x4000  }
0x96: {  	[sflag:s22] =	ssyncset.done $0x0  }
0x97: {  	[sflag:s22] =	ssyncadd.s32 $0xFFFFC000  }
0x98: {  	[spmem:s1] =	stream.indirect.scatter.add.f32 [tilespmem:s20], [sflag:$0x3], $0x80, s19, s17, $0xb8;
	[tilespmem:$0x1C200] =	vst v63  }
0x99: {  	_ =	swait.ge [sflag:s16], $0x4000  }
0x9a: {  	s30 =	sshll.u32 s2, $0x6;
	s23 =	sadd.s32 $0x1, s23;
	[sflag:s16] =	ssyncset.done $0x0  }
0x9b: {  	s31 =	sshrl.u32 s5, $0x3;
	p0 =	sne.s32 s23, s7;
	[sflag:s16] =	ssyncadd.s32 $0xFFFFC000  }
.Ltmp2:
0x9c: {  	s24 =	sor.u32 $0x1C03, s30;
	[bflag:$0x0] =	sbarrier.arrive $0xFFFF;
	(pc) =	sbr.rel @p0 .LBB2_1-.Ltmp2, $4  }
0x9d: {  	[hbm:s6], [sflag:s24] =	dma.local [spmem:s31], $0x2800  }
0x9e: {  	_ =	swait.ge [sflag:s16], $0x2800  }
0x9f: {  	[sflag:s16] =	ssyncset.done $0x0  }
0xa0: {  	[sflag:s16] =	ssyncadd.s32 $0xFFFFD800  }
0xa1: {  	_ =	sfence.sel $0x180000  }
0xa2: {  	[bflag:$0x0] =	sbarrier.arrive $0xFFFF  }
0xa3: {  	p0 =	sne.s32 s2, $0x0;
	_ =	strace $0x9000004D  }
0xa4: {  	s0 =	sadd.s32 @!p0 $0x100000, s0;
	[bflag:$0x2] =	sbarrier.arrive $0xFFFF  }
0xa5: {  	[sflag:s0] =	ssyncadd.tile.s32 @!p0 $0x1;
	_ =	shalt  }
.Lfunc_end2:
_tile_overlayer_lowered:
.L_overlay_start_2:
0xa6: {  	(tag) =	ssettag $0x2  }
0xa7: {  	s0 =	rddreg [dreg:$0x0];
	s2 =	stileid.u32  }
0xa8: {  	s1 =	rddreg [dreg:$0x1];
	p0 =	sne.s32 s2, $0x0  }
0xa9: {  	s3 =	rddreg [dreg:$0x2];
	[bflag:$0x3] =	sbarrier.arrive $0xFFFF;
	s2 =	simm.s32 @!p0 $0x1C03  }
0xaa: {  	[timem:s3], [sflag:s2] =	dma.local @!p0 [hbm:s0], s1  }
0xab: {  	s0 =	simm.s32 @!p0 $0x3  }
0xac: {  	_ =	swait.ge @!p0 [sflag:s0], s1  }
0xad: {  	s1 =	ssub.s32 @!p0 $0x0, s1;
	[sflag:s0] =	ssyncset.done @!p0 $0x0  }
0xae: {  	[sflag:s0] =	ssyncadd.s32 @!p0 s1  }
0xaf: {  	[bflag:$0x3] =	sbarrier.arrive $0xFFFF  }
0xb0: {  	_ =	shalt  }

// kernel: kernel.39.cloned.1.call-start
scs
__scs_entry_jumppad:
0x0: {  	(pc) =	sbr.rel $0x88, $3  }
0x1: {  	(tag) =	ssettag $0x0;
	lr =	simm.s32 $0x1  }
0x2: {  	[smem:$0x3F6F] =	sst lr;
	_ =	strace $0xD0000000  }
0x3: {  	_ = 	snop  }
0x4: {  	_ = 	snop  }
0x5: {  	_ = 	snop  }
0x6: {  	_ = 	snop  }
0x7: {  	_ = 	snop  }
__scs_overlays_trampoline_lowered:
0x8: {  	[smem:$0x3F7E] =	sst s0  }
0x9: {  	[smem:$0x3F7F] =	sst s1  }
0xa: {  	[smem:$0x3F80] =	sst s2  }
0xb: {  	[smem:$0x3F81] =	sst s3  }
0xc: {  	[smem:$0x3F82] =	sst s4  }
0xd: {  	[smem:$0x3F83] =	sst s5  }
0xe: {  	[smem:$0x3F84] =	sst s6  }
0xf: {  	[smem:$0x3F85] =	sst s7  }
0x10: {  	[smem:$0x3F86] =	sst s8  }
0x11: {  	[smem:$0x3F87] =	sst s9;
	s0 =	simm.s32 @!p0 $0x0  }
0x12: {  	s1 =	sld [smem:$0x3F6D];
	s0 =	simm.s32 @p0 $0x1  }
0x13: {  	[smem:$0x3F88] =	sst s0;
	s0 =	simm.s32 @!p1 $0x0  }
0x14: {  	s2 =	sld [smem:$0x3F6C];
	s0 =	simm.s32 @p1 $0x1  }
0x15: {  	[smem:$0x3F89] =	sst s0;
	s0 =	simm.s32 @!p2 $0x0  }
0x16: {  	s3 =	sld [smem:$0x3FDB];
	s0 =	simm.s32 @p2 $0x1  }
0x17: {  	s4 =	simm.s32 $0x1BF5;
	[smem:$0x3F8B] =	sst s0  }
0x18: {  	s0 =	sld [smem:$0x3F6E];
	_ =	swait.ge [sflag:s4], $0x0  }
0x19: {  	s7 =	sld [smem:$0x3F6F]  }
0x1a: {  	s8 =	sadd.s32 $0xFFFFE003, lr  }
0x1b: {  	s9 =	sadd.s32 $0xFFFFFEF7, lr;
	s5 =	simm.s32 $0xFFFFFFFF;
	p2 =	slt.u32 s8, $0xFFFFF086  }
0x1c: {  	p1 =	slt.u32 s9, $0xF7A;
	s5 =	simm.s32 @!p2 $0x0  }
0x1d: {  	s5 =	simm.s32 @p1 $0x1;
	p0 =	seq.s32 s7, s2  }
0x1e: {  	s7 =	smul.u32 @!p0 $0xF7A, s2;
	p2 =	seq.s32 @!p0 s5, $0x0  }
0x1f: {  	s9 =	smul.u32 $0xF7A, s1;
	s8 =	simm.s32 @!p0 $0x1BF5;
	p2 =	por !p2, p0  }
0x20: {  	[sflag:s8] =	ssyncset.s32 @!p0 $0xFFFFF086;
	s6 =	sadd.s32 @!p0 s3, s7;
	s7 =	simm.s32 @!p0 $0x108  }
0x21: {  	s3 =	sadd.s32 s3, s9;
	s6 =	sadd.s32 @!p0 $0x88, s6;
	s7 =	simm.s32 @p2 $0x1082  }
0x22: {  	[simem:s7], [sflag:s8] =	dma.local @!p0 [hbm:s6], $0xF7A  }
0x23: {  	s9 =	sor.u32 $0xD0000000, s2;
	s6 =	simm.s32 $0x108;
	_ =	swait.ge @!p0 [sflag:s8], $0x0  }
0x24: {  	s3 =	sadd.s32 $0x88, s3;
	s6 =	simm.s32 @!p1 $0x1082;
	[sflag:s4] =	ssyncset.s32 $0xFFFFF086  }
0x25: {  	[simem:s6], [sflag:s4] =	dma.local [hbm:s3], $0xF7A  }
0x26: {  	[smem:$0x3F6F] =	sst s1;
	(tag) =	ssettag s2;
	_ =	strace s9  }
0x27: {  	s1 =	sld [smem:$0x3F7F]  }
0x28: {  	s2 =	sld [smem:$0x3F80]  }
0x29: {  	s4 =	sld [smem:$0x3F82]  }
0x2a: {  	p0 =	seq.s32 s5, $0x0;
	s5 =	sld [smem:$0x3F83]  }
0x2b: {  	s6 =	sld [smem:$0x3F84]  }
0x2c: {  	s7 =	sld [smem:$0x3F85]  }
0x2d: {  	s3 =	simm.s32 $0x108;
	s8 =	sld [smem:$0x3F86]  }
0x2e: {  	s3 =	simm.s32 @!p0 $0x1082;
	s9 =	sld [smem:$0x3F87]  }
0x2f: {  	lr =	sadd.s32 s0, s3;
	s0 =	sld [smem:$0x3F7E]  }
0x30: {  	s3 =	sld [smem:$0x3F81]  }
0x31: {  	[smem:$0x3F8A] =	sst s10  }
0x32: {  	s10 =	sld [smem:$0x3F88];
	_ =	sdelay $0x3  }
0x33: {  	p0 =	seq.s32 s10, $0x1;
	s10 =	sld [smem:$0x3F8A];
	_ =	sdelay $0x3  }
0x34: {  	[smem:$0x3F8A] =	sst s10  }
0x35: {  	s10 =	sld [smem:$0x3F89];
	_ =	sdelay $0x3  }
0x36: {  	p1 =	seq.s32 s10, $0x1;
	s10 =	sld [smem:$0x3F8A];
	_ =	sdelay $0x3  }
0x37: {  	[smem:$0x3F8A] =	sst s10  }
0x38: {  	s10 =	sld [smem:$0x3F8B]  }
0x39: {  	_ = 	snop;
	(pc) =	sbr.ind lr, $3  }
0x3a: {  	_ = 	snop  }
0x3b: {  	_ = 	snop  }
0x3c: {  	p2 =	seq.s32 s10, $0x1;
	s10 =	sld [smem:$0x3F8A]  }
0x3d: {  	_ =	shalt  }
0x3e: {  	_ =	shalt  }
0x3f: {  	_ =	shalt  }
0x40: {  	_ =	shalt  }
0x41: {  	_ =	shalt  }
0x42: {  	_ =	shalt  }
0x43: {  	_ =	shalt  }
0x44: {  	_ =	shalt  }
0x45: {  	_ =	shalt  }
0x46: {  	_ =	shalt  }
0x47: {  	_ =	shalt  }
0x48: {  	_ =	shalt  }
0x49: {  	_ =	shalt  }
0x4a: {  	_ =	shalt  }
0x4b: {  	_ =	shalt  }
0x4c: {  	_ =	shalt  }
0x4d: {  	_ =	shalt  }
0x4e: {  	_ =	shalt  }
0x4f: {  	_ =	shalt  }
0x50: {  	_ =	shalt  }
0x51: {  	_ =	shalt  }
0x52: {  	_ =	shalt  }
0x53: {  	_ =	shalt  }
0x54: {  	_ =	shalt  }
0x55: {  	_ =	shalt  }
0x56: {  	_ =	shalt  }
0x57: {  	_ =	shalt  }
0x58: {  	_ =	shalt  }
0x59: {  	_ =	shalt  }
0x5a: {  	_ =	shalt  }
0x5b: {  	_ =	shalt  }
0x5c: {  	_ =	shalt  }
0x5d: {  	_ =	shalt  }
0x5e: {  	_ =	shalt  }
0x5f: {  	_ =	shalt  }
0x60: {  	_ =	shalt  }
0x61: {  	_ =	shalt  }
0x62: {  	_ =	shalt  }
0x63: {  	_ =	shalt  }
0x64: {  	_ =	shalt  }
0x65: {  	_ =	shalt  }
0x66: {  	_ =	shalt  }
0x67: {  	_ =	shalt  }
0x68: {  	_ =	shalt  }
0x69: {  	_ =	shalt  }
0x6a: {  	_ =	shalt  }
0x6b: {  	_ =	shalt  }
0x6c: {  	_ =	shalt  }
0x6d: {  	_ =	shalt  }
0x6e: {  	_ =	shalt  }
0x6f: {  	_ =	shalt  }
0x70: {  	_ =	shalt  }
0x71: {  	_ =	shalt  }
0x72: {  	_ =	shalt  }
0x73: {  	_ =	shalt  }
0x74: {  	_ =	shalt  }
0x75: {  	_ =	shalt  }
0x76: {  	_ =	shalt  }
0x77: {  	_ =	shalt  }
0x78: {  	_ =	shalt  }
0x79: {  	_ =	shalt  }
0x7a: {  	_ =	shalt  }
0x7b: {  	_ =	shalt  }
0x7c: {  	_ =	shalt  }
0x7d: {  	_ =	shalt  }
0x7e: {  	_ =	shalt  }
0x7f: {  	_ =	shalt  }
0x80: {  	_ =	shalt  }
0x81: {  	_ =	shalt  }
0x82: {  	_ =	shalt  }
0x83: {  	_ =	shalt  }
0x84: {  	_ =	shalt  }
0x85: {  	_ =	shalt  }
0x86: {  	_ =	shalt  }
0x87: {  	_ =	shalt  }
.Lfunc_end0:
.L_simem_size_0:
called_computation.3_lowered:
.L_overlay_start_0:
0x88: {  	s2 =	sld [smem:$0x3FD9]  }
0x89: {  	s3 =	sld [smem:$0x3FFE];
	_ =	sdelay $0x1  }
0x8a: {  	s1 =	srdreg.scid  }
0x8b: {  	s0 =	sand.u32 $0x1, s1  }
0x8c: {  	s16 =	sshll.u32 s0, $0xA;
	s2 =	sadd.s32 s3, s2  }
0x8d: {  	s2 =	sadd.s32 s2, s16  }
0x8e: {  	[smem:$0x3F96] =	sst s2  }
0x8f: {  	_ = 	snop  }
0x90: {  	(tm) =	ssettm $0x1  }
0x91: {  	s17 =	sld [smem:$0x3FFB];
	_ =	sdelay $0x3  }
0x92: {  	_ =	strace s17  }
0x93: {  	s2 =	sld [smem:$0x3FFC];
	_ =	sdelay $0x3  }
0x94: {  	_ =	strace s2  }
0x95: {  	s2 =	sld [smem:$0x3FFD];
	_ =	sdelay $0x3  }
0x96: {  	_ =	strace s2  }
0x97: {  	_ =	strace $0x8FFFFFFF  }
0x98: {  	s18 =	sld [smem:$0x3FDB];
	_ =	sdelay $0x1  }
0x99: {  	s19 =	simm.s32 $_scs_section_size  }
0x9a: {  	s4 =	simm.s32 $_size__tile_overlayer_lowered;
	s5 =	simm.s32 $_tile_overlayer_lowered  }
0x9b: {  	s22 =	simm.s32 $0x1BFF;
	s21 =	sshll.u32 s5, $0x1;
	s2 =	sadd.s32 s19, s18  }
0x9c: {  	s6 =	simm.s32 $0x0;
	s20 =	sshll.u32 s4, $0x1;
	s4 =	sadd.s32 s21, s2  }
0x9d: {  	[timem:s6], [sflag:s22] =	dma.local [hbm:s4], s20  }
0x9e: {  	_ =	swait.ge [sflag:s22], s20  }
0x9f: {  	s3 =	ssub.s32 $0x0, s20;
	[sflag:s22] =	ssyncset.done $0x0  }
0xa0: {  	[sflag:s22] =	ssyncadd.s32 s3;
	_ =	sdelay $0x1  }
0xa1: {  	s23 =	simm.s32 $0x1B8B  }
0xa2: {  	_ =	swait.ge [sflag:s23], $0x1  }
0xa3: {  	[sflag:s23] =	ssyncset.done $0x0  }
0xa4: {  	s25 =	simm.s32 $0x1B8E;
	s24 =	sld [smem:$0x3FFE];
	[sflag:s23] =	ssyncadd.s32 $0xFFFFFFFF  }
0xa5: {  	s26 =	simm.s32 $execute0_lowered;
	[smem:$0x3FD2] =	sst s25  }
0xa6: {  	s4 =	sshll.u32 s26, $0x1;
	_ =	strace $0x8000004F;
	[dreg:$0x1] =	wrdreg $0xFFFFFFFF  }
0xa7: {  	s28 =	simm.s32 $_size_execute0_lowered;
	s2 =	sadd.s32 s2, s4;
	[dreg:$0x0] =	wrdreg $0x0  }
0xa8: {  	s4 =	sshll.u32 s28, $0x1;
	[dreg:$0x2] =	wrdreg s2  }
0xa9: {  	[dreg:$0x3] =	wrdreg s4  }
0xaa: {  	[dreg:$0x4] =	wrdreg $0xC0  }
0xab: {  	_ =	task [dreg:s6], $0x5FFFF  }
0xac: {  	[dreg:$0x1] =	wrdreg $0xFFFFFFFF  }
0xad: {  	[dreg:$0x0] =	wrdreg $0x60  }
0xae: {  	[dreg:$0x2] =	wrdreg s24  }
0xaf: {  	[dreg:$0x3] =	wrdreg $0x82000  }
0xb0: {  	[dreg:$0x4] =	wrdreg $0x9  }
0xb1: {  	_ =	task.clear_ibuf [dreg:s6], $0x5FFFF;
	_ =	strace $0x9000004F  }
0xb2: {  	s29 =	simm.s32 $0x9;
	_ =	strace $0x80000051  }
0xb3: {  	_ =	swait.ge [sflag:s29], $0x1  }
0xb4: {  	[sflag:s29] =	ssyncadd.s32 $0xFFFFFFFF  }
0xb5: {  	_ =	strace $0x90000051  }
0xb6: {  	_ =	sfence  }
0xb7: {  	s30 =	sld [smem:$0x0];
	_ =	sdelay $0x2  }
0xb8: {  	s31 =	sshll.u32 s1, $0xD;
	s1 =	sshrl.u32 s1, $0x2  }
0xb9: {  	s3 =	sand.u32 $0x4000, s31;
	s1 =	sadd.s32 s1, s30  }
0xba: {  	s0 =	sor.u32 s3, s0;
	s1 =	sshll.u32 s1, $0x11  }
0xbb: {  	s0 =	sor.u32 s1, s0  }
0xbc: {  	s0 =	sadd.s32 $0x8F2B, s0  }
0xbd: {  	[sflag:s0] =	ssyncadd.remote.s32 $0x1  }
0xbe: {  	_ =	sfence.sel $0xFFFF  }
0xbf: {  	[dreg:$0x0] =	wrdreg $0xFFFFFFFF;
	(pc) =	sbr.abs _section_cstart, $3  }
0xc0: {  	[dreg:$0x1] =	wrdreg $0xFFFFFFFF  }
0xc1: {  	_ =	task.clear_ibuf [dreg:s6], $0x2FFFF;
	_ =	strace $0x9FFFFFFF  }
0xc2: {  	(tm) =	ssettm $0x7FFFFFFF  }
0xc3: {  	_ =	shalt  }
tec
execute0_lowered:
.L_overlay_start_1:
0x0: {  	(tag) =	ssettag $0x1  }
0x1: {  	s5 =	rddreg [dreg:$0x0]  }
0x2: {  	s1 =	rddreg [dreg:$0x1]  }
0x3: {  	s0 =	rddreg [dreg:$0x2];
	s3 =	simm.s32 $0x0;
	s2 =	srdreg.scid  }
0x4: {  	s17 =	simm.s32 $0x80;
	s18 =	simm.s32 $0x100;
	s19 =	simm.s32 $0x180  }
0x5: {  	s20 =	simm.s32 $0x4200;
	s21 =	simm.s32 $0x1;
	s22 =	simm.s32 $0x2  }
0x6: {  	s23 =	simm.s32 $0x0;
	[smem:$0x7FF] =	sst s3;
	s6 =	sand.u32 $0x1, s2  }
0x7: {  	s2 =	stileid.u32;
	s4 =	sadd.s32 $0x1E400, s5;
	s7 =	smul.u32 $0x28000, s6  }
0x8: {  	s14 =	sadd.s32 $0xBE400, s5;
	_ =	strace $0x80000050;
	s8 =	smul.u32 $0x2800, s2  }
0x9: {  	s9 =	sshll.u32 s2, $0x4;
	s26 =	ssub.s32 $0x2, s6;
	s10 =	smul.u32 $0x50000, s2  }
0xa: {  	s30 =	smul.u32 $0x4F000, s6;
	s31 =	sshll.u32 s2, $0x7;
	s28 =	sshrl.u32 s26, $0x1  }
0xb: {  	s12 =	sadd.s32 s9, s5;
	s7 =	sadd.s32 s8, s7;
	s8 =	ssub.s32 s26, s28  }
0xc: {  	s29 =	sshrl.u32 s10, $0x2;
	s13 =	sor.u32 s31, s30;
	s12 =	sadd.s32 $0x14600, s12  }
0xd: {  	s7 =	sadd.s32 s7, s5;
	s5 =	sadd.s32 s29, s1;
	s15 =	sor.u32 $0x800, s13  }
0xe: {  	s16 =	sshrl.u32 s13, $0x3;
	s6 =	sadd.s32 $0x6E400, s7;
	s7 =	smax.u32 s8, $0x1  }
0xf: {  	s8 =	sadd.s32 $0x4000, s5;
	s9 =	sadd.s32 $0x8000, s5;
	s15 =	sshrl.u32 s15, $0x3  }
0x10: {  	s10 =	sadd.s32 $0xC000, s5;
	s11 =	sadd.s32 $0x10000, s5;
	s13 =	sadd.s32 s15, s14  }
0x11: {  	v0 =	vimm.f32 $0.0e+00;
	s14 =	sadd.s32 s16, s14;
	s15 =	simm.s32 $0x200;
	s16 =	simm.s32 $0x3  }
.LBB2_1:
0x12: {  	s24 =	simm.s32 $0x0;
	s25 =	simm.s32 $0x200  }
.LBB2_2:
0x13: {  	p0 =	sne.s32 s25, $0xFE00;
	[tilespmem:s24+$0x270] =	vst v0  }
0x14: {  	[tilespmem:s24+$0x200] =	vst v0  }
0x15: {  	[tilespmem:s24+$0x210] =	vst v0  }
.Ltmp0:
0x16: {  	[tilespmem:s24+$0x220] =	vst v0;
	(pc) =	sbr.rel @p0 .LBB2_2-.Ltmp0, $4  }
0x17: {  	[tilespmem:s24+$0x230] =	vst v0  }
0x18: {  	[tilespmem:s24+$0x240] =	vst v0  }
0x19: {  	[tilespmem:s24+$0x250] =	vst v0  }
0x1a: {  	[tilespmem:s24+$0x260] =	vst v0;
	s24 =	sshra.s32 s25, $0x2;
	s25 =	sadd.s32 $0x200, s25  }
0x1b: {  	[tilespmem:s24+$0x270] =	vst v0  }
0x1c: {  	[tilespmem:s24+$0x200] =	vst v0  }
0x1d: {  	[tilespmem:s24+$0x210] =	vst v0  }
0x1e: {  	[tilespmem:s24+$0x220] =	vst v0  }
0x1f: {  	[tilespmem:s24+$0x230] =	vst v0  }
0x20: {  	[tilespmem:s24+$0x240] =	vst v0  }
0x21: {  	[tilespmem:s24+$0x250] =	vst v0  }
0x22: {  	[tilespmem:s24+$0x260] =	vst v0  }
0x23: {  	[spmem:s5] =	stream.linear.scatter [tilespmem:s15], [sflag:$0x3], $0x4000, $0x38;
	[tilespmem:$0x1C200] =	vst v63  }
0x24: {  	_ =	swait.ge [sflag:s16], $0x4000  }
0x25: {  	[sflag:s16] =	ssyncset.done $0x0  }
0x26: {  	[sflag:s16] =	ssyncadd.s32 $0xFFFFC000  }
0x27: {  	[spmem:s8] =	stream.linear.scatter [tilespmem:s15], [sflag:$0x3], $0x4000, $0x38;
	[tilespmem:$0x1C200] =	vst v63  }
0x28: {  	_ =	swait.ge [sflag:s16], $0x4000  }
0x29: {  	[sflag:s16] =	ssyncset.done $0x0  }
0x2a: {  	[sflag:s16] =	ssyncadd.s32 $0xFFFFC000  }
0x2b: {  	[spmem:s9] =	stream.linear.scatter [tilespmem:s15], [sflag:$0x3], $0x4000, $0x38;
	[tilespmem:$0x1C200] =	vst v63  }
0x2c: {  	_ =	swait.ge [sflag:s16], $0x4000  }
0x2d: {  	[sflag:s16] =	ssyncset.done $0x0  }
0x2e: {  	[sflag:s16] =	ssyncadd.s32 $0xFFFFC000  }
0x2f: {  	[spmem:s10] =	stream.linear.scatter [tilespmem:s15], [sflag:$0x3], $0x4000, $0x38;
	[tilespmem:$0x1C200] =	vst v63  }
0x30: {  	_ =	swait.ge [sflag:s16], $0x4000  }
0x31: {  	[sflag:s16] =	ssyncset.done $0x0  }
0x32: {  	[sflag:s16] =	ssyncadd.s32 $0xFFFFC000  }
0x33: {  	[spmem:s11] =	stream.linear.scatter [tilespmem:s15], [sflag:$0x3], $0x4000, $0x38;
	[tilespmem:$0x1C200] =	vst v63  }
0x34: {  	_ =	swait.ge [sflag:s16], $0x4000  }
0x35: {  	[sflag:s16] =	ssyncset.done $0x0  }
0x36: {  	[sflag:s16] =	ssyncadd.s32 $0xFFFFC000  }
0x37: {  	s30 =	sadd.s32 $0x0, s14;
	[bflag:$0x0] =	sbarrier.arrive $0xFFFF  }
0x38: {  	[tilespmem:s3], [sflag:$0x3] =	stream.linear.gather [hbm4b:s30+s3], $0x80, $0x38;
	[tilespmem:$0x1C200] =	vst v63  }
0x39: {  	_ =	swait.ge [sflag:s16], $0x80  }
0x3a: {  	[sflag:s16] =	ssyncset.done $0x0  }
0x3b: {  	s31 =	sadd.s32 $0x0, s12;
	[sflag:s16] =	ssyncadd.s32 $0xFFFFFF80  }
0x3c: {  	[tilespmem:s17], [sflag:$0x3] =	stream.linear.gather [hbm4b:s31+s3], $0x80, $0x38;
	[tilespmem:$0x1C200] =	vst v63  }
0x3d: {  	_ =	swait.ge [sflag:s16], $0x80  }
0x3e: {  	[sflag:s16] =	ssyncset.done $0x0  }
0x3f: {  	[sflag:s16] =	ssyncadd.s32 $0xFFFFFF80  }
0x40: {  	[tilespmem:s15], [sflag:$0x1] =	stream.indirect.gather [hbm4b:s4+s17], $0x80, s3, s17, $0xb8;
	[tilespmem:$0x1C200] =	vst v63  }
0x41: {  	s25 =	sadd.s32 $0x0, s13  }
0x42: {  	[tilespmem:s18], [sflag:$0x3] =	stream.linear.gather [hbm4b:s25+s3], $0x80, $0x38;
	[tilespmem:$0x1C200] =	vst v63  }
0x43: {  	_ =	swait.ge [sflag:s16], $0x80  }
0x44: {  	[sflag:s16] =	ssyncset.done $0x0  }
0x45: {  	s24 =	sadd.s32 $0x100, s31;
	[sflag:s16] =	ssyncadd.s32 $0xFFFFFF80  }
0x46: {  	[tilespmem:s19], [sflag:$0x3] =	stream.linear.gather [hbm4b:s24+s3], $0x80, $0x38;
	[tilespmem:$0x1C200] =	vst v63  }
0x47: {  	_ =	swait.ge [sflag:s16], $0x80  }
0x48: {  	[sflag:s16] =	ssyncset.done $0x0  }
0x49: {  	[sflag:s16] =	ssyncadd.s32 $0xFFFFFF80  }
0x4a: {  	[tilespmem:s20], [sflag:$0x2] =	stream.indirect.gather [hbm4b:s4+s17], $0x80, s18, s17, $0xb8;
	[tilespmem:$0x1C200] =	vst v63  }
0x4b: {  	_ =	swait.ge [sflag:s21], $0x4000  }
0x4c: {  	[sflag:s21] =	ssyncset.done $0x0  }
0x4d: {  	[sflag:s21] =	ssyncadd.s32 $0xFFFFC000  }
0x4e: {  	[spmem:s1] =	stream.indirect.scatter.add.f32 [tilespmem:s15], [sflag:$0x3], $0x80, s17, s17, $0xb8;
	[tilespmem:$0x1C200] =	vst v63  }
0x4f: {  	_ =	swait.ge [sflag:s16], $0x4000  }
0x50: {  	[sflag:s16] =	ssyncset.done $0x0  }
0x51: {  	[sflag:s16] =	ssyncadd.s32 $0xFFFFC000  }
0x52: {  	_ =	swait.ge [sflag:s22], $0x4000  }
0x53: {  	[sflag:s22] =	ssyncset.done $0x0  }
0x54: {  	[sflag:s22] =	ssyncadd.s32 $0xFFFFC000  }
0x55: {  	[spmem:s1] =	stream.indirect.scatter.add.f32 [tilespmem:s20], [sflag:$0x3], $0x80, s19, s17, $0xb8;
	[tilespmem:$0x1C200] =	vst v63  }
0x56: {  	_ =	swait.ge [sflag:s16], $0x4000  }
0x57: {  	s26 =	simm.s32 $0x400;
	s24 =	simm.s32 $0x200;
	[sflag:s16] =	ssyncset.done $0x0  }
.LBB2_4:
0x58: {  	s28 =	sadd.s32 s24, s14  }
0x59: {  	[sflag:s16] =	ssyncadd.s32 $0xFFFFC000;
	s29 =	smov.u32 s26;
	s25 =	sadd.s32 $0x200, s26  }
0x5a: {  	[tilespmem:s3], [sflag:$0x3] =	stream.linear.gather [hbm4b:s28+s3], $0x80, $0x38;
	[tilespmem:$0x1C200] =	vst v63  }
0x5b: {  	p0 =	sne.s32 s26, $0x9C00;
	_ =	swait.ge [sflag:s16], $0x80  }
0x5c: {  	[sflag:s16] =	ssyncset.done $0x0  }
0x5d: {  	s26 =	sadd.s32 s24, s12;
	[sflag:s16] =	ssyncadd.s32 $0xFFFFFF80  }
0x5e: {  	[tilespmem:s17], [sflag:$0x3] =	stream.linear.gather [hbm4b:s26+s3], $0x80, $0x38;
	[tilespmem:$0x1C200] =	vst v63  }
0x5f: {  	_ =	swait.ge [sflag:s16], $0x80  }
0x60: {  	[sflag:s16] =	ssyncset.done $0x0  }
0x61: {  	[sflag:s16] =	ssyncadd.s32 $0xFFFFFF80  }
0x62: {  	[tilespmem:s15], [sflag:$0x1] =	stream.indirect.gather [hbm4b:s4+s17], $0x80, s3, s17, $0xb8;
	[tilespmem:$0x1C200] =	vst v63  }
0x63: {  	s28 =	sadd.s32 s24, s13;
	s24 =	smov.u32 s29  }
0x64: {  	[tilespmem:s18], [sflag:$0x3] =	stream.linear.gather [hbm4b:s28+s3], $0x80, $0x38;
	[tilespmem:$0x1C200] =	vst v63  }
0x65: {  	_ =	swait.ge [sflag:s16], $0x80  }
0x66: {  	[sflag:s16] =	ssyncset.done $0x0  }
0x67: {  	s26 =	sadd.s32 $0x100, s26;
	[sflag:s16] =	ssyncadd.s32 $0xFFFFFF80  }
0x68: {  	[tilespmem:s19], [sflag:$0x3] =	stream.linear.gather [hbm4b:s26+s3], $0x80, $0x38;
	[tilespmem:$0x1C200] =	vst v63  }
0x69: {  	_ =	swait.ge [sflag:s16], $0x80  }
0x6a: {  	[sflag:s16] =	ssyncset.done $0x0  }
0x6b: {  	[sflag:s16] =	ssyncadd.s32 $0xFFFFFF80  }
0x6c: {  	[tilespmem:s20], [sflag:$0x2] =	stream.indirect.gather [hbm4b:s4+s17], $0x80, s18, s17, $0xb8;
	[tilespmem:$0x1C200] =	vst v63  }
0x6d: {  	_ =	swait.ge [sflag:s21], $0x4000  }
0x6e: {  	[sflag:s21] =	ssyncset.done $0x0  }
0x6f: {  	[sflag:s21] =	ssyncadd.s32 $0xFFFFC000  }
0x70: {  	[spmem:s1] =	stream.indirect.scatter.add.f32 [tilespmem:s15], [sflag:$0x3], $0x80, s17, s17, $0xb8;
	[tilespmem:$0x1C200] =	vst v63  }
0x71: {  	_ =	swait.ge [sflag:s16], $0x4000  }
0x72: {  	[sflag:s16] =	ssyncset.done $0x0  }
0x73: {  	[sflag:s16] =	ssyncadd.s32 $0xFFFFC000  }
0x74: {  	_ =	swait.ge [sflag:s22], $0x4000  }
.Ltmp1:
0x75: {  	[sflag:s22] =	ssyncset.done $0x0;
	(pc) =	sbr.rel @p0 .LBB2_4-.Ltmp1, $4  }
0x76: {  	[sflag:s22] =	ssyncadd.s32 $0xFFFFC000  }
0x77: {  	[spmem:s1] =	stream.indirect.scatter.add.f32 [tilespmem:s20], [sflag:$0x3], $0x80, s19, s17, $0xb8;
	[tilespmem:$0x1C200] =	vst v63  }
0x78: {  	_ =	swait.ge [sflag:s16], $0x4000  }
0x79: {  	s26 =	smov.u32 s25;
	[sflag:s16] =	ssyncset.done $0x0  }
0x7a: {  	s25 =	sadd.s32 s24, s14;
	[sflag:s16] =	ssyncadd.s32 $0xFFFFC000  }
0x7b: {  	[tilespmem:s3], [sflag:$0x3] =	stream.linear.gather [hbm4b:s25+s3], $0x80, $0x38;
	[tilespmem:$0x1C200] =	vst v63  }
0x7c: {  	_ =	swait.ge [sflag:s16], $0x80  }
0x7d: {  	[sflag:s16] =	ssyncset.done $0x0  }
0x7e: {  	s26 =	sadd.s32 s24, s12;
	[sflag:s16] =	ssyncadd.s32 $0xFFFFFF80  }
0x7f: {  	[tilespmem:s17], [sflag:$0x3] =	stream.linear.gather [hbm4b:s26+s3], $0x80, $0x38;
	[tilespmem:$0x1C200] =	vst v63  }
0x80: {  	_ =	swait.ge [sflag:s16], $0x80  }
0x81: {  	[sflag:s16] =	ssyncset.done $0x0  }
0x82: {  	[sflag:s16] =	ssyncadd.s32 $0xFFFFFF80  }
0x83: {  	[tilespmem:s15], [sflag:$0x1] =	stream.indirect.gather [hbm4b:s4+s17], $0x80, s3, s17, $0xb8;
	[tilespmem:$0x1C200] =	vst v63  }
0x84: {  	s28 =	sadd.s32 s24, s13  }
0x85: {  	[tilespmem:s18], [sflag:$0x3] =	stream.linear.gather [hbm4b:s28+s3], $0x80, $0x38;
	[tilespmem:$0x1C200] =	vst v63  }
0x86: {  	_ =	swait.ge [sflag:s16], $0x80  }
0x87: {  	[sflag:s16] =	ssyncset.done $0x0  }
0x88: {  	s29 =	sadd.s32 $0x100, s26;
	[sflag:s16] =	ssyncadd.s32 $0xFFFFFF80  }
0x89: {  	[tilespmem:s19], [sflag:$0x3] =	stream.linear.gather [hbm4b:s29+s3], $0x80, $0x38;
	[tilespmem:$0x1C200] =	vst v63  }
0x8a: {  	_ =	swait.ge [sflag:s16], $0x80  }
0x8b: {  	[sflag:s16] =	ssyncset.done $0x0  }
0x8c: {  	[sflag:s16] =	ssyncadd.s32 $0xFFFFFF80  }
0x8d: {  	[tilespmem:s20], [sflag:$0x2] =	stream.indirect.gather [hbm4b:s4+s17], $0x80, s18, s17, $0xb8;
	[tilespmem:$0x1C200] =	vst v63  }
0x8e: {  	_ =	swait.ge [sflag:s21], $0x4000  }
0x8f: {  	[sflag:s21] =	ssyncset.done $0x0  }
0x90: {  	[sflag:s21] =	ssyncadd.s32 $0xFFFFC000  }
0x91: {  	[spmem:s1] =	stream.indirect.scatter.add.f32 [tilespmem:s15], [sflag:$0x3], $0x80, s17, s17, $0xb8;
	[tilespmem:$0x1C200] =	vst v63  }
0x92: {  	_ =	swait.ge [sflag:s16], $0x4000  }
0x93: {  	[sflag:s16] =	ssyncset.done $0x0  }
0x94: {  	[sflag:s16] =	ssyncadd.s32 $0xFFFFC000  }
0x95: {  	_ =	swait.ge [sflag:s22], $0x4000  }
0x96: {  	[sflag:s22] =	ssyncset.done $0x0  }
0x97: {  	[sflag:s22] =	ssyncadd.s32 $0xFFFFC000  }
0x98: {  	[spmem:s1] =	stream.indirect.scatter.add.f32 [tilespmem:s20], [sflag:$0x3], $0x80, s19, s17, $0xb8;
	[tilespmem:$0x1C200] =	vst v63  }
0x99: {  	_ =	swait.ge [sflag:s16], $0x4000  }
0x9a: {  	s30 =	sshll.u32 s2, $0x6;
	s23 =	sadd.s32 $0x1, s23;
	[sflag:s16] =	ssyncset.done $0x0  }
0x9b: {  	s31 =	sshrl.u32 s5, $0x3;
	p0 =	sne.s32 s23, s7;
	[sflag:s16] =	ssyncadd.s32 $0xFFFFC000  }
.Ltmp2:
0x9c: {  	s24 =	sor.u32 $0x1C03, s30;
	[bflag:$0x0] =	sbarrier.arrive $0xFFFF;
	(pc) =	sbr.rel @p0 .LBB2_1-.Ltmp2, $4  }
0x9d: {  	[hbm:s6], [sflag:s24] =	dma.local [spmem:s31], $0x2800  }
0x9e: {  	_ =	swait.ge [sflag:s16], $0x2800  }
0x9f: {  	[sflag:s16] =	ssyncset.done $0x0  }
0xa0: {  	[sflag:s16] =	ssyncadd.s32 $0xFFFFD800  }
0xa1: {  	_ =	sfence.sel $0x180000  }
0xa2: {  	[bflag:$0x0] =	sbarrier.arrive $0xFFFF  }
0xa3: {  	p0 =	sne.s32 s2, $0x0;
	_ =	strace $0x90000050  }
0xa4: {  	s0 =	sadd.s32 @!p0 $0x100000, s0;
	[bflag:$0x2] =	sbarrier.arrive $0xFFFF  }
0xa5: {  	[sflag:s0] =	ssyncadd.tile.s32 @!p0 $0x1;
	_ =	shalt  }
.Lfunc_end2:
_tile_overlayer_lowered:
.L_overlay_start_2:
0xa6: {  	(tag) =	ssettag $0x2  }
0xa7: {  	s0 =	rddreg [dreg:$0x0];
	s2 =	stileid.u32  }
0xa8: {  	s1 =	rddreg [dreg:$0x1];
	p0 =	sne.s32 s2, $0x0  }
0xa9: {  	s3 =	rddreg [dreg:$0x2];
	[bflag:$0x3] =	sbarrier.arrive $0xFFFF;
	s2 =	simm.s32 @!p0 $0x1C03  }
0xaa: {  	[timem:s3], [sflag:s2] =	dma.local @!p0 [hbm:s0], s1  }
0xab: {  	s0 =	simm.s32 @!p0 $0x3  }
0xac: {  	_ =	swait.ge @!p0 [sflag:s0], s1  }
0xad: {  	s1 =	ssub.s32 @!p0 $0x0, s1;
	[sflag:s0] =	ssyncset.done @!p0 $0x0  }
0xae: {  	[sflag:s0] =	ssyncadd.s32 @!p0 s1  }
0xaf: {  	[bflag:$0x3] =	sbarrier.arrive $0xFFFF  }
0xb0: {  	_ =	shalt  }

// kernel: kernel.42.cloned.1.call-start
scs
__scs_entry_jumppad:
0x0: {  	(pc) =	sbr.rel $0x88, $3  }
0x1: {  	(tag) =	ssettag $0x0;
	lr =	simm.s32 $0x1  }
0x2: {  	[smem:$0x3F6F] =	sst lr;
	_ =	strace $0xD0000000  }
0x3: {  	_ = 	snop  }
0x4: {  	_ = 	snop  }
0x5: {  	_ = 	snop  }
0x6: {  	_ = 	snop  }
0x7: {  	_ = 	snop  }
__scs_overlays_trampoline_lowered:
0x8: {  	[smem:$0x3F7E] =	sst s0  }
0x9: {  	[smem:$0x3F7F] =	sst s1  }
0xa: {  	[smem:$0x3F80] =	sst s2  }
0xb: {  	[smem:$0x3F81] =	sst s3  }
0xc: {  	[smem:$0x3F82] =	sst s4  }
0xd: {  	[smem:$0x3F83] =	sst s5  }
0xe: {  	[smem:$0x3F84] =	sst s6  }
0xf: {  	[smem:$0x3F85] =	sst s7  }
0x10: {  	[smem:$0x3F86] =	sst s8  }
0x11: {  	[smem:$0x3F87] =	sst s9;
	s0 =	simm.s32 @!p0 $0x0  }
0x12: {  	s1 =	sld [smem:$0x3F6D];
	s0 =	simm.s32 @p0 $0x1  }
0x13: {  	[smem:$0x3F88] =	sst s0;
	s0 =	simm.s32 @!p1 $0x0  }
0x14: {  	s2 =	sld [smem:$0x3F6C];
	s0 =	simm.s32 @p1 $0x1  }
0x15: {  	[smem:$0x3F89] =	sst s0;
	s0 =	simm.s32 @!p2 $0x0  }
0x16: {  	s3 =	sld [smem:$0x3FDB];
	s0 =	simm.s32 @p2 $0x1  }
0x17: {  	s4 =	simm.s32 $0x1BF5;
	[smem:$0x3F8B] =	sst s0  }
0x18: {  	s0 =	sld [smem:$0x3F6E];
	_ =	swait.ge [sflag:s4], $0x0  }
0x19: {  	s7 =	sld [smem:$0x3F6F]  }
0x1a: {  	s8 =	sadd.s32 $0xFFFFE003, lr  }
0x1b: {  	s9 =	sadd.s32 $0xFFFFFEF7, lr;
	s5 =	simm.s32 $0xFFFFFFFF;
	p2 =	slt.u32 s8, $0xFFFFF086  }
0x1c: {  	p1 =	slt.u32 s9, $0xF7A;
	s5 =	simm.s32 @!p2 $0x0  }
0x1d: {  	s5 =	simm.s32 @p1 $0x1;
	p0 =	seq.s32 s7, s2  }
0x1e: {  	s7 =	smul.u32 @!p0 $0xF7A, s2;
	p2 =	seq.s32 @!p0 s5, $0x0  }
0x1f: {  	s9 =	smul.u32 $0xF7A, s1;
	s8 =	simm.s32 @!p0 $0x1BF5;
	p2 =	por !p2, p0  }
0x20: {  	[sflag:s8] =	ssyncset.s32 @!p0 $0xFFFFF086;
	s6 =	sadd.s32 @!p0 s3, s7;
	s7 =	simm.s32 @!p0 $0x108  }
0x21: {  	s3 =	sadd.s32 s3, s9;
	s6 =	sadd.s32 @!p0 $0x88, s6;
	s7 =	simm.s32 @p2 $0x1082  }
0x22: {  	[simem:s7], [sflag:s8] =	dma.local @!p0 [hbm:s6], $0xF7A  }
0x23: {  	s9 =	sor.u32 $0xD0000000, s2;
	s6 =	simm.s32 $0x108;
	_ =	swait.ge @!p0 [sflag:s8], $0x0  }
0x24: {  	s3 =	sadd.s32 $0x88, s3;
	s6 =	simm.s32 @!p1 $0x1082;
	[sflag:s4] =	ssyncset.s32 $0xFFFFF086  }
0x25: {  	[simem:s6], [sflag:s4] =	dma.local [hbm:s3], $0xF7A  }
0x26: {  	[smem:$0x3F6F] =	sst s1;
	(tag) =	ssettag s2;
	_ =	strace s9  }
0x27: {  	s1 =	sld [smem:$0x3F7F]  }
0x28: {  	s2 =	sld [smem:$0x3F80]  }
0x29: {  	s4 =	sld [smem:$0x3F82]  }
0x2a: {  	p0 =	seq.s32 s5, $0x0;
	s5 =	sld [smem:$0x3F83]  }
0x2b: {  	s6 =	sld [smem:$0x3F84]  }
0x2c: {  	s7 =	sld [smem:$0x3F85]  }
0x2d: {  	s3 =	simm.s32 $0x108;
	s8 =	sld [smem:$0x3F86]  }
0x2e: {  	s3 =	simm.s32 @!p0 $0x1082;
	s9 =	sld [smem:$0x3F87]  }
0x2f: {  	lr =	sadd.s32 s0, s3;
	s0 =	sld [smem:$0x3F7E]  }
0x30: {  	s3 =	sld [smem:$0x3F81]  }
0x31: {  	[smem:$0x3F8A] =	sst s10  }
0x32: {  	s10 =	sld [smem:$0x3F88];
	_ =	sdelay $0x3  }
0x33: {  	p0 =	seq.s32 s10, $0x1;
	s10 =	sld [smem:$0x3F8A];
	_ =	sdelay $0x3  }
0x34: {  	[smem:$0x3F8A] =	sst s10  }
0x35: {  	s10 =	sld [smem:$0x3F89];
	_ =	sdelay $0x3  }
0x36: {  	p1 =	seq.s32 s10, $0x1;
	s10 =	sld [smem:$0x3F8A];
	_ =	sdelay $0x3  }
0x37: {  	[smem:$0x3F8A] =	sst s10  }
0x38: {  	s10 =	sld [smem:$0x3F8B]  }
0x39: {  	_ = 	snop;
	(pc) =	sbr.ind lr, $3  }
0x3a: {  	_ = 	snop  }
0x3b: {  	_ = 	snop  }
0x3c: {  	p2 =	seq.s32 s10, $0x1;
	s10 =	sld [smem:$0x3F8A]  }
0x3d: {  	_ =	shalt  }
0x3e: {  	_ =	shalt  }
0x3f: {  	_ =	shalt  }
0x40: {  	_ =	shalt  }
0x41: {  	_ =	shalt  }
0x42: {  	_ =	shalt  }
0x43: {  	_ =	shalt  }
0x44: {  	_ =	shalt  }
0x45: {  	_ =	shalt  }
0x46: {  	_ =	shalt  }
0x47: {  	_ =	shalt  }
0x48: {  	_ =	shalt  }
0x49: {  	_ =	shalt  }
0x4a: {  	_ =	shalt  }
0x4b: {  	_ =	shalt  }
0x4c: {  	_ =	shalt  }
0x4d: {  	_ =	shalt  }
0x4e: {  	_ =	shalt  }
0x4f: {  	_ =	shalt  }
0x50: {  	_ =	shalt  }
0x51: {  	_ =	shalt  }
0x52: {  	_ =	shalt  }
0x53: {  	_ =	shalt  }
0x54: {  	_ =	shalt  }
0x55: {  	_ =	shalt  }
0x56: {  	_ =	shalt  }
0x57: {  	_ =	shalt  }
0x58: {  	_ =	shalt  }
0x59: {  	_ =	shalt  }
0x5a: {  	_ =	shalt  }
0x5b: {  	_ =	shalt  }
0x5c: {  	_ =	shalt  }
0x5d: {  	_ =	shalt  }
0x5e: {  	_ =	shalt  }
0x5f: {  	_ =	shalt  }
0x60: {  	_ =	shalt  }
0x61: {  	_ =	shalt  }
0x62: {  	_ =	shalt  }
0x63: {  	_ =	shalt  }
0x64: {  	_ =	shalt  }
0x65: {  	_ =	shalt  }
0x66: {  	_ =	shalt  }
0x67: {  	_ =	shalt  }
0x68: {  	_ =	shalt  }
0x69: {  	_ =	shalt  }
0x6a: {  	_ =	shalt  }
0x6b: {  	_ =	shalt  }
0x6c: {  	_ =	shalt  }
0x6d: {  	_ =	shalt  }
0x6e: {  	_ =	shalt  }
0x6f: {  	_ =	shalt  }
0x70: {  	_ =	shalt  }
0x71: {  	_ =	shalt  }
0x72: {  	_ =	shalt  }
0x73: {  	_ =	shalt  }
0x74: {  	_ =	shalt  }
0x75: {  	_ =	shalt  }
0x76: {  	_ =	shalt  }
0x77: {  	_ =	shalt  }
0x78: {  	_ =	shalt  }
0x79: {  	_ =	shalt  }
0x7a: {  	_ =	shalt  }
0x7b: {  	_ =	shalt  }
0x7c: {  	_ =	shalt  }
0x7d: {  	_ =	shalt  }
0x7e: {  	_ =	shalt  }
0x7f: {  	_ =	shalt  }
0x80: {  	_ =	shalt  }
0x81: {  	_ =	shalt  }
0x82: {  	_ =	shalt  }
0x83: {  	_ =	shalt  }
0x84: {  	_ =	shalt  }
0x85: {  	_ =	shalt  }
0x86: {  	_ =	shalt  }
0x87: {  	_ =	shalt  }
.Lfunc_end0:
.L_simem_size_0:
called_computation.4_lowered:
.L_overlay_start_0:
0x88: {  	s2 =	sld [smem:$0x3FD9]  }
0x89: {  	s3 =	sld [smem:$0x3FFE];
	_ =	sdelay $0x1  }
0x8a: {  	s1 =	srdreg.scid  }
0x8b: {  	s0 =	sand.u32 $0x1, s1  }
0x8c: {  	s16 =	sshll.u32 s0, $0xA;
	s2 =	sadd.s32 s3, s2  }
0x8d: {  	s2 =	sadd.s32 s2, s16  }
0x8e: {  	[smem:$0x3F96] =	sst s2  }
0x8f: {  	_ = 	snop  }
0x90: {  	(tm) =	ssettm $0x1  }
0x91: {  	s17 =	sld [smem:$0x3FFB];
	_ =	sdelay $0x3  }
0x92: {  	_ =	strace s17  }
0x93: {  	s2 =	sld [smem:$0x3FFC];
	_ =	sdelay $0x3  }
0x94: {  	_ =	strace s2  }
0x95: {  	s2 =	sld [smem:$0x3FFD];
	_ =	sdelay $0x3  }
0x96: {  	_ =	strace s2  }
0x97: {  	_ =	strace $0x8FFFFFFF  }
0x98: {  	s18 =	sld [smem:$0x3FDB];
	_ =	sdelay $0x1  }
0x99: {  	s19 =	simm.s32 $_scs_section_size  }
0x9a: {  	s4 =	simm.s32 $_size__tile_overlayer_lowered;
	s5 =	simm.s32 $_tile_overlayer_lowered  }
0x9b: {  	s22 =	simm.s32 $0x1BFF;
	s21 =	sshll.u32 s5, $0x1;
	s2 =	sadd.s32 s19, s18  }
0x9c: {  	s6 =	simm.s32 $0x0;
	s20 =	sshll.u32 s4, $0x1;
	s4 =	sadd.s32 s21, s2  }
0x9d: {  	[timem:s6], [sflag:s22] =	dma.local [hbm:s4], s20  }
0x9e: {  	_ =	swait.ge [sflag:s22], s20  }
0x9f: {  	s3 =	ssub.s32 $0x0, s20;
	[sflag:s22] =	ssyncset.done $0x0  }
0xa0: {  	[sflag:s22] =	ssyncadd.s32 s3;
	_ =	sdelay $0x1  }
0xa1: {  	s23 =	simm.s32 $0x1B8B  }
0xa2: {  	_ =	swait.ge [sflag:s23], $0x1  }
0xa3: {  	[sflag:s23] =	ssyncset.done $0x0  }
0xa4: {  	s25 =	simm.s32 $0x1B8E;
	s24 =	sld [smem:$0x3FFE];
	[sflag:s23] =	ssyncadd.s32 $0xFFFFFFFF  }
0xa5: {  	s26 =	simm.s32 $execute0_lowered;
	[smem:$0x3FD2] =	sst s25  }
0xa6: {  	s4 =	sshll.u32 s26, $0x1;
	_ =	strace $0x80000052;
	[dreg:$0x1] =	wrdreg $0xFFFFFFFF  }
0xa7: {  	s28 =	simm.s32 $_size_execute0_lowered;
	s2 =	sadd.s32 s2, s4;
	[dreg:$0x0] =	wrdreg $0x0  }
0xa8: {  	s4 =	sshll.u32 s28, $0x1;
	[dreg:$0x2] =	wrdreg s2  }
0xa9: {  	[dreg:$0x3] =	wrdreg s4  }
0xaa: {  	[dreg:$0x4] =	wrdreg $0xC0  }
0xab: {  	_ =	task [dreg:s6], $0x5FFFF  }
0xac: {  	[dreg:$0x1] =	wrdreg $0xFFFFFFFF  }
0xad: {  	[dreg:$0x0] =	wrdreg $0x60  }
0xae: {  	[dreg:$0x2] =	wrdreg s24  }
0xaf: {  	[dreg:$0x3] =	wrdreg $0x82000  }
0xb0: {  	[dreg:$0x4] =	wrdreg $0x9  }
0xb1: {  	_ =	task.clear_ibuf [dreg:s6], $0x5FFFF;
	_ =	strace $0x90000052  }
0xb2: {  	s29 =	simm.s32 $0x9;
	_ =	strace $0x80000054  }
0xb3: {  	_ =	swait.ge [sflag:s29], $0x1  }
0xb4: {  	[sflag:s29] =	ssyncadd.s32 $0xFFFFFFFF  }
0xb5: {  	_ =	strace $0x90000054  }
0xb6: {  	_ =	sfence  }
0xb7: {  	s30 =	sld [smem:$0x0];
	_ =	sdelay $0x2  }
0xb8: {  	s31 =	sshll.u32 s1, $0xD;
	s1 =	sshrl.u32 s1, $0x2  }
0xb9: {  	s3 =	sand.u32 $0x4000, s31;
	s1 =	sadd.s32 s1, s30  }
0xba: {  	s0 =	sor.u32 s3, s0;
	s1 =	sshll.u32 s1, $0x11  }
0xbb: {  	s0 =	sor.u32 s1, s0  }
0xbc: {  	s0 =	sadd.s32 $0x8F2B, s0  }
0xbd: {  	[sflag:s0] =	ssyncadd.remote.s32 $0x1  }
0xbe: {  	_ =	sfence.sel $0xFFFF  }
0xbf: {  	[dreg:$0x0] =	wrdreg $0xFFFFFFFF;
	(pc) =	sbr.abs _section_cstart, $3  }
0xc0: {  	[dreg:$0x1] =	wrdreg $0xFFFFFFFF  }
0xc1: {  	_ =	task.clear_ibuf [dreg:s6], $0x2FFFF;
	_ =	strace $0x9FFFFFFF  }
0xc2: {  	(tm) =	ssettm $0x7FFFFFFF  }
0xc3: {  	_ =	shalt  }
tec
execute0_lowered:
.L_overlay_start_1:
0x0: {  	(tag) =	ssettag $0x1  }
0x1: {  	s5 =	rddreg [dreg:$0x0]  }
0x2: {  	s1 =	rddreg [dreg:$0x1]  }
0x3: {  	s0 =	rddreg [dreg:$0x2];
	s3 =	simm.s32 $0x0;
	s2 =	srdreg.scid  }
0x4: {  	s17 =	simm.s32 $0x80;
	s18 =	simm.s32 $0x100;
	s19 =	simm.s32 $0x180  }
0x5: {  	s20 =	simm.s32 $0x4200;
	s21 =	simm.s32 $0x1;
	s22 =	simm.s32 $0x2  }
0x6: {  	s23 =	simm.s32 $0x0;
	[smem:$0x7FF] =	sst s3;
	s6 =	sand.u32 $0x1, s2  }
0x7: {  	s2 =	stileid.u32;
	s4 =	sadd.s32 $0x1E400, s5;
	s7 =	smul.u32 $0x28000, s6  }
0x8: {  	s14 =	sadd.s32 $0xBE400, s5;
	_ =	strace $0x80000053;
	s8 =	smul.u32 $0x2800, s2  }
0x9: {  	s9 =	sshll.u32 s2, $0x4;
	s26 =	ssub.s32 $0x2, s6;
	s10 =	smul.u32 $0x50000, s2  }
0xa: {  	s30 =	smul.u32 $0x4F000, s6;
	s31 =	sshll.u32 s2, $0x7;
	s28 =	sshrl.u32 s26, $0x1  }
0xb: {  	s12 =	sadd.s32 s9, s5;
	s7 =	sadd.s32 s8, s7;
	s8 =	ssub.s32 s26, s28  }
0xc: {  	s29 =	sshrl.u32 s10, $0x2;
	s13 =	sor.u32 s31, s30;
	s12 =	sadd.s32 $0x14600, s12  }
0xd: {  	s7 =	sadd.s32 s7, s5;
	s5 =	sadd.s32 s29, s1;
	s15 =	sor.u32 $0x800, s13  }
0xe: {  	s16 =	sshrl.u32 s13, $0x3;
	s6 =	sadd.s32 $0x6E400, s7;
	s7 =	smax.u32 s8, $0x1  }
0xf: {  	s8 =	sadd.s32 $0x4000, s5;
	s9 =	sadd.s32 $0x8000, s5;
	s15 =	sshrl.u32 s15, $0x3  }
0x10: {  	s10 =	sadd.s32 $0xC000, s5;
	s11 =	sadd.s32 $0x10000, s5;
	s13 =	sadd.s32 s15, s14  }
0x11: {  	v0 =	vimm.f32 $0.0e+00;
	s14 =	sadd.s32 s16, s14;
	s15 =	simm.s32 $0x200;
	s16 =	simm.s32 $0x3  }
.LBB2_1:
0x12: {  	s24 =	simm.s32 $0x0;
	s25 =	simm.s32 $0x200  }
.LBB2_2:
0x13: {  	p0 =	sne.s32 s25, $0xFE00;
	[tilespmem:s24+$0x270] =	vst v0  }
0x14: {  	[tilespmem:s24+$0x200] =	vst v0  }
0x15: {  	[tilespmem:s24+$0x210] =	vst v0  }
.Ltmp0:
0x16: {  	[tilespmem:s24+$0x220] =	vst v0;
	(pc) =	sbr.rel @p0 .LBB2_2-.Ltmp0, $4  }
0x17: {  	[tilespmem:s24+$0x230] =	vst v0  }
0x18: {  	[tilespmem:s24+$0x240] =	vst v0  }
0x19: {  	[tilespmem:s24+$0x250] =	vst v0  }
0x1a: {  	[tilespmem:s24+$0x260] =	vst v0;
	s24 =	sshra.s32 s25, $0x2;
	s25 =	sadd.s32 $0x200, s25  }
0x1b: {  	[tilespmem:s24+$0x270] =	vst v0  }
0x1c: {  	[tilespmem:s24+$0x200] =	vst v0  }
0x1d: {  	[tilespmem:s24+$0x210] =	vst v0  }
0x1e: {  	[tilespmem:s24+$0x220] =	vst v0  }
0x1f: {  	[tilespmem:s24+$0x230] =	vst v0  }
0x20: {  	[tilespmem:s24+$0x240] =	vst v0  }
0x21: {  	[tilespmem:s24+$0x250] =	vst v0  }
0x22: {  	[tilespmem:s24+$0x260] =	vst v0  }
0x23: {  	[spmem:s5] =	stream.linear.scatter [tilespmem:s15], [sflag:$0x3], $0x4000, $0x38;
	[tilespmem:$0x1C200] =	vst v63  }
0x24: {  	_ =	swait.ge [sflag:s16], $0x4000  }
0x25: {  	[sflag:s16] =	ssyncset.done $0x0  }
0x26: {  	[sflag:s16] =	ssyncadd.s32 $0xFFFFC000  }
0x27: {  	[spmem:s8] =	stream.linear.scatter [tilespmem:s15], [sflag:$0x3], $0x4000, $0x38;
	[tilespmem:$0x1C200] =	vst v63  }
0x28: {  	_ =	swait.ge [sflag:s16], $0x4000  }
0x29: {  	[sflag:s16] =	ssyncset.done $0x0  }
0x2a: {  	[sflag:s16] =	ssyncadd.s32 $0xFFFFC000  }
0x2b: {  	[spmem:s9] =	stream.linear.scatter [tilespmem:s15], [sflag:$0x3], $0x4000, $0x38;
	[tilespmem:$0x1C200] =	vst v63  }
0x2c: {  	_ =	swait.ge [sflag:s16], $0x4000  }
0x2d: {  	[sflag:s16] =	ssyncset.done $0x0  }
0x2e: {  	[sflag:s16] =	ssyncadd.s32 $0xFFFFC000  }
0x2f: {  	[spmem:s10] =	stream.linear.scatter [tilespmem:s15], [sflag:$0x3], $0x4000, $0x38;
	[tilespmem:$0x1C200] =	vst v63  }
0x30: {  	_ =	swait.ge [sflag:s16], $0x4000  }
0x31: {  	[sflag:s16] =	ssyncset.done $0x0  }
0x32: {  	[sflag:s16] =	ssyncadd.s32 $0xFFFFC000  }
0x33: {  	[spmem:s11] =	stream.linear.scatter [tilespmem:s15], [sflag:$0x3], $0x4000, $0x38;
	[tilespmem:$0x1C200] =	vst v63  }
0x34: {  	_ =	swait.ge [sflag:s16], $0x4000  }
0x35: {  	[sflag:s16] =	ssyncset.done $0x0  }
0x36: {  	[sflag:s16] =	ssyncadd.s32 $0xFFFFC000  }
0x37: {  	s30 =	sadd.s32 $0x0, s14;
	[bflag:$0x0] =	sbarrier.arrive $0xFFFF  }
0x38: {  	[tilespmem:s3], [sflag:$0x3] =	stream.linear.gather [hbm4b:s30+s3], $0x80, $0x38;
	[tilespmem:$0x1C200] =	vst v63  }
0x39: {  	_ =	swait.ge [sflag:s16], $0x80  }
0x3a: {  	[sflag:s16] =	ssyncset.done $0x0  }
0x3b: {  	s31 =	sadd.s32 $0x0, s12;
	[sflag:s16] =	ssyncadd.s32 $0xFFFFFF80  }
0x3c: {  	[tilespmem:s17], [sflag:$0x3] =	stream.linear.gather [hbm4b:s31+s3], $0x80, $0x38;
	[tilespmem:$0x1C200] =	vst v63  }
0x3d: {  	_ =	swait.ge [sflag:s16], $0x80  }
0x3e: {  	[sflag:s16] =	ssyncset.done $0x0  }
0x3f: {  	[sflag:s16] =	ssyncadd.s32 $0xFFFFFF80  }
0x40: {  	[tilespmem:s15], [sflag:$0x1] =	stream.indirect.gather [hbm4b:s4+s17], $0x80, s3, s17, $0xb8;
	[tilespmem:$0x1C200] =	vst v63  }
0x41: {  	s25 =	sadd.s32 $0x0, s13  }
0x42: {  	[tilespmem:s18], [sflag:$0x3] =	stream.linear.gather [hbm4b:s25+s3], $0x80, $0x38;
	[tilespmem:$0x1C200] =	vst v63  }
0x43: {  	_ =	swait.ge [sflag:s16], $0x80  }
0x44: {  	[sflag:s16] =	ssyncset.done $0x0  }
0x45: {  	s24 =	sadd.s32 $0x100, s31;
	[sflag:s16] =	ssyncadd.s32 $0xFFFFFF80  }
0x46: {  	[tilespmem:s19], [sflag:$0x3] =	stream.linear.gather [hbm4b:s24+s3], $0x80, $0x38;
	[tilespmem:$0x1C200] =	vst v63  }
0x47: {  	_ =	swait.ge [sflag:s16], $0x80  }
0x48: {  	[sflag:s16] =	ssyncset.done $0x0  }
0x49: {  	[sflag:s16] =	ssyncadd.s32 $0xFFFFFF80  }
0x4a: {  	[tilespmem:s20], [sflag:$0x2] =	stream.indirect.gather [hbm4b:s4+s17], $0x80, s18, s17, $0xb8;
	[tilespmem:$0x1C200] =	vst v63  }
0x4b: {  	_ =	swait.ge [sflag:s21], $0x4000  }
0x4c: {  	[sflag:s21] =	ssyncset.done $0x0  }
0x4d: {  	[sflag:s21] =	ssyncadd.s32 $0xFFFFC000  }
0x4e: {  	[spmem:s1] =	stream.indirect.scatter.add.f32 [tilespmem:s15], [sflag:$0x3], $0x80, s17, s17, $0xb8;
	[tilespmem:$0x1C200] =	vst v63  }
0x4f: {  	_ =	swait.ge [sflag:s16], $0x4000  }
0x50: {  	[sflag:s16] =	ssyncset.done $0x0  }
0x51: {  	[sflag:s16] =	ssyncadd.s32 $0xFFFFC000  }
0x52: {  	_ =	swait.ge [sflag:s22], $0x4000  }
0x53: {  	[sflag:s22] =	ssyncset.done $0x0  }
0x54: {  	[sflag:s22] =	ssyncadd.s32 $0xFFFFC000  }
0x55: {  	[spmem:s1] =	stream.indirect.scatter.add.f32 [tilespmem:s20], [sflag:$0x3], $0x80, s19, s17, $0xb8;
	[tilespmem:$0x1C200] =	vst v63  }
0x56: {  	_ =	swait.ge [sflag:s16], $0x4000  }
0x57: {  	s26 =	simm.s32 $0x400;
	s24 =	simm.s32 $0x200;
	[sflag:s16] =	ssyncset.done $0x0  }
.LBB2_4:
0x58: {  	s28 =	sadd.s32 s24, s14  }
0x59: {  	[sflag:s16] =	ssyncadd.s32 $0xFFFFC000;
	s29 =	smov.u32 s26;
	s25 =	sadd.s32 $0x200, s26  }
0x5a: {  	[tilespmem:s3], [sflag:$0x3] =	stream.linear.gather [hbm4b:s28+s3], $0x80, $0x38;
	[tilespmem:$0x1C200] =	vst v63  }
0x5b: {  	p0 =	sne.s32 s26, $0x9C00;
	_ =	swait.ge [sflag:s16], $0x80  }
0x5c: {  	[sflag:s16] =	ssyncset.done $0x0  }
0x5d: {  	s26 =	sadd.s32 s24, s12;
	[sflag:s16] =	ssyncadd.s32 $0xFFFFFF80  }
0x5e: {  	[tilespmem:s17], [sflag:$0x3] =	stream.linear.gather [hbm4b:s26+s3], $0x80, $0x38;
	[tilespmem:$0x1C200] =	vst v63  }
0x5f: {  	_ =	swait.ge [sflag:s16], $0x80  }
0x60: {  	[sflag:s16] =	ssyncset.done $0x0  }
0x61: {  	[sflag:s16] =	ssyncadd.s32 $0xFFFFFF80  }
0x62: {  	[tilespmem:s15], [sflag:$0x1] =	stream.indirect.gather [hbm4b:s4+s17], $0x80, s3, s17, $0xb8;
	[tilespmem:$0x1C200] =	vst v63  }
0x63: {  	s28 =	sadd.s32 s24, s13;
	s24 =	smov.u32 s29  }
0x64: {  	[tilespmem:s18], [sflag:$0x3] =	stream.linear.gather [hbm4b:s28+s3], $0x80, $0x38;
	[tilespmem:$0x1C200] =	vst v63  }
0x65: {  	_ =	swait.ge [sflag:s16], $0x80  }
0x66: {  	[sflag:s16] =	ssyncset.done $0x0  }
0x67: {  	s26 =	sadd.s32 $0x100, s26;
	[sflag:s16] =	ssyncadd.s32 $0xFFFFFF80  }
0x68: {  	[tilespmem:s19], [sflag:$0x3] =	stream.linear.gather [hbm4b:s26+s3], $0x80, $0x38;
	[tilespmem:$0x1C200] =	vst v63  }
0x69: {  	_ =	swait.ge [sflag:s16], $0x80  }
0x6a: {  	[sflag:s16] =	ssyncset.done $0x0  }
0x6b: {  	[sflag:s16] =	ssyncadd.s32 $0xFFFFFF80  }
0x6c: {  	[tilespmem:s20], [sflag:$0x2] =	stream.indirect.gather [hbm4b:s4+s17], $0x80, s18, s17, $0xb8;
	[tilespmem:$0x1C200] =	vst v63  }
0x6d: {  	_ =	swait.ge [sflag:s21], $0x4000  }
0x6e: {  	[sflag:s21] =	ssyncset.done $0x0  }
0x6f: {  	[sflag:s21] =	ssyncadd.s32 $0xFFFFC000  }
0x70: {  	[spmem:s1] =	stream.indirect.scatter.add.f32 [tilespmem:s15], [sflag:$0x3], $0x80, s17, s17, $0xb8;
	[tilespmem:$0x1C200] =	vst v63  }
0x71: {  	_ =	swait.ge [sflag:s16], $0x4000  }
0x72: {  	[sflag:s16] =	ssyncset.done $0x0  }
0x73: {  	[sflag:s16] =	ssyncadd.s32 $0xFFFFC000  }
0x74: {  	_ =	swait.ge [sflag:s22], $0x4000  }
.Ltmp1:
0x75: {  	[sflag:s22] =	ssyncset.done $0x0;
	(pc) =	sbr.rel @p0 .LBB2_4-.Ltmp1, $4  }
0x76: {  	[sflag:s22] =	ssyncadd.s32 $0xFFFFC000  }
0x77: {  	[spmem:s1] =	stream.indirect.scatter.add.f32 [tilespmem:s20], [sflag:$0x3], $0x80, s19, s17, $0xb8;
	[tilespmem:$0x1C200] =	vst v63  }
0x78: {  	_ =	swait.ge [sflag:s16], $0x4000  }
0x79: {  	s26 =	smov.u32 s25;
	[sflag:s16] =	ssyncset.done $0x0  }
0x7a: {  	s25 =	sadd.s32 s24, s14;
	[sflag:s16] =	ssyncadd.s32 $0xFFFFC000  }
0x7b: {  	[tilespmem:s3], [sflag:$0x3] =	stream.linear.gather [hbm4b:s25+s3], $0x80, $0x38;
	[tilespmem:$0x1C200] =	vst v63  }
0x7c: {  	_ =	swait.ge [sflag:s16], $0x80  }
0x7d: {  	[sflag:s16] =	ssyncset.done $0x0  }
0x7e: {  	s26 =	sadd.s32 s24, s12;
	[sflag:s16] =	ssyncadd.s32 $0xFFFFFF80  }
0x7f: {  	[tilespmem:s17], [sflag:$0x3] =	stream.linear.gather [hbm4b:s26+s3], $0x80, $0x38;
	[tilespmem:$0x1C200] =	vst v63  }
0x80: {  	_ =	swait.ge [sflag:s16], $0x80  }
0x81: {  	[sflag:s16] =	ssyncset.done $0x0  }
0x82: {  	[sflag:s16] =	ssyncadd.s32 $0xFFFFFF80  }
0x83: {  	[tilespmem:s15], [sflag:$0x1] =	stream.indirect.gather [hbm4b:s4+s17], $0x80, s3, s17, $0xb8;
	[tilespmem:$0x1C200] =	vst v63  }
0x84: {  	s28 =	sadd.s32 s24, s13  }
0x85: {  	[tilespmem:s18], [sflag:$0x3] =	stream.linear.gather [hbm4b:s28+s3], $0x80, $0x38;
	[tilespmem:$0x1C200] =	vst v63  }
0x86: {  	_ =	swait.ge [sflag:s16], $0x80  }
0x87: {  	[sflag:s16] =	ssyncset.done $0x0  }
0x88: {  	s29 =	sadd.s32 $0x100, s26;
	[sflag:s16] =	ssyncadd.s32 $0xFFFFFF80  }
0x89: {  	[tilespmem:s19], [sflag:$0x3] =	stream.linear.gather [hbm4b:s29+s3], $0x80, $0x38;
	[tilespmem:$0x1C200] =	vst v63  }
0x8a: {  	_ =	swait.ge [sflag:s16], $0x80  }
0x8b: {  	[sflag:s16] =	ssyncset.done $0x0  }
0x8c: {  	[sflag:s16] =	ssyncadd.s32 $0xFFFFFF80  }
0x8d: {  	[tilespmem:s20], [sflag:$0x2] =	stream.indirect.gather [hbm4b:s4+s17], $0x80, s18, s17, $0xb8;
	[tilespmem:$0x1C200] =	vst v63  }
0x8e: {  	_ =	swait.ge [sflag:s21], $0x4000  }
0x8f: {  	[sflag:s21] =	ssyncset.done $0x0  }
0x90: {  	[sflag:s21] =	ssyncadd.s32 $0xFFFFC000  }
0x91: {  	[spmem:s1] =	stream.indirect.scatter.add.f32 [tilespmem:s15], [sflag:$0x3], $0x80, s17, s17, $0xb8;
	[tilespmem:$0x1C200] =	vst v63  }
0x92: {  	_ =	swait.ge [sflag:s16], $0x4000  }
0x93: {  	[sflag:s16] =	ssyncset.done $0x0  }
0x94: {  	[sflag:s16] =	ssyncadd.s32 $0xFFFFC000  }
0x95: {  	_ =	swait.ge [sflag:s22], $0x4000  }
0x96: {  	[sflag:s22] =	ssyncset.done $0x0  }
0x97: {  	[sflag:s22] =	ssyncadd.s32 $0xFFFFC000  }
0x98: {  	[spmem:s1] =	stream.indirect.scatter.add.f32 [tilespmem:s20], [sflag:$0x3], $0x80, s19, s17, $0xb8;
	[tilespmem:$0x1C200] =	vst v63  }
0x99: {  	_ =	swait.ge [sflag:s16], $0x4000  }
0x9a: {  	s30 =	sshll.u32 s2, $0x6;
	s23 =	sadd.s32 $0x1, s23;
	[sflag:s16] =	ssyncset.done $0x0  }
0x9b: {  	s31 =	sshrl.u32 s5, $0x3;
	p0 =	sne.s32 s23, s7;
	[sflag:s16] =	ssyncadd.s32 $0xFFFFC000  }
.Ltmp2:
0x9c: {  	s24 =	sor.u32 $0x1C03, s30;
	[bflag:$0x0] =	sbarrier.arrive $0xFFFF;
	(pc) =	sbr.rel @p0 .LBB2_1-.Ltmp2, $4  }
0x9d: {  	[hbm:s6], [sflag:s24] =	dma.local [spmem:s31], $0x2800  }
0x9e: {  	_ =	swait.ge [sflag:s16], $0x2800  }
0x9f: {  	[sflag:s16] =	ssyncset.done $0x0  }
0xa0: {  	[sflag:s16] =	ssyncadd.s32 $0xFFFFD800  }
0xa1: {  	_ =	sfence.sel $0x180000  }
0xa2: {  	[bflag:$0x0] =	sbarrier.arrive $0xFFFF  }
0xa3: {  	p0 =	sne.s32 s2, $0x0;
	_ =	strace $0x90000053  }
0xa4: {  	s0 =	sadd.s32 @!p0 $0x100000, s0;
	[bflag:$0x2] =	sbarrier.arrive $0xFFFF  }
0xa5: {  	[sflag:s0] =	ssyncadd.tile.s32 @!p0 $0x1;
	_ =	shalt  }
.Lfunc_end2:
_tile_overlayer_lowered:
.L_overlay_start_2:
0xa6: {  	(tag) =	ssettag $0x2  }
0xa7: {  	s0 =	rddreg [dreg:$0x0];
	s2 =	stileid.u32  }
0xa8: {  	s1 =	rddreg [dreg:$0x1];
	p0 =	sne.s32 s2, $0x0  }
0xa9: {  	s3 =	rddreg [dreg:$0x2];
	[bflag:$0x3] =	sbarrier.arrive $0xFFFF;
	s2 =	simm.s32 @!p0 $0x1C03  }
0xaa: {  	[timem:s3], [sflag:s2] =	dma.local @!p0 [hbm:s0], s1  }
0xab: {  	s0 =	simm.s32 @!p0 $0x3  }
0xac: {  	_ =	swait.ge @!p0 [sflag:s0], s1  }
0xad: {  	s1 =	ssub.s32 @!p0 $0x0, s1;
	[sflag:s0] =	ssyncset.done @!p0 $0x0  }
0xae: {  	[sflag:s0] =	ssyncadd.s32 @!p0 s1  }
0xaf: {  	[bflag:$0x3] =	sbarrier.arrive $0xFFFF  }
0xb0: {  	_ =	shalt  }

// kernel: kernel.45.cloned.1.call-start
scs
__scs_entry_jumppad:
0x0: {  	(pc) =	sbr.rel $0x88, $3  }
0x1: {  	(tag) =	ssettag $0x0;
	lr =	simm.s32 $0x1  }
0x2: {  	[smem:$0x3F6F] =	sst lr;
	_ =	strace $0xD0000000  }
0x3: {  	_ = 	snop  }
0x4: {  	_ = 	snop  }
0x5: {  	_ = 	snop  }
0x6: {  	_ = 	snop  }
0x7: {  	_ = 	snop  }
__scs_overlays_trampoline_lowered:
0x8: {  	[smem:$0x3F7E] =	sst s0  }
0x9: {  	[smem:$0x3F7F] =	sst s1  }
0xa: {  	[smem:$0x3F80] =	sst s2  }
0xb: {  	[smem:$0x3F81] =	sst s3  }
0xc: {  	[smem:$0x3F82] =	sst s4  }
0xd: {  	[smem:$0x3F83] =	sst s5  }
0xe: {  	[smem:$0x3F84] =	sst s6  }
0xf: {  	[smem:$0x3F85] =	sst s7  }
0x10: {  	[smem:$0x3F86] =	sst s8  }
0x11: {  	[smem:$0x3F87] =	sst s9;
	s0 =	simm.s32 @!p0 $0x0  }
0x12: {  	s1 =	sld [smem:$0x3F6D];
	s0 =	simm.s32 @p0 $0x1  }
0x13: {  	[smem:$0x3F88] =	sst s0;
	s0 =	simm.s32 @!p1 $0x0  }
0x14: {  	s2 =	sld [smem:$0x3F6C];
	s0 =	simm.s32 @p1 $0x1  }
0x15: {  	[smem:$0x3F89] =	sst s0;
	s0 =	simm.s32 @!p2 $0x0  }
0x16: {  	s3 =	sld [smem:$0x3FDB];
	s0 =	simm.s32 @p2 $0x1  }
0x17: {  	s4 =	simm.s32 $0x1BF5;
	[smem:$0x3F8B] =	sst s0  }
0x18: {  	s0 =	sld [smem:$0x3F6E];
	_ =	swait.ge [sflag:s4], $0x0  }
0x19: {  	s7 =	sld [smem:$0x3F6F]  }
0x1a: {  	s8 =	sadd.s32 $0xFFFFE003, lr  }
0x1b: {  	s9 =	sadd.s32 $0xFFFFFEF7, lr;
	s5 =	simm.s32 $0xFFFFFFFF;
	p2 =	slt.u32 s8, $0xFFFFF086  }
0x1c: {  	p1 =	slt.u32 s9, $0xF7A;
	s5 =	simm.s32 @!p2 $0x0  }
0x1d: {  	s5 =	simm.s32 @p1 $0x1;
	p0 =	seq.s32 s7, s2  }
0x1e: {  	s7 =	smul.u32 @!p0 $0xF7A, s2;
	p2 =	seq.s32 @!p0 s5, $0x0  }
0x1f: {  	s9 =	smul.u32 $0xF7A, s1;
	s8 =	simm.s32 @!p0 $0x1BF5;
	p2 =	por !p2, p0  }
0x20: {  	[sflag:s8] =	ssyncset.s32 @!p0 $0xFFFFF086;
	s6 =	sadd.s32 @!p0 s3, s7;
	s7 =	simm.s32 @!p0 $0x108  }
0x21: {  	s3 =	sadd.s32 s3, s9;
	s6 =	sadd.s32 @!p0 $0x88, s6;
	s7 =	simm.s32 @p2 $0x1082  }
0x22: {  	[simem:s7], [sflag:s8] =	dma.local @!p0 [hbm:s6], $0xF7A  }
0x23: {  	s9 =	sor.u32 $0xD0000000, s2;
	s6 =	simm.s32 $0x108;
	_ =	swait.ge @!p0 [sflag:s8], $0x0  }
0x24: {  	s3 =	sadd.s32 $0x88, s3;
	s6 =	simm.s32 @!p1 $0x1082;
	[sflag:s4] =	ssyncset.s32 $0xFFFFF086  }
0x25: {  	[simem:s6], [sflag:s4] =	dma.local [hbm:s3], $0xF7A  }
0x26: {  	[smem:$0x3F6F] =	sst s1;
	(tag) =	ssettag s2;
	_ =	strace s9  }
0x27: {  	s1 =	sld [smem:$0x3F7F]  }
0x28: {  	s2 =	sld [smem:$0x3F80]  }
0x29: {  	s4 =	sld [smem:$0x3F82]  }
0x2a: {  	p0 =	seq.s32 s5, $0x0;
	s5 =	sld [smem:$0x3F83]  }
0x2b: {  	s6 =	sld [smem:$0x3F84]  }
0x2c: {  	s7 =	sld [smem:$0x3F85]  }
0x2d: {  	s3 =	simm.s32 $0x108;
	s8 =	sld [smem:$0x3F86]  }
0x2e: {  	s3 =	simm.s32 @!p0 $0x1082;
	s9 =	sld [smem:$0x3F87]  }
0x2f: {  	lr =	sadd.s32 s0, s3;
	s0 =	sld [smem:$0x3F7E]  }
0x30: {  	s3 =	sld [smem:$0x3F81]  }
0x31: {  	[smem:$0x3F8A] =	sst s10  }
0x32: {  	s10 =	sld [smem:$0x3F88];
	_ =	sdelay $0x3  }
0x33: {  	p0 =	seq.s32 s10, $0x1;
	s10 =	sld [smem:$0x3F8A];
	_ =	sdelay $0x3  }
0x34: {  	[smem:$0x3F8A] =	sst s10  }
0x35: {  	s10 =	sld [smem:$0x3F89];
	_ =	sdelay $0x3  }
0x36: {  	p1 =	seq.s32 s10, $0x1;
	s10 =	sld [smem:$0x3F8A];
	_ =	sdelay $0x3  }
0x37: {  	[smem:$0x3F8A] =	sst s10  }
0x38: {  	s10 =	sld [smem:$0x3F8B]  }
0x39: {  	_ = 	snop;
	(pc) =	sbr.ind lr, $3  }
0x3a: {  	_ = 	snop  }
0x3b: {  	_ = 	snop  }
0x3c: {  	p2 =	seq.s32 s10, $0x1;
	s10 =	sld [smem:$0x3F8A]  }
0x3d: {  	_ =	shalt  }
0x3e: {  	_ =	shalt  }
0x3f: {  	_ =	shalt  }
0x40: {  	_ =	shalt  }
0x41: {  	_ =	shalt  }
0x42: {  	_ =	shalt  }
0x43: {  	_ =	shalt  }
0x44: {  	_ =	shalt  }
0x45: {  	_ =	shalt  }
0x46: {  	_ =	shalt  }
0x47: {  	_ =	shalt  }
0x48: {  	_ =	shalt  }
0x49: {  	_ =	shalt  }
0x4a: {  	_ =	shalt  }
0x4b: {  	_ =	shalt  }
0x4c: {  	_ =	shalt  }
0x4d: {  	_ =	shalt  }
0x4e: {  	_ =	shalt  }
0x4f: {  	_ =	shalt  }
0x50: {  	_ =	shalt  }
0x51: {  	_ =	shalt  }
0x52: {  	_ =	shalt  }
0x53: {  	_ =	shalt  }
0x54: {  	_ =	shalt  }
0x55: {  	_ =	shalt  }
0x56: {  	_ =	shalt  }
0x57: {  	_ =	shalt  }
0x58: {  	_ =	shalt  }
0x59: {  	_ =	shalt  }
0x5a: {  	_ =	shalt  }
0x5b: {  	_ =	shalt  }
0x5c: {  	_ =	shalt  }
0x5d: {  	_ =	shalt  }
0x5e: {  	_ =	shalt  }
0x5f: {  	_ =	shalt  }
0x60: {  	_ =	shalt  }
0x61: {  	_ =	shalt  }
0x62: {  	_ =	shalt  }
0x63: {  	_ =	shalt  }
0x64: {  	_ =	shalt  }
0x65: {  	_ =	shalt  }
0x66: {  	_ =	shalt  }
0x67: {  	_ =	shalt  }
0x68: {  	_ =	shalt  }
0x69: {  	_ =	shalt  }
0x6a: {  	_ =	shalt  }
0x6b: {  	_ =	shalt  }
0x6c: {  	_ =	shalt  }
0x6d: {  	_ =	shalt  }
0x6e: {  	_ =	shalt  }
0x6f: {  	_ =	shalt  }
0x70: {  	_ =	shalt  }
0x71: {  	_ =	shalt  }
0x72: {  	_ =	shalt  }
0x73: {  	_ =	shalt  }
0x74: {  	_ =	shalt  }
0x75: {  	_ =	shalt  }
0x76: {  	_ =	shalt  }
0x77: {  	_ =	shalt  }
0x78: {  	_ =	shalt  }
0x79: {  	_ =	shalt  }
0x7a: {  	_ =	shalt  }
0x7b: {  	_ =	shalt  }
0x7c: {  	_ =	shalt  }
0x7d: {  	_ =	shalt  }
0x7e: {  	_ =	shalt  }
0x7f: {  	_ =	shalt  }
0x80: {  	_ =	shalt  }
0x81: {  	_ =	shalt  }
0x82: {  	_ =	shalt  }
0x83: {  	_ =	shalt  }
0x84: {  	_ =	shalt  }
0x85: {  	_ =	shalt  }
0x86: {  	_ =	shalt  }
0x87: {  	_ =	shalt  }
.Lfunc_end0:
.L_simem_size_0:
called_computation.5_lowered:
.L_overlay_start_0:
0x88: {  	s2 =	sld [smem:$0x3FD9]  }
0x89: {  	s3 =	sld [smem:$0x3FFE];
	_ =	sdelay $0x1  }
0x8a: {  	s1 =	srdreg.scid  }
0x8b: {  	s0 =	sand.u32 $0x1, s1  }
0x8c: {  	s16 =	sshll.u32 s0, $0xA;
	s2 =	sadd.s32 s3, s2  }
0x8d: {  	s2 =	sadd.s32 s2, s16  }
0x8e: {  	[smem:$0x3F96] =	sst s2  }
0x8f: {  	_ = 	snop  }
0x90: {  	(tm) =	ssettm $0x1  }
0x91: {  	s17 =	sld [smem:$0x3FFB];
	_ =	sdelay $0x3  }
0x92: {  	_ =	strace s17  }
0x93: {  	s2 =	sld [smem:$0x3FFC];
	_ =	sdelay $0x3  }
0x94: {  	_ =	strace s2  }
0x95: {  	s2 =	sld [smem:$0x3FFD];
	_ =	sdelay $0x3  }
0x96: {  	_ =	strace s2  }
0x97: {  	_ =	strace $0x8FFFFFFF  }
0x98: {  	s18 =	sld [smem:$0x3FDB];
	_ =	sdelay $0x1  }
0x99: {  	s19 =	simm.s32 $_scs_section_size  }
0x9a: {  	s4 =	simm.s32 $_size__tile_overlayer_lowered;
	s5 =	simm.s32 $_tile_overlayer_lowered  }
0x9b: {  	s22 =	simm.s32 $0x1BFF;
	s21 =	sshll.u32 s5, $0x1;
	s2 =	sadd.s32 s19, s18  }
0x9c: {  	s6 =	simm.s32 $0x0;
	s20 =	sshll.u32 s4, $0x1;
	s4 =	sadd.s32 s21, s2  }
0x9d: {  	[timem:s6], [sflag:s22] =	dma.local [hbm:s4], s20  }
0x9e: {  	_ =	swait.ge [sflag:s22], s20  }
0x9f: {  	s3 =	ssub.s32 $0x0, s20;
	[sflag:s22] =	ssyncset.done $0x0  }
0xa0: {  	[sflag:s22] =	ssyncadd.s32 s3;
	_ =	sdelay $0x1  }
0xa1: {  	s23 =	simm.s32 $0x1B8B  }
0xa2: {  	_ =	swait.ge [sflag:s23], $0x1  }
0xa3: {  	[sflag:s23] =	ssyncset.done $0x0  }
0xa4: {  	s25 =	simm.s32 $0x1B8E;
	s24 =	sld [smem:$0x3FFE];
	[sflag:s23] =	ssyncadd.s32 $0xFFFFFFFF  }
0xa5: {  	s26 =	simm.s32 $execute0_lowered;
	[smem:$0x3FD2] =	sst s25  }
0xa6: {  	s4 =	sshll.u32 s26, $0x1;
	_ =	strace $0x80000055;
	[dreg:$0x1] =	wrdreg $0xFFFFFFFF  }
0xa7: {  	s28 =	simm.s32 $_size_execute0_lowered;
	s2 =	sadd.s32 s2, s4;
	[dreg:$0x0] =	wrdreg $0x0  }
0xa8: {  	s4 =	sshll.u32 s28, $0x1;
	[dreg:$0x2] =	wrdreg s2  }
0xa9: {  	[dreg:$0x3] =	wrdreg s4  }
0xaa: {  	[dreg:$0x4] =	wrdreg $0xC0  }
0xab: {  	_ =	task [dreg:s6], $0x5FFFF  }
0xac: {  	[dreg:$0x1] =	wrdreg $0xFFFFFFFF  }
0xad: {  	[dreg:$0x0] =	wrdreg $0x60  }
0xae: {  	[dreg:$0x2] =	wrdreg s24  }
0xaf: {  	[dreg:$0x3] =	wrdreg $0x82000  }
0xb0: {  	[dreg:$0x4] =	wrdreg $0x9  }
0xb1: {  	_ =	task.clear_ibuf [dreg:s6], $0x5FFFF;
	_ =	strace $0x90000055  }
0xb2: {  	s29 =	simm.s32 $0x9;
	_ =	strace $0x80000057  }
0xb3: {  	_ =	swait.ge [sflag:s29], $0x1  }
0xb4: {  	[sflag:s29] =	ssyncadd.s32 $0xFFFFFFFF  }
0xb5: {  	_ =	strace $0x90000057  }
0xb6: {  	_ =	sfence  }
0xb7: {  	s30 =	sld [smem:$0x0];
	_ =	sdelay $0x2  }
0xb8: {  	s31 =	sshll.u32 s1, $0xD;
	s1 =	sshrl.u32 s1, $0x2  }
0xb9: {  	s3 =	sand.u32 $0x4000, s31;
	s1 =	sadd.s32 s1, s30  }
0xba: {  	s0 =	sor.u32 s3, s0;
	s1 =	sshll.u32 s1, $0x11  }
0xbb: {  	s0 =	sor.u32 s1, s0  }
0xbc: {  	s0 =	sadd.s32 $0x8F2B, s0  }
0xbd: {  	[sflag:s0] =	ssyncadd.remote.s32 $0x1  }
0xbe: {  	_ =	sfence.sel $0xFFFF  }
0xbf: {  	[dreg:$0x0] =	wrdreg $0xFFFFFFFF;
	(pc) =	sbr.abs _section_cstart, $3  }
0xc0: {  	[dreg:$0x1] =	wrdreg $0xFFFFFFFF  }
0xc1: {  	_ =	task.clear_ibuf [dreg:s6], $0x2FFFF;
	_ =	strace $0x9FFFFFFF  }
0xc2: {  	(tm) =	ssettm $0x7FFFFFFF  }
0xc3: {  	_ =	shalt  }
tec
execute0_lowered:
.L_overlay_start_1:
0x0: {  	(tag) =	ssettag $0x1  }
0x1: {  	s5 =	rddreg [dreg:$0x0]  }
0x2: {  	s1 =	rddreg [dreg:$0x1]  }
0x3: {  	s0 =	rddreg [dreg:$0x2];
	s3 =	simm.s32 $0x0;
	s2 =	srdreg.scid  }
0x4: {  	s17 =	simm.s32 $0x80;
	s18 =	simm.s32 $0x100;
	s19 =	simm.s32 $0x180  }
0x5: {  	s20 =	simm.s32 $0x4200;
	s21 =	simm.s32 $0x1;
	s22 =	simm.s32 $0x2  }
0x6: {  	s23 =	simm.s32 $0x0;
	[smem:$0x7FF] =	sst s3;
	s6 =	sand.u32 $0x1, s2  }
0x7: {  	s2 =	stileid.u32;
	s4 =	sadd.s32 $0x1E400, s5;
	s7 =	smul.u32 $0x28000, s6  }
0x8: {  	s14 =	sadd.s32 $0xBE400, s5;
	_ =	strace $0x80000056;
	s8 =	smul.u32 $0x2800, s2  }
0x9: {  	s9 =	sshll.u32 s2, $0x4;
	s26 =	ssub.s32 $0x2, s6;
	s10 =	smul.u32 $0x50000, s2  }
0xa: {  	s30 =	smul.u32 $0x4F000, s6;
	s31 =	sshll.u32 s2, $0x7;
	s28 =	sshrl.u32 s26, $0x1  }
0xb: {  	s12 =	sadd.s32 s9, s5;
	s7 =	sadd.s32 s8, s7;
	s8 =	ssub.s32 s26, s28  }
0xc: {  	s29 =	sshrl.u32 s10, $0x2;
	s13 =	sor.u32 s31, s30;
	s12 =	sadd.s32 $0x14600, s12  }
0xd: {  	s7 =	sadd.s32 s7, s5;
	s5 =	sadd.s32 s29, s1;
	s15 =	sor.u32 $0x800, s13  }
0xe: {  	s16 =	sshrl.u32 s13, $0x3;
	s6 =	sadd.s32 $0x6E400, s7;
	s7 =	smax.u32 s8, $0x1  }
0xf: {  	s8 =	sadd.s32 $0x4000, s5;
	s9 =	sadd.s32 $0x8000, s5;
	s15 =	sshrl.u32 s15, $0x3  }
0x10: {  	s10 =	sadd.s32 $0xC000, s5;
	s11 =	sadd.s32 $0x10000, s5;
	s13 =	sadd.s32 s15, s14  }
0x11: {  	v0 =	vimm.f32 $0.0e+00;
	s14 =	sadd.s32 s16, s14;
	s15 =	simm.s32 $0x200;
	s16 =	simm.s32 $0x3  }
.LBB2_1:
0x12: {  	s24 =	simm.s32 $0x0;
	s25 =	simm.s32 $0x200  }
.LBB2_2:
0x13: {  	p0 =	sne.s32 s25, $0xFE00;
	[tilespmem:s24+$0x270] =	vst v0  }
0x14: {  	[tilespmem:s24+$0x200] =	vst v0  }
0x15: {  	[tilespmem:s24+$0x210] =	vst v0  }
.Ltmp0:
0x16: {  	[tilespmem:s24+$0x220] =	vst v0;
	(pc) =	sbr.rel @p0 .LBB2_2-.Ltmp0, $4  }
0x17: {  	[tilespmem:s24+$0x230] =	vst v0  }
0x18: {  	[tilespmem:s24+$0x240] =	vst v0  }
0x19: {  	[tilespmem:s24+$0x250] =	vst v0  }
0x1a: {  	[tilespmem:s24+$0x260] =	vst v0;
	s24 =	sshra.s32 s25, $0x2;
	s25 =	sadd.s32 $0x200, s25  }
0x1b: {  	[tilespmem:s24+$0x270] =	vst v0  }
0x1c: {  	[tilespmem:s24+$0x200] =	vst v0  }
0x1d: {  	[tilespmem:s24+$0x210] =	vst v0  }
0x1e: {  	[tilespmem:s24+$0x220] =	vst v0  }
0x1f: {  	[tilespmem:s24+$0x230] =	vst v0  }
0x20: {  	[tilespmem:s24+$0x240] =	vst v0  }
0x21: {  	[tilespmem:s24+$0x250] =	vst v0  }
0x22: {  	[tilespmem:s24+$0x260] =	vst v0  }
0x23: {  	[spmem:s5] =	stream.linear.scatter [tilespmem:s15], [sflag:$0x3], $0x4000, $0x38;
	[tilespmem:$0x1C200] =	vst v63  }
0x24: {  	_ =	swait.ge [sflag:s16], $0x4000  }
0x25: {  	[sflag:s16] =	ssyncset.done $0x0  }
0x26: {  	[sflag:s16] =	ssyncadd.s32 $0xFFFFC000  }
0x27: {  	[spmem:s8] =	stream.linear.scatter [tilespmem:s15], [sflag:$0x3], $0x4000, $0x38;
	[tilespmem:$0x1C200] =	vst v63  }
0x28: {  	_ =	swait.ge [sflag:s16], $0x4000  }
0x29: {  	[sflag:s16] =	ssyncset.done $0x0  }
0x2a: {  	[sflag:s16] =	ssyncadd.s32 $0xFFFFC000  }
0x2b: {  	[spmem:s9] =	stream.linear.scatter [tilespmem:s15], [sflag:$0x3], $0x4000, $0x38;
	[tilespmem:$0x1C200] =	vst v63  }
0x2c: {  	_ =	swait.ge [sflag:s16], $0x4000  }
0x2d: {  	[sflag:s16] =	ssyncset.done $0x0  }
0x2e: {  	[sflag:s16] =	ssyncadd.s32 $0xFFFFC000  }
0x2f: {  	[spmem:s10] =	stream.linear.scatter [tilespmem:s15], [sflag:$0x3], $0x4000, $0x38;
	[tilespmem:$0x1C200] =	vst v63  }
0x30: {  	_ =	swait.ge [sflag:s16], $0x4000  }
0x31: {  	[sflag:s16] =	ssyncset.done $0x0  }
0x32: {  	[sflag:s16] =	ssyncadd.s32 $0xFFFFC000  }
0x33: {  	[spmem:s11] =	stream.linear.scatter [tilespmem:s15], [sflag:$0x3], $0x4000, $0x38;
	[tilespmem:$0x1C200] =	vst v63  }
0x34: {  	_ =	swait.ge [sflag:s16], $0x4000  }
0x35: {  	[sflag:s16] =	ssyncset.done $0x0  }
0x36: {  	[sflag:s16] =	ssyncadd.s32 $0xFFFFC000  }
0x37: {  	s30 =	sadd.s32 $0x0, s14;
	[bflag:$0x0] =	sbarrier.arrive $0xFFFF  }
0x38: {  	[tilespmem:s3], [sflag:$0x3] =	stream.linear.gather [hbm4b:s30+s3], $0x80, $0x38;
	[tilespmem:$0x1C200] =	vst v63  }
0x39: {  	_ =	swait.ge [sflag:s16], $0x80  }
0x3a: {  	[sflag:s16] =	ssyncset.done $0x0  }
0x3b: {  	s31 =	sadd.s32 $0x0, s12;
	[sflag:s16] =	ssyncadd.s32 $0xFFFFFF80  }
0x3c: {  	[tilespmem:s17], [sflag:$0x3] =	stream.linear.gather [hbm4b:s31+s3], $0x80, $0x38;
	[tilespmem:$0x1C200] =	vst v63  }
0x3d: {  	_ =	swait.ge [sflag:s16], $0x80  }
0x3e: {  	[sflag:s16] =	ssyncset.done $0x0  }
0x3f: {  	[sflag:s16] =	ssyncadd.s32 $0xFFFFFF80  }
0x40: {  	[tilespmem:s15], [sflag:$0x1] =	stream.indirect.gather [hbm4b:s4+s17], $0x80, s3, s17, $0xb8;
	[tilespmem:$0x1C200] =	vst v63  }
0x41: {  	s25 =	sadd.s32 $0x0, s13  }
0x42: {  	[tilespmem:s18], [sflag:$0x3] =	stream.linear.gather [hbm4b:s25+s3], $0x80, $0x38;
	[tilespmem:$0x1C200] =	vst v63  }
0x43: {  	_ =	swait.ge [sflag:s16], $0x80  }
0x44: {  	[sflag:s16] =	ssyncset.done $0x0  }
0x45: {  	s24 =	sadd.s32 $0x100, s31;
	[sflag:s16] =	ssyncadd.s32 $0xFFFFFF80  }
0x46: {  	[tilespmem:s19], [sflag:$0x3] =	stream.linear.gather [hbm4b:s24+s3], $0x80, $0x38;
	[tilespmem:$0x1C200] =	vst v63  }
0x47: {  	_ =	swait.ge [sflag:s16], $0x80  }
0x48: {  	[sflag:s16] =	ssyncset.done $0x0  }
0x49: {  	[sflag:s16] =	ssyncadd.s32 $0xFFFFFF80  }
0x4a: {  	[tilespmem:s20], [sflag:$0x2] =	stream.indirect.gather [hbm4b:s4+s17], $0x80, s18, s17, $0xb8;
	[tilespmem:$0x1C200] =	vst v63  }
0x4b: {  	_ =	swait.ge [sflag:s21], $0x4000  }
0x4c: {  	[sflag:s21] =	ssyncset.done $0x0  }
0x4d: {  	[sflag:s21] =	ssyncadd.s32 $0xFFFFC000  }
0x4e: {  	[spmem:s1] =	stream.indirect.scatter.add.f32 [tilespmem:s15], [sflag:$0x3], $0x80, s17, s17, $0xb8;
	[tilespmem:$0x1C200] =	vst v63  }
0x4f: {  	_ =	swait.ge [sflag:s16], $0x4000  }
0x50: {  	[sflag:s16] =	ssyncset.done $0x0  }
0x51: {  	[sflag:s16] =	ssyncadd.s32 $0xFFFFC000  }
0x52: {  	_ =	swait.ge [sflag:s22], $0x4000  }
0x53: {  	[sflag:s22] =	ssyncset.done $0x0  }
0x54: {  	[sflag:s22] =	ssyncadd.s32 $0xFFFFC000  }
0x55: {  	[spmem:s1] =	stream.indirect.scatter.add.f32 [tilespmem:s20], [sflag:$0x3], $0x80, s19, s17, $0xb8;
	[tilespmem:$0x1C200] =	vst v63  }
0x56: {  	_ =	swait.ge [sflag:s16], $0x4000  }
0x57: {  	s26 =	simm.s32 $0x400;
	s24 =	simm.s32 $0x200;
	[sflag:s16] =	ssyncset.done $0x0  }
.LBB2_4:
0x58: {  	s28 =	sadd.s32 s24, s14  }
0x59: {  	[sflag:s16] =	ssyncadd.s32 $0xFFFFC000;
	s29 =	smov.u32 s26;
	s25 =	sadd.s32 $0x200, s26  }
0x5a: {  	[tilespmem:s3], [sflag:$0x3] =	stream.linear.gather [hbm4b:s28+s3], $0x80, $0x38;
	[tilespmem:$0x1C200] =	vst v63  }
0x5b: {  	p0 =	sne.s32 s26, $0x9C00;
	_ =	swait.ge [sflag:s16], $0x80  }
0x5c: {  	[sflag:s16] =	ssyncset.done $0x0  }
0x5d: {  	s26 =	sadd.s32 s24, s12;
	[sflag:s16] =	ssyncadd.s32 $0xFFFFFF80  }
0x5e: {  	[tilespmem:s17], [sflag:$0x3] =	stream.linear.gather [hbm4b:s26+s3], $0x80, $0x38;
	[tilespmem:$0x1C200] =	vst v63  }
0x5f: {  	_ =	swait.ge [sflag:s16], $0x80  }
0x60: {  	[sflag:s16] =	ssyncset.done $0x0  }
0x61: {  	[sflag:s16] =	ssyncadd.s32 $0xFFFFFF80  }
0x62: {  	[tilespmem:s15], [sflag:$0x1] =	stream.indirect.gather [hbm4b:s4+s17], $0x80, s3, s17, $0xb8;
	[tilespmem:$0x1C200] =	vst v63  }
0x63: {  	s28 =	sadd.s32 s24, s13;
	s24 =	smov.u32 s29  }
0x64: {  	[tilespmem:s18], [sflag:$0x3] =	stream.linear.gather [hbm4b:s28+s3], $0x80, $0x38;
	[tilespmem:$0x1C200] =	vst v63  }
0x65: {  	_ =	swait.ge [sflag:s16], $0x80  }
0x66: {  	[sflag:s16] =	ssyncset.done $0x0  }
0x67: {  	s26 =	sadd.s32 $0x100, s26;
	[sflag:s16] =	ssyncadd.s32 $0xFFFFFF80  }
0x68: {  	[tilespmem:s19], [sflag:$0x3] =	stream.linear.gather [hbm4b:s26+s3], $0x80, $0x38;
	[tilespmem:$0x1C200] =	vst v63  }
0x69: {  	_ =	swait.ge [sflag:s16], $0x80  }
0x6a: {  	[sflag:s16] =	ssyncset.done $0x0  }
0x6b: {  	[sflag:s16] =	ssyncadd.s32 $0xFFFFFF80  }
0x6c: {  	[tilespmem:s20], [sflag:$0x2] =	stream.indirect.gather [hbm4b:s4+s17], $0x80, s18, s17, $0xb8;
	[tilespmem:$0x1C200] =	vst v63  }
0x6d: {  	_ =	swait.ge [sflag:s21], $0x4000  }
0x6e: {  	[sflag:s21] =	ssyncset.done $0x0  }
0x6f: {  	[sflag:s21] =	ssyncadd.s32 $0xFFFFC000  }
0x70: {  	[spmem:s1] =	stream.indirect.scatter.add.f32 [tilespmem:s15], [sflag:$0x3], $0x80, s17, s17, $0xb8;
	[tilespmem:$0x1C200] =	vst v63  }
0x71: {  	_ =	swait.ge [sflag:s16], $0x4000  }
0x72: {  	[sflag:s16] =	ssyncset.done $0x0  }
0x73: {  	[sflag:s16] =	ssyncadd.s32 $0xFFFFC000  }
0x74: {  	_ =	swait.ge [sflag:s22], $0x4000  }
.Ltmp1:
0x75: {  	[sflag:s22] =	ssyncset.done $0x0;
	(pc) =	sbr.rel @p0 .LBB2_4-.Ltmp1, $4  }
0x76: {  	[sflag:s22] =	ssyncadd.s32 $0xFFFFC000  }
0x77: {  	[spmem:s1] =	stream.indirect.scatter.add.f32 [tilespmem:s20], [sflag:$0x3], $0x80, s19, s17, $0xb8;
	[tilespmem:$0x1C200] =	vst v63  }
0x78: {  	_ =	swait.ge [sflag:s16], $0x4000  }
0x79: {  	s26 =	smov.u32 s25;
	[sflag:s16] =	ssyncset.done $0x0  }
0x7a: {  	s25 =	sadd.s32 s24, s14;
	[sflag:s16] =	ssyncadd.s32 $0xFFFFC000  }
0x7b: {  	[tilespmem:s3], [sflag:$0x3] =	stream.linear.gather [hbm4b:s25+s3], $0x80, $0x38;
	[tilespmem:$0x1C200] =	vst v63  }
0x7c: {  	_ =	swait.ge [sflag:s16], $0x80  }
0x7d: {  	[sflag:s16] =	ssyncset.done $0x0  }
0x7e: {  	s26 =	sadd.s32 s24, s12;
	[sflag:s16] =	ssyncadd.s32 $0xFFFFFF80  }
0x7f: {  	[tilespmem:s17], [sflag:$0x3] =	stream.linear.gather [hbm4b:s26+s3], $0x80, $0x38;
	[tilespmem:$0x1C200] =	vst v63  }
0x80: {  	_ =	swait.ge [sflag:s16], $0x80  }
0x81: {  	[sflag:s16] =	ssyncset.done $0x0  }
0x82: {  	[sflag:s16] =	ssyncadd.s32 $0xFFFFFF80  }
0x83: {  	[tilespmem:s15], [sflag:$0x1] =	stream.indirect.gather [hbm4b:s4+s17], $0x80, s3, s17, $0xb8;
	[tilespmem:$0x1C200] =	vst v63  }
0x84: {  	s28 =	sadd.s32 s24, s13  }
0x85: {  	[tilespmem:s18], [sflag:$0x3] =	stream.linear.gather [hbm4b:s28+s3], $0x80, $0x38;
	[tilespmem:$0x1C200] =	vst v63  }
0x86: {  	_ =	swait.ge [sflag:s16], $0x80  }
0x87: {  	[sflag:s16] =	ssyncset.done $0x0  }
0x88: {  	s29 =	sadd.s32 $0x100, s26;
	[sflag:s16] =	ssyncadd.s32 $0xFFFFFF80  }
0x89: {  	[tilespmem:s19], [sflag:$0x3] =	stream.linear.gather [hbm4b:s29+s3], $0x80, $0x38;
	[tilespmem:$0x1C200] =	vst v63  }
0x8a: {  	_ =	swait.ge [sflag:s16], $0x80  }
0x8b: {  	[sflag:s16] =	ssyncset.done $0x0  }
0x8c: {  	[sflag:s16] =	ssyncadd.s32 $0xFFFFFF80  }
0x8d: {  	[tilespmem:s20], [sflag:$0x2] =	stream.indirect.gather [hbm4b:s4+s17], $0x80, s18, s17, $0xb8;
	[tilespmem:$0x1C200] =	vst v63  }
0x8e: {  	_ =	swait.ge [sflag:s21], $0x4000  }
0x8f: {  	[sflag:s21] =	ssyncset.done $0x0  }
0x90: {  	[sflag:s21] =	ssyncadd.s32 $0xFFFFC000  }
0x91: {  	[spmem:s1] =	stream.indirect.scatter.add.f32 [tilespmem:s15], [sflag:$0x3], $0x80, s17, s17, $0xb8;
	[tilespmem:$0x1C200] =	vst v63  }
0x92: {  	_ =	swait.ge [sflag:s16], $0x4000  }
0x93: {  	[sflag:s16] =	ssyncset.done $0x0  }
0x94: {  	[sflag:s16] =	ssyncadd.s32 $0xFFFFC000  }
0x95: {  	_ =	swait.ge [sflag:s22], $0x4000  }
0x96: {  	[sflag:s22] =	ssyncset.done $0x0  }
0x97: {  	[sflag:s22] =	ssyncadd.s32 $0xFFFFC000  }
0x98: {  	[spmem:s1] =	stream.indirect.scatter.add.f32 [tilespmem:s20], [sflag:$0x3], $0x80, s19, s17, $0xb8;
	[tilespmem:$0x1C200] =	vst v63  }
0x99: {  	_ =	swait.ge [sflag:s16], $0x4000  }
0x9a: {  	s30 =	sshll.u32 s2, $0x6;
	s23 =	sadd.s32 $0x1, s23;
	[sflag:s16] =	ssyncset.done $0x0  }
0x9b: {  	s31 =	sshrl.u32 s5, $0x3;
	p0 =	sne.s32 s23, s7;
	[sflag:s16] =	ssyncadd.s32 $0xFFFFC000  }
.Ltmp2:
0x9c: {  	s24 =	sor.u32 $0x1C03, s30;
	[bflag:$0x0] =	sbarrier.arrive $0xFFFF;
	(pc) =	sbr.rel @p0 .LBB2_1-.Ltmp2, $4  }
0x9d: {  	[hbm:s6], [sflag:s24] =	dma.local [spmem:s31], $0x2800  }
0x9e: {  	_ =	swait.ge [sflag:s16], $0x2800  }
0x9f: {  	[sflag:s16] =	ssyncset.done $0x0  }
0xa0: {  	[sflag:s16] =	ssyncadd.s32 $0xFFFFD800  }
0xa1: {  	_ =	sfence.sel $0x180000  }
0xa2: {  	[bflag:$0x0] =	sbarrier.arrive $0xFFFF  }
0xa3: {  	p0 =	sne.s32 s2, $0x0;
	_ =	strace $0x90000056  }
0xa4: {  	s0 =	sadd.s32 @!p0 $0x100000, s0;
	[bflag:$0x2] =	sbarrier.arrive $0xFFFF  }
0xa5: {  	[sflag:s0] =	ssyncadd.tile.s32 @!p0 $0x1;
	_ =	shalt  }
.Lfunc_end2:
_tile_overlayer_lowered:
.L_overlay_start_2:
0xa6: {  	(tag) =	ssettag $0x2  }
0xa7: {  	s0 =	rddreg [dreg:$0x0];
	s2 =	stileid.u32  }
0xa8: {  	s1 =	rddreg [dreg:$0x1];
	p0 =	sne.s32 s2, $0x0  }
0xa9: {  	s3 =	rddreg [dreg:$0x2];
	[bflag:$0x3] =	sbarrier.arrive $0xFFFF;
	s2 =	simm.s32 @!p0 $0x1C03  }
0xaa: {  	[timem:s3], [sflag:s2] =	dma.local @!p0 [hbm:s0], s1  }
0xab: {  	s0 =	simm.s32 @!p0 $0x3  }
0xac: {  	_ =	swait.ge @!p0 [sflag:s0], s1  }
0xad: {  	s1 =	ssub.s32 @!p0 $0x0, s1;
	[sflag:s0] =	ssyncset.done @!p0 $0x0  }
0xae: {  	[sflag:s0] =	ssyncadd.s32 @!p0 s1  }
0xaf: {  	[bflag:$0x3] =	sbarrier.arrive $0xFFFF  }
0xb0: {  	_ =	shalt  }

// kernel: kernel.48.cloned.1.call-start
scs
__scs_entry_jumppad:
0x0: {  	(pc) =	sbr.rel $0x88, $3  }
0x1: {  	(tag) =	ssettag $0x0;
	lr =	simm.s32 $0x1  }
0x2: {  	[smem:$0x3F6F] =	sst lr;
	_ =	strace $0xD0000000  }
0x3: {  	_ = 	snop  }
0x4: {  	_ = 	snop  }
0x5: {  	_ = 	snop  }
0x6: {  	_ = 	snop  }
0x7: {  	_ = 	snop  }
__scs_overlays_trampoline_lowered:
0x8: {  	[smem:$0x3F7E] =	sst s0  }
0x9: {  	[smem:$0x3F7F] =	sst s1  }
0xa: {  	[smem:$0x3F80] =	sst s2  }
0xb: {  	[smem:$0x3F81] =	sst s3  }
0xc: {  	[smem:$0x3F82] =	sst s4  }
0xd: {  	[smem:$0x3F83] =	sst s5  }
0xe: {  	[smem:$0x3F84] =	sst s6  }
0xf: {  	[smem:$0x3F85] =	sst s7  }
0x10: {  	[smem:$0x3F86] =	sst s8  }
0x11: {  	[smem:$0x3F87] =	sst s9;
	s0 =	simm.s32 @!p0 $0x0  }
0x12: {  	s1 =	sld [smem:$0x3F6D];
	s0 =	simm.s32 @p0 $0x1  }
0x13: {  	[smem:$0x3F88] =	sst s0;
	s0 =	simm.s32 @!p1 $0x0  }
0x14: {  	s2 =	sld [smem:$0x3F6C];
	s0 =	simm.s32 @p1 $0x1  }
0x15: {  	[smem:$0x3F89] =	sst s0;
	s0 =	simm.s32 @!p2 $0x0  }
0x16: {  	s3 =	sld [smem:$0x3FDB];
	s0 =	simm.s32 @p2 $0x1  }
0x17: {  	s4 =	simm.s32 $0x1BF5;
	[smem:$0x3F8B] =	sst s0  }
0x18: {  	s0 =	sld [smem:$0x3F6E];
	_ =	swait.ge [sflag:s4], $0x0  }
0x19: {  	s7 =	sld [smem:$0x3F6F]  }
0x1a: {  	s8 =	sadd.s32 $0xFFFFE003, lr  }
0x1b: {  	s9 =	sadd.s32 $0xFFFFFEF7, lr;
	s5 =	simm.s32 $0xFFFFFFFF;
	p2 =	slt.u32 s8, $0xFFFFF086  }
0x1c: {  	p1 =	slt.u32 s9, $0xF7A;
	s5 =	simm.s32 @!p2 $0x0  }
0x1d: {  	s5 =	simm.s32 @p1 $0x1;
	p0 =	seq.s32 s7, s2  }
0x1e: {  	s7 =	smul.u32 @!p0 $0xF7A, s2;
	p2 =	seq.s32 @!p0 s5, $0x0  }
0x1f: {  	s9 =	smul.u32 $0xF7A, s1;
	s8 =	simm.s32 @!p0 $0x1BF5;
	p2 =	por !p2, p0  }
0x20: {  	[sflag:s8] =	ssyncset.s32 @!p0 $0xFFFFF086;
	s6 =	sadd.s32 @!p0 s3, s7;
	s7 =	simm.s32 @!p0 $0x108  }
0x21: {  	s3 =	sadd.s32 s3, s9;
	s6 =	sadd.s32 @!p0 $0x88, s6;
	s7 =	simm.s32 @p2 $0x1082  }
0x22: {  	[simem:s7], [sflag:s8] =	dma.local @!p0 [hbm:s6], $0xF7A  }
0x23: {  	s9 =	sor.u32 $0xD0000000, s2;
	s6 =	simm.s32 $0x108;
	_ =	swait.ge @!p0 [sflag:s8], $0x0  }
0x24: {  	s3 =	sadd.s32 $0x88, s3;
	s6 =	simm.s32 @!p1 $0x1082;
	[sflag:s4] =	ssyncset.s32 $0xFFFFF086  }
0x25: {  	[simem:s6], [sflag:s4] =	dma.local [hbm:s3], $0xF7A  }
0x26: {  	[smem:$0x3F6F] =	sst s1;
	(tag) =	ssettag s2;
	_ =	strace s9  }
0x27: {  	s1 =	sld [smem:$0x3F7F]  }
0x28: {  	s2 =	sld [smem:$0x3F80]  }
0x29: {  	s4 =	sld [smem:$0x3F82]  }
0x2a: {  	p0 =	seq.s32 s5, $0x0;
	s5 =	sld [smem:$0x3F83]  }
0x2b: {  	s6 =	sld [smem:$0x3F84]  }
0x2c: {  	s7 =	sld [smem:$0x3F85]  }
0x2d: {  	s3 =	simm.s32 $0x108;
	s8 =	sld [smem:$0x3F86]  }
0x2e: {  	s3 =	simm.s32 @!p0 $0x1082;
	s9 =	sld [smem:$0x3F87]  }
0x2f: {  	lr =	sadd.s32 s0, s3;
	s0 =	sld [smem:$0x3F7E]  }
0x30: {  	s3 =	sld [smem:$0x3F81]  }
0x31: {  	[smem:$0x3F8A] =	sst s10  }
0x32: {  	s10 =	sld [smem:$0x3F88];
	_ =	sdelay $0x3  }
0x33: {  	p0 =	seq.s32 s10, $0x1;
	s10 =	sld [smem:$0x3F8A];
	_ =	sdelay $0x3  }
0x34: {  	[smem:$0x3F8A] =	sst s10  }
0x35: {  	s10 =	sld [smem:$0x3F89];
	_ =	sdelay $0x3  }
0x36: {  	p1 =	seq.s32 s10, $0x1;
	s10 =	sld [smem:$0x3F8A];
	_ =	sdelay $0x3  }
0x37: {  	[smem:$0x3F8A] =	sst s10  }
0x38: {  	s10 =	sld [smem:$0x3F8B]  }
0x39: {  	_ = 	snop;
	(pc) =	sbr.ind lr, $3  }
0x3a: {  	_ = 	snop  }
0x3b: {  	_ = 	snop  }
0x3c: {  	p2 =	seq.s32 s10, $0x1;
	s10 =	sld [smem:$0x3F8A]  }
0x3d: {  	_ =	shalt  }
0x3e: {  	_ =	shalt  }
0x3f: {  	_ =	shalt  }
0x40: {  	_ =	shalt  }
0x41: {  	_ =	shalt  }
0x42: {  	_ =	shalt  }
0x43: {  	_ =	shalt  }
0x44: {  	_ =	shalt  }
0x45: {  	_ =	shalt  }
0x46: {  	_ =	shalt  }
0x47: {  	_ =	shalt  }
0x48: {  	_ =	shalt  }
0x49: {  	_ =	shalt  }
0x4a: {  	_ =	shalt  }
0x4b: {  	_ =	shalt  }
0x4c: {  	_ =	shalt  }
0x4d: {  	_ =	shalt  }
0x4e: {  	_ =	shalt  }
0x4f: {  	_ =	shalt  }
0x50: {  	_ =	shalt  }
0x51: {  	_ =	shalt  }
0x52: {  	_ =	shalt  }
0x53: {  	_ =	shalt  }
0x54: {  	_ =	shalt  }
0x55: {  	_ =	shalt  }
0x56: {  	_ =	shalt  }
0x57: {  	_ =	shalt  }
0x58: {  	_ =	shalt  }
0x59: {  	_ =	shalt  }
0x5a: {  	_ =	shalt  }
0x5b: {  	_ =	shalt  }
0x5c: {  	_ =	shalt  }
0x5d: {  	_ =	shalt  }
0x5e: {  	_ =	shalt  }
0x5f: {  	_ =	shalt  }
0x60: {  	_ =	shalt  }
0x61: {  	_ =	shalt  }
0x62: {  	_ =	shalt  }
0x63: {  	_ =	shalt  }
0x64: {  	_ =	shalt  }
0x65: {  	_ =	shalt  }
0x66: {  	_ =	shalt  }
0x67: {  	_ =	shalt  }
0x68: {  	_ =	shalt  }
0x69: {  	_ =	shalt  }
0x6a: {  	_ =	shalt  }
0x6b: {  	_ =	shalt  }
0x6c: {  	_ =	shalt  }
0x6d: {  	_ =	shalt  }
0x6e: {  	_ =	shalt  }
0x6f: {  	_ =	shalt  }
0x70: {  	_ =	shalt  }
0x71: {  	_ =	shalt  }
0x72: {  	_ =	shalt  }
0x73: {  	_ =	shalt  }
0x74: {  	_ =	shalt  }
0x75: {  	_ =	shalt  }
0x76: {  	_ =	shalt  }
0x77: {  	_ =	shalt  }
0x78: {  	_ =	shalt  }
0x79: {  	_ =	shalt  }
0x7a: {  	_ =	shalt  }
0x7b: {  	_ =	shalt  }
0x7c: {  	_ =	shalt  }
0x7d: {  	_ =	shalt  }
0x7e: {  	_ =	shalt  }
0x7f: {  	_ =	shalt  }
0x80: {  	_ =	shalt  }
0x81: {  	_ =	shalt  }
0x82: {  	_ =	shalt  }
0x83: {  	_ =	shalt  }
0x84: {  	_ =	shalt  }
0x85: {  	_ =	shalt  }
0x86: {  	_ =	shalt  }
0x87: {  	_ =	shalt  }
.Lfunc_end0:
.L_simem_size_0:
called_computation.6_lowered:
.L_overlay_start_0:
0x88: {  	s2 =	sld [smem:$0x3FD9]  }
0x89: {  	s3 =	sld [smem:$0x3FFE];
	_ =	sdelay $0x1  }
0x8a: {  	s1 =	srdreg.scid  }
0x8b: {  	s0 =	sand.u32 $0x1, s1  }
0x8c: {  	s16 =	sshll.u32 s0, $0xA;
	s2 =	sadd.s32 s3, s2  }
0x8d: {  	s2 =	sadd.s32 s2, s16  }
0x8e: {  	[smem:$0x3F96] =	sst s2  }
0x8f: {  	_ = 	snop  }
0x90: {  	(tm) =	ssettm $0x1  }
0x91: {  	s17 =	sld [smem:$0x3FFB];
	_ =	sdelay $0x3  }
0x92: {  	_ =	strace s17  }
0x93: {  	s2 =	sld [smem:$0x3FFC];
	_ =	sdelay $0x3  }
0x94: {  	_ =	strace s2  }
0x95: {  	s2 =	sld [smem:$0x3FFD];
	_ =	sdelay $0x3  }
0x96: {  	_ =	strace s2  }
0x97: {  	_ =	strace $0x8FFFFFFF  }
0x98: {  	s18 =	sld [smem:$0x3FDB];
	_ =	sdelay $0x1  }
0x99: {  	s19 =	simm.s32 $_scs_section_size  }
0x9a: {  	s4 =	simm.s32 $_size__tile_overlayer_lowered;
	s5 =	simm.s32 $_tile_overlayer_lowered  }
0x9b: {  	s22 =	simm.s32 $0x1BFF;
	s21 =	sshll.u32 s5, $0x1;
	s2 =	sadd.s32 s19, s18  }
0x9c: {  	s6 =	simm.s32 $0x0;
	s20 =	sshll.u32 s4, $0x1;
	s4 =	sadd.s32 s21, s2  }
0x9d: {  	[timem:s6], [sflag:s22] =	dma.local [hbm:s4], s20  }
0x9e: {  	_ =	swait.ge [sflag:s22], s20  }
0x9f: {  	s3 =	ssub.s32 $0x0, s20;
	[sflag:s22] =	ssyncset.done $0x0  }
0xa0: {  	[sflag:s22] =	ssyncadd.s32 s3;
	_ =	sdelay $0x1  }
0xa1: {  	s23 =	simm.s32 $0x1B8B  }
0xa2: {  	_ =	swait.ge [sflag:s23], $0x1  }
0xa3: {  	[sflag:s23] =	ssyncset.done $0x0  }
0xa4: {  	s25 =	simm.s32 $0x1B8E;
	s24 =	sld [smem:$0x3FFE];
	[sflag:s23] =	ssyncadd.s32 $0xFFFFFFFF  }
0xa5: {  	s26 =	simm.s32 $execute0_lowered;
	[smem:$0x3FD2] =	sst s25  }
0xa6: {  	s4 =	sshll.u32 s26, $0x1;
	_ =	strace $0x80000058;
	[dreg:$0x1] =	wrdreg $0xFFFFFFFF  }
0xa7: {  	s28 =	simm.s32 $_size_execute0_lowered;
	s2 =	sadd.s32 s2, s4;
	[dreg:$0x0] =	wrdreg $0x0  }
0xa8: {  	s4 =	sshll.u32 s28, $0x1;
	[dreg:$0x2] =	wrdreg s2  }
0xa9: {  	[dreg:$0x3] =	wrdreg s4  }
0xaa: {  	[dreg:$0x4] =	wrdreg $0xC0  }
0xab: {  	_ =	task [dreg:s6], $0x5FFFF  }
0xac: {  	[dreg:$0x1] =	wrdreg $0xFFFFFFFF  }
0xad: {  	[dreg:$0x0] =	wrdreg $0x60  }
0xae: {  	[dreg:$0x2] =	wrdreg s24  }
0xaf: {  	[dreg:$0x3] =	wrdreg $0x82000  }
0xb0: {  	[dreg:$0x4] =	wrdreg $0x9  }
0xb1: {  	_ =	task.clear_ibuf [dreg:s6], $0x5FFFF;
	_ =	strace $0x90000058  }
0xb2: {  	s29 =	simm.s32 $0x9;
	_ =	strace $0x8000005A  }
0xb3: {  	_ =	swait.ge [sflag:s29], $0x1  }
0xb4: {  	[sflag:s29] =	ssyncadd.s32 $0xFFFFFFFF  }
0xb5: {  	_ =	strace $0x9000005A  }
0xb6: {  	_ =	sfence  }
0xb7: {  	s30 =	sld [smem:$0x0];
	_ =	sdelay $0x2  }
0xb8: {  	s31 =	sshll.u32 s1, $0xD;
	s1 =	sshrl.u32 s1, $0x2  }
0xb9: {  	s3 =	sand.u32 $0x4000, s31;
	s1 =	sadd.s32 s1, s30  }
0xba: {  	s0 =	sor.u32 s3, s0;
	s1 =	sshll.u32 s1, $0x11  }
0xbb: {  	s0 =	sor.u32 s1, s0  }
0xbc: {  	s0 =	sadd.s32 $0x8F2B, s0  }
0xbd: {  	[sflag:s0] =	ssyncadd.remote.s32 $0x1  }
0xbe: {  	_ =	sfence.sel $0xFFFF  }
0xbf: {  	[dreg:$0x0] =	wrdreg $0xFFFFFFFF;
	(pc) =	sbr.abs _section_cstart, $3  }
0xc0: {  	[dreg:$0x1] =	wrdreg $0xFFFFFFFF  }
0xc1: {  	_ =	task.clear_ibuf [dreg:s6], $0x2FFFF;
	_ =	strace $0x9FFFFFFF  }
0xc2: {  	(tm) =	ssettm $0x7FFFFFFF  }
0xc3: {  	_ =	shalt  }
tec
execute0_lowered:
.L_overlay_start_1:
0x0: {  	(tag) =	ssettag $0x1  }
0x1: {  	s5 =	rddreg [dreg:$0x0]  }
0x2: {  	s1 =	rddreg [dreg:$0x1]  }
0x3: {  	s0 =	rddreg [dreg:$0x2];
	s3 =	simm.s32 $0x0;
	s2 =	srdreg.scid  }
0x4: {  	s17 =	simm.s32 $0x80;
	s18 =	simm.s32 $0x100;
	s19 =	simm.s32 $0x180  }
0x5: {  	s20 =	simm.s32 $0x4200;
	s21 =	simm.s32 $0x1;
	s22 =	simm.s32 $0x2  }
0x6: {  	s23 =	simm.s32 $0x0;
	[smem:$0x7FF] =	sst s3;
	s6 =	sand.u32 $0x1, s2  }
0x7: {  	s2 =	stileid.u32;
	s4 =	sadd.s32 $0x1E400, s5;
	s7 =	smul.u32 $0x28000, s6  }
0x8: {  	s14 =	sadd.s32 $0xBE400, s5;
	_ =	strace $0x80000059;
	s8 =	smul.u32 $0x2800, s2  }
0x9: {  	s9 =	sshll.u32 s2, $0x4;
	s26 =	ssub.s32 $0x2, s6;
	s10 =	smul.u32 $0x50000, s2  }
0xa: {  	s30 =	smul.u32 $0x4F000, s6;
	s31 =	sshll.u32 s2, $0x7;
	s28 =	sshrl.u32 s26, $0x1  }
0xb: {  	s12 =	sadd.s32 s9, s5;
	s7 =	sadd.s32 s8, s7;
	s8 =	ssub.s32 s26, s28  }
0xc: {  	s29 =	sshrl.u32 s10, $0x2;
	s13 =	sor.u32 s31, s30;
	s12 =	sadd.s32 $0x14600, s12  }
0xd: {  	s7 =	sadd.s32 s7, s5;
	s5 =	sadd.s32 s29, s1;
	s15 =	sor.u32 $0x800, s13  }
0xe: {  	s16 =	sshrl.u32 s13, $0x3;
	s6 =	sadd.s32 $0x6E400, s7;
	s7 =	smax.u32 s8, $0x1  }
0xf: {  	s8 =	sadd.s32 $0x4000, s5;
	s9 =	sadd.s32 $0x8000, s5;
	s15 =	sshrl.u32 s15, $0x3  }
0x10: {  	s10 =	sadd.s32 $0xC000, s5;
	s11 =	sadd.s32 $0x10000, s5;
	s13 =	sadd.s32 s15, s14  }
0x11: {  	v0 =	vimm.f32 $0.0e+00;
	s14 =	sadd.s32 s16, s14;
	s15 =	simm.s32 $0x200;
	s16 =	simm.s32 $0x3  }
.LBB2_1:
0x12: {  	s24 =	simm.s32 $0x0;
	s25 =	simm.s32 $0x200  }
.LBB2_2:
0x13: {  	p0 =	sne.s32 s25, $0xFE00;
	[tilespmem:s24+$0x270] =	vst v0  }
0x14: {  	[tilespmem:s24+$0x200] =	vst v0  }
0x15: {  	[tilespmem:s24+$0x210] =	vst v0  }
.Ltmp0:
0x16: {  	[tilespmem:s24+$0x220] =	vst v0;
	(pc) =	sbr.rel @p0 .LBB2_2-.Ltmp0, $4  }
0x17: {  	[tilespmem:s24+$0x230] =	vst v0  }
0x18: {  	[tilespmem:s24+$0x240] =	vst v0  }
0x19: {  	[tilespmem:s24+$0x250] =	vst v0  }
0x1a: {  	[tilespmem:s24+$0x260] =	vst v0;
	s24 =	sshra.s32 s25, $0x2;
	s25 =	sadd.s32 $0x200, s25  }
0x1b: {  	[tilespmem:s24+$0x270] =	vst v0  }
0x1c: {  	[tilespmem:s24+$0x200] =	vst v0  }
0x1d: {  	[tilespmem:s24+$0x210] =	vst v0  }
0x1e: {  	[tilespmem:s24+$0x220] =	vst v0  }
0x1f: {  	[tilespmem:s24+$0x230] =	vst v0  }
0x20: {  	[tilespmem:s24+$0x240] =	vst v0  }
0x21: {  	[tilespmem:s24+$0x250] =	vst v0  }
0x22: {  	[tilespmem:s24+$0x260] =	vst v0  }
0x23: {  	[spmem:s5] =	stream.linear.scatter [tilespmem:s15], [sflag:$0x3], $0x4000, $0x38;
	[tilespmem:$0x1C200] =	vst v63  }
0x24: {  	_ =	swait.ge [sflag:s16], $0x4000  }
0x25: {  	[sflag:s16] =	ssyncset.done $0x0  }
0x26: {  	[sflag:s16] =	ssyncadd.s32 $0xFFFFC000  }
0x27: {  	[spmem:s8] =	stream.linear.scatter [tilespmem:s15], [sflag:$0x3], $0x4000, $0x38;
	[tilespmem:$0x1C200] =	vst v63  }
0x28: {  	_ =	swait.ge [sflag:s16], $0x4000  }
0x29: {  	[sflag:s16] =	ssyncset.done $0x0  }
0x2a: {  	[sflag:s16] =	ssyncadd.s32 $0xFFFFC000  }
0x2b: {  	[spmem:s9] =	stream.linear.scatter [tilespmem:s15], [sflag:$0x3], $0x4000, $0x38;
	[tilespmem:$0x1C200] =	vst v63  }
0x2c: {  	_ =	swait.ge [sflag:s16], $0x4000  }
0x2d: {  	[sflag:s16] =	ssyncset.done $0x0  }
0x2e: {  	[sflag:s16] =	ssyncadd.s32 $0xFFFFC000  }
0x2f: {  	[spmem:s10] =	stream.linear.scatter [tilespmem:s15], [sflag:$0x3], $0x4000, $0x38;
	[tilespmem:$0x1C200] =	vst v63  }
0x30: {  	_ =	swait.ge [sflag:s16], $0x4000  }
0x31: {  	[sflag:s16] =	ssyncset.done $0x0  }
0x32: {  	[sflag:s16] =	ssyncadd.s32 $0xFFFFC000  }
0x33: {  	[spmem:s11] =	stream.linear.scatter [tilespmem:s15], [sflag:$0x3], $0x4000, $0x38;
	[tilespmem:$0x1C200] =	vst v63  }
0x34: {  	_ =	swait.ge [sflag:s16], $0x4000  }
0x35: {  	[sflag:s16] =	ssyncset.done $0x0  }
0x36: {  	[sflag:s16] =	ssyncadd.s32 $0xFFFFC000  }
0x37: {  	s30 =	sadd.s32 $0x0, s14;
	[bflag:$0x0] =	sbarrier.arrive $0xFFFF  }
0x38: {  	[tilespmem:s3], [sflag:$0x3] =	stream.linear.gather [hbm4b:s30+s3], $0x80, $0x38;
	[tilespmem:$0x1C200] =	vst v63  }
0x39: {  	_ =	swait.ge [sflag:s16], $0x80  }
0x3a: {  	[sflag:s16] =	ssyncset.done $0x0  }
0x3b: {  	s31 =	sadd.s32 $0x0, s12;
	[sflag:s16] =	ssyncadd.s32 $0xFFFFFF80  }
0x3c: {  	[tilespmem:s17], [sflag:$0x3] =	stream.linear.gather [hbm4b:s31+s3], $0x80, $0x38;
	[tilespmem:$0x1C200] =	vst v63  }
0x3d: {  	_ =	swait.ge [sflag:s16], $0x80  }
0x3e: {  	[sflag:s16] =	ssyncset.done $0x0  }
0x3f: {  	[sflag:s16] =	ssyncadd.s32 $0xFFFFFF80  }
0x40: {  	[tilespmem:s15], [sflag:$0x1] =	stream.indirect.gather [hbm4b:s4+s17], $0x80, s3, s17, $0xb8;
	[tilespmem:$0x1C200] =	vst v63  }
0x41: {  	s25 =	sadd.s32 $0x0, s13  }
0x42: {  	[tilespmem:s18], [sflag:$0x3] =	stream.linear.gather [hbm4b:s25+s3], $0x80, $0x38;
	[tilespmem:$0x1C200] =	vst v63  }
0x43: {  	_ =	swait.ge [sflag:s16], $0x80  }
0x44: {  	[sflag:s16] =	ssyncset.done $0x0  }
0x45: {  	s24 =	sadd.s32 $0x100, s31;
	[sflag:s16] =	ssyncadd.s32 $0xFFFFFF80  }
0x46: {  	[tilespmem:s19], [sflag:$0x3] =	stream.linear.gather [hbm4b:s24+s3], $0x80, $0x38;
	[tilespmem:$0x1C200] =	vst v63  }
0x47: {  	_ =	swait.ge [sflag:s16], $0x80  }
0x48: {  	[sflag:s16] =	ssyncset.done $0x0  }
0x49: {  	[sflag:s16] =	ssyncadd.s32 $0xFFFFFF80  }
0x4a: {  	[tilespmem:s20], [sflag:$0x2] =	stream.indirect.gather [hbm4b:s4+s17], $0x80, s18, s17, $0xb8;
	[tilespmem:$0x1C200] =	vst v63  }
0x4b: {  	_ =	swait.ge [sflag:s21], $0x4000  }
0x4c: {  	[sflag:s21] =	ssyncset.done $0x0  }
0x4d: {  	[sflag:s21] =	ssyncadd.s32 $0xFFFFC000  }
0x4e: {  	[spmem:s1] =	stream.indirect.scatter.add.f32 [tilespmem:s15], [sflag:$0x3], $0x80, s17, s17, $0xb8;
	[tilespmem:$0x1C200] =	vst v63  }
0x4f: {  	_ =	swait.ge [sflag:s16], $0x4000  }
0x50: {  	[sflag:s16] =	ssyncset.done $0x0  }
0x51: {  	[sflag:s16] =	ssyncadd.s32 $0xFFFFC000  }
0x52: {  	_ =	swait.ge [sflag:s22], $0x4000  }
0x53: {  	[sflag:s22] =	ssyncset.done $0x0  }
0x54: {  	[sflag:s22] =	ssyncadd.s32 $0xFFFFC000  }
0x55: {  	[spmem:s1] =	stream.indirect.scatter.add.f32 [tilespmem:s20], [sflag:$0x3], $0x80, s19, s17, $0xb8;
	[tilespmem:$0x1C200] =	vst v63  }
0x56: {  	_ =	swait.ge [sflag:s16], $0x4000  }
0x57: {  	s26 =	simm.s32 $0x400;
	s24 =	simm.s32 $0x200;
	[sflag:s16] =	ssyncset.done $0x0  }
.LBB2_4:
0x58: {  	s28 =	sadd.s32 s24, s14  }
0x59: {  	[sflag:s16] =	ssyncadd.s32 $0xFFFFC000;
	s29 =	smov.u32 s26;
	s25 =	sadd.s32 $0x200, s26  }
0x5a: {  	[tilespmem:s3], [sflag:$0x3] =	stream.linear.gather [hbm4b:s28+s3], $0x80, $0x38;
	[tilespmem:$0x1C200] =	vst v63  }
0x5b: {  	p0 =	sne.s32 s26, $0x9C00;
	_ =	swait.ge [sflag:s16], $0x80  }
0x5c: {  	[sflag:s16] =	ssyncset.done $0x0  }
0x5d: {  	s26 =	sadd.s32 s24, s12;
	[sflag:s16] =	ssyncadd.s32 $0xFFFFFF80  }
0x5e: {  	[tilespmem:s17], [sflag:$0x3] =	stream.linear.gather [hbm4b:s26+s3], $0x80, $0x38;
	[tilespmem:$0x1C200] =	vst v63  }
0x5f: {  	_ =	swait.ge [sflag:s16], $0x80  }
0x60: {  	[sflag:s16] =	ssyncset.done $0x0  }
0x61: {  	[sflag:s16] =	ssyncadd.s32 $0xFFFFFF80  }
0x62: {  	[tilespmem:s15], [sflag:$0x1] =	stream.indirect.gather [hbm4b:s4+s17], $0x80, s3, s17, $0xb8;
	[tilespmem:$0x1C200] =	vst v63  }
0x63: {  	s28 =	sadd.s32 s24, s13;
	s24 =	smov.u32 s29  }
0x64: {  	[tilespmem:s18], [sflag:$0x3] =	stream.linear.gather [hbm4b:s28+s3], $0x80, $0x38;
	[tilespmem:$0x1C200] =	vst v63  }
0x65: {  	_ =	swait.ge [sflag:s16], $0x80  }
0x66: {  	[sflag:s16] =	ssyncset.done $0x0  }
0x67: {  	s26 =	sadd.s32 $0x100, s26;
	[sflag:s16] =	ssyncadd.s32 $0xFFFFFF80  }
0x68: {  	[tilespmem:s19], [sflag:$0x3] =	stream.linear.gather [hbm4b:s26+s3], $0x80, $0x38;
	[tilespmem:$0x1C200] =	vst v63  }
0x69: {  	_ =	swait.ge [sflag:s16], $0x80  }
0x6a: {  	[sflag:s16] =	ssyncset.done $0x0  }
0x6b: {  	[sflag:s16] =	ssyncadd.s32 $0xFFFFFF80  }
0x6c: {  	[tilespmem:s20], [sflag:$0x2] =	stream.indirect.gather [hbm4b:s4+s17], $0x80, s18, s17, $0xb8;
	[tilespmem:$0x1C200] =	vst v63  }
0x6d: {  	_ =	swait.ge [sflag:s21], $0x4000  }
0x6e: {  	[sflag:s21] =	ssyncset.done $0x0  }
0x6f: {  	[sflag:s21] =	ssyncadd.s32 $0xFFFFC000  }
0x70: {  	[spmem:s1] =	stream.indirect.scatter.add.f32 [tilespmem:s15], [sflag:$0x3], $0x80, s17, s17, $0xb8;
	[tilespmem:$0x1C200] =	vst v63  }
0x71: {  	_ =	swait.ge [sflag:s16], $0x4000  }
0x72: {  	[sflag:s16] =	ssyncset.done $0x0  }
0x73: {  	[sflag:s16] =	ssyncadd.s32 $0xFFFFC000  }
0x74: {  	_ =	swait.ge [sflag:s22], $0x4000  }
.Ltmp1:
0x75: {  	[sflag:s22] =	ssyncset.done $0x0;
	(pc) =	sbr.rel @p0 .LBB2_4-.Ltmp1, $4  }
0x76: {  	[sflag:s22] =	ssyncadd.s32 $0xFFFFC000  }
0x77: {  	[spmem:s1] =	stream.indirect.scatter.add.f32 [tilespmem:s20], [sflag:$0x3], $0x80, s19, s17, $0xb8;
	[tilespmem:$0x1C200] =	vst v63  }
0x78: {  	_ =	swait.ge [sflag:s16], $0x4000  }
0x79: {  	s26 =	smov.u32 s25;
	[sflag:s16] =	ssyncset.done $0x0  }
0x7a: {  	s25 =	sadd.s32 s24, s14;
	[sflag:s16] =	ssyncadd.s32 $0xFFFFC000  }
0x7b: {  	[tilespmem:s3], [sflag:$0x3] =	stream.linear.gather [hbm4b:s25+s3], $0x80, $0x38;
	[tilespmem:$0x1C200] =	vst v63  }
0x7c: {  	_ =	swait.ge [sflag:s16], $0x80  }
0x7d: {  	[sflag:s16] =	ssyncset.done $0x0  }
0x7e: {  	s26 =	sadd.s32 s24, s12;
	[sflag:s16] =	ssyncadd.s32 $0xFFFFFF80  }
0x7f: {  	[tilespmem:s17], [sflag:$0x3] =	stream.linear.gather [hbm4b:s26+s3], $0x80, $0x38;
	[tilespmem:$0x1C200] =	vst v63  }
0x80: {  	_ =	swait.ge [sflag:s16], $0x80  }
0x81: {  	[sflag:s16] =	ssyncset.done $0x0  }
0x82: {  	[sflag:s16] =	ssyncadd.s32 $0xFFFFFF80  }
0x83: {  	[tilespmem:s15], [sflag:$0x1] =	stream.indirect.gather [hbm4b:s4+s17], $0x80, s3, s17, $0xb8;
	[tilespmem:$0x1C200] =	vst v63  }
0x84: {  	s28 =	sadd.s32 s24, s13  }
0x85: {  	[tilespmem:s18], [sflag:$0x3] =	stream.linear.gather [hbm4b:s28+s3], $0x80, $0x38;
	[tilespmem:$0x1C200] =	vst v63  }
0x86: {  	_ =	swait.ge [sflag:s16], $0x80  }
0x87: {  	[sflag:s16] =	ssyncset.done $0x0  }
0x88: {  	s29 =	sadd.s32 $0x100, s26;
	[sflag:s16] =	ssyncadd.s32 $0xFFFFFF80  }
0x89: {  	[tilespmem:s19], [sflag:$0x3] =	stream.linear.gather [hbm4b:s29+s3], $0x80, $0x38;
	[tilespmem:$0x1C200] =	vst v63  }
0x8a: {  	_ =	swait.ge [sflag:s16], $0x80  }
0x8b: {  	[sflag:s16] =	ssyncset.done $0x0  }
0x8c: {  	[sflag:s16] =	ssyncadd.s32 $0xFFFFFF80  }
0x8d: {  	[tilespmem:s20], [sflag:$0x2] =	stream.indirect.gather [hbm4b:s4+s17], $0x80, s18, s17, $0xb8;
	[tilespmem:$0x1C200] =	vst v63  }
0x8e: {  	_ =	swait.ge [sflag:s21], $0x4000  }
0x8f: {  	[sflag:s21] =	ssyncset.done $0x0  }
0x90: {  	[sflag:s21] =	ssyncadd.s32 $0xFFFFC000  }
0x91: {  	[spmem:s1] =	stream.indirect.scatter.add.f32 [tilespmem:s15], [sflag:$0x3], $0x80, s17, s17, $0xb8;
	[tilespmem:$0x1C200] =	vst v63  }
0x92: {  	_ =	swait.ge [sflag:s16], $0x4000  }
0x93: {  	[sflag:s16] =	ssyncset.done $0x0  }
0x94: {  	[sflag:s16] =	ssyncadd.s32 $0xFFFFC000  }
0x95: {  	_ =	swait.ge [sflag:s22], $0x4000  }
0x96: {  	[sflag:s22] =	ssyncset.done $0x0  }
0x97: {  	[sflag:s22] =	ssyncadd.s32 $0xFFFFC000  }
0x98: {  	[spmem:s1] =	stream.indirect.scatter.add.f32 [tilespmem:s20], [sflag:$0x3], $0x80, s19, s17, $0xb8;
	[tilespmem:$0x1C200] =	vst v63  }
0x99: {  	_ =	swait.ge [sflag:s16], $0x4000  }
0x9a: {  	s30 =	sshll.u32 s2, $0x6;
	s23 =	sadd.s32 $0x1, s23;
	[sflag:s16] =	ssyncset.done $0x0  }
0x9b: {  	s31 =	sshrl.u32 s5, $0x3;
	p0 =	sne.s32 s23, s7;
	[sflag:s16] =	ssyncadd.s32 $0xFFFFC000  }
.Ltmp2:
0x9c: {  	s24 =	sor.u32 $0x1C03, s30;
	[bflag:$0x0] =	sbarrier.arrive $0xFFFF;
	(pc) =	sbr.rel @p0 .LBB2_1-.Ltmp2, $4  }
0x9d: {  	[hbm:s6], [sflag:s24] =	dma.local [spmem:s31], $0x2800  }
0x9e: {  	_ =	swait.ge [sflag:s16], $0x2800  }
0x9f: {  	[sflag:s16] =	ssyncset.done $0x0  }
0xa0: {  	[sflag:s16] =	ssyncadd.s32 $0xFFFFD800  }
0xa1: {  	_ =	sfence.sel $0x180000  }
0xa2: {  	[bflag:$0x0] =	sbarrier.arrive $0xFFFF  }
0xa3: {  	p0 =	sne.s32 s2, $0x0;
	_ =	strace $0x90000059  }
0xa4: {  	s0 =	sadd.s32 @!p0 $0x100000, s0;
	[bflag:$0x2] =	sbarrier.arrive $0xFFFF  }
0xa5: {  	[sflag:s0] =	ssyncadd.tile.s32 @!p0 $0x1;
	_ =	shalt  }
.Lfunc_end2:
_tile_overlayer_lowered:
.L_overlay_start_2:
0xa6: {  	(tag) =	ssettag $0x2  }
0xa7: {  	s0 =	rddreg [dreg:$0x0];
	s2 =	stileid.u32  }
0xa8: {  	s1 =	rddreg [dreg:$0x1];
	p0 =	sne.s32 s2, $0x0  }
0xa9: {  	s3 =	rddreg [dreg:$0x2];
	[bflag:$0x3] =	sbarrier.arrive $0xFFFF;
	s2 =	simm.s32 @!p0 $0x1C03  }
0xaa: {  	[timem:s3], [sflag:s2] =	dma.local @!p0 [hbm:s0], s1  }
0xab: {  	s0 =	simm.s32 @!p0 $0x3  }
0xac: {  	_ =	swait.ge @!p0 [sflag:s0], s1  }
0xad: {  	s1 =	ssub.s32 @!p0 $0x0, s1;
	[sflag:s0] =	ssyncset.done @!p0 $0x0  }
0xae: {  	[sflag:s0] =	ssyncadd.s32 @!p0 s1  }
0xaf: {  	[bflag:$0x3] =	sbarrier.arrive $0xFFFF  }
0xb0: {  	_ =	shalt  }

</sc_bundles>
